<compile_context>
chip_gen: v7x
topology: tpu7x:2x2x1
jax: 0.10.2.dev20260603
libtpu: 0.0.44.dev20260713+nightly
codegen_flags: <defaults>
</compile_context>

<pallas_src>
import functools
import math

import jax
import jax.numpy as jnp
from jax import lax
from jax.experimental import pallas as pl
from jax.experimental.pallas import tpu as pltpu
from jax.experimental.pallas import tpu_sc as plsc

VOCAB = 100000
EMB = 64
N_BASE = 16384
N_POS = 8192
N_OUT = N_BASE + N_POS

NC, NS, L = 2, 16, 16
NW = NC * NS
CPW = EMB // NW
CHUNK = 4096
NCHUNK = N_OUT // CHUNK
NBUF = 2
RSL = N_OUT // NS
LT = 128
VFULL = VOCAB // LT
VPAD = (VFULL + 1) * LT
COLS = VPAD + N_POS


PE_B = N_POS // 8


def _posenc_body(pt_ref, out_ref):
    pt = pt_ref[...].astype(jnp.float32)[None, :]
    row = lax.broadcasted_iota(jnp.int32, (EMB, 1), 0)
    k = (row % (EMB // 2)).astype(jnp.float32)
    period = jnp.exp(k * (-2.0 * math.log(10000.0) / EMB))
    shift = jnp.where(row < EMB // 2, 0.0, 0.5 * math.pi)
    out_ref[...] = jnp.sin(pt * period + shift)


_posenc = pl.pallas_call(
    _posenc_body,
    grid=(N_POS // PE_B,),
    in_specs=[pl.BlockSpec((PE_B,), lambda g: (g,))],
    out_specs=pl.BlockSpec((EMB, PE_B), lambda g: (0, g)),
    out_shape=jax.ShapeDtypeStruct((EMB, N_POS), jnp.float32),
)


GU = 8


def _sc_body(bmt_hbm, idx_hbm, pe_hbm, tt_hbm, tail_hbm, out_hbm,
             col_v, idx_v0, idx_v1, out_v0, out_v1, comb_spm,
             lsem, isem, wsem):
    sid = lax.axis_index("s")
    wid = sid * NC + lax.axis_index("c")
    idx_bufs = [idx_v0, idx_v1]
    out_bufs = [out_v0, out_v1]

    bmt_f = col_v.at[pl.ds(0, N_BASE)]
    pltpu.sync_copy(bmt_hbm, bmt_f)
    pltpu.sync_copy(idx_hbm.at[pl.ds(sid * RSL, RSL)],
                    idx_v0.at[pl.ds(0, RSL)])

    def resolve(g, carry):
        base = g * (GU * L)
        for u in range(GU):
            sl = pl.ds(base + u * L, L)
            iv = idx_v0[sl]
            isb = iv < N_BASE
            tokf = plsc.load_gather(bmt_f, [lax.rem(iv, N_BASE)])
            tok = plsc.bitcast(tokf, jnp.int32)
            idx_v1[sl] = jnp.where(isb, tok, iv + (VPAD - N_BASE))
        return carry
    lax.fori_loop(0, RSL // (GU * L), resolve, 0)
    pltpu.sync_copy(idx_v1.at[pl.ds(0, RSL)],
                    comb_spm.at[pl.ds(sid * RSL, RSL)])
    plsc.subcore_barrier()

    def do_column(cix):
        def fire_tt(g, carry):
            o = g * (8 * LT)
            for u in range(8):
                pltpu.async_copy(tt_hbm.at[cix, pl.ds(o + u * LT, LT)],
                                 col_v.at[pl.ds(o + u * LT, LT)], lsem)
            return carry
        lax.fori_loop(0, VFULL // 8, fire_tt, 0)
        for e in range(VFULL - (VFULL // 8) * 8):
            o = ((VFULL // 8) * 8 + e) * LT
            pltpu.async_copy(tt_hbm.at[cix, pl.ds(o, LT)],
                             col_v.at[pl.ds(o, LT)], lsem)
        pltpu.async_copy(tail_hbm.at[cix],
                         col_v.at[pl.ds(VFULL * LT, LT)], lsem)

        def fire_pe(g, carry):
            o = g * (8 * LT)
            for u in range(8):
                pltpu.async_copy(
                    pe_hbm.at[cix, pl.ds(o + u * LT, LT)],
                    col_v.at[pl.ds(VPAD + o + u * LT, LT)], lsem)
            return carry
        lax.fori_loop(0, N_POS // (8 * LT), fire_pe, 0)
        pltpu.async_copy(comb_spm.at[pl.ds(0, CHUNK)], idx_bufs[0], isem)
        for _ in range(4):
            pltpu.make_async_copy(out_hbm.at[cix],
                                  col_v.at[pl.ds(0, N_OUT)], lsem).wait()
        pltpu.make_async_copy(
            out_hbm.at[cix, pl.ds(0, COLS - 4 * N_OUT)],
            col_v.at[pl.ds(0, COLS - 4 * N_OUT)], lsem).wait()

        for ch in range(NCHUNK):
            idx_v = idx_bufs[ch % NBUF]
            out_v = out_bufs[ch % NBUF]
            pltpu.make_async_copy(comb_spm.at[pl.ds(0, CHUNK)], idx_v,
                                  isem).wait()
            if ch + 1 < NCHUNK:
                pltpu.async_copy(
                    comb_spm.at[pl.ds((ch + 1) * CHUNK, CHUNK)],
                    idx_bufs[(ch + 1) % NBUF], isem)
            if ch >= NBUF:
                pltpu.make_async_copy(out_v, out_hbm.at[cix, pl.ds(0, CHUNK)],
                                      wsem).wait()

            def grp(g, carry):
                base = g * (GU * L)
                for u in range(GU):
                    sl = pl.ds(base + u * L, L)
                    out_v[sl] = plsc.load_gather(col_v, [idx_v[sl]])
                return carry
            lax.fori_loop(0, CHUNK // (GU * L), grp, 0)

            def fire_out(g, carry):
                o = g * (4 * LT)
                for u in range(4):
                    pltpu.async_copy(
                        out_v.at[pl.ds(o + u * LT, LT)],
                        out_hbm.at[cix, pl.ds(ch * CHUNK + o + u * LT, LT)],
                        wsem)
                return carry
            lax.fori_loop(0, CHUNK // (4 * LT), fire_out, 0)

        for b in range(NBUF):
            pltpu.make_async_copy(out_bufs[b],
                                  out_hbm.at[cix, pl.ds(0, CHUNK)],
                                  wsem).wait()

    for q in range(CPW):
        do_column(wid * CPW + q)


_sc_call = functools.partial(
    pl.kernel,
    out_type=jax.ShapeDtypeStruct((EMB, N_OUT), jnp.float32),
    mesh=plsc.VectorSubcoreMesh(core_axis_name="c", subcore_axis_name="s"),
    compiler_params=pltpu.CompilerParams(needs_layout_passes=False,
                                         use_tc_tiling_on_sc=True),
    scratch_types=[
        pltpu.VMEM((COLS,), jnp.float32),
        pltpu.VMEM((CHUNK,), jnp.int32),
        pltpu.VMEM((CHUNK,), jnp.int32),
        pltpu.VMEM((CHUNK,), jnp.float32),
        pltpu.VMEM((CHUNK,), jnp.float32),
        pltpu.VMEM_SHARED((N_OUT,), jnp.int32),
        pltpu.SemaphoreType.DMA,
        pltpu.SemaphoreType.DMA,
        pltpu.SemaphoreType.DMA,
    ],
)(_sc_body)


def kernel(base_model_tokens, positional_tokens, base_idxs_of_tokens, table):
    pe_t = _posenc(positional_tokens.astype(jnp.int32))
    tail = jnp.pad(table[VFULL * LT:].T, ((0, 0), (0, VPAD - VOCAB)))
    bmt_f = lax.bitcast_convert_type(base_model_tokens.astype(jnp.int32),
                                     jnp.float32)
    out_t = _sc_call(bmt_f, base_idxs_of_tokens.astype(jnp.int32), pe_t,
                     table.T, tail)
    return out_t.T

# --- scband reference (transcript-rebuilt; emitter-appended) ---
"""Pipeline reference for scband-pos-encoding-mixed-embedder-73177652789998 (READ-ONLY COPY).

The authoritative reference and input builder live on the scoring server;
editing this copy changes nothing except your own understanding.
"""

import jax, jax.numpy as jnp
import numpy as np

VOCAB = 100000
EMB = 64
N_BASE = 16384
N_POS = 8192
N_OUT = N_BASE + N_POS

def setup_inputs(seed: int = 0) -> dict:
    key = jax.random.key(seed)
    k1, k2, k3, k4 = jax.random.split(key, 4)
    base_model_tokens = jax.random.randint(k1, (N_BASE,), 0, VOCAB, dtype=jnp.int64) if jax.config.jax_enable_x64 else jax.random.randint(k1, (N_BASE,), 0, VOCAB, dtype=jnp.int32)
    positional_tokens = jax.random.randint(k2, (N_POS,), 0, 10000, dtype=jnp.int32)
    base_idxs_of_tokens = jax.random.randint(k3, (N_OUT,), 0, N_OUT, dtype=jnp.int32)
    table = jax.random.normal(k4, (VOCAB, EMB), dtype=jnp.float32)
    return {"base_model_tokens": base_model_tokens, "positional_tokens": positional_tokens, "base_idxs_of_tokens": base_idxs_of_tokens, "table": table}

def reference(base_model_tokens, positional_tokens, base_idxs_of_tokens, table):
    # base_embedder: embedding lookup (nn.Embedding equivalent); base_model_tokens dict -> {'input': indices}
    embedded_tokens = jnp.take(table, base_model_tokens, axis=0)
    # fixed sinusoidal positional encodings (learnt_embeddings=False branch)
    periods = (1.0 / 10000 ** (2 * jnp.arange(EMB // 2, dtype=jnp.float32) / EMB))[None, :]
    positions = periods * positional_tokens.astype(jnp.float32)[:, None]
    positional_embeddings = jnp.concatenate([jnp.sin(positions), jnp.cos(positions)], axis=-1)
    all_embeddings_mixed = jnp.concatenate([embedded_tokens, positional_embeddings], axis=0)
    return all_embeddings_mixed[base_idxs_of_tokens]

if __name__ == "__main__":
    import jax
    _d = setup_inputs()
    print(jax.jit(kernel)(*tuple(_d.values())))

</pallas_src>

<mosaic_0001>
#map = affine_map<(d0, d1) -> (0)>
#map1 = affine_map<(d0, d1) -> (0, 0)>
module attributes {stable_mosaic.version = 14 : i64} {
  func.func @_sc_body(%arg0: i32, %arg1: i32, %arg2: memref<16384xf32, #tpu.memory_space<hbm>>, %arg3: memref<24576xi32, #tpu.memory_space<hbm>>, %arg4: memref<64x8192xf32, #tpu.memory_space<hbm>>, %arg5: memref<64x100000xf32, #tpu.memory_space<hbm>>, %arg6: memref<64x128xf32, #tpu.memory_space<hbm>>, %arg7: memref<64x24576xf32, #tpu.memory_space<hbm>>, %arg8: memref<108288xf32, #tpu.memory_space<vmem>>, %arg9: memref<4096xi32, #tpu.memory_space<vmem>>, %arg10: memref<4096xi32, #tpu.memory_space<vmem>>, %arg11: memref<4096xf32, #tpu.memory_space<vmem>>, %arg12: memref<4096xf32, #tpu.memory_space<vmem>>, %arg13: memref<24576xi32, #tpu.memory_space<vmem_shared>>, %arg14: memref<!tpu.dma_semaphore, #tpu.memory_space<semaphore_mem>>, %arg15: memref<!tpu.dma_semaphore, #tpu.memory_space<semaphore_mem>>, %arg16: memref<!tpu.dma_semaphore, #tpu.memory_space<semaphore_mem>>) attributes {dimension_semantics = [#tpu.dimension_semantics<core_parallel>, #tpu.dimension_semantics<subcore_parallel>], iteration_bounds = array<i64: 2, 16>, scalar_prefetch = 0 : i64, scratch_operands = 9 : i64, tpu.core_type = #tpu.core_type<sc_vector_subcore>, window_params = [{transform_indices = #map}, {transform_indices = #map}, {transform_indices = #map1}, {transform_indices = #map1}, {transform_indices = #map1}, {transform_indices = #map1}]} {
    %mul3A = arith.constant 2 : i32
    %mul3A_0 = arith.muli %arg1, %mul3A : i32
    %add3A = arith.addi %mul3A_0, %arg0 : i32
    "tpu.region"() ({
      %run_scoped3A = tpu.sem_alloc : memref<!tpu.dma_semaphore, #tpu.memory_space<semaphore_mem>>
      %dma_start3A_572 = arith.constant 0 : i32
      %dma_start3A_573 = tpu.memref_slice %arg8[%dma_start3A_572] : memref<108288xf32, #tpu.memory_space<vmem>> -> memref<16384xf32, #tpu.memory_space<vmem>>
      %dma_start3A_574 = arith.constant 0 : i32
      %dma_start3A_575 = tpu.memref_slice %arg8[%dma_start3A_574] : memref<108288xf32, #tpu.memory_space<vmem>> -> memref<16384xf32, #tpu.memory_space<vmem>>
      tpu.enqueue_dma source(%arg2 : memref<16384xf32, #tpu.memory_space<hbm>>) target(%dma_start3A_575 : memref<16384xf32, #tpu.memory_space<vmem>>) target_semaphore(%run_scoped3A : memref<!tpu.dma_semaphore, #tpu.memory_space<semaphore_mem>>)
      %dma_wait3A_576 = arith.constant 0 : i32
      %dma_wait3A_577 = tpu.memref_slice %arg8[%dma_wait3A_576] : memref<108288xf32, #tpu.memory_space<vmem>> -> memref<16384xf32, #tpu.memory_space<vmem>>
      %dma_wait3A_578 = arith.constant 0 : i32
      %dma_wait3A_579 = tpu.memref_slice %arg8[%dma_wait3A_578] : memref<108288xf32, #tpu.memory_space<vmem>> -> memref<16384xf32, #tpu.memory_space<vmem>>
      tpu.wait_dma2 semaphore(%run_scoped3A : memref<!tpu.dma_semaphore, #tpu.memory_space<semaphore_mem>>) src(%arg2 : memref<16384xf32, #tpu.memory_space<hbm>>) dst(%dma_wait3A_579 : memref<16384xf32, #tpu.memory_space<vmem>>)
      tpu.yield
    }) : () -> ()
    %mul3A_1 = arith.constant 1536 : i32
    %mul3A_2 = arith.muli %arg1, %mul3A_1 : i32
    "tpu.region"() ({
      %run_scoped3A = tpu.sem_alloc : memref<!tpu.dma_semaphore, #tpu.memory_space<semaphore_mem>>
      %dma_start3A_572 = arith.constant 0 : i32
      %dma_start3A_573 = tpu.memref_slice %arg9[%dma_start3A_572] : memref<4096xi32, #tpu.memory_space<vmem>> -> memref<1536xi32, #tpu.memory_space<vmem>>
      %dma_start3A_574 = tpu.memref_slice %arg3[%mul3A_2] : memref<24576xi32, #tpu.memory_space<hbm>> -> memref<1536xi32, #tpu.memory_space<hbm>>
      %dma_start3A_575 = arith.constant 0 : i32
      %dma_start3A_576 = tpu.memref_slice %arg9[%dma_start3A_575] : memref<4096xi32, #tpu.memory_space<vmem>> -> memref<1536xi32, #tpu.memory_space<vmem>>
      %dma_start3A_577 = tpu.memref_slice %arg3[%mul3A_2] : memref<24576xi32, #tpu.memory_space<hbm>> -> memref<1536xi32, #tpu.memory_space<hbm>>
      tpu.enqueue_dma source(%dma_start3A_577 : memref<1536xi32, #tpu.memory_space<hbm>>) target(%dma_start3A_576 : memref<1536xi32, #tpu.memory_space<vmem>>) target_semaphore(%run_scoped3A : memref<!tpu.dma_semaphore, #tpu.memory_space<semaphore_mem>>)
      %dma_wait3A_578 = arith.constant 0 : i32
      %dma_wait3A_579 = tpu.memref_slice %arg9[%dma_wait3A_578] : memref<4096xi32, #tpu.memory_space<vmem>> -> memref<1536xi32, #tpu.memory_space<vmem>>
      %dma_wait3A_580 = tpu.memref_slice %arg3[%mul3A_2] : memref<24576xi32, #tpu.memory_space<hbm>> -> memref<1536xi32, #tpu.memory_space<hbm>>
      %dma_wait3A_581 = arith.constant 0 : i32
      %dma_wait3A_582 = tpu.memref_slice %arg9[%dma_wait3A_581] : memref<4096xi32, #tpu.memory_space<vmem>> -> memref<1536xi32, #tpu.memory_space<vmem>>
      %dma_wait3A_583 = tpu.memref_slice %arg3[%mul3A_2] : memref<24576xi32, #tpu.memory_space<hbm>> -> memref<1536xi32, #tpu.memory_space<hbm>>
      tpu.wait_dma2 semaphore(%run_scoped3A : memref<!tpu.dma_semaphore, #tpu.memory_space<semaphore_mem>>) src(%dma_wait3A_583 : memref<1536xi32, #tpu.memory_space<hbm>>) dst(%dma_wait3A_582 : memref<1536xi32, #tpu.memory_space<vmem>>)
      tpu.yield
    }) : () -> ()
    %scan3A = arith.constant 0 : i32
    %scan3A_3 = arith.constant 0 : i32
    %scan3A_4 = arith.constant 12 : i32
    %scan3A_5 = arith.addi %scan3A_3, %scan3A_4 : i32
    %scan3A_6 = arith.constant 1 : i32
    scf.for %scan3A_572 = %scan3A_3 to %scan3A_5 step %scan3A_6  : i32 {
      %mul3A_573 = arith.constant 128 : i32
      %mul3A_574 = arith.muli %scan3A_572, %mul3A_573 : i32
      %add3A_575 = arith.constant 0 : i32
      %add3A_576 = arith.addi %mul3A_574, %add3A_575 : i32
      %get3A = arith.index_cast %add3A_576 : i32 to index
      %get3A_577 = tpu.vector_load %arg9[%get3A] {strides = array<i32>} : memref<4096xi32, #tpu.memory_space<vmem>>, vector<16xi32>,
      %lt3A = arith.constant 16384 : i32
      %lt3A_578 = vector.broadcast %lt3A : i32 to vector<16xi32>
      %lt3A_579 = arith.cmpi slt, %get3A_577, %lt3A_578 : vector<16xi32>
      %rem3A = arith.constant 16384 : i32
      %rem3A_580 = vector.broadcast %rem3A : i32 to vector<16xi32>
      %rem3A_581 = arith.remsi %get3A_577, %rem3A_580 : vector<16xi32>
      %gather3A = arith.constant 0 : i32
      %gather3A_582 = tpu.memref_slice %arg8[%gather3A] : memref<108288xf32, #tpu.memory_space<vmem>> -> memref<16384xf32, #tpu.memory_space<vmem>>
      %gather3A_583 = tpu.vector_load_idx %gather3A_582[%rem3A_581] : memref<16384xf32, #tpu.memory_space<vmem>>[vector<16xi32>], vector<16xf32>,
      %bitcast3A = vector.bitcast %gather3A_583 : vector<16xf32> to vector<16xi32>
      %add3A_584 = arith.constant 83712 : i32
      %add3A_585 = vector.broadcast %add3A_584 : i32 to vector<16xi32>
      %add3A_586 = arith.addi %get3A_577, %add3A_585 : vector<16xi32>
      %select_n3A = arith.select %lt3A_579, %bitcast3A, %add3A_586 : vector<16xi1>, vector<16xi32>
      %swap3A = arith.index_cast %add3A_576 : i32 to index
      %swap3A_587 = tpu.vector_load %arg10[%swap3A] {strides = array<i32>} : memref<4096xi32, #tpu.memory_space<vmem>>, vector<16xi32>,
      tpu.vector_store %arg10[%swap3A], %select_n3A {strides = array<i32>} : memref<4096xi32, #tpu.memory_space<vmem>>, vector<16xi32>,
      %add3A_588 = arith.constant 16 : i32
      %add3A_589 = arith.addi %mul3A_574, %add3A_588 : i32
      %get3A_590 = arith.index_cast %add3A_589 : i32 to index
      %get3A_591 = tpu.vector_load %arg9[%get3A_590] {strides = array<i32>} : memref<4096xi32, #tpu.memory_space<vmem>>, vector<16xi32>,
      %lt3A_592 = arith.constant 16384 : i32
      %lt3A_593 = vector.broadcast %lt3A_592 : i32 to vector<16xi32>
      %lt3A_594 = arith.cmpi slt, %get3A_591, %lt3A_593 : vector<16xi32>
      %rem3A_595 = arith.constant 16384 : i32
      %rem3A_596 = vector.broadcast %rem3A_595 : i32 to vector<16xi32>
      %rem3A_597 = arith.remsi %get3A_591, %rem3A_596 : vector<16xi32>
      %gather3A_598 = arith.constant 0 : i32
      %gather3A_599 = tpu.memref_slice %arg8[%gather3A_598] : memref<108288xf32, #tpu.memory_space<vmem>> -> memref<16384xf32, #tpu.memory_space<vmem>>
      %gather3A_600 = tpu.vector_load_idx %gather3A_599[%rem3A_597] : memref<16384xf32, #tpu.memory_space<vmem>>[vector<16xi32>], vector<16xf32>,
      %bitcast3A_601 = vector.bitcast %gather3A_600 : vector<16xf32> to vector<16xi32>
      %add3A_602 = arith.constant 83712 : i32
      %add3A_603 = vector.broadcast %add3A_602 : i32 to vector<16xi32>
      %add3A_604 = arith.addi %get3A_591, %add3A_603 : vector<16xi32>
      %select_n3A_605 = arith.select %lt3A_594, %bitcast3A_601, %add3A_604 : vector<16xi1>, vector<16xi32>
      %swap3A_606 = arith.index_cast %add3A_589 : i32 to index
      %swap3A_607 = tpu.vector_load %arg10[%swap3A_606] {strides = array<i32>} : memref<4096xi32, #tpu.memory_space<vmem>>, vector<16xi32>,
      tpu.vector_store %arg10[%swap3A_606], %select_n3A_605 {strides = array<i32>} : memref<4096xi32, #tpu.memory_space<vmem>>, vector<16xi32>,
      %add3A_608 = arith.constant 32 : i32
      %add3A_609 = arith.addi %mul3A_574, %add3A_608 : i32
      %get3A_610 = arith.index_cast %add3A_609 : i32 to index
      %get3A_611 = tpu.vector_load %arg9[%get3A_610] {strides = array<i32>} : memref<4096xi32, #tpu.memory_space<vmem>>, vector<16xi32>,
      %lt3A_612 = arith.constant 16384 : i32
      %lt3A_613 = vector.broadcast %lt3A_612 : i32 to vector<16xi32>
      %lt3A_614 = arith.cmpi slt, %get3A_611, %lt3A_613 : vector<16xi32>
      %rem3A_615 = arith.constant 16384 : i32
      %rem3A_616 = vector.broadcast %rem3A_615 : i32 to vector<16xi32>
      %rem3A_617 = arith.remsi %get3A_611, %rem3A_616 : vector<16xi32>
      %gather3A_618 = arith.constant 0 : i32
      %gather3A_619 = tpu.memref_slice %arg8[%gather3A_618] : memref<108288xf32, #tpu.memory_space<vmem>> -> memref<16384xf32, #tpu.memory_space<vmem>>
      %gather3A_620 = tpu.vector_load_idx %gather3A_619[%rem3A_617] : memref<16384xf32, #tpu.memory_space<vmem>>[vector<16xi32>], vector<16xf32>,
      %bitcast3A_621 = vector.bitcast %gather3A_620 : vector<16xf32> to vector<16xi32>
      %add3A_622 = arith.constant 83712 : i32
      %add3A_623 = vector.broadcast %add3A_622 : i32 to vector<16xi32>
      %add3A_624 = arith.addi %get3A_611, %add3A_623 : vector<16xi32>
      %select_n3A_625 = arith.select %lt3A_614, %bitcast3A_621, %add3A_624 : vector<16xi1>, vector<16xi32>
      %swap3A_626 = arith.index_cast %add3A_609 : i32 to index
      %swap3A_627 = tpu.vector_load %arg10[%swap3A_626] {strides = array<i32>} : memref<4096xi32, #tpu.memory_space<vmem>>, vector<16xi32>,
      tpu.vector_store %arg10[%swap3A_626], %select_n3A_625 {strides = array<i32>} : memref<4096xi32, #tpu.memory_space<vmem>>, vector<16xi32>,
      %add3A_628 = arith.constant 48 : i32
      %add3A_629 = arith.addi %mul3A_574, %add3A_628 : i32
      %get3A_630 = arith.index_cast %add3A_629 : i32 to index
      %get3A_631 = tpu.vector_load %arg9[%get3A_630] {strides = array<i32>} : memref<4096xi32, #tpu.memory_space<vmem>>, vector<16xi32>,
      %lt3A_632 = arith.constant 16384 : i32
      %lt3A_633 = vector.broadcast %lt3A_632 : i32 to vector<16xi32>
      %lt3A_634 = arith.cmpi slt, %get3A_631, %lt3A_633 : vector<16xi32>
      %rem3A_635 = arith.constant 16384 : i32
      %rem3A_636 = vector.broadcast %rem3A_635 : i32 to vector<16xi32>
      %rem3A_637 = arith.remsi %get3A_631, %rem3A_636 : vector<16xi32>
      %gather3A_638 = arith.constant 0 : i32
      %gather3A_639 = tpu.memref_slice %arg8[%gather3A_638] : memref<108288xf32, #tpu.memory_space<vmem>> -> memref<16384xf32, #tpu.memory_space<vmem>>
      %gather3A_640 = tpu.vector_load_idx %gather3A_639[%rem3A_637] : memref<16384xf32, #tpu.memory_space<vmem>>[vector<16xi32>], vector<16xf32>,
      %bitcast3A_641 = vector.bitcast %gather3A_640 : vector<16xf32> to vector<16xi32>
      %add3A_642 = arith.constant 83712 : i32
      %add3A_643 = vector.broadcast %add3A_642 : i32 to vector<16xi32>
      %add3A_644 = arith.addi %get3A_631, %add3A_643 : vector<16xi32>
      %select_n3A_645 = arith.select %lt3A_634, %bitcast3A_641, %add3A_644 : vector<16xi1>, vector<16xi32>
      %swap3A_646 = arith.index_cast %add3A_629 : i32 to index
      %swap3A_647 = tpu.vector_load %arg10[%swap3A_646] {strides = array<i32>} : memref<4096xi32, #tpu.memory_space<vmem>>, vector<16xi32>,
      tpu.vector_store %arg10[%swap3A_646], %select_n3A_645 {strides = array<i32>} : memref<4096xi32, #tpu.memory_space<vmem>>, vector<16xi32>,
      %add3A_648 = arith.constant 64 : i32
      %add3A_649 = arith.addi %mul3A_574, %add3A_648 : i32
      %get3A_650 = arith.index_cast %add3A_649 : i32 to index
      %get3A_651 = tpu.vector_load %arg9[%get3A_650] {strides = array<i32>} : memref<4096xi32, #tpu.memory_space<vmem>>, vector<16xi32>,
      %lt3A_652 = arith.constant 16384 : i32
      %lt3A_653 = vector.broadcast %lt3A_652 : i32 to vector<16xi32>
      %lt3A_654 = arith.cmpi slt, %get3A_651, %lt3A_653 : vector<16xi32>
      %rem3A_655 = arith.constant 16384 : i32
      %rem3A_656 = vector.broadcast %rem3A_655 : i32 to vector<16xi32>
      %rem3A_657 = arith.remsi %get3A_651, %rem3A_656 : vector<16xi32>
      %gather3A_658 = arith.constant 0 : i32
      %gather3A_659 = tpu.memref_slice %arg8[%gather3A_658] : memref<108288xf32, #tpu.memory_space<vmem>> -> memref<16384xf32, #tpu.memory_space<vmem>>
      %gather3A_660 = tpu.vector_load_idx %gather3A_659[%rem3A_657] : memref<16384xf32, #tpu.memory_space<vmem>>[vector<16xi32>], vector<16xf32>,
      %bitcast3A_661 = vector.bitcast %gather3A_660 : vector<16xf32> to vector<16xi32>
      %add3A_662 = arith.constant 83712 : i32
      %add3A_663 = vector.broadcast %add3A_662 : i32 to vector<16xi32>
      %add3A_664 = arith.addi %get3A_651, %add3A_663 : vector<16xi32>
      %select_n3A_665 = arith.select %lt3A_654, %bitcast3A_661, %add3A_664 : vector<16xi1>, vector<16xi32>
      %swap3A_666 = arith.index_cast %add3A_649 : i32 to index
      %swap3A_667 = tpu.vector_load %arg10[%swap3A_666] {strides = array<i32>} : memref<4096xi32, #tpu.memory_space<vmem>>, vector<16xi32>,
      tpu.vector_store %arg10[%swap3A_666], %select_n3A_665 {strides = array<i32>} : memref<4096xi32, #tpu.memory_space<vmem>>, vector<16xi32>,
      %add3A_668 = arith.constant 80 : i32
      %add3A_669 = arith.addi %mul3A_574, %add3A_668 : i32
      %get3A_670 = arith.index_cast %add3A_669 : i32 to index
      %get3A_671 = tpu.vector_load %arg9[%get3A_670] {strides = array<i32>} : memref<4096xi32, #tpu.memory_space<vmem>>, vector<16xi32>,
      %lt3A_672 = arith.constant 16384 : i32
      %lt3A_673 = vector.broadcast %lt3A_672 : i32 to vector<16xi32>
      %lt3A_674 = arith.cmpi slt, %get3A_671, %lt3A_673 : vector<16xi32>
      %rem3A_675 = arith.constant 16384 : i32
      %rem3A_676 = vector.broadcast %rem3A_675 : i32 to vector<16xi32>
      %rem3A_677 = arith.remsi %get3A_671, %rem3A_676 : vector<16xi32>
      %gather3A_678 = arith.constant 0 : i32
      %gather3A_679 = tpu.memref_slice %arg8[%gather3A_678] : memref<108288xf32, #tpu.memory_space<vmem>> -> memref<16384xf32, #tpu.memory_space<vmem>>
      %gather3A_680 = tpu.vector_load_idx %gather3A_679[%rem3A_677] : memref<16384xf32, #tpu.memory_space<vmem>>[vector<16xi32>], vector<16xf32>,
      %bitcast3A_681 = vector.bitcast %gather3A_680 : vector<16xf32> to vector<16xi32>
      %add3A_682 = arith.constant 83712 : i32
      %add3A_683 = vector.broadcast %add3A_682 : i32 to vector<16xi32>
      %add3A_684 = arith.addi %get3A_671, %add3A_683 : vector<16xi32>
      %select_n3A_685 = arith.select %lt3A_674, %bitcast3A_681, %add3A_684 : vector<16xi1>, vector<16xi32>
      %swap3A_686 = arith.index_cast %add3A_669 : i32 to index
      %swap3A_687 = tpu.vector_load %arg10[%swap3A_686] {strides = array<i32>} : memref<4096xi32, #tpu.memory_space<vmem>>, vector<16xi32>,
      tpu.vector_store %arg10[%swap3A_686], %select_n3A_685 {strides = array<i32>} : memref<4096xi32, #tpu.memory_space<vmem>>, vector<16xi32>,
      %add3A_688 = arith.constant 96 : i32
      %add3A_689 = arith.addi %mul3A_574, %add3A_688 : i32
      %get3A_690 = arith.index_cast %add3A_689 : i32 to index
      %get3A_691 = tpu.vector_load %arg9[%get3A_690] {strides = array<i32>} : memref<4096xi32, #tpu.memory_space<vmem>>, vector<16xi32>,
      %lt3A_692 = arith.constant 16384 : i32
      %lt3A_693 = vector.broadcast %lt3A_692 : i32 to vector<16xi32>
      %lt3A_694 = arith.cmpi slt, %get3A_691, %lt3A_693 : vector<16xi32>
      %rem3A_695 = arith.constant 16384 : i32
      %rem3A_696 = vector.broadcast %rem3A_695 : i32 to vector<16xi32>
      %rem3A_697 = arith.remsi %get3A_691, %rem3A_696 : vector<16xi32>
      %gather3A_698 = arith.constant 0 : i32
      %gather3A_699 = tpu.memref_slice %arg8[%gather3A_698] : memref<108288xf32, #tpu.memory_space<vmem>> -> memref<16384xf32, #tpu.memory_space<vmem>>
      %gather3A_700 = tpu.vector_load_idx %gather3A_699[%rem3A_697] : memref<16384xf32, #tpu.memory_space<vmem>>[vector<16xi32>], vector<16xf32>,
      %bitcast3A_701 = vector.bitcast %gather3A_700 : vector<16xf32> to vector<16xi32>
      %add3A_702 = arith.constant 83712 : i32
      %add3A_703 = vector.broadcast %add3A_702 : i32 to vector<16xi32>
      %add3A_704 = arith.addi %get3A_691, %add3A_703 : vector<16xi32>
      %select_n3A_705 = arith.select %lt3A_694, %bitcast3A_701, %add3A_704 : vector<16xi1>, vector<16xi32>
      %swap3A_706 = arith.index_cast %add3A_689 : i32 to index
      %swap3A_707 = tpu.vector_load %arg10[%swap3A_706] {strides = array<i32>} : memref<4096xi32, #tpu.memory_space<vmem>>, vector<16xi32>,
      tpu.vector_store %arg10[%swap3A_706], %select_n3A_705 {strides = array<i32>} : memref<4096xi32, #tpu.memory_space<vmem>>, vector<16xi32>,
      %add3A_708 = arith.constant 112 : i32
      %add3A_709 = arith.addi %mul3A_574, %add3A_708 : i32
      %get3A_710 = arith.index_cast %add3A_709 : i32 to index
      %get3A_711 = tpu.vector_load %arg9[%get3A_710] {strides = array<i32>} : memref<4096xi32, #tpu.memory_space<vmem>>, vector<16xi32>,
      %lt3A_712 = arith.constant 16384 : i32
      %lt3A_713 = vector.broadcast %lt3A_712 : i32 to vector<16xi32>
      %lt3A_714 = arith.cmpi slt, %get3A_711, %lt3A_713 : vector<16xi32>
      %rem3A_715 = arith.constant 16384 : i32
      %rem3A_716 = vector.broadcast %rem3A_715 : i32 to vector<16xi32>
      %rem3A_717 = arith.remsi %get3A_711, %rem3A_716 : vector<16xi32>
      %gather3A_718 = arith.constant 0 : i32
      %gather3A_719 = tpu.memref_slice %arg8[%gather3A_718] : memref<108288xf32, #tpu.memory_space<vmem>> -> memref<16384xf32, #tpu.memory_space<vmem>>
      %gather3A_720 = tpu.vector_load_idx %gather3A_719[%rem3A_717] : memref<16384xf32, #tpu.memory_space<vmem>>[vector<16xi32>], vector<16xf32>,
      %bitcast3A_721 = vector.bitcast %gather3A_720 : vector<16xf32> to vector<16xi32>
      %add3A_722 = arith.constant 83712 : i32
      %add3A_723 = vector.broadcast %add3A_722 : i32 to vector<16xi32>
      %add3A_724 = arith.addi %get3A_711, %add3A_723 : vector<16xi32>
      %select_n3A_725 = arith.select %lt3A_714, %bitcast3A_721, %add3A_724 : vector<16xi1>, vector<16xi32>
      %swap3A_726 = arith.index_cast %add3A_709 : i32 to index
      %swap3A_727 = tpu.vector_load %arg10[%swap3A_726] {strides = array<i32>} : memref<4096xi32, #tpu.memory_space<vmem>>, vector<16xi32>,
      tpu.vector_store %arg10[%swap3A_726], %select_n3A_725 {strides = array<i32>} : memref<4096xi32, #tpu.memory_space<vmem>>, vector<16xi32>,
    }
    %scan3A_7 = arith.constant 12 : i32
    %mul3A_8 = arith.constant 1536 : i32
    %mul3A_9 = arith.muli %arg1, %mul3A_8 : i32
    "tpu.region"() ({
      %run_scoped3A = tpu.sem_alloc : memref<!tpu.dma_semaphore, #tpu.memory_space<semaphore_mem>>
      %dma_start3A_572 = arith.constant 0 : i32
      %dma_start3A_573 = tpu.memref_slice %arg10[%dma_start3A_572] : memref<4096xi32, #tpu.memory_space<vmem>> -> memref<1536xi32, #tpu.memory_space<vmem>>
      %dma_start3A_574 = tpu.memref_slice %arg13[%mul3A_9] : memref<24576xi32, #tpu.memory_space<vmem_shared>> -> memref<1536xi32, #tpu.memory_space<vmem_shared>>
      %dma_start3A_575 = tpu.memref_slice %arg13[%mul3A_9] : memref<24576xi32, #tpu.memory_space<vmem_shared>> -> memref<1536xi32, #tpu.memory_space<vmem_shared>>
      %dma_start3A_576 = arith.constant 0 : i32
      %dma_start3A_577 = tpu.memref_slice %arg10[%dma_start3A_576] : memref<4096xi32, #tpu.memory_space<vmem>> -> memref<1536xi32, #tpu.memory_space<vmem>>
      tpu.enqueue_dma source(%dma_start3A_577 : memref<1536xi32, #tpu.memory_space<vmem>>) target(%dma_start3A_575 : memref<1536xi32, #tpu.memory_space<vmem_shared>>) target_semaphore(%run_scoped3A : memref<!tpu.dma_semaphore, #tpu.memory_space<semaphore_mem>>)
      %dma_wait3A_578 = arith.constant 0 : i32
      %dma_wait3A_579 = tpu.memref_slice %arg10[%dma_wait3A_578] : memref<4096xi32, #tpu.memory_space<vmem>> -> memref<1536xi32, #tpu.memory_space<vmem>>
      %dma_wait3A_580 = tpu.memref_slice %arg13[%mul3A_9] : memref<24576xi32, #tpu.memory_space<vmem_shared>> -> memref<1536xi32, #tpu.memory_space<vmem_shared>>
      %dma_wait3A_581 = tpu.memref_slice %arg13[%mul3A_9] : memref<24576xi32, #tpu.memory_space<vmem_shared>> -> memref<1536xi32, #tpu.memory_space<vmem_shared>>
      %dma_wait3A_582 = arith.constant 0 : i32
      %dma_wait3A_583 = tpu.memref_slice %arg10[%dma_wait3A_582] : memref<4096xi32, #tpu.memory_space<vmem>> -> memref<1536xi32, #tpu.memory_space<vmem>>
      tpu.wait_dma2 semaphore(%run_scoped3A : memref<!tpu.dma_semaphore, #tpu.memory_space<semaphore_mem>>) src(%dma_wait3A_583 : memref<1536xi32, #tpu.memory_space<vmem>>) dst(%dma_wait3A_581 : memref<1536xi32, #tpu.memory_space<vmem_shared>>)
      tpu.yield
    }) : () -> ()
    %barrier3A = arith.constant 0 : index
    tpu.barrier barrier_id(%barrier3A)
    %mul3A_10 = arith.constant 2 : i32
    %mul3A_11 = arith.muli %add3A, %mul3A_10 : i32
    %add3A_12 = arith.constant 0 : i32
    %add3A_13 = arith.addi %mul3A_11, %add3A_12 : i32
    %scan3A_14 = arith.constant 0 : i32
    %scan3A_15 = arith.constant 0 : i32
    %scan3A_16 = arith.constant 97 : i32
    %scan3A_17 = arith.addi %scan3A_15, %scan3A_16 : i32
    %scan3A_18 = arith.constant 1 : i32
    scf.for %scan3A_572 = %scan3A_15 to %scan3A_17 step %scan3A_18  : i32 {
      %mul3A_573 = arith.constant 1024 : i32
      %mul3A_574 = arith.muli %scan3A_572, %mul3A_573 : i32
      %add3A_575 = arith.constant 0 : i32
      %add3A_576 = arith.addi %mul3A_574, %add3A_575 : i32
      %add3A_577 = arith.constant 0 : i32
      %add3A_578 = arith.addi %mul3A_574, %add3A_577 : i32
      %dma_start3A_579 = tpu.memref_slice %arg8[%add3A_578] : memref<108288xf32, #tpu.memory_space<vmem>> -> memref<128xf32, #tpu.memory_space<vmem>>
      %dma_start3A_580 = tpu.memref_slice %arg5[%add3A_13, %add3A_576] : memref<64x100000xf32, #tpu.memory_space<hbm>> -> memref<1x128xf32, #tpu.memory_space<hbm>>
      %dma_start3A_581 = tpu.memref_squeeze %dma_start3A_580 : memref<1x128xf32, #tpu.memory_space<hbm>> -> memref<128xf32, #tpu.memory_space<hbm>>
      %dma_start3A_582 = tpu.memref_slice %arg8[%add3A_578] : memref<108288xf32, #tpu.memory_space<vmem>> -> memref<128xf32, #tpu.memory_space<vmem>>
      %dma_start3A_583 = tpu.memref_slice %arg5[%add3A_13, %add3A_576] : memref<64x100000xf32, #tpu.memory_space<hbm>> -> memref<1x128xf32, #tpu.memory_space<hbm>>
      %dma_start3A_584 = tpu.memref_squeeze %dma_start3A_583 : memref<1x128xf32, #tpu.memory_space<hbm>> -> memref<128xf32, #tpu.memory_space<hbm>>
      tpu.enqueue_dma source(%dma_start3A_584 : memref<128xf32, #tpu.memory_space<hbm>>) target(%dma_start3A_582 : memref<128xf32, #tpu.memory_space<vmem>>) target_semaphore(%arg14 : memref<!tpu.dma_semaphore, #tpu.memory_space<semaphore_mem>>)
      %add3A_585 = arith.constant 128 : i32
      %add3A_586 = arith.addi %mul3A_574, %add3A_585 : i32
      %add3A_587 = arith.constant 128 : i32
      %add3A_588 = arith.addi %mul3A_574, %add3A_587 : i32
      %dma_start3A_589 = tpu.memref_slice %arg8[%add3A_588] : memref<108288xf32, #tpu.memory_space<vmem>> -> memref<128xf32, #tpu.memory_space<vmem>>
      %dma_start3A_590 = tpu.memref_slice %arg5[%add3A_13, %add3A_586] : memref<64x100000xf32, #tpu.memory_space<hbm>> -> memref<1x128xf32, #tpu.memory_space<hbm>>
      %dma_start3A_591 = tpu.memref_squeeze %dma_start3A_590 : memref<1x128xf32, #tpu.memory_space<hbm>> -> memref<128xf32, #tpu.memory_space<hbm>>
      %dma_start3A_592 = tpu.memref_slice %arg8[%add3A_588] : memref<108288xf32, #tpu.memory_space<vmem>> -> memref<128xf32, #tpu.memory_space<vmem>>
      %dma_start3A_593 = tpu.memref_slice %arg5[%add3A_13, %add3A_586] : memref<64x100000xf32, #tpu.memory_space<hbm>> -> memref<1x128xf32, #tpu.memory_space<hbm>>
      %dma_start3A_594 = tpu.memref_squeeze %dma_start3A_593 : memref<1x128xf32, #tpu.memory_space<hbm>> -> memref<128xf32, #tpu.memory_space<hbm>>
      tpu.enqueue_dma source(%dma_start3A_594 : memref<128xf32, #tpu.memory_space<hbm>>) target(%dma_start3A_592 : memref<128xf32, #tpu.memory_space<vmem>>) target_semaphore(%arg14 : memref<!tpu.dma_semaphore, #tpu.memory_space<semaphore_mem>>)
      %add3A_595 = arith.constant 256 : i32
      %add3A_596 = arith.addi %mul3A_574, %add3A_595 : i32
      %add3A_597 = arith.constant 256 : i32
      %add3A_598 = arith.addi %mul3A_574, %add3A_597 : i32
      %dma_start3A_599 = tpu.memref_slice %arg8[%add3A_598] : memref<108288xf32, #tpu.memory_space<vmem>> -> memref<128xf32, #tpu.memory_space<vmem>>
      %dma_start3A_600 = tpu.memref_slice %arg5[%add3A_13, %add3A_596] : memref<64x100000xf32, #tpu.memory_space<hbm>> -> memref<1x128xf32, #tpu.memory_space<hbm>>
      %dma_start3A_601 = tpu.memref_squeeze %dma_start3A_600 : memref<1x128xf32, #tpu.memory_space<hbm>> -> memref<128xf32, #tpu.memory_space<hbm>>
      %dma_start3A_602 = tpu.memref_slice %arg8[%add3A_598] : memref<108288xf32, #tpu.memory_space<vmem>> -> memref<128xf32, #tpu.memory_space<vmem>>
      %dma_start3A_603 = tpu.memref_slice %arg5[%add3A_13, %add3A_596] : memref<64x100000xf32, #tpu.memory_space<hbm>> -> memref<1x128xf32, #tpu.memory_space<hbm>>
      %dma_start3A_604 = tpu.memref_squeeze %dma_start3A_603 : memref<1x128xf32, #tpu.memory_space<hbm>> -> memref<128xf32, #tpu.memory_space<hbm>>
      tpu.enqueue_dma source(%dma_start3A_604 : memref<128xf32, #tpu.memory_space<hbm>>) target(%dma_start3A_602 : memref<128xf32, #tpu.memory_space<vmem>>) target_semaphore(%arg14 : memref<!tpu.dma_semaphore, #tpu.memory_space<semaphore_mem>>)
      %add3A_605 = arith.constant 384 : i32
      %add3A_606 = arith.addi %mul3A_574, %add3A_605 : i32
      %add3A_607 = arith.constant 384 : i32
      %add3A_608 = arith.addi %mul3A_574, %add3A_607 : i32
      %dma_start3A_609 = tpu.memref_slice %arg8[%add3A_608] : memref<108288xf32, #tpu.memory_space<vmem>> -> memref<128xf32, #tpu.memory_space<vmem>>
      %dma_start3A_610 = tpu.memref_slice %arg5[%add3A_13, %add3A_606] : memref<64x100000xf32, #tpu.memory_space<hbm>> -> memref<1x128xf32, #tpu.memory_space<hbm>>
      %dma_start3A_611 = tpu.memref_squeeze %dma_start3A_610 : memref<1x128xf32, #tpu.memory_space<hbm>> -> memref<128xf32, #tpu.memory_space<hbm>>
      %dma_start3A_612 = tpu.memref_slice %arg8[%add3A_608] : memref<108288xf32, #tpu.memory_space<vmem>> -> memref<128xf32, #tpu.memory_space<vmem>>
      %dma_start3A_613 = tpu.memref_slice %arg5[%add3A_13, %add3A_606] : memref<64x100000xf32, #tpu.memory_space<hbm>> -> memref<1x128xf32, #tpu.memory_space<hbm>>
      %dma_start3A_614 = tpu.memref_squeeze %dma_start3A_613 : memref<1x128xf32, #tpu.memory_space<hbm>> -> memref<128xf32, #tpu.memory_space<hbm>>
      tpu.enqueue_dma source(%dma_start3A_614 : memref<128xf32, #tpu.memory_space<hbm>>) target(%dma_start3A_612 : memref<128xf32, #tpu.memory_space<vmem>>) target_semaphore(%arg14 : memref<!tpu.dma_semaphore, #tpu.memory_space<semaphore_mem>>)
      %add3A_615 = arith.constant 512 : i32
      %add3A_616 = arith.addi %mul3A_574, %add3A_615 : i32
      %add3A_617 = arith.constant 512 : i32
      %add3A_618 = arith.addi %mul3A_574, %add3A_617 : i32
      %dma_start3A_619 = tpu.memref_slice %arg8[%add3A_618] : memref<108288xf32, #tpu.memory_space<vmem>> -> memref<128xf32, #tpu.memory_space<vmem>>
      %dma_start3A_620 = tpu.memref_slice %arg5[%add3A_13, %add3A_616] : memref<64x100000xf32, #tpu.memory_space<hbm>> -> memref<1x128xf32, #tpu.memory_space<hbm>>
      %dma_start3A_621 = tpu.memref_squeeze %dma_start3A_620 : memref<1x128xf32, #tpu.memory_space<hbm>> -> memref<128xf32, #tpu.memory_space<hbm>>
      %dma_start3A_622 = tpu.memref_slice %arg8[%add3A_618] : memref<108288xf32, #tpu.memory_space<vmem>> -> memref<128xf32, #tpu.memory_space<vmem>>
      %dma_start3A_623 = tpu.memref_slice %arg5[%add3A_13, %add3A_616] : memref<64x100000xf32, #tpu.memory_space<hbm>> -> memref<1x128xf32, #tpu.memory_space<hbm>>
      %dma_start3A_624 = tpu.memref_squeeze %dma_start3A_623 : memref<1x128xf32, #tpu.memory_space<hbm>> -> memref<128xf32, #tpu.memory_space<hbm>>
      tpu.enqueue_dma source(%dma_start3A_624 : memref<128xf32, #tpu.memory_space<hbm>>) target(%dma_start3A_622 : memref<128xf32, #tpu.memory_space<vmem>>) target_semaphore(%arg14 : memref<!tpu.dma_semaphore, #tpu.memory_space<semaphore_mem>>)
      %add3A_625 = arith.constant 640 : i32
      %add3A_626 = arith.addi %mul3A_574, %add3A_625 : i32
      %add3A_627 = arith.constant 640 : i32
      %add3A_628 = arith.addi %mul3A_574, %add3A_627 : i32
      %dma_start3A_629 = tpu.memref_slice %arg8[%add3A_628] : memref<108288xf32, #tpu.memory_space<vmem>> -> memref<128xf32, #tpu.memory_space<vmem>>
      %dma_start3A_630 = tpu.memref_slice %arg5[%add3A_13, %add3A_626] : memref<64x100000xf32, #tpu.memory_space<hbm>> -> memref<1x128xf32, #tpu.memory_space<hbm>>
      %dma_start3A_631 = tpu.memref_squeeze %dma_start3A_630 : memref<1x128xf32, #tpu.memory_space<hbm>> -> memref<128xf32, #tpu.memory_space<hbm>>
      %dma_start3A_632 = tpu.memref_slice %arg8[%add3A_628] : memref<108288xf32, #tpu.memory_space<vmem>> -> memref<128xf32, #tpu.memory_space<vmem>>
      %dma_start3A_633 = tpu.memref_slice %arg5[%add3A_13, %add3A_626] : memref<64x100000xf32, #tpu.memory_space<hbm>> -> memref<1x128xf32, #tpu.memory_space<hbm>>
      %dma_start3A_634 = tpu.memref_squeeze %dma_start3A_633 : memref<1x128xf32, #tpu.memory_space<hbm>> -> memref<128xf32, #tpu.memory_space<hbm>>
      tpu.enqueue_dma source(%dma_start3A_634 : memref<128xf32, #tpu.memory_space<hbm>>) target(%dma_start3A_632 : memref<128xf32, #tpu.memory_space<vmem>>) target_semaphore(%arg14 : memref<!tpu.dma_semaphore, #tpu.memory_space<semaphore_mem>>)
      %add3A_635 = arith.constant 768 : i32
      %add3A_636 = arith.addi %mul3A_574, %add3A_635 : i32
      %add3A_637 = arith.constant 768 : i32
      %add3A_638 = arith.addi %mul3A_574, %add3A_637 : i32
      %dma_start3A_639 = tpu.memref_slice %arg8[%add3A_638] : memref<108288xf32, #tpu.memory_space<vmem>> -> memref<128xf32, #tpu.memory_space<vmem>>
      %dma_start3A_640 = tpu.memref_slice %arg5[%add3A_13, %add3A_636] : memref<64x100000xf32, #tpu.memory_space<hbm>> -> memref<1x128xf32, #tpu.memory_space<hbm>>
      %dma_start3A_641 = tpu.memref_squeeze %dma_start3A_640 : memref<1x128xf32, #tpu.memory_space<hbm>> -> memref<128xf32, #tpu.memory_space<hbm>>
      %dma_start3A_642 = tpu.memref_slice %arg8[%add3A_638] : memref<108288xf32, #tpu.memory_space<vmem>> -> memref<128xf32, #tpu.memory_space<vmem>>
      %dma_start3A_643 = tpu.memref_slice %arg5[%add3A_13, %add3A_636] : memref<64x100000xf32, #tpu.memory_space<hbm>> -> memref<1x128xf32, #tpu.memory_space<hbm>>
      %dma_start3A_644 = tpu.memref_squeeze %dma_start3A_643 : memref<1x128xf32, #tpu.memory_space<hbm>> -> memref<128xf32, #tpu.memory_space<hbm>>
      tpu.enqueue_dma source(%dma_start3A_644 : memref<128xf32, #tpu.memory_space<hbm>>) target(%dma_start3A_642 : memref<128xf32, #tpu.memory_space<vmem>>) target_semaphore(%arg14 : memref<!tpu.dma_semaphore, #tpu.memory_space<semaphore_mem>>)
      %add3A_645 = arith.constant 896 : i32
      %add3A_646 = arith.addi %mul3A_574, %add3A_645 : i32
      %add3A_647 = arith.constant 896 : i32
      %add3A_648 = arith.addi %mul3A_574, %add3A_647 : i32
      %dma_start3A_649 = tpu.memref_slice %arg8[%add3A_648] : memref<108288xf32, #tpu.memory_space<vmem>> -> memref<128xf32, #tpu.memory_space<vmem>>
      %dma_start3A_650 = tpu.memref_slice %arg5[%add3A_13, %add3A_646] : memref<64x100000xf32, #tpu.memory_space<hbm>> -> memref<1x128xf32, #tpu.memory_space<hbm>>
      %dma_start3A_651 = tpu.memref_squeeze %dma_start3A_650 : memref<1x128xf32, #tpu.memory_space<hbm>> -> memref<128xf32, #tpu.memory_space<hbm>>
      %dma_start3A_652 = tpu.memref_slice %arg8[%add3A_648] : memref<108288xf32, #tpu.memory_space<vmem>> -> memref<128xf32, #tpu.memory_space<vmem>>
      %dma_start3A_653 = tpu.memref_slice %arg5[%add3A_13, %add3A_646] : memref<64x100000xf32, #tpu.memory_space<hbm>> -> memref<1x128xf32, #tpu.memory_space<hbm>>
      %dma_start3A_654 = tpu.memref_squeeze %dma_start3A_653 : memref<1x128xf32, #tpu.memory_space<hbm>> -> memref<128xf32, #tpu.memory_space<hbm>>
      tpu.enqueue_dma source(%dma_start3A_654 : memref<128xf32, #tpu.memory_space<hbm>>) target(%dma_start3A_652 : memref<128xf32, #tpu.memory_space<vmem>>) target_semaphore(%arg14 : memref<!tpu.dma_semaphore, #tpu.memory_space<semaphore_mem>>)
    }
    %scan3A_19 = arith.constant 97 : i32
    %dma_start3A = arith.constant 99328 : i32
    %dma_start3A_20 = tpu.memref_slice %arg8[%dma_start3A] : memref<108288xf32, #tpu.memory_space<vmem>> -> memref<128xf32, #tpu.memory_space<vmem>>
    %dma_start3A_21 = arith.constant 99328 : i32
    %dma_start3A_22 = tpu.memref_slice %arg5[%add3A_13, %dma_start3A_21] : memref<64x100000xf32, #tpu.memory_space<hbm>> -> memref<1x128xf32, #tpu.memory_space<hbm>>
    %dma_start3A_23 = tpu.memref_squeeze %dma_start3A_22 : memref<1x128xf32, #tpu.memory_space<hbm>> -> memref<128xf32, #tpu.memory_space<hbm>>
    %dma_start3A_24 = arith.constant 99328 : i32
    %dma_start3A_25 = tpu.memref_slice %arg8[%dma_start3A_24] : memref<108288xf32, #tpu.memory_space<vmem>> -> memref<128xf32, #tpu.memory_space<vmem>>
    %dma_start3A_26 = arith.constant 99328 : i32
    %dma_start3A_27 = tpu.memref_slice %arg5[%add3A_13, %dma_start3A_26] : memref<64x100000xf32, #tpu.memory_space<hbm>> -> memref<1x128xf32, #tpu.memory_space<hbm>>
    %dma_start3A_28 = tpu.memref_squeeze %dma_start3A_27 : memref<1x128xf32, #tpu.memory_space<hbm>> -> memref<128xf32, #tpu.memory_space<hbm>>
    tpu.enqueue_dma source(%dma_start3A_28 : memref<128xf32, #tpu.memory_space<hbm>>) target(%dma_start3A_25 : memref<128xf32, #tpu.memory_space<vmem>>) target_semaphore(%arg14 : memref<!tpu.dma_semaphore, #tpu.memory_space<semaphore_mem>>)
    %dma_start3A_29 = arith.constant 99456 : i32
    %dma_start3A_30 = tpu.memref_slice %arg8[%dma_start3A_29] : memref<108288xf32, #tpu.memory_space<vmem>> -> memref<128xf32, #tpu.memory_space<vmem>>
    %dma_start3A_31 = arith.constant 99456 : i32
    %dma_start3A_32 = tpu.memref_slice %arg5[%add3A_13, %dma_start3A_31] : memref<64x100000xf32, #tpu.memory_space<hbm>> -> memref<1x128xf32, #tpu.memory_space<hbm>>
    %dma_start3A_33 = tpu.memref_squeeze %dma_start3A_32 : memref<1x128xf32, #tpu.memory_space<hbm>> -> memref<128xf32, #tpu.memory_space<hbm>>
    %dma_start3A_34 = arith.constant 99456 : i32
    %dma_start3A_35 = tpu.memref_slice %arg8[%dma_start3A_34] : memref<108288xf32, #tpu.memory_space<vmem>> -> memref<128xf32, #tpu.memory_space<vmem>>
    %dma_start3A_36 = arith.constant 99456 : i32
    %dma_start3A_37 = tpu.memref_slice %arg5[%add3A_13, %dma_start3A_36] : memref<64x100000xf32, #tpu.memory_space<hbm>> -> memref<1x128xf32, #tpu.memory_space<hbm>>
    %dma_start3A_38 = tpu.memref_squeeze %dma_start3A_37 : memref<1x128xf32, #tpu.memory_space<hbm>> -> memref<128xf32, #tpu.memory_space<hbm>>
    tpu.enqueue_dma source(%dma_start3A_38 : memref<128xf32, #tpu.memory_space<hbm>>) target(%dma_start3A_35 : memref<128xf32, #tpu.memory_space<vmem>>) target_semaphore(%arg14 : memref<!tpu.dma_semaphore, #tpu.memory_space<semaphore_mem>>)
    %dma_start3A_39 = arith.constant 99584 : i32
    %dma_start3A_40 = tpu.memref_slice %arg8[%dma_start3A_39] : memref<108288xf32, #tpu.memory_space<vmem>> -> memref<128xf32, #tpu.memory_space<vmem>>
    %dma_start3A_41 = arith.constant 99584 : i32
    %dma_start3A_42 = tpu.memref_slice %arg5[%add3A_13, %dma_start3A_41] : memref<64x100000xf32, #tpu.memory_space<hbm>> -> memref<1x128xf32, #tpu.memory_space<hbm>>
    %dma_start3A_43 = tpu.memref_squeeze %dma_start3A_42 : memref<1x128xf32, #tpu.memory_space<hbm>> -> memref<128xf32, #tpu.memory_space<hbm>>
    %dma_start3A_44 = arith.constant 99584 : i32
    %dma_start3A_45 = tpu.memref_slice %arg8[%dma_start3A_44] : memref<108288xf32, #tpu.memory_space<vmem>> -> memref<128xf32, #tpu.memory_space<vmem>>
    %dma_start3A_46 = arith.constant 99584 : i32
    %dma_start3A_47 = tpu.memref_slice %arg5[%add3A_13, %dma_start3A_46] : memref<64x100000xf32, #tpu.memory_space<hbm>> -> memref<1x128xf32, #tpu.memory_space<hbm>>
    %dma_start3A_48 = tpu.memref_squeeze %dma_start3A_47 : memref<1x128xf32, #tpu.memory_space<hbm>> -> memref<128xf32, #tpu.memory_space<hbm>>
    tpu.enqueue_dma source(%dma_start3A_48 : memref<128xf32, #tpu.memory_space<hbm>>) target(%dma_start3A_45 : memref<128xf32, #tpu.memory_space<vmem>>) target_semaphore(%arg14 : memref<!tpu.dma_semaphore, #tpu.memory_space<semaphore_mem>>)
    %dma_start3A_49 = arith.constant 99712 : i32
    %dma_start3A_50 = tpu.memref_slice %arg8[%dma_start3A_49] : memref<108288xf32, #tpu.memory_space<vmem>> -> memref<128xf32, #tpu.memory_space<vmem>>
    %dma_start3A_51 = arith.constant 99712 : i32
    %dma_start3A_52 = tpu.memref_slice %arg5[%add3A_13, %dma_start3A_51] : memref<64x100000xf32, #tpu.memory_space<hbm>> -> memref<1x128xf32, #tpu.memory_space<hbm>>
    %dma_start3A_53 = tpu.memref_squeeze %dma_start3A_52 : memref<1x128xf32, #tpu.memory_space<hbm>> -> memref<128xf32, #tpu.memory_space<hbm>>
    %dma_start3A_54 = arith.constant 99712 : i32
    %dma_start3A_55 = tpu.memref_slice %arg8[%dma_start3A_54] : memref<108288xf32, #tpu.memory_space<vmem>> -> memref<128xf32, #tpu.memory_space<vmem>>
    %dma_start3A_56 = arith.constant 99712 : i32
    %dma_start3A_57 = tpu.memref_slice %arg5[%add3A_13, %dma_start3A_56] : memref<64x100000xf32, #tpu.memory_space<hbm>> -> memref<1x128xf32, #tpu.memory_space<hbm>>
    %dma_start3A_58 = tpu.memref_squeeze %dma_start3A_57 : memref<1x128xf32, #tpu.memory_space<hbm>> -> memref<128xf32, #tpu.memory_space<hbm>>
    tpu.enqueue_dma source(%dma_start3A_58 : memref<128xf32, #tpu.memory_space<hbm>>) target(%dma_start3A_55 : memref<128xf32, #tpu.memory_space<vmem>>) target_semaphore(%arg14 : memref<!tpu.dma_semaphore, #tpu.memory_space<semaphore_mem>>)
    %dma_start3A_59 = arith.constant 99840 : i32
    %dma_start3A_60 = tpu.memref_slice %arg8[%dma_start3A_59] : memref<108288xf32, #tpu.memory_space<vmem>> -> memref<128xf32, #tpu.memory_space<vmem>>
    %dma_start3A_61 = arith.constant 99840 : i32
    %dma_start3A_62 = tpu.memref_slice %arg5[%add3A_13, %dma_start3A_61] : memref<64x100000xf32, #tpu.memory_space<hbm>> -> memref<1x128xf32, #tpu.memory_space<hbm>>
    %dma_start3A_63 = tpu.memref_squeeze %dma_start3A_62 : memref<1x128xf32, #tpu.memory_space<hbm>> -> memref<128xf32, #tpu.memory_space<hbm>>
    %dma_start3A_64 = arith.constant 99840 : i32
    %dma_start3A_65 = tpu.memref_slice %arg8[%dma_start3A_64] : memref<108288xf32, #tpu.memory_space<vmem>> -> memref<128xf32, #tpu.memory_space<vmem>>
    %dma_start3A_66 = arith.constant 99840 : i32
    %dma_start3A_67 = tpu.memref_slice %arg5[%add3A_13, %dma_start3A_66] : memref<64x100000xf32, #tpu.memory_space<hbm>> -> memref<1x128xf32, #tpu.memory_space<hbm>>
    %dma_start3A_68 = tpu.memref_squeeze %dma_start3A_67 : memref<1x128xf32, #tpu.memory_space<hbm>> -> memref<128xf32, #tpu.memory_space<hbm>>
    tpu.enqueue_dma source(%dma_start3A_68 : memref<128xf32, #tpu.memory_space<hbm>>) target(%dma_start3A_65 : memref<128xf32, #tpu.memory_space<vmem>>) target_semaphore(%arg14 : memref<!tpu.dma_semaphore, #tpu.memory_space<semaphore_mem>>)
    %dma_start3A_69 = arith.constant 99968 : i32
    %dma_start3A_70 = tpu.memref_slice %arg8[%dma_start3A_69] : memref<108288xf32, #tpu.memory_space<vmem>> -> memref<128xf32, #tpu.memory_space<vmem>>
    %dma_start3A_71 = arith.constant 0 : i32
    %dma_start3A_72 = tpu.memref_slice %arg6[%add3A_13, %dma_start3A_71] : memref<64x128xf32, #tpu.memory_space<hbm>> -> memref<1x128xf32, #tpu.memory_space<hbm>>
    %dma_start3A_73 = tpu.memref_squeeze %dma_start3A_72 : memref<1x128xf32, #tpu.memory_space<hbm>> -> memref<128xf32, #tpu.memory_space<hbm>>
    %dma_start3A_74 = arith.constant 99968 : i32
    %dma_start3A_75 = tpu.memref_slice %arg8[%dma_start3A_74] : memref<108288xf32, #tpu.memory_space<vmem>> -> memref<128xf32, #tpu.memory_space<vmem>>
    %dma_start3A_76 = arith.constant 0 : i32
    %dma_start3A_77 = tpu.memref_slice %arg6[%add3A_13, %dma_start3A_76] : memref<64x128xf32, #tpu.memory_space<hbm>> -> memref<1x128xf32, #tpu.memory_space<hbm>>
    %dma_start3A_78 = tpu.memref_squeeze %dma_start3A_77 : memref<1x128xf32, #tpu.memory_space<hbm>> -> memref<128xf32, #tpu.memory_space<hbm>>
    tpu.enqueue_dma source(%dma_start3A_78 : memref<128xf32, #tpu.memory_space<hbm>>) target(%dma_start3A_75 : memref<128xf32, #tpu.memory_space<vmem>>) target_semaphore(%arg14 : memref<!tpu.dma_semaphore, #tpu.memory_space<semaphore_mem>>)
    %scan3A_79 = arith.constant 0 : i32
    %scan3A_80 = arith.constant 0 : i32
    %scan3A_81 = arith.constant 8 : i32
    %scan3A_82 = arith.addi %scan3A_80, %scan3A_81 : i32
    %scan3A_83 = arith.constant 1 : i32
    scf.for %scan3A_572 = %scan3A_80 to %scan3A_82 step %scan3A_83  : i32 {
      %mul3A_573 = arith.constant 1024 : i32
      %mul3A_574 = arith.muli %scan3A_572, %mul3A_573 : i32
      %add3A_575 = arith.constant 0 : i32
      %add3A_576 = arith.addi %mul3A_574, %add3A_575 : i32
      %add3A_577 = arith.constant 100096 : i32
      %add3A_578 = arith.addi %add3A_577, %mul3A_574 : i32
      %add3A_579 = arith.constant 0 : i32
      %add3A_580 = arith.addi %add3A_578, %add3A_579 : i32
      %dma_start3A_581 = tpu.memref_slice %arg8[%add3A_580] : memref<108288xf32, #tpu.memory_space<vmem>> -> memref<128xf32, #tpu.memory_space<vmem>>
      %dma_start3A_582 = tpu.memref_slice %arg4[%add3A_13, %add3A_576] : memref<64x8192xf32, #tpu.memory_space<hbm>> -> memref<1x128xf32, #tpu.memory_space<hbm>>
      %dma_start3A_583 = tpu.memref_squeeze %dma_start3A_582 : memref<1x128xf32, #tpu.memory_space<hbm>> -> memref<128xf32, #tpu.memory_space<hbm>>
      %dma_start3A_584 = tpu.memref_slice %arg8[%add3A_580] : memref<108288xf32, #tpu.memory_space<vmem>> -> memref<128xf32, #tpu.memory_space<vmem>>
      %dma_start3A_585 = tpu.memref_slice %arg4[%add3A_13, %add3A_576] : memref<64x8192xf32, #tpu.memory_space<hbm>> -> memref<1x128xf32, #tpu.memory_space<hbm>>
      %dma_start3A_586 = tpu.memref_squeeze %dma_start3A_585 : memref<1x128xf32, #tpu.memory_space<hbm>> -> memref<128xf32, #tpu.memory_space<hbm>>
      tpu.enqueue_dma source(%dma_start3A_586 : memref<128xf32, #tpu.memory_space<hbm>>) target(%dma_start3A_584 : memref<128xf32, #tpu.memory_space<vmem>>) target_semaphore(%arg14 : memref<!tpu.dma_semaphore, #tpu.memory_space<semaphore_mem>>)
      %add3A_587 = arith.constant 128 : i32
      %add3A_588 = arith.addi %mul3A_574, %add3A_587 : i32
      %add3A_589 = arith.constant 100096 : i32
      %add3A_590 = arith.addi %add3A_589, %mul3A_574 : i32
      %add3A_591 = arith.constant 128 : i32
      %add3A_592 = arith.addi %add3A_590, %add3A_591 : i32
      %dma_start3A_593 = tpu.memref_slice %arg8[%add3A_592] : memref<108288xf32, #tpu.memory_space<vmem>> -> memref<128xf32, #tpu.memory_space<vmem>>
      %dma_start3A_594 = tpu.memref_slice %arg4[%add3A_13, %add3A_588] : memref<64x8192xf32, #tpu.memory_space<hbm>> -> memref<1x128xf32, #tpu.memory_space<hbm>>
      %dma_start3A_595 = tpu.memref_squeeze %dma_start3A_594 : memref<1x128xf32, #tpu.memory_space<hbm>> -> memref<128xf32, #tpu.memory_space<hbm>>
      %dma_start3A_596 = tpu.memref_slice %arg8[%add3A_592] : memref<108288xf32, #tpu.memory_space<vmem>> -> memref<128xf32, #tpu.memory_space<vmem>>
      %dma_start3A_597 = tpu.memref_slice %arg4[%add3A_13, %add3A_588] : memref<64x8192xf32, #tpu.memory_space<hbm>> -> memref<1x128xf32, #tpu.memory_space<hbm>>
      %dma_start3A_598 = tpu.memref_squeeze %dma_start3A_597 : memref<1x128xf32, #tpu.memory_space<hbm>> -> memref<128xf32, #tpu.memory_space<hbm>>
      tpu.enqueue_dma source(%dma_start3A_598 : memref<128xf32, #tpu.memory_space<hbm>>) target(%dma_start3A_596 : memref<128xf32, #tpu.memory_space<vmem>>) target_semaphore(%arg14 : memref<!tpu.dma_semaphore, #tpu.memory_space<semaphore_mem>>)
      %add3A_599 = arith.constant 256 : i32
      %add3A_600 = arith.addi %mul3A_574, %add3A_599 : i32
      %add3A_601 = arith.constant 100096 : i32
      %add3A_602 = arith.addi %add3A_601, %mul3A_574 : i32
      %add3A_603 = arith.constant 256 : i32
      %add3A_604 = arith.addi %add3A_602, %add3A_603 : i32
      %dma_start3A_605 = tpu.memref_slice %arg8[%add3A_604] : memref<108288xf32, #tpu.memory_space<vmem>> -> memref<128xf32, #tpu.memory_space<vmem>>
      %dma_start3A_606 = tpu.memref_slice %arg4[%add3A_13, %add3A_600] : memref<64x8192xf32, #tpu.memory_space<hbm>> -> memref<1x128xf32, #tpu.memory_space<hbm>>
      %dma_start3A_607 = tpu.memref_squeeze %dma_start3A_606 : memref<1x128xf32, #tpu.memory_space<hbm>> -> memref<128xf32, #tpu.memory_space<hbm>>
      %dma_start3A_608 = tpu.memref_slice %arg8[%add3A_604] : memref<108288xf32, #tpu.memory_space<vmem>> -> memref<128xf32, #tpu.memory_space<vmem>>
      %dma_start3A_609 = tpu.memref_slice %arg4[%add3A_13, %add3A_600] : memref<64x8192xf32, #tpu.memory_space<hbm>> -> memref<1x128xf32, #tpu.memory_space<hbm>>
      %dma_start3A_610 = tpu.memref_squeeze %dma_start3A_609 : memref<1x128xf32, #tpu.memory_space<hbm>> -> memref<128xf32, #tpu.memory_space<hbm>>
      tpu.enqueue_dma source(%dma_start3A_610 : memref<128xf32, #tpu.memory_space<hbm>>) target(%dma_start3A_608 : memref<128xf32, #tpu.memory_space<vmem>>) target_semaphore(%arg14 : memref<!tpu.dma_semaphore, #tpu.memory_space<semaphore_mem>>)
      %add3A_611 = arith.constant 384 : i32
      %add3A_612 = arith.addi %mul3A_574, %add3A_611 : i32
      %add3A_613 = arith.constant 100096 : i32
      %add3A_614 = arith.addi %add3A_613, %mul3A_574 : i32
      %add3A_615 = arith.constant 384 : i32
      %add3A_616 = arith.addi %add3A_614, %add3A_615 : i32
      %dma_start3A_617 = tpu.memref_slice %arg8[%add3A_616] : memref<108288xf32, #tpu.memory_space<vmem>> -> memref<128xf32, #tpu.memory_space<vmem>>
      %dma_start3A_618 = tpu.memref_slice %arg4[%add3A_13, %add3A_612] : memref<64x8192xf32, #tpu.memory_space<hbm>> -> memref<1x128xf32, #tpu.memory_space<hbm>>
      %dma_start3A_619 = tpu.memref_squeeze %dma_start3A_618 : memref<1x128xf32, #tpu.memory_space<hbm>> -> memref<128xf32, #tpu.memory_space<hbm>>
      %dma_start3A_620 = tpu.memref_slice %arg8[%add3A_616] : memref<108288xf32, #tpu.memory_space<vmem>> -> memref<128xf32, #tpu.memory_space<vmem>>
      %dma_start3A_621 = tpu.memref_slice %arg4[%add3A_13, %add3A_612] : memref<64x8192xf32, #tpu.memory_space<hbm>> -> memref<1x128xf32, #tpu.memory_space<hbm>>
      %dma_start3A_622 = tpu.memref_squeeze %dma_start3A_621 : memref<1x128xf32, #tpu.memory_space<hbm>> -> memref<128xf32, #tpu.memory_space<hbm>>
      tpu.enqueue_dma source(%dma_start3A_622 : memref<128xf32, #tpu.memory_space<hbm>>) target(%dma_start3A_620 : memref<128xf32, #tpu.memory_space<vmem>>) target_semaphore(%arg14 : memref<!tpu.dma_semaphore, #tpu.memory_space<semaphore_mem>>)
      %add3A_623 = arith.constant 512 : i32
      %add3A_624 = arith.addi %mul3A_574, %add3A_623 : i32
      %add3A_625 = arith.constant 100096 : i32
      %add3A_626 = arith.addi %add3A_625, %mul3A_574 : i32
      %add3A_627 = arith.constant 512 : i32
      %add3A_628 = arith.addi %add3A_626, %add3A_627 : i32
      %dma_start3A_629 = tpu.memref_slice %arg8[%add3A_628] : memref<108288xf32, #tpu.memory_space<vmem>> -> memref<128xf32, #tpu.memory_space<vmem>>
      %dma_start3A_630 = tpu.memref_slice %arg4[%add3A_13, %add3A_624] : memref<64x8192xf32, #tpu.memory_space<hbm>> -> memref<1x128xf32, #tpu.memory_space<hbm>>
      %dma_start3A_631 = tpu.memref_squeeze %dma_start3A_630 : memref<1x128xf32, #tpu.memory_space<hbm>> -> memref<128xf32, #tpu.memory_space<hbm>>
      %dma_start3A_632 = tpu.memref_slice %arg8[%add3A_628] : memref<108288xf32, #tpu.memory_space<vmem>> -> memref<128xf32, #tpu.memory_space<vmem>>
      %dma_start3A_633 = tpu.memref_slice %arg4[%add3A_13, %add3A_624] : memref<64x8192xf32, #tpu.memory_space<hbm>> -> memref<1x128xf32, #tpu.memory_space<hbm>>
      %dma_start3A_634 = tpu.memref_squeeze %dma_start3A_633 : memref<1x128xf32, #tpu.memory_space<hbm>> -> memref<128xf32, #tpu.memory_space<hbm>>
      tpu.enqueue_dma source(%dma_start3A_634 : memref<128xf32, #tpu.memory_space<hbm>>) target(%dma_start3A_632 : memref<128xf32, #tpu.memory_space<vmem>>) target_semaphore(%arg14 : memref<!tpu.dma_semaphore, #tpu.memory_space<semaphore_mem>>)
      %add3A_635 = arith.constant 640 : i32
      %add3A_636 = arith.addi %mul3A_574, %add3A_635 : i32
      %add3A_637 = arith.constant 100096 : i32
      %add3A_638 = arith.addi %add3A_637, %mul3A_574 : i32
      %add3A_639 = arith.constant 640 : i32
      %add3A_640 = arith.addi %add3A_638, %add3A_639 : i32
      %dma_start3A_641 = tpu.memref_slice %arg8[%add3A_640] : memref<108288xf32, #tpu.memory_space<vmem>> -> memref<128xf32, #tpu.memory_space<vmem>>
      %dma_start3A_642 = tpu.memref_slice %arg4[%add3A_13, %add3A_636] : memref<64x8192xf32, #tpu.memory_space<hbm>> -> memref<1x128xf32, #tpu.memory_space<hbm>>
      %dma_start3A_643 = tpu.memref_squeeze %dma_start3A_642 : memref<1x128xf32, #tpu.memory_space<hbm>> -> memref<128xf32, #tpu.memory_space<hbm>>
      %dma_start3A_644 = tpu.memref_slice %arg8[%add3A_640] : memref<108288xf32, #tpu.memory_space<vmem>> -> memref<128xf32, #tpu.memory_space<vmem>>
      %dma_start3A_645 = tpu.memref_slice %arg4[%add3A_13, %add3A_636] : memref<64x8192xf32, #tpu.memory_space<hbm>> -> memref<1x128xf32, #tpu.memory_space<hbm>>
      %dma_start3A_646 = tpu.memref_squeeze %dma_start3A_645 : memref<1x128xf32, #tpu.memory_space<hbm>> -> memref<128xf32, #tpu.memory_space<hbm>>
      tpu.enqueue_dma source(%dma_start3A_646 : memref<128xf32, #tpu.memory_space<hbm>>) target(%dma_start3A_644 : memref<128xf32, #tpu.memory_space<vmem>>) target_semaphore(%arg14 : memref<!tpu.dma_semaphore, #tpu.memory_space<semaphore_mem>>)
      %add3A_647 = arith.constant 768 : i32
      %add3A_648 = arith.addi %mul3A_574, %add3A_647 : i32
      %add3A_649 = arith.constant 100096 : i32
      %add3A_650 = arith.addi %add3A_649, %mul3A_574 : i32
      %add3A_651 = arith.constant 768 : i32
      %add3A_652 = arith.addi %add3A_650, %add3A_651 : i32
      %dma_start3A_653 = tpu.memref_slice %arg8[%add3A_652] : memref<108288xf32, #tpu.memory_space<vmem>> -> memref<128xf32, #tpu.memory_space<vmem>>
      %dma_start3A_654 = tpu.memref_slice %arg4[%add3A_13, %add3A_648] : memref<64x8192xf32, #tpu.memory_space<hbm>> -> memref<1x128xf32, #tpu.memory_space<hbm>>
      %dma_start3A_655 = tpu.memref_squeeze %dma_start3A_654 : memref<1x128xf32, #tpu.memory_space<hbm>> -> memref<128xf32, #tpu.memory_space<hbm>>
      %dma_start3A_656 = tpu.memref_slice %arg8[%add3A_652] : memref<108288xf32, #tpu.memory_space<vmem>> -> memref<128xf32, #tpu.memory_space<vmem>>
      %dma_start3A_657 = tpu.memref_slice %arg4[%add3A_13, %add3A_648] : memref<64x8192xf32, #tpu.memory_space<hbm>> -> memref<1x128xf32, #tpu.memory_space<hbm>>
      %dma_start3A_658 = tpu.memref_squeeze %dma_start3A_657 : memref<1x128xf32, #tpu.memory_space<hbm>> -> memref<128xf32, #tpu.memory_space<hbm>>
      tpu.enqueue_dma source(%dma_start3A_658 : memref<128xf32, #tpu.memory_space<hbm>>) target(%dma_start3A_656 : memref<128xf32, #tpu.memory_space<vmem>>) target_semaphore(%arg14 : memref<!tpu.dma_semaphore, #tpu.memory_space<semaphore_mem>>)
      %add3A_659 = arith.constant 896 : i32
      %add3A_660 = arith.addi %mul3A_574, %add3A_659 : i32
      %add3A_661 = arith.constant 100096 : i32
      %add3A_662 = arith.addi %add3A_661, %mul3A_574 : i32
      %add3A_663 = arith.constant 896 : i32
      %add3A_664 = arith.addi %add3A_662, %add3A_663 : i32
      %dma_start3A_665 = tpu.memref_slice %arg8[%add3A_664] : memref<108288xf32, #tpu.memory_space<vmem>> -> memref<128xf32, #tpu.memory_space<vmem>>
      %dma_start3A_666 = tpu.memref_slice %arg4[%add3A_13, %add3A_660] : memref<64x8192xf32, #tpu.memory_space<hbm>> -> memref<1x128xf32, #tpu.memory_space<hbm>>
      %dma_start3A_667 = tpu.memref_squeeze %dma_start3A_666 : memref<1x128xf32, #tpu.memory_space<hbm>> -> memref<128xf32, #tpu.memory_space<hbm>>
      %dma_start3A_668 = tpu.memref_slice %arg8[%add3A_664] : memref<108288xf32, #tpu.memory_space<vmem>> -> memref<128xf32, #tpu.memory_space<vmem>>
      %dma_start3A_669 = tpu.memref_slice %arg4[%add3A_13, %add3A_660] : memref<64x8192xf32, #tpu.memory_space<hbm>> -> memref<1x128xf32, #tpu.memory_space<hbm>>
      %dma_start3A_670 = tpu.memref_squeeze %dma_start3A_669 : memref<1x128xf32, #tpu.memory_space<hbm>> -> memref<128xf32, #tpu.memory_space<hbm>>
      tpu.enqueue_dma source(%dma_start3A_670 : memref<128xf32, #tpu.memory_space<hbm>>) target(%dma_start3A_668 : memref<128xf32, #tpu.memory_space<vmem>>) target_semaphore(%arg14 : memref<!tpu.dma_semaphore, #tpu.memory_space<semaphore_mem>>)
    }
    %scan3A_84 = arith.constant 8 : i32
    %dma_start3A_85 = arith.constant 0 : i32
    %dma_start3A_86 = tpu.memref_slice %arg13[%dma_start3A_85] : memref<24576xi32, #tpu.memory_space<vmem_shared>> -> memref<4096xi32, #tpu.memory_space<vmem_shared>>
    %dma_start3A_87 = arith.constant 0 : i32
    %dma_start3A_88 = tpu.memref_slice %arg13[%dma_start3A_87] : memref<24576xi32, #tpu.memory_space<vmem_shared>> -> memref<4096xi32, #tpu.memory_space<vmem_shared>>
    tpu.enqueue_dma source(%dma_start3A_88 : memref<4096xi32, #tpu.memory_space<vmem_shared>>) target(%arg9 : memref<4096xi32, #tpu.memory_space<vmem>>) target_semaphore(%arg15 : memref<!tpu.dma_semaphore, #tpu.memory_space<semaphore_mem>>)
    %dma_wait3A = arith.constant 0 : i32
    %dma_wait3A_89 = tpu.memref_slice %arg8[%dma_wait3A] : memref<108288xf32, #tpu.memory_space<vmem>> -> memref<24576xf32, #tpu.memory_space<vmem>>
    %dma_wait3A_90 = arith.constant 0 : i32
    %dma_wait3A_91 = tpu.memref_slice %arg7[%add3A_13, %dma_wait3A_90] : memref<64x24576xf32, #tpu.memory_space<hbm>> -> memref<1x24576xf32, #tpu.memory_space<hbm>>
    %dma_wait3A_92 = tpu.memref_squeeze %dma_wait3A_91 : memref<1x24576xf32, #tpu.memory_space<hbm>> -> memref<24576xf32, #tpu.memory_space<hbm>>
    %dma_wait3A_93 = arith.constant 0 : i32
    %dma_wait3A_94 = tpu.memref_slice %arg8[%dma_wait3A_93] : memref<108288xf32, #tpu.memory_space<vmem>> -> memref<24576xf32, #tpu.memory_space<vmem>>
    %dma_wait3A_95 = arith.constant 0 : i32
    %dma_wait3A_96 = tpu.memref_slice %arg7[%add3A_13, %dma_wait3A_95] : memref<64x24576xf32, #tpu.memory_space<hbm>> -> memref<1x24576xf32, #tpu.memory_space<hbm>>
    %dma_wait3A_97 = tpu.memref_squeeze %dma_wait3A_96 : memref<1x24576xf32, #tpu.memory_space<hbm>> -> memref<24576xf32, #tpu.memory_space<hbm>>
    tpu.wait_dma2 semaphore(%arg14 : memref<!tpu.dma_semaphore, #tpu.memory_space<semaphore_mem>>) src(%dma_wait3A_97 : memref<24576xf32, #tpu.memory_space<hbm>>) dst(%dma_wait3A_94 : memref<24576xf32, #tpu.memory_space<vmem>>)
    %dma_wait3A_98 = arith.constant 0 : i32
    %dma_wait3A_99 = tpu.memref_slice %arg8[%dma_wait3A_98] : memref<108288xf32, #tpu.memory_space<vmem>> -> memref<24576xf32, #tpu.memory_space<vmem>>
    %dma_wait3A_100 = arith.constant 0 : i32
    %dma_wait3A_101 = tpu.memref_slice %arg7[%add3A_13, %dma_wait3A_100] : memref<64x24576xf32, #tpu.memory_space<hbm>> -> memref<1x24576xf32, #tpu.memory_space<hbm>>
    %dma_wait3A_102 = tpu.memref_squeeze %dma_wait3A_101 : memref<1x24576xf32, #tpu.memory_space<hbm>> -> memref<24576xf32, #tpu.memory_space<hbm>>
    %dma_wait3A_103 = arith.constant 0 : i32
    %dma_wait3A_104 = tpu.memref_slice %arg8[%dma_wait3A_103] : memref<108288xf32, #tpu.memory_space<vmem>> -> memref<24576xf32, #tpu.memory_space<vmem>>
    %dma_wait3A_105 = arith.constant 0 : i32
    %dma_wait3A_106 = tpu.memref_slice %arg7[%add3A_13, %dma_wait3A_105] : memref<64x24576xf32, #tpu.memory_space<hbm>> -> memref<1x24576xf32, #tpu.memory_space<hbm>>
    %dma_wait3A_107 = tpu.memref_squeeze %dma_wait3A_106 : memref<1x24576xf32, #tpu.memory_space<hbm>> -> memref<24576xf32, #tpu.memory_space<hbm>>
    tpu.wait_dma2 semaphore(%arg14 : memref<!tpu.dma_semaphore, #tpu.memory_space<semaphore_mem>>) src(%dma_wait3A_107 : memref<24576xf32, #tpu.memory_space<hbm>>) dst(%dma_wait3A_104 : memref<24576xf32, #tpu.memory_space<vmem>>)
    %dma_wait3A_108 = arith.constant 0 : i32
    %dma_wait3A_109 = tpu.memref_slice %arg8[%dma_wait3A_108] : memref<108288xf32, #tpu.memory_space<vmem>> -> memref<24576xf32, #tpu.memory_space<vmem>>
    %dma_wait3A_110 = arith.constant 0 : i32
    %dma_wait3A_111 = tpu.memref_slice %arg7[%add3A_13, %dma_wait3A_110] : memref<64x24576xf32, #tpu.memory_space<hbm>> -> memref<1x24576xf32, #tpu.memory_space<hbm>>
    %dma_wait3A_112 = tpu.memref_squeeze %dma_wait3A_111 : memref<1x24576xf32, #tpu.memory_space<hbm>> -> memref<24576xf32, #tpu.memory_space<hbm>>
    %dma_wait3A_113 = arith.constant 0 : i32
    %dma_wait3A_114 = tpu.memref_slice %arg8[%dma_wait3A_113] : memref<108288xf32, #tpu.memory_space<vmem>> -> memref<24576xf32, #tpu.memory_space<vmem>>
    %dma_wait3A_115 = arith.constant 0 : i32
    %dma_wait3A_116 = tpu.memref_slice %arg7[%add3A_13, %dma_wait3A_115] : memref<64x24576xf32, #tpu.memory_space<hbm>> -> memref<1x24576xf32, #tpu.memory_space<hbm>>
    %dma_wait3A_117 = tpu.memref_squeeze %dma_wait3A_116 : memref<1x24576xf32, #tpu.memory_space<hbm>> -> memref<24576xf32, #tpu.memory_space<hbm>>
    tpu.wait_dma2 semaphore(%arg14 : memref<!tpu.dma_semaphore, #tpu.memory_space<semaphore_mem>>) src(%dma_wait3A_117 : memref<24576xf32, #tpu.memory_space<hbm>>) dst(%dma_wait3A_114 : memref<24576xf32, #tpu.memory_space<vmem>>)
    %dma_wait3A_118 = arith.constant 0 : i32
    %dma_wait3A_119 = tpu.memref_slice %arg8[%dma_wait3A_118] : memref<108288xf32, #tpu.memory_space<vmem>> -> memref<24576xf32, #tpu.memory_space<vmem>>
    %dma_wait3A_120 = arith.constant 0 : i32
    %dma_wait3A_121 = tpu.memref_slice %arg7[%add3A_13, %dma_wait3A_120] : memref<64x24576xf32, #tpu.memory_space<hbm>> -> memref<1x24576xf32, #tpu.memory_space<hbm>>
    %dma_wait3A_122 = tpu.memref_squeeze %dma_wait3A_121 : memref<1x24576xf32, #tpu.memory_space<hbm>> -> memref<24576xf32, #tpu.memory_space<hbm>>
    %dma_wait3A_123 = arith.constant 0 : i32
    %dma_wait3A_124 = tpu.memref_slice %arg8[%dma_wait3A_123] : memref<108288xf32, #tpu.memory_space<vmem>> -> memref<24576xf32, #tpu.memory_space<vmem>>
    %dma_wait3A_125 = arith.constant 0 : i32
    %dma_wait3A_126 = tpu.memref_slice %arg7[%add3A_13, %dma_wait3A_125] : memref<64x24576xf32, #tpu.memory_space<hbm>> -> memref<1x24576xf32, #tpu.memory_space<hbm>>
    %dma_wait3A_127 = tpu.memref_squeeze %dma_wait3A_126 : memref<1x24576xf32, #tpu.memory_space<hbm>> -> memref<24576xf32, #tpu.memory_space<hbm>>
    tpu.wait_dma2 semaphore(%arg14 : memref<!tpu.dma_semaphore, #tpu.memory_space<semaphore_mem>>) src(%dma_wait3A_127 : memref<24576xf32, #tpu.memory_space<hbm>>) dst(%dma_wait3A_124 : memref<24576xf32, #tpu.memory_space<vmem>>)
    %dma_wait3A_128 = arith.constant 0 : i32
    %dma_wait3A_129 = tpu.memref_slice %arg8[%dma_wait3A_128] : memref<108288xf32, #tpu.memory_space<vmem>> -> memref<9984xf32, #tpu.memory_space<vmem>>
    %dma_wait3A_130 = arith.constant 0 : i32
    %dma_wait3A_131 = tpu.memref_slice %arg7[%add3A_13, %dma_wait3A_130] : memref<64x24576xf32, #tpu.memory_space<hbm>> -> memref<1x9984xf32, #tpu.memory_space<hbm>>
    %dma_wait3A_132 = tpu.memref_squeeze %dma_wait3A_131 : memref<1x9984xf32, #tpu.memory_space<hbm>> -> memref<9984xf32, #tpu.memory_space<hbm>>
    %dma_wait3A_133 = arith.constant 0 : i32
    %dma_wait3A_134 = tpu.memref_slice %arg8[%dma_wait3A_133] : memref<108288xf32, #tpu.memory_space<vmem>> -> memref<9984xf32, #tpu.memory_space<vmem>>
    %dma_wait3A_135 = arith.constant 0 : i32
    %dma_wait3A_136 = tpu.memref_slice %arg7[%add3A_13, %dma_wait3A_135] : memref<64x24576xf32, #tpu.memory_space<hbm>> -> memref<1x9984xf32, #tpu.memory_space<hbm>>
    %dma_wait3A_137 = tpu.memref_squeeze %dma_wait3A_136 : memref<1x9984xf32, #tpu.memory_space<hbm>> -> memref<9984xf32, #tpu.memory_space<hbm>>
    tpu.wait_dma2 semaphore(%arg14 : memref<!tpu.dma_semaphore, #tpu.memory_space<semaphore_mem>>) src(%dma_wait3A_137 : memref<9984xf32, #tpu.memory_space<hbm>>) dst(%dma_wait3A_134 : memref<9984xf32, #tpu.memory_space<vmem>>)
    %dma_wait3A_138 = arith.constant 0 : i32
    %dma_wait3A_139 = tpu.memref_slice %arg13[%dma_wait3A_138] : memref<24576xi32, #tpu.memory_space<vmem_shared>> -> memref<4096xi32, #tpu.memory_space<vmem_shared>>
    %dma_wait3A_140 = arith.constant 0 : i32
    %dma_wait3A_141 = tpu.memref_slice %arg13[%dma_wait3A_140] : memref<24576xi32, #tpu.memory_space<vmem_shared>> -> memref<4096xi32, #tpu.memory_space<vmem_shared>>
    tpu.wait_dma2 semaphore(%arg15 : memref<!tpu.dma_semaphore, #tpu.memory_space<semaphore_mem>>) src(%dma_wait3A_141 : memref<4096xi32, #tpu.memory_space<vmem_shared>>) dst(%arg9 : memref<4096xi32, #tpu.memory_space<vmem>>)
    %dma_start3A_142 = arith.constant 4096 : i32
    %dma_start3A_143 = tpu.memref_slice %arg13[%dma_start3A_142] : memref<24576xi32, #tpu.memory_space<vmem_shared>> -> memref<4096xi32, #tpu.memory_space<vmem_shared>>
    %dma_start3A_144 = arith.constant 4096 : i32
    %dma_start3A_145 = tpu.memref_slice %arg13[%dma_start3A_144] : memref<24576xi32, #tpu.memory_space<vmem_shared>> -> memref<4096xi32, #tpu.memory_space<vmem_shared>>
    tpu.enqueue_dma source(%dma_start3A_145 : memref<4096xi32, #tpu.memory_space<vmem_shared>>) target(%arg10 : memref<4096xi32, #tpu.memory_space<vmem>>) target_semaphore(%arg15 : memref<!tpu.dma_semaphore, #tpu.memory_space<semaphore_mem>>)
    %scan3A_146 = arith.constant 0 : i32
    %scan3A_147 = arith.constant 0 : i32
    %scan3A_148 = arith.constant 32 : i32
    %scan3A_149 = arith.addi %scan3A_147, %scan3A_148 : i32
    %scan3A_150 = arith.constant 1 : i32
    scf.for %scan3A_572 = %scan3A_147 to %scan3A_149 step %scan3A_150  : i32 {
      %mul3A_573 = arith.constant 128 : i32
      %mul3A_574 = arith.muli %scan3A_572, %mul3A_573 : i32
      %add3A_575 = arith.constant 0 : i32
      %add3A_576 = arith.addi %mul3A_574, %add3A_575 : i32
      %get3A = arith.index_cast %add3A_576 : i32 to index
      %get3A_577 = tpu.vector_load %arg9[%get3A] {strides = array<i32>} : memref<4096xi32, #tpu.memory_space<vmem>>, vector<16xi32>,
      %gather3A = tpu.vector_load_idx %arg8[%get3A_577] : memref<108288xf32, #tpu.memory_space<vmem>>[vector<16xi32>], vector<16xf32>,
      %swap3A = arith.index_cast %add3A_576 : i32 to index
      %swap3A_578 = tpu.vector_load %arg11[%swap3A] {strides = array<i32>} : memref<4096xf32, #tpu.memory_space<vmem>>, vector<16xf32>,
      tpu.vector_store %arg11[%swap3A], %gather3A {strides = array<i32>} : memref<4096xf32, #tpu.memory_space<vmem>>, vector<16xf32>,
      %add3A_579 = arith.constant 16 : i32
      %add3A_580 = arith.addi %mul3A_574, %add3A_579 : i32
      %get3A_581 = arith.index_cast %add3A_580 : i32 to index
      %get3A_582 = tpu.vector_load %arg9[%get3A_581] {strides = array<i32>} : memref<4096xi32, #tpu.memory_space<vmem>>, vector<16xi32>,
      %gather3A_583 = tpu.vector_load_idx %arg8[%get3A_582] : memref<108288xf32, #tpu.memory_space<vmem>>[vector<16xi32>], vector<16xf32>,
      %swap3A_584 = arith.index_cast %add3A_580 : i32 to index
      %swap3A_585 = tpu.vector_load %arg11[%swap3A_584] {strides = array<i32>} : memref<4096xf32, #tpu.memory_space<vmem>>, vector<16xf32>,
      tpu.vector_store %arg11[%swap3A_584], %gather3A_583 {strides = array<i32>} : memref<4096xf32, #tpu.memory_space<vmem>>, vector<16xf32>,
      %add3A_586 = arith.constant 32 : i32
      %add3A_587 = arith.addi %mul3A_574, %add3A_586 : i32
      %get3A_588 = arith.index_cast %add3A_587 : i32 to index
      %get3A_589 = tpu.vector_load %arg9[%get3A_588] {strides = array<i32>} : memref<4096xi32, #tpu.memory_space<vmem>>, vector<16xi32>,
      %gather3A_590 = tpu.vector_load_idx %arg8[%get3A_589] : memref<108288xf32, #tpu.memory_space<vmem>>[vector<16xi32>], vector<16xf32>,
      %swap3A_591 = arith.index_cast %add3A_587 : i32 to index
      %swap3A_592 = tpu.vector_load %arg11[%swap3A_591] {strides = array<i32>} : memref<4096xf32, #tpu.memory_space<vmem>>, vector<16xf32>,
      tpu.vector_store %arg11[%swap3A_591], %gather3A_590 {strides = array<i32>} : memref<4096xf32, #tpu.memory_space<vmem>>, vector<16xf32>,
      %add3A_593 = arith.constant 48 : i32
      %add3A_594 = arith.addi %mul3A_574, %add3A_593 : i32
      %get3A_595 = arith.index_cast %add3A_594 : i32 to index
      %get3A_596 = tpu.vector_load %arg9[%get3A_595] {strides = array<i32>} : memref<4096xi32, #tpu.memory_space<vmem>>, vector<16xi32>,
      %gather3A_597 = tpu.vector_load_idx %arg8[%get3A_596] : memref<108288xf32, #tpu.memory_space<vmem>>[vector<16xi32>], vector<16xf32>,
      %swap3A_598 = arith.index_cast %add3A_594 : i32 to index
      %swap3A_599 = tpu.vector_load %arg11[%swap3A_598] {strides = array<i32>} : memref<4096xf32, #tpu.memory_space<vmem>>, vector<16xf32>,
      tpu.vector_store %arg11[%swap3A_598], %gather3A_597 {strides = array<i32>} : memref<4096xf32, #tpu.memory_space<vmem>>, vector<16xf32>,
      %add3A_600 = arith.constant 64 : i32
      %add3A_601 = arith.addi %mul3A_574, %add3A_600 : i32
      %get3A_602 = arith.index_cast %add3A_601 : i32 to index
      %get3A_603 = tpu.vector_load %arg9[%get3A_602] {strides = array<i32>} : memref<4096xi32, #tpu.memory_space<vmem>>, vector<16xi32>,
      %gather3A_604 = tpu.vector_load_idx %arg8[%get3A_603] : memref<108288xf32, #tpu.memory_space<vmem>>[vector<16xi32>], vector<16xf32>,
      %swap3A_605 = arith.index_cast %add3A_601 : i32 to index
      %swap3A_606 = tpu.vector_load %arg11[%swap3A_605] {strides = array<i32>} : memref<4096xf32, #tpu.memory_space<vmem>>, vector<16xf32>,
      tpu.vector_store %arg11[%swap3A_605], %gather3A_604 {strides = array<i32>} : memref<4096xf32, #tpu.memory_space<vmem>>, vector<16xf32>,
      %add3A_607 = arith.constant 80 : i32
      %add3A_608 = arith.addi %mul3A_574, %add3A_607 : i32
      %get3A_609 = arith.index_cast %add3A_608 : i32 to index
      %get3A_610 = tpu.vector_load %arg9[%get3A_609] {strides = array<i32>} : memref<4096xi32, #tpu.memory_space<vmem>>, vector<16xi32>,
      %gather3A_611 = tpu.vector_load_idx %arg8[%get3A_610] : memref<108288xf32, #tpu.memory_space<vmem>>[vector<16xi32>], vector<16xf32>,
      %swap3A_612 = arith.index_cast %add3A_608 : i32 to index
      %swap3A_613 = tpu.vector_load %arg11[%swap3A_612] {strides = array<i32>} : memref<4096xf32, #tpu.memory_space<vmem>>, vector<16xf32>,
      tpu.vector_store %arg11[%swap3A_612], %gather3A_611 {strides = array<i32>} : memref<4096xf32, #tpu.memory_space<vmem>>, vector<16xf32>,
      %add3A_614 = arith.constant 96 : i32
      %add3A_615 = arith.addi %mul3A_574, %add3A_614 : i32
      %get3A_616 = arith.index_cast %add3A_615 : i32 to index
      %get3A_617 = tpu.vector_load %arg9[%get3A_616] {strides = array<i32>} : memref<4096xi32, #tpu.memory_space<vmem>>, vector<16xi32>,
      %gather3A_618 = tpu.vector_load_idx %arg8[%get3A_617] : memref<108288xf32, #tpu.memory_space<vmem>>[vector<16xi32>], vector<16xf32>,
      %swap3A_619 = arith.index_cast %add3A_615 : i32 to index
      %swap3A_620 = tpu.vector_load %arg11[%swap3A_619] {strides = array<i32>} : memref<4096xf32, #tpu.memory_space<vmem>>, vector<16xf32>,
      tpu.vector_store %arg11[%swap3A_619], %gather3A_618 {strides = array<i32>} : memref<4096xf32, #tpu.memory_space<vmem>>, vector<16xf32>,
      %add3A_621 = arith.constant 112 : i32
      %add3A_622 = arith.addi %mul3A_574, %add3A_621 : i32
      %get3A_623 = arith.index_cast %add3A_622 : i32 to index
      %get3A_624 = tpu.vector_load %arg9[%get3A_623] {strides = array<i32>} : memref<4096xi32, #tpu.memory_space<vmem>>, vector<16xi32>,
      %gather3A_625 = tpu.vector_load_idx %arg8[%get3A_624] : memref<108288xf32, #tpu.memory_space<vmem>>[vector<16xi32>], vector<16xf32>,
      %swap3A_626 = arith.index_cast %add3A_622 : i32 to index
      %swap3A_627 = tpu.vector_load %arg11[%swap3A_626] {strides = array<i32>} : memref<4096xf32, #tpu.memory_space<vmem>>, vector<16xf32>,
      tpu.vector_store %arg11[%swap3A_626], %gather3A_625 {strides = array<i32>} : memref<4096xf32, #tpu.memory_space<vmem>>, vector<16xf32>,
    }
    %scan3A_151 = arith.constant 32 : i32
    %scan3A_152 = arith.constant 0 : i32
    %scan3A_153 = arith.constant 0 : i32
    %scan3A_154 = arith.constant 8 : i32
    %scan3A_155 = arith.addi %scan3A_153, %scan3A_154 : i32
    %scan3A_156 = arith.constant 1 : i32
    scf.for %scan3A_572 = %scan3A_153 to %scan3A_155 step %scan3A_156  : i32 {
      %mul3A_573 = arith.constant 512 : i32
      %mul3A_574 = arith.muli %scan3A_572, %mul3A_573 : i32
      %add3A_575 = arith.constant 0 : i32
      %add3A_576 = arith.addi %mul3A_574, %add3A_575 : i32
      %add3A_577 = arith.constant 0 : i32
      %add3A_578 = arith.addi %add3A_577, %mul3A_574 : i32
      %add3A_579 = arith.constant 0 : i32
      %add3A_580 = arith.addi %add3A_578, %add3A_579 : i32
      %dma_start3A_581 = tpu.memref_slice %arg11[%add3A_576] : memref<4096xf32, #tpu.memory_space<vmem>> -> memref<128xf32, #tpu.memory_space<vmem>>
      %dma_start3A_582 = tpu.memref_slice %arg7[%add3A_13, %add3A_580] : memref<64x24576xf32, #tpu.memory_space<hbm>> -> memref<1x128xf32, #tpu.memory_space<hbm>>
      %dma_start3A_583 = tpu.memref_squeeze %dma_start3A_582 : memref<1x128xf32, #tpu.memory_space<hbm>> -> memref<128xf32, #tpu.memory_space<hbm>>
      %dma_start3A_584 = tpu.memref_slice %arg7[%add3A_13, %add3A_580] : memref<64x24576xf32, #tpu.memory_space<hbm>> -> memref<1x128xf32, #tpu.memory_space<hbm>>
      %dma_start3A_585 = tpu.memref_squeeze %dma_start3A_584 : memref<1x128xf32, #tpu.memory_space<hbm>> -> memref<128xf32, #tpu.memory_space<hbm>>
      %dma_start3A_586 = tpu.memref_slice %arg11[%add3A_576] : memref<4096xf32, #tpu.memory_space<vmem>> -> memref<128xf32, #tpu.memory_space<vmem>>
      tpu.enqueue_dma source(%dma_start3A_586 : memref<128xf32, #tpu.memory_space<vmem>>) target(%dma_start3A_585 : memref<128xf32, #tpu.memory_space<hbm>>) target_semaphore(%arg16 : memref<!tpu.dma_semaphore, #tpu.memory_space<semaphore_mem>>)
      %add3A_587 = arith.constant 128 : i32
      %add3A_588 = arith.addi %mul3A_574, %add3A_587 : i32
      %add3A_589 = arith.constant 0 : i32
      %add3A_590 = arith.addi %add3A_589, %mul3A_574 : i32
      %add3A_591 = arith.constant 128 : i32
      %add3A_592 = arith.addi %add3A_590, %add3A_591 : i32
      %dma_start3A_593 = tpu.memref_slice %arg11[%add3A_588] : memref<4096xf32, #tpu.memory_space<vmem>> -> memref<128xf32, #tpu.memory_space<vmem>>
      %dma_start3A_594 = tpu.memref_slice %arg7[%add3A_13, %add3A_592] : memref<64x24576xf32, #tpu.memory_space<hbm>> -> memref<1x128xf32, #tpu.memory_space<hbm>>
      %dma_start3A_595 = tpu.memref_squeeze %dma_start3A_594 : memref<1x128xf32, #tpu.memory_space<hbm>> -> memref<128xf32, #tpu.memory_space<hbm>>
      %dma_start3A_596 = tpu.memref_slice %arg7[%add3A_13, %add3A_592] : memref<64x24576xf32, #tpu.memory_space<hbm>> -> memref<1x128xf32, #tpu.memory_space<hbm>>
      %dma_start3A_597 = tpu.memref_squeeze %dma_start3A_596 : memref<1x128xf32, #tpu.memory_space<hbm>> -> memref<128xf32, #tpu.memory_space<hbm>>
      %dma_start3A_598 = tpu.memref_slice %arg11[%add3A_588] : memref<4096xf32, #tpu.memory_space<vmem>> -> memref<128xf32, #tpu.memory_space<vmem>>
      tpu.enqueue_dma source(%dma_start3A_598 : memref<128xf32, #tpu.memory_space<vmem>>) target(%dma_start3A_597 : memref<128xf32, #tpu.memory_space<hbm>>) target_semaphore(%arg16 : memref<!tpu.dma_semaphore, #tpu.memory_space<semaphore_mem>>)
      %add3A_599 = arith.constant 256 : i32
      %add3A_600 = arith.addi %mul3A_574, %add3A_599 : i32
      %add3A_601 = arith.constant 0 : i32
      %add3A_602 = arith.addi %add3A_601, %mul3A_574 : i32
      %add3A_603 = arith.constant 256 : i32
      %add3A_604 = arith.addi %add3A_602, %add3A_603 : i32
      %dma_start3A_605 = tpu.memref_slice %arg11[%add3A_600] : memref<4096xf32, #tpu.memory_space<vmem>> -> memref<128xf32, #tpu.memory_space<vmem>>
      %dma_start3A_606 = tpu.memref_slice %arg7[%add3A_13, %add3A_604] : memref<64x24576xf32, #tpu.memory_space<hbm>> -> memref<1x128xf32, #tpu.memory_space<hbm>>
      %dma_start3A_607 = tpu.memref_squeeze %dma_start3A_606 : memref<1x128xf32, #tpu.memory_space<hbm>> -> memref<128xf32, #tpu.memory_space<hbm>>
      %dma_start3A_608 = tpu.memref_slice %arg7[%add3A_13, %add3A_604] : memref<64x24576xf32, #tpu.memory_space<hbm>> -> memref<1x128xf32, #tpu.memory_space<hbm>>
      %dma_start3A_609 = tpu.memref_squeeze %dma_start3A_608 : memref<1x128xf32, #tpu.memory_space<hbm>> -> memref<128xf32, #tpu.memory_space<hbm>>
      %dma_start3A_610 = tpu.memref_slice %arg11[%add3A_600] : memref<4096xf32, #tpu.memory_space<vmem>> -> memref<128xf32, #tpu.memory_space<vmem>>
      tpu.enqueue_dma source(%dma_start3A_610 : memref<128xf32, #tpu.memory_space<vmem>>) target(%dma_start3A_609 : memref<128xf32, #tpu.memory_space<hbm>>) target_semaphore(%arg16 : memref<!tpu.dma_semaphore, #tpu.memory_space<semaphore_mem>>)
      %add3A_611 = arith.constant 384 : i32
      %add3A_612 = arith.addi %mul3A_574, %add3A_611 : i32
      %add3A_613 = arith.constant 0 : i32
      %add3A_614 = arith.addi %add3A_613, %mul3A_574 : i32
      %add3A_615 = arith.constant 384 : i32
      %add3A_616 = arith.addi %add3A_614, %add3A_615 : i32
      %dma_start3A_617 = tpu.memref_slice %arg11[%add3A_612] : memref<4096xf32, #tpu.memory_space<vmem>> -> memref<128xf32, #tpu.memory_space<vmem>>
      %dma_start3A_618 = tpu.memref_slice %arg7[%add3A_13, %add3A_616] : memref<64x24576xf32, #tpu.memory_space<hbm>> -> memref<1x128xf32, #tpu.memory_space<hbm>>
      %dma_start3A_619 = tpu.memref_squeeze %dma_start3A_618 : memref<1x128xf32, #tpu.memory_space<hbm>> -> memref<128xf32, #tpu.memory_space<hbm>>
      %dma_start3A_620 = tpu.memref_slice %arg7[%add3A_13, %add3A_616] : memref<64x24576xf32, #tpu.memory_space<hbm>> -> memref<1x128xf32, #tpu.memory_space<hbm>>
      %dma_start3A_621 = tpu.memref_squeeze %dma_start3A_620 : memref<1x128xf32, #tpu.memory_space<hbm>> -> memref<128xf32, #tpu.memory_space<hbm>>
      %dma_start3A_622 = tpu.memref_slice %arg11[%add3A_612] : memref<4096xf32, #tpu.memory_space<vmem>> -> memref<128xf32, #tpu.memory_space<vmem>>
      tpu.enqueue_dma source(%dma_start3A_622 : memref<128xf32, #tpu.memory_space<vmem>>) target(%dma_start3A_621 : memref<128xf32, #tpu.memory_space<hbm>>) target_semaphore(%arg16 : memref<!tpu.dma_semaphore, #tpu.memory_space<semaphore_mem>>)
    }
    %scan3A_157 = arith.constant 8 : i32
    %dma_wait3A_158 = arith.constant 0 : i32
    %dma_wait3A_159 = tpu.memref_slice %arg13[%dma_wait3A_158] : memref<24576xi32, #tpu.memory_space<vmem_shared>> -> memref<4096xi32, #tpu.memory_space<vmem_shared>>
    %dma_wait3A_160 = arith.constant 0 : i32
    %dma_wait3A_161 = tpu.memref_slice %arg13[%dma_wait3A_160] : memref<24576xi32, #tpu.memory_space<vmem_shared>> -> memref<4096xi32, #tpu.memory_space<vmem_shared>>
    tpu.wait_dma2 semaphore(%arg15 : memref<!tpu.dma_semaphore, #tpu.memory_space<semaphore_mem>>) src(%dma_wait3A_161 : memref<4096xi32, #tpu.memory_space<vmem_shared>>) dst(%arg10 : memref<4096xi32, #tpu.memory_space<vmem>>)
    %dma_start3A_162 = arith.constant 8192 : i32
    %dma_start3A_163 = tpu.memref_slice %arg13[%dma_start3A_162] : memref<24576xi32, #tpu.memory_space<vmem_shared>> -> memref<4096xi32, #tpu.memory_space<vmem_shared>>
    %dma_start3A_164 = arith.constant 8192 : i32
    %dma_start3A_165 = tpu.memref_slice %arg13[%dma_start3A_164] : memref<24576xi32, #tpu.memory_space<vmem_shared>> -> memref<4096xi32, #tpu.memory_space<vmem_shared>>
    tpu.enqueue_dma source(%dma_start3A_165 : memref<4096xi32, #tpu.memory_space<vmem_shared>>) target(%arg9 : memref<4096xi32, #tpu.memory_space<vmem>>) target_semaphore(%arg15 : memref<!tpu.dma_semaphore, #tpu.memory_space<semaphore_mem>>)
    %scan3A_166 = arith.constant 0 : i32
    %scan3A_167 = arith.constant 0 : i32
    %scan3A_168 = arith.constant 32 : i32
    %scan3A_169 = arith.addi %scan3A_167, %scan3A_168 : i32
    %scan3A_170 = arith.constant 1 : i32
    scf.for %scan3A_572 = %scan3A_167 to %scan3A_169 step %scan3A_170  : i32 {
      %mul3A_573 = arith.constant 128 : i32
      %mul3A_574 = arith.muli %scan3A_572, %mul3A_573 : i32
      %add3A_575 = arith.constant 0 : i32
      %add3A_576 = arith.addi %mul3A_574, %add3A_575 : i32
      %get3A = arith.index_cast %add3A_576 : i32 to index
      %get3A_577 = tpu.vector_load %arg10[%get3A] {strides = array<i32>} : memref<4096xi32, #tpu.memory_space<vmem>>, vector<16xi32>,
      %gather3A = tpu.vector_load_idx %arg8[%get3A_577] : memref<108288xf32, #tpu.memory_space<vmem>>[vector<16xi32>], vector<16xf32>,
      %swap3A = arith.index_cast %add3A_576 : i32 to index
      %swap3A_578 = tpu.vector_load %arg12[%swap3A] {strides = array<i32>} : memref<4096xf32, #tpu.memory_space<vmem>>, vector<16xf32>,
      tpu.vector_store %arg12[%swap3A], %gather3A {strides = array<i32>} : memref<4096xf32, #tpu.memory_space<vmem>>, vector<16xf32>,
      %add3A_579 = arith.constant 16 : i32
      %add3A_580 = arith.addi %mul3A_574, %add3A_579 : i32
      %get3A_581 = arith.index_cast %add3A_580 : i32 to index
      %get3A_582 = tpu.vector_load %arg10[%get3A_581] {strides = array<i32>} : memref<4096xi32, #tpu.memory_space<vmem>>, vector<16xi32>,
      %gather3A_583 = tpu.vector_load_idx %arg8[%get3A_582] : memref<108288xf32, #tpu.memory_space<vmem>>[vector<16xi32>], vector<16xf32>,
      %swap3A_584 = arith.index_cast %add3A_580 : i32 to index
      %swap3A_585 = tpu.vector_load %arg12[%swap3A_584] {strides = array<i32>} : memref<4096xf32, #tpu.memory_space<vmem>>, vector<16xf32>,
      tpu.vector_store %arg12[%swap3A_584], %gather3A_583 {strides = array<i32>} : memref<4096xf32, #tpu.memory_space<vmem>>, vector<16xf32>,
      %add3A_586 = arith.constant 32 : i32
      %add3A_587 = arith.addi %mul3A_574, %add3A_586 : i32
      %get3A_588 = arith.index_cast %add3A_587 : i32 to index
      %get3A_589 = tpu.vector_load %arg10[%get3A_588] {strides = array<i32>} : memref<4096xi32, #tpu.memory_space<vmem>>, vector<16xi32>,
      %gather3A_590 = tpu.vector_load_idx %arg8[%get3A_589] : memref<108288xf32, #tpu.memory_space<vmem>>[vector<16xi32>], vector<16xf32>,
      %swap3A_591 = arith.index_cast %add3A_587 : i32 to index
      %swap3A_592 = tpu.vector_load %arg12[%swap3A_591] {strides = array<i32>} : memref<4096xf32, #tpu.memory_space<vmem>>, vector<16xf32>,
      tpu.vector_store %arg12[%swap3A_591], %gather3A_590 {strides = array<i32>} : memref<4096xf32, #tpu.memory_space<vmem>>, vector<16xf32>,
      %add3A_593 = arith.constant 48 : i32
      %add3A_594 = arith.addi %mul3A_574, %add3A_593 : i32
      %get3A_595 = arith.index_cast %add3A_594 : i32 to index
      %get3A_596 = tpu.vector_load %arg10[%get3A_595] {strides = array<i32>} : memref<4096xi32, #tpu.memory_space<vmem>>, vector<16xi32>,
      %gather3A_597 = tpu.vector_load_idx %arg8[%get3A_596] : memref<108288xf32, #tpu.memory_space<vmem>>[vector<16xi32>], vector<16xf32>,
      %swap3A_598 = arith.index_cast %add3A_594 : i32 to index
      %swap3A_599 = tpu.vector_load %arg12[%swap3A_598] {strides = array<i32>} : memref<4096xf32, #tpu.memory_space<vmem>>, vector<16xf32>,
      tpu.vector_store %arg12[%swap3A_598], %gather3A_597 {strides = array<i32>} : memref<4096xf32, #tpu.memory_space<vmem>>, vector<16xf32>,
      %add3A_600 = arith.constant 64 : i32
      %add3A_601 = arith.addi %mul3A_574, %add3A_600 : i32
      %get3A_602 = arith.index_cast %add3A_601 : i32 to index
      %get3A_603 = tpu.vector_load %arg10[%get3A_602] {strides = array<i32>} : memref<4096xi32, #tpu.memory_space<vmem>>, vector<16xi32>,
      %gather3A_604 = tpu.vector_load_idx %arg8[%get3A_603] : memref<108288xf32, #tpu.memory_space<vmem>>[vector<16xi32>], vector<16xf32>,
      %swap3A_605 = arith.index_cast %add3A_601 : i32 to index
      %swap3A_606 = tpu.vector_load %arg12[%swap3A_605] {strides = array<i32>} : memref<4096xf32, #tpu.memory_space<vmem>>, vector<16xf32>,
      tpu.vector_store %arg12[%swap3A_605], %gather3A_604 {strides = array<i32>} : memref<4096xf32, #tpu.memory_space<vmem>>, vector<16xf32>,
      %add3A_607 = arith.constant 80 : i32
      %add3A_608 = arith.addi %mul3A_574, %add3A_607 : i32
      %get3A_609 = arith.index_cast %add3A_608 : i32 to index
      %get3A_610 = tpu.vector_load %arg10[%get3A_609] {strides = array<i32>} : memref<4096xi32, #tpu.memory_space<vmem>>, vector<16xi32>,
      %gather3A_611 = tpu.vector_load_idx %arg8[%get3A_610] : memref<108288xf32, #tpu.memory_space<vmem>>[vector<16xi32>], vector<16xf32>,
      %swap3A_612 = arith.index_cast %add3A_608 : i32 to index
      %swap3A_613 = tpu.vector_load %arg12[%swap3A_612] {strides = array<i32>} : memref<4096xf32, #tpu.memory_space<vmem>>, vector<16xf32>,
      tpu.vector_store %arg12[%swap3A_612], %gather3A_611 {strides = array<i32>} : memref<4096xf32, #tpu.memory_space<vmem>>, vector<16xf32>,
      %add3A_614 = arith.constant 96 : i32
      %add3A_615 = arith.addi %mul3A_574, %add3A_614 : i32
      %get3A_616 = arith.index_cast %add3A_615 : i32 to index
      %get3A_617 = tpu.vector_load %arg10[%get3A_616] {strides = array<i32>} : memref<4096xi32, #tpu.memory_space<vmem>>, vector<16xi32>,
      %gather3A_618 = tpu.vector_load_idx %arg8[%get3A_617] : memref<108288xf32, #tpu.memory_space<vmem>>[vector<16xi32>], vector<16xf32>,
      %swap3A_619 = arith.index_cast %add3A_615 : i32 to index
      %swap3A_620 = tpu.vector_load %arg12[%swap3A_619] {strides = array<i32>} : memref<4096xf32, #tpu.memory_space<vmem>>, vector<16xf32>,
      tpu.vector_store %arg12[%swap3A_619], %gather3A_618 {strides = array<i32>} : memref<4096xf32, #tpu.memory_space<vmem>>, vector<16xf32>,
      %add3A_621 = arith.constant 112 : i32
      %add3A_622 = arith.addi %mul3A_574, %add3A_621 : i32
      %get3A_623 = arith.index_cast %add3A_622 : i32 to index
      %get3A_624 = tpu.vector_load %arg10[%get3A_623] {strides = array<i32>} : memref<4096xi32, #tpu.memory_space<vmem>>, vector<16xi32>,
      %gather3A_625 = tpu.vector_load_idx %arg8[%get3A_624] : memref<108288xf32, #tpu.memory_space<vmem>>[vector<16xi32>], vector<16xf32>,
      %swap3A_626 = arith.index_cast %add3A_622 : i32 to index
      %swap3A_627 = tpu.vector_load %arg12[%swap3A_626] {strides = array<i32>} : memref<4096xf32, #tpu.memory_space<vmem>>, vector<16xf32>,
      tpu.vector_store %arg12[%swap3A_626], %gather3A_625 {strides = array<i32>} : memref<4096xf32, #tpu.memory_space<vmem>>, vector<16xf32>,
    }
    %scan3A_171 = arith.constant 32 : i32
    %scan3A_172 = arith.constant 0 : i32
    %scan3A_173 = arith.constant 0 : i32
    %scan3A_174 = arith.constant 8 : i32
    %scan3A_175 = arith.addi %scan3A_173, %scan3A_174 : i32
    %scan3A_176 = arith.constant 1 : i32
    scf.for %scan3A_572 = %scan3A_173 to %scan3A_175 step %scan3A_176  : i32 {
      %mul3A_573 = arith.constant 512 : i32
      %mul3A_574 = arith.muli %scan3A_572, %mul3A_573 : i32
      %add3A_575 = arith.constant 0 : i32
      %add3A_576 = arith.addi %mul3A_574, %add3A_575 : i32
      %add3A_577 = arith.constant 4096 : i32
      %add3A_578 = arith.addi %add3A_577, %mul3A_574 : i32
      %add3A_579 = arith.constant 0 : i32
      %add3A_580 = arith.addi %add3A_578, %add3A_579 : i32
      %dma_start3A_581 = tpu.memref_slice %arg12[%add3A_576] : memref<4096xf32, #tpu.memory_space<vmem>> -> memref<128xf32, #tpu.memory_space<vmem>>
      %dma_start3A_582 = tpu.memref_slice %arg7[%add3A_13, %add3A_580] : memref<64x24576xf32, #tpu.memory_space<hbm>> -> memref<1x128xf32, #tpu.memory_space<hbm>>
      %dma_start3A_583 = tpu.memref_squeeze %dma_start3A_582 : memref<1x128xf32, #tpu.memory_space<hbm>> -> memref<128xf32, #tpu.memory_space<hbm>>
      %dma_start3A_584 = tpu.memref_slice %arg7[%add3A_13, %add3A_580] : memref<64x24576xf32, #tpu.memory_space<hbm>> -> memref<1x128xf32, #tpu.memory_space<hbm>>
      %dma_start3A_585 = tpu.memref_squeeze %dma_start3A_584 : memref<1x128xf32, #tpu.memory_space<hbm>> -> memref<128xf32, #tpu.memory_space<hbm>>
      %dma_start3A_586 = tpu.memref_slice %arg12[%add3A_576] : memref<4096xf32, #tpu.memory_space<vmem>> -> memref<128xf32, #tpu.memory_space<vmem>>
      tpu.enqueue_dma source(%dma_start3A_586 : memref<128xf32, #tpu.memory_space<vmem>>) target(%dma_start3A_585 : memref<128xf32, #tpu.memory_space<hbm>>) target_semaphore(%arg16 : memref<!tpu.dma_semaphore, #tpu.memory_space<semaphore_mem>>)
      %add3A_587 = arith.constant 128 : i32
      %add3A_588 = arith.addi %mul3A_574, %add3A_587 : i32
      %add3A_589 = arith.constant 4096 : i32
      %add3A_590 = arith.addi %add3A_589, %mul3A_574 : i32
      %add3A_591 = arith.constant 128 : i32
      %add3A_592 = arith.addi %add3A_590, %add3A_591 : i32
      %dma_start3A_593 = tpu.memref_slice %arg12[%add3A_588] : memref<4096xf32, #tpu.memory_space<vmem>> -> memref<128xf32, #tpu.memory_space<vmem>>
      %dma_start3A_594 = tpu.memref_slice %arg7[%add3A_13, %add3A_592] : memref<64x24576xf32, #tpu.memory_space<hbm>> -> memref<1x128xf32, #tpu.memory_space<hbm>>
      %dma_start3A_595 = tpu.memref_squeeze %dma_start3A_594 : memref<1x128xf32, #tpu.memory_space<hbm>> -> memref<128xf32, #tpu.memory_space<hbm>>
      %dma_start3A_596 = tpu.memref_slice %arg7[%add3A_13, %add3A_592] : memref<64x24576xf32, #tpu.memory_space<hbm>> -> memref<1x128xf32, #tpu.memory_space<hbm>>
      %dma_start3A_597 = tpu.memref_squeeze %dma_start3A_596 : memref<1x128xf32, #tpu.memory_space<hbm>> -> memref<128xf32, #tpu.memory_space<hbm>>
      %dma_start3A_598 = tpu.memref_slice %arg12[%add3A_588] : memref<4096xf32, #tpu.memory_space<vmem>> -> memref<128xf32, #tpu.memory_space<vmem>>
      tpu.enqueue_dma source(%dma_start3A_598 : memref<128xf32, #tpu.memory_space<vmem>>) target(%dma_start3A_597 : memref<128xf32, #tpu.memory_space<hbm>>) target_semaphore(%arg16 : memref<!tpu.dma_semaphore, #tpu.memory_space<semaphore_mem>>)
      %add3A_599 = arith.constant 256 : i32
      %add3A_600 = arith.addi %mul3A_574, %add3A_599 : i32
      %add3A_601 = arith.constant 4096 : i32
      %add3A_602 = arith.addi %add3A_601, %mul3A_574 : i32
      %add3A_603 = arith.constant 256 : i32
      %add3A_604 = arith.addi %add3A_602, %add3A_603 : i32
      %dma_start3A_605 = tpu.memref_slice %arg12[%add3A_600] : memref<4096xf32, #tpu.memory_space<vmem>> -> memref<128xf32, #tpu.memory_space<vmem>>
      %dma_start3A_606 = tpu.memref_slice %arg7[%add3A_13, %add3A_604] : memref<64x24576xf32, #tpu.memory_space<hbm>> -> memref<1x128xf32, #tpu.memory_space<hbm>>
      %dma_start3A_607 = tpu.memref_squeeze %dma_start3A_606 : memref<1x128xf32, #tpu.memory_space<hbm>> -> memref<128xf32, #tpu.memory_space<hbm>>
      %dma_start3A_608 = tpu.memref_slice %arg7[%add3A_13, %add3A_604] : memref<64x24576xf32, #tpu.memory_space<hbm>> -> memref<1x128xf32, #tpu.memory_space<hbm>>
      %dma_start3A_609 = tpu.memref_squeeze %dma_start3A_608 : memref<1x128xf32, #tpu.memory_space<hbm>> -> memref<128xf32, #tpu.memory_space<hbm>>
      %dma_start3A_610 = tpu.memref_slice %arg12[%add3A_600] : memref<4096xf32, #tpu.memory_space<vmem>> -> memref<128xf32, #tpu.memory_space<vmem>>
      tpu.enqueue_dma source(%dma_start3A_610 : memref<128xf32, #tpu.memory_space<vmem>>) target(%dma_start3A_609 : memref<128xf32, #tpu.memory_space<hbm>>) target_semaphore(%arg16 : memref<!tpu.dma_semaphore, #tpu.memory_space<semaphore_mem>>)
      %add3A_611 = arith.constant 384 : i32
      %add3A_612 = arith.addi %mul3A_574, %add3A_611 : i32
      %add3A_613 = arith.constant 4096 : i32
      %add3A_614 = arith.addi %add3A_613, %mul3A_574 : i32
      %add3A_615 = arith.constant 384 : i32
      %add3A_616 = arith.addi %add3A_614, %add3A_615 : i32
      %dma_start3A_617 = tpu.memref_slice %arg12[%add3A_612] : memref<4096xf32, #tpu.memory_space<vmem>> -> memref<128xf32, #tpu.memory_space<vmem>>
      %dma_start3A_618 = tpu.memref_slice %arg7[%add3A_13, %add3A_616] : memref<64x24576xf32, #tpu.memory_space<hbm>> -> memref<1x128xf32, #tpu.memory_space<hbm>>
      %dma_start3A_619 = tpu.memref_squeeze %dma_start3A_618 : memref<1x128xf32, #tpu.memory_space<hbm>> -> memref<128xf32, #tpu.memory_space<hbm>>
      %dma_start3A_620 = tpu.memref_slice %arg7[%add3A_13, %add3A_616] : memref<64x24576xf32, #tpu.memory_space<hbm>> -> memref<1x128xf32, #tpu.memory_space<hbm>>
      %dma_start3A_621 = tpu.memref_squeeze %dma_start3A_620 : memref<1x128xf32, #tpu.memory_space<hbm>> -> memref<128xf32, #tpu.memory_space<hbm>>
      %dma_start3A_622 = tpu.memref_slice %arg12[%add3A_612] : memref<4096xf32, #tpu.memory_space<vmem>> -> memref<128xf32, #tpu.memory_space<vmem>>
      tpu.enqueue_dma source(%dma_start3A_622 : memref<128xf32, #tpu.memory_space<vmem>>) target(%dma_start3A_621 : memref<128xf32, #tpu.memory_space<hbm>>) target_semaphore(%arg16 : memref<!tpu.dma_semaphore, #tpu.memory_space<semaphore_mem>>)
    }
    %scan3A_177 = arith.constant 8 : i32
    %dma_wait3A_178 = arith.constant 0 : i32
    %dma_wait3A_179 = tpu.memref_slice %arg13[%dma_wait3A_178] : memref<24576xi32, #tpu.memory_space<vmem_shared>> -> memref<4096xi32, #tpu.memory_space<vmem_shared>>
    %dma_wait3A_180 = arith.constant 0 : i32
    %dma_wait3A_181 = tpu.memref_slice %arg13[%dma_wait3A_180] : memref<24576xi32, #tpu.memory_space<vmem_shared>> -> memref<4096xi32, #tpu.memory_space<vmem_shared>>
    tpu.wait_dma2 semaphore(%arg15 : memref<!tpu.dma_semaphore, #tpu.memory_space<semaphore_mem>>) src(%dma_wait3A_181 : memref<4096xi32, #tpu.memory_space<vmem_shared>>) dst(%arg9 : memref<4096xi32, #tpu.memory_space<vmem>>)
    %dma_start3A_182 = arith.constant 12288 : i32
    %dma_start3A_183 = tpu.memref_slice %arg13[%dma_start3A_182] : memref<24576xi32, #tpu.memory_space<vmem_shared>> -> memref<4096xi32, #tpu.memory_space<vmem_shared>>
    %dma_start3A_184 = arith.constant 12288 : i32
    %dma_start3A_185 = tpu.memref_slice %arg13[%dma_start3A_184] : memref<24576xi32, #tpu.memory_space<vmem_shared>> -> memref<4096xi32, #tpu.memory_space<vmem_shared>>
    tpu.enqueue_dma source(%dma_start3A_185 : memref<4096xi32, #tpu.memory_space<vmem_shared>>) target(%arg10 : memref<4096xi32, #tpu.memory_space<vmem>>) target_semaphore(%arg15 : memref<!tpu.dma_semaphore, #tpu.memory_space<semaphore_mem>>)
    %dma_wait3A_186 = arith.constant 0 : i32
    %dma_wait3A_187 = tpu.memref_slice %arg7[%add3A_13, %dma_wait3A_186] : memref<64x24576xf32, #tpu.memory_space<hbm>> -> memref<1x4096xf32, #tpu.memory_space<hbm>>
    %dma_wait3A_188 = tpu.memref_squeeze %dma_wait3A_187 : memref<1x4096xf32, #tpu.memory_space<hbm>> -> memref<4096xf32, #tpu.memory_space<hbm>>
    %dma_wait3A_189 = arith.constant 0 : i32
    %dma_wait3A_190 = tpu.memref_slice %arg7[%add3A_13, %dma_wait3A_189] : memref<64x24576xf32, #tpu.memory_space<hbm>> -> memref<1x4096xf32, #tpu.memory_space<hbm>>
    %dma_wait3A_191 = tpu.memref_squeeze %dma_wait3A_190 : memref<1x4096xf32, #tpu.memory_space<hbm>> -> memref<4096xf32, #tpu.memory_space<hbm>>
    tpu.wait_dma2 semaphore(%arg16 : memref<!tpu.dma_semaphore, #tpu.memory_space<semaphore_mem>>) src(%arg11 : memref<4096xf32, #tpu.memory_space<vmem>>) dst(%dma_wait3A_191 : memref<4096xf32, #tpu.memory_space<hbm>>)
    %scan3A_192 = arith.constant 0 : i32
    %scan3A_193 = arith.constant 0 : i32
    %scan3A_194 = arith.constant 32 : i32
    %scan3A_195 = arith.addi %scan3A_193, %scan3A_194 : i32
    %scan3A_196 = arith.constant 1 : i32
    scf.for %scan3A_572 = %scan3A_193 to %scan3A_195 step %scan3A_196  : i32 {
      %mul3A_573 = arith.constant 128 : i32
      %mul3A_574 = arith.muli %scan3A_572, %mul3A_573 : i32
      %add3A_575 = arith.constant 0 : i32
      %add3A_576 = arith.addi %mul3A_574, %add3A_575 : i32
      %get3A = arith.index_cast %add3A_576 : i32 to index
      %get3A_577 = tpu.vector_load %arg9[%get3A] {strides = array<i32>} : memref<4096xi32, #tpu.memory_space<vmem>>, vector<16xi32>,
      %gather3A = tpu.vector_load_idx %arg8[%get3A_577] : memref<108288xf32, #tpu.memory_space<vmem>>[vector<16xi32>], vector<16xf32>,
      %swap3A = arith.index_cast %add3A_576 : i32 to index
      %swap3A_578 = tpu.vector_load %arg11[%swap3A] {strides = array<i32>} : memref<4096xf32, #tpu.memory_space<vmem>>, vector<16xf32>,
      tpu.vector_store %arg11[%swap3A], %gather3A {strides = array<i32>} : memref<4096xf32, #tpu.memory_space<vmem>>, vector<16xf32>,
      %add3A_579 = arith.constant 16 : i32
      %add3A_580 = arith.addi %mul3A_574, %add3A_579 : i32
      %get3A_581 = arith.index_cast %add3A_580 : i32 to index
      %get3A_582 = tpu.vector_load %arg9[%get3A_581] {strides = array<i32>} : memref<4096xi32, #tpu.memory_space<vmem>>, vector<16xi32>,
      %gather3A_583 = tpu.vector_load_idx %arg8[%get3A_582] : memref<108288xf32, #tpu.memory_space<vmem>>[vector<16xi32>], vector<16xf32>,
      %swap3A_584 = arith.index_cast %add3A_580 : i32 to index
      %swap3A_585 = tpu.vector_load %arg11[%swap3A_584] {strides = array<i32>} : memref<4096xf32, #tpu.memory_space<vmem>>, vector<16xf32>,
      tpu.vector_store %arg11[%swap3A_584], %gather3A_583 {strides = array<i32>} : memref<4096xf32, #tpu.memory_space<vmem>>, vector<16xf32>,
      %add3A_586 = arith.constant 32 : i32
      %add3A_587 = arith.addi %mul3A_574, %add3A_586 : i32
      %get3A_588 = arith.index_cast %add3A_587 : i32 to index
      %get3A_589 = tpu.vector_load %arg9[%get3A_588] {strides = array<i32>} : memref<4096xi32, #tpu.memory_space<vmem>>, vector<16xi32>,
      %gather3A_590 = tpu.vector_load_idx %arg8[%get3A_589] : memref<108288xf32, #tpu.memory_space<vmem>>[vector<16xi32>], vector<16xf32>,
      %swap3A_591 = arith.index_cast %add3A_587 : i32 to index
      %swap3A_592 = tpu.vector_load %arg11[%swap3A_591] {strides = array<i32>} : memref<4096xf32, #tpu.memory_space<vmem>>, vector<16xf32>,
      tpu.vector_store %arg11[%swap3A_591], %gather3A_590 {strides = array<i32>} : memref<4096xf32, #tpu.memory_space<vmem>>, vector<16xf32>,
      %add3A_593 = arith.constant 48 : i32
      %add3A_594 = arith.addi %mul3A_574, %add3A_593 : i32
      %get3A_595 = arith.index_cast %add3A_594 : i32 to index
      %get3A_596 = tpu.vector_load %arg9[%get3A_595] {strides = array<i32>} : memref<4096xi32, #tpu.memory_space<vmem>>, vector<16xi32>,
      %gather3A_597 = tpu.vector_load_idx %arg8[%get3A_596] : memref<108288xf32, #tpu.memory_space<vmem>>[vector<16xi32>], vector<16xf32>,
      %swap3A_598 = arith.index_cast %add3A_594 : i32 to index
      %swap3A_599 = tpu.vector_load %arg11[%swap3A_598] {strides = array<i32>} : memref<4096xf32, #tpu.memory_space<vmem>>, vector<16xf32>,
      tpu.vector_store %arg11[%swap3A_598], %gather3A_597 {strides = array<i32>} : memref<4096xf32, #tpu.memory_space<vmem>>, vector<16xf32>,
      %add3A_600 = arith.constant 64 : i32
      %add3A_601 = arith.addi %mul3A_574, %add3A_600 : i32
      %get3A_602 = arith.index_cast %add3A_601 : i32 to index
      %get3A_603 = tpu.vector_load %arg9[%get3A_602] {strides = array<i32>} : memref<4096xi32, #tpu.memory_space<vmem>>, vector<16xi32>,
      %gather3A_604 = tpu.vector_load_idx %arg8[%get3A_603] : memref<108288xf32, #tpu.memory_space<vmem>>[vector<16xi32>], vector<16xf32>,
      %swap3A_605 = arith.index_cast %add3A_601 : i32 to index
      %swap3A_606 = tpu.vector_load %arg11[%swap3A_605] {strides = array<i32>} : memref<4096xf32, #tpu.memory_space<vmem>>, vector<16xf32>,
      tpu.vector_store %arg11[%swap3A_605], %gather3A_604 {strides = array<i32>} : memref<4096xf32, #tpu.memory_space<vmem>>, vector<16xf32>,
      %add3A_607 = arith.constant 80 : i32
      %add3A_608 = arith.addi %mul3A_574, %add3A_607 : i32
      %get3A_609 = arith.index_cast %add3A_608 : i32 to index
      %get3A_610 = tpu.vector_load %arg9[%get3A_609] {strides = array<i32>} : memref<4096xi32, #tpu.memory_space<vmem>>, vector<16xi32>,
      %gather3A_611 = tpu.vector_load_idx %arg8[%get3A_610] : memref<108288xf32, #tpu.memory_space<vmem>>[vector<16xi32>], vector<16xf32>,
      %swap3A_612 = arith.index_cast %add3A_608 : i32 to index
      %swap3A_613 = tpu.vector_load %arg11[%swap3A_612] {strides = array<i32>} : memref<4096xf32, #tpu.memory_space<vmem>>, vector<16xf32>,
      tpu.vector_store %arg11[%swap3A_612], %gather3A_611 {strides = array<i32>} : memref<4096xf32, #tpu.memory_space<vmem>>, vector<16xf32>,
      %add3A_614 = arith.constant 96 : i32
      %add3A_615 = arith.addi %mul3A_574, %add3A_614 : i32
      %get3A_616 = arith.index_cast %add3A_615 : i32 to index
      %get3A_617 = tpu.vector_load %arg9[%get3A_616] {strides = array<i32>} : memref<4096xi32, #tpu.memory_space<vmem>>, vector<16xi32>,
      %gather3A_618 = tpu.vector_load_idx %arg8[%get3A_617] : memref<108288xf32, #tpu.memory_space<vmem>>[vector<16xi32>], vector<16xf32>,
      %swap3A_619 = arith.index_cast %add3A_615 : i32 to index
      %swap3A_620 = tpu.vector_load %arg11[%swap3A_619] {strides = array<i32>} : memref<4096xf32, #tpu.memory_space<vmem>>, vector<16xf32>,
      tpu.vector_store %arg11[%swap3A_619], %gather3A_618 {strides = array<i32>} : memref<4096xf32, #tpu.memory_space<vmem>>, vector<16xf32>,
      %add3A_621 = arith.constant 112 : i32
      %add3A_622 = arith.addi %mul3A_574, %add3A_621 : i32
      %get3A_623 = arith.index_cast %add3A_622 : i32 to index
      %get3A_624 = tpu.vector_load %arg9[%get3A_623] {strides = array<i32>} : memref<4096xi32, #tpu.memory_space<vmem>>, vector<16xi32>,
      %gather3A_625 = tpu.vector_load_idx %arg8[%get3A_624] : memref<108288xf32, #tpu.memory_space<vmem>>[vector<16xi32>], vector<16xf32>,
      %swap3A_626 = arith.index_cast %add3A_622 : i32 to index
      %swap3A_627 = tpu.vector_load %arg11[%swap3A_626] {strides = array<i32>} : memref<4096xf32, #tpu.memory_space<vmem>>, vector<16xf32>,
      tpu.vector_store %arg11[%swap3A_626], %gather3A_625 {strides = array<i32>} : memref<4096xf32, #tpu.memory_space<vmem>>, vector<16xf32>,
    }
    %scan3A_197 = arith.constant 32 : i32
    %scan3A_198 = arith.constant 0 : i32
    %scan3A_199 = arith.constant 0 : i32
    %scan3A_200 = arith.constant 8 : i32
    %scan3A_201 = arith.addi %scan3A_199, %scan3A_200 : i32
    %scan3A_202 = arith.constant 1 : i32
    scf.for %scan3A_572 = %scan3A_199 to %scan3A_201 step %scan3A_202  : i32 {
      %mul3A_573 = arith.constant 512 : i32
      %mul3A_574 = arith.muli %scan3A_572, %mul3A_573 : i32
      %add3A_575 = arith.constant 0 : i32
      %add3A_576 = arith.addi %mul3A_574, %add3A_575 : i32
      %add3A_577 = arith.constant 8192 : i32
      %add3A_578 = arith.addi %add3A_577, %mul3A_574 : i32
      %add3A_579 = arith.constant 0 : i32
      %add3A_580 = arith.addi %add3A_578, %add3A_579 : i32
      %dma_start3A_581 = tpu.memref_slice %arg11[%add3A_576] : memref<4096xf32, #tpu.memory_space<vmem>> -> memref<128xf32, #tpu.memory_space<vmem>>
      %dma_start3A_582 = tpu.memref_slice %arg7[%add3A_13, %add3A_580] : memref<64x24576xf32, #tpu.memory_space<hbm>> -> memref<1x128xf32, #tpu.memory_space<hbm>>
      %dma_start3A_583 = tpu.memref_squeeze %dma_start3A_582 : memref<1x128xf32, #tpu.memory_space<hbm>> -> memref<128xf32, #tpu.memory_space<hbm>>
      %dma_start3A_584 = tpu.memref_slice %arg7[%add3A_13, %add3A_580] : memref<64x24576xf32, #tpu.memory_space<hbm>> -> memref<1x128xf32, #tpu.memory_space<hbm>>
      %dma_start3A_585 = tpu.memref_squeeze %dma_start3A_584 : memref<1x128xf32, #tpu.memory_space<hbm>> -> memref<128xf32, #tpu.memory_space<hbm>>
      %dma_start3A_586 = tpu.memref_slice %arg11[%add3A_576] : memref<4096xf32, #tpu.memory_space<vmem>> -> memref<128xf32, #tpu.memory_space<vmem>>
      tpu.enqueue_dma source(%dma_start3A_586 : memref<128xf32, #tpu.memory_space<vmem>>) target(%dma_start3A_585 : memref<128xf32, #tpu.memory_space<hbm>>) target_semaphore(%arg16 : memref<!tpu.dma_semaphore, #tpu.memory_space<semaphore_mem>>)
      %add3A_587 = arith.constant 128 : i32
      %add3A_588 = arith.addi %mul3A_574, %add3A_587 : i32
      %add3A_589 = arith.constant 8192 : i32
      %add3A_590 = arith.addi %add3A_589, %mul3A_574 : i32
      %add3A_591 = arith.constant 128 : i32
      %add3A_592 = arith.addi %add3A_590, %add3A_591 : i32
      %dma_start3A_593 = tpu.memref_slice %arg11[%add3A_588] : memref<4096xf32, #tpu.memory_space<vmem>> -> memref<128xf32, #tpu.memory_space<vmem>>
      %dma_start3A_594 = tpu.memref_slice %arg7[%add3A_13, %add3A_592] : memref<64x24576xf32, #tpu.memory_space<hbm>> -> memref<1x128xf32, #tpu.memory_space<hbm>>
      %dma_start3A_595 = tpu.memref_squeeze %dma_start3A_594 : memref<1x128xf32, #tpu.memory_space<hbm>> -> memref<128xf32, #tpu.memory_space<hbm>>
      %dma_start3A_596 = tpu.memref_slice %arg7[%add3A_13, %add3A_592] : memref<64x24576xf32, #tpu.memory_space<hbm>> -> memref<1x128xf32, #tpu.memory_space<hbm>>
      %dma_start3A_597 = tpu.memref_squeeze %dma_start3A_596 : memref<1x128xf32, #tpu.memory_space<hbm>> -> memref<128xf32, #tpu.memory_space<hbm>>
      %dma_start3A_598 = tpu.memref_slice %arg11[%add3A_588] : memref<4096xf32, #tpu.memory_space<vmem>> -> memref<128xf32, #tpu.memory_space<vmem>>
      tpu.enqueue_dma source(%dma_start3A_598 : memref<128xf32, #tpu.memory_space<vmem>>) target(%dma_start3A_597 : memref<128xf32, #tpu.memory_space<hbm>>) target_semaphore(%arg16 : memref<!tpu.dma_semaphore, #tpu.memory_space<semaphore_mem>>)
      %add3A_599 = arith.constant 256 : i32
      %add3A_600 = arith.addi %mul3A_574, %add3A_599 : i32
      %add3A_601 = arith.constant 8192 : i32
      %add3A_602 = arith.addi %add3A_601, %mul3A_574 : i32
      %add3A_603 = arith.constant 256 : i32
      %add3A_604 = arith.addi %add3A_602, %add3A_603 : i32
      %dma_start3A_605 = tpu.memref_slice %arg11[%add3A_600] : memref<4096xf32, #tpu.memory_space<vmem>> -> memref<128xf32, #tpu.memory_space<vmem>>
      %dma_start3A_606 = tpu.memref_slice %arg7[%add3A_13, %add3A_604] : memref<64x24576xf32, #tpu.memory_space<hbm>> -> memref<1x128xf32, #tpu.memory_space<hbm>>
      %dma_start3A_607 = tpu.memref_squeeze %dma_start3A_606 : memref<1x128xf32, #tpu.memory_space<hbm>> -> memref<128xf32, #tpu.memory_space<hbm>>
      %dma_start3A_608 = tpu.memref_slice %arg7[%add3A_13, %add3A_604] : memref<64x24576xf32, #tpu.memory_space<hbm>> -> memref<1x128xf32, #tpu.memory_space<hbm>>
      %dma_start3A_609 = tpu.memref_squeeze %dma_start3A_608 : memref<1x128xf32, #tpu.memory_space<hbm>> -> memref<128xf32, #tpu.memory_space<hbm>>
      %dma_start3A_610 = tpu.memref_slice %arg11[%add3A_600] : memref<4096xf32, #tpu.memory_space<vmem>> -> memref<128xf32, #tpu.memory_space<vmem>>
      tpu.enqueue_dma source(%dma_start3A_610 : memref<128xf32, #tpu.memory_space<vmem>>) target(%dma_start3A_609 : memref<128xf32, #tpu.memory_space<hbm>>) target_semaphore(%arg16 : memref<!tpu.dma_semaphore, #tpu.memory_space<semaphore_mem>>)
      %add3A_611 = arith.constant 384 : i32
      %add3A_612 = arith.addi %mul3A_574, %add3A_611 : i32
      %add3A_613 = arith.constant 8192 : i32
      %add3A_614 = arith.addi %add3A_613, %mul3A_574 : i32
      %add3A_615 = arith.constant 384 : i32
      %add3A_616 = arith.addi %add3A_614, %add3A_615 : i32
      %dma_start3A_617 = tpu.memref_slice %arg11[%add3A_612] : memref<4096xf32, #tpu.memory_space<vmem>> -> memref<128xf32, #tpu.memory_space<vmem>>
      %dma_start3A_618 = tpu.memref_slice %arg7[%add3A_13, %add3A_616] : memref<64x24576xf32, #tpu.memory_space<hbm>> -> memref<1x128xf32, #tpu.memory_space<hbm>>
      %dma_start3A_619 = tpu.memref_squeeze %dma_start3A_618 : memref<1x128xf32, #tpu.memory_space<hbm>> -> memref<128xf32, #tpu.memory_space<hbm>>
      %dma_start3A_620 = tpu.memref_slice %arg7[%add3A_13, %add3A_616] : memref<64x24576xf32, #tpu.memory_space<hbm>> -> memref<1x128xf32, #tpu.memory_space<hbm>>
      %dma_start3A_621 = tpu.memref_squeeze %dma_start3A_620 : memref<1x128xf32, #tpu.memory_space<hbm>> -> memref<128xf32, #tpu.memory_space<hbm>>
      %dma_start3A_622 = tpu.memref_slice %arg11[%add3A_612] : memref<4096xf32, #tpu.memory_space<vmem>> -> memref<128xf32, #tpu.memory_space<vmem>>
      tpu.enqueue_dma source(%dma_start3A_622 : memref<128xf32, #tpu.memory_space<vmem>>) target(%dma_start3A_621 : memref<128xf32, #tpu.memory_space<hbm>>) target_semaphore(%arg16 : memref<!tpu.dma_semaphore, #tpu.memory_space<semaphore_mem>>)
    }
    %scan3A_203 = arith.constant 8 : i32
    %dma_wait3A_204 = arith.constant 0 : i32
    %dma_wait3A_205 = tpu.memref_slice %arg13[%dma_wait3A_204] : memref<24576xi32, #tpu.memory_space<vmem_shared>> -> memref<4096xi32, #tpu.memory_space<vmem_shared>>
    %dma_wait3A_206 = arith.constant 0 : i32
    %dma_wait3A_207 = tpu.memref_slice %arg13[%dma_wait3A_206] : memref<24576xi32, #tpu.memory_space<vmem_shared>> -> memref<4096xi32, #tpu.memory_space<vmem_shared>>
    tpu.wait_dma2 semaphore(%arg15 : memref<!tpu.dma_semaphore, #tpu.memory_space<semaphore_mem>>) src(%dma_wait3A_207 : memref<4096xi32, #tpu.memory_space<vmem_shared>>) dst(%arg10 : memref<4096xi32, #tpu.memory_space<vmem>>)
    %dma_start3A_208 = arith.constant 16384 : i32
    %dma_start3A_209 = tpu.memref_slice %arg13[%dma_start3A_208] : memref<24576xi32, #tpu.memory_space<vmem_shared>> -> memref<4096xi32, #tpu.memory_space<vmem_shared>>
    %dma_start3A_210 = arith.constant 16384 : i32
    %dma_start3A_211 = tpu.memref_slice %arg13[%dma_start3A_210] : memref<24576xi32, #tpu.memory_space<vmem_shared>> -> memref<4096xi32, #tpu.memory_space<vmem_shared>>
    tpu.enqueue_dma source(%dma_start3A_211 : memref<4096xi32, #tpu.memory_space<vmem_shared>>) target(%arg9 : memref<4096xi32, #tpu.memory_space<vmem>>) target_semaphore(%arg15 : memref<!tpu.dma_semaphore, #tpu.memory_space<semaphore_mem>>)
    %dma_wait3A_212 = arith.constant 0 : i32
    %dma_wait3A_213 = tpu.memref_slice %arg7[%add3A_13, %dma_wait3A_212] : memref<64x24576xf32, #tpu.memory_space<hbm>> -> memref<1x4096xf32, #tpu.memory_space<hbm>>
    %dma_wait3A_214 = tpu.memref_squeeze %dma_wait3A_213 : memref<1x4096xf32, #tpu.memory_space<hbm>> -> memref<4096xf32, #tpu.memory_space<hbm>>
    %dma_wait3A_215 = arith.constant 0 : i32
    %dma_wait3A_216 = tpu.memref_slice %arg7[%add3A_13, %dma_wait3A_215] : memref<64x24576xf32, #tpu.memory_space<hbm>> -> memref<1x4096xf32, #tpu.memory_space<hbm>>
    %dma_wait3A_217 = tpu.memref_squeeze %dma_wait3A_216 : memref<1x4096xf32, #tpu.memory_space<hbm>> -> memref<4096xf32, #tpu.memory_space<hbm>>
    tpu.wait_dma2 semaphore(%arg16 : memref<!tpu.dma_semaphore, #tpu.memory_space<semaphore_mem>>) src(%arg12 : memref<4096xf32, #tpu.memory_space<vmem>>) dst(%dma_wait3A_217 : memref<4096xf32, #tpu.memory_space<hbm>>)
    %scan3A_218 = arith.constant 0 : i32
    %scan3A_219 = arith.constant 0 : i32
    %scan3A_220 = arith.constant 32 : i32
    %scan3A_221 = arith.addi %scan3A_219, %scan3A_220 : i32
    %scan3A_222 = arith.constant 1 : i32
    scf.for %scan3A_572 = %scan3A_219 to %scan3A_221 step %scan3A_222  : i32 {
      %mul3A_573 = arith.constant 128 : i32
      %mul3A_574 = arith.muli %scan3A_572, %mul3A_573 : i32
      %add3A_575 = arith.constant 0 : i32
      %add3A_576 = arith.addi %mul3A_574, %add3A_575 : i32
      %get3A = arith.index_cast %add3A_576 : i32 to index
      %get3A_577 = tpu.vector_load %arg10[%get3A] {strides = array<i32>} : memref<4096xi32, #tpu.memory_space<vmem>>, vector<16xi32>,
      %gather3A = tpu.vector_load_idx %arg8[%get3A_577] : memref<108288xf32, #tpu.memory_space<vmem>>[vector<16xi32>], vector<16xf32>,
      %swap3A = arith.index_cast %add3A_576 : i32 to index
      %swap3A_578 = tpu.vector_load %arg12[%swap3A] {strides = array<i32>} : memref<4096xf32, #tpu.memory_space<vmem>>, vector<16xf32>,
      tpu.vector_store %arg12[%swap3A], %gather3A {strides = array<i32>} : memref<4096xf32, #tpu.memory_space<vmem>>, vector<16xf32>,
      %add3A_579 = arith.constant 16 : i32
      %add3A_580 = arith.addi %mul3A_574, %add3A_579 : i32
      %get3A_581 = arith.index_cast %add3A_580 : i32 to index
      %get3A_582 = tpu.vector_load %arg10[%get3A_581] {strides = array<i32>} : memref<4096xi32, #tpu.memory_space<vmem>>, vector<16xi32>,
      %gather3A_583 = tpu.vector_load_idx %arg8[%get3A_582] : memref<108288xf32, #tpu.memory_space<vmem>>[vector<16xi32>], vector<16xf32>,
      %swap3A_584 = arith.index_cast %add3A_580 : i32 to index
      %swap3A_585 = tpu.vector_load %arg12[%swap3A_584] {strides = array<i32>} : memref<4096xf32, #tpu.memory_space<vmem>>, vector<16xf32>,
      tpu.vector_store %arg12[%swap3A_584], %gather3A_583 {strides = array<i32>} : memref<4096xf32, #tpu.memory_space<vmem>>, vector<16xf32>,
      %add3A_586 = arith.constant 32 : i32
      %add3A_587 = arith.addi %mul3A_574, %add3A_586 : i32
      %get3A_588 = arith.index_cast %add3A_587 : i32 to index
      %get3A_589 = tpu.vector_load %arg10[%get3A_588] {strides = array<i32>} : memref<4096xi32, #tpu.memory_space<vmem>>, vector<16xi32>,
      %gather3A_590 = tpu.vector_load_idx %arg8[%get3A_589] : memref<108288xf32, #tpu.memory_space<vmem>>[vector<16xi32>], vector<16xf32>,
      %swap3A_591 = arith.index_cast %add3A_587 : i32 to index
      %swap3A_592 = tpu.vector_load %arg12[%swap3A_591] {strides = array<i32>} : memref<4096xf32, #tpu.memory_space<vmem>>, vector<16xf32>,
      tpu.vector_store %arg12[%swap3A_591], %gather3A_590 {strides = array<i32>} : memref<4096xf32, #tpu.memory_space<vmem>>, vector<16xf32>,
      %add3A_593 = arith.constant 48 : i32
      %add3A_594 = arith.addi %mul3A_574, %add3A_593 : i32
      %get3A_595 = arith.index_cast %add3A_594 : i32 to index
      %get3A_596 = tpu.vector_load %arg10[%get3A_595] {strides = array<i32>} : memref<4096xi32, #tpu.memory_space<vmem>>, vector<16xi32>,
      %gather3A_597 = tpu.vector_load_idx %arg8[%get3A_596] : memref<108288xf32, #tpu.memory_space<vmem>>[vector<16xi32>], vector<16xf32>,
      %swap3A_598 = arith.index_cast %add3A_594 : i32 to index
      %swap3A_599 = tpu.vector_load %arg12[%swap3A_598] {strides = array<i32>} : memref<4096xf32, #tpu.memory_space<vmem>>, vector<16xf32>,
      tpu.vector_store %arg12[%swap3A_598], %gather3A_597 {strides = array<i32>} : memref<4096xf32, #tpu.memory_space<vmem>>, vector<16xf32>,
      %add3A_600 = arith.constant 64 : i32
      %add3A_601 = arith.addi %mul3A_574, %add3A_600 : i32
      %get3A_602 = arith.index_cast %add3A_601 : i32 to index
      %get3A_603 = tpu.vector_load %arg10[%get3A_602] {strides = array<i32>} : memref<4096xi32, #tpu.memory_space<vmem>>, vector<16xi32>,
      %gather3A_604 = tpu.vector_load_idx %arg8[%get3A_603] : memref<108288xf32, #tpu.memory_space<vmem>>[vector<16xi32>], vector<16xf32>,
      %swap3A_605 = arith.index_cast %add3A_601 : i32 to index
      %swap3A_606 = tpu.vector_load %arg12[%swap3A_605] {strides = array<i32>} : memref<4096xf32, #tpu.memory_space<vmem>>, vector<16xf32>,
      tpu.vector_store %arg12[%swap3A_605], %gather3A_604 {strides = array<i32>} : memref<4096xf32, #tpu.memory_space<vmem>>, vector<16xf32>,
      %add3A_607 = arith.constant 80 : i32
      %add3A_608 = arith.addi %mul3A_574, %add3A_607 : i32
      %get3A_609 = arith.index_cast %add3A_608 : i32 to index
      %get3A_610 = tpu.vector_load %arg10[%get3A_609] {strides = array<i32>} : memref<4096xi32, #tpu.memory_space<vmem>>, vector<16xi32>,
      %gather3A_611 = tpu.vector_load_idx %arg8[%get3A_610] : memref<108288xf32, #tpu.memory_space<vmem>>[vector<16xi32>], vector<16xf32>,
      %swap3A_612 = arith.index_cast %add3A_608 : i32 to index
      %swap3A_613 = tpu.vector_load %arg12[%swap3A_612] {strides = array<i32>} : memref<4096xf32, #tpu.memory_space<vmem>>, vector<16xf32>,
      tpu.vector_store %arg12[%swap3A_612], %gather3A_611 {strides = array<i32>} : memref<4096xf32, #tpu.memory_space<vmem>>, vector<16xf32>,
      %add3A_614 = arith.constant 96 : i32
      %add3A_615 = arith.addi %mul3A_574, %add3A_614 : i32
      %get3A_616 = arith.index_cast %add3A_615 : i32 to index
      %get3A_617 = tpu.vector_load %arg10[%get3A_616] {strides = array<i32>} : memref<4096xi32, #tpu.memory_space<vmem>>, vector<16xi32>,
      %gather3A_618 = tpu.vector_load_idx %arg8[%get3A_617] : memref<108288xf32, #tpu.memory_space<vmem>>[vector<16xi32>], vector<16xf32>,
      %swap3A_619 = arith.index_cast %add3A_615 : i32 to index
      %swap3A_620 = tpu.vector_load %arg12[%swap3A_619] {strides = array<i32>} : memref<4096xf32, #tpu.memory_space<vmem>>, vector<16xf32>,
      tpu.vector_store %arg12[%swap3A_619], %gather3A_618 {strides = array<i32>} : memref<4096xf32, #tpu.memory_space<vmem>>, vector<16xf32>,
      %add3A_621 = arith.constant 112 : i32
      %add3A_622 = arith.addi %mul3A_574, %add3A_621 : i32
      %get3A_623 = arith.index_cast %add3A_622 : i32 to index
      %get3A_624 = tpu.vector_load %arg10[%get3A_623] {strides = array<i32>} : memref<4096xi32, #tpu.memory_space<vmem>>, vector<16xi32>,
      %gather3A_625 = tpu.vector_load_idx %arg8[%get3A_624] : memref<108288xf32, #tpu.memory_space<vmem>>[vector<16xi32>], vector<16xf32>,
      %swap3A_626 = arith.index_cast %add3A_622 : i32 to index
      %swap3A_627 = tpu.vector_load %arg12[%swap3A_626] {strides = array<i32>} : memref<4096xf32, #tpu.memory_space<vmem>>, vector<16xf32>,
      tpu.vector_store %arg12[%swap3A_626], %gather3A_625 {strides = array<i32>} : memref<4096xf32, #tpu.memory_space<vmem>>, vector<16xf32>,
    }
    %scan3A_223 = arith.constant 32 : i32
    %scan3A_224 = arith.constant 0 : i32
    %scan3A_225 = arith.constant 0 : i32
    %scan3A_226 = arith.constant 8 : i32
    %scan3A_227 = arith.addi %scan3A_225, %scan3A_226 : i32
    %scan3A_228 = arith.constant 1 : i32
    scf.for %scan3A_572 = %scan3A_225 to %scan3A_227 step %scan3A_228  : i32 {
      %mul3A_573 = arith.constant 512 : i32
      %mul3A_574 = arith.muli %scan3A_572, %mul3A_573 : i32
      %add3A_575 = arith.constant 0 : i32
      %add3A_576 = arith.addi %mul3A_574, %add3A_575 : i32
      %add3A_577 = arith.constant 12288 : i32
      %add3A_578 = arith.addi %add3A_577, %mul3A_574 : i32
      %add3A_579 = arith.constant 0 : i32
      %add3A_580 = arith.addi %add3A_578, %add3A_579 : i32
      %dma_start3A_581 = tpu.memref_slice %arg12[%add3A_576] : memref<4096xf32, #tpu.memory_space<vmem>> -> memref<128xf32, #tpu.memory_space<vmem>>
      %dma_start3A_582 = tpu.memref_slice %arg7[%add3A_13, %add3A_580] : memref<64x24576xf32, #tpu.memory_space<hbm>> -> memref<1x128xf32, #tpu.memory_space<hbm>>
      %dma_start3A_583 = tpu.memref_squeeze %dma_start3A_582 : memref<1x128xf32, #tpu.memory_space<hbm>> -> memref<128xf32, #tpu.memory_space<hbm>>
      %dma_start3A_584 = tpu.memref_slice %arg7[%add3A_13, %add3A_580] : memref<64x24576xf32, #tpu.memory_space<hbm>> -> memref<1x128xf32, #tpu.memory_space<hbm>>
      %dma_start3A_585 = tpu.memref_squeeze %dma_start3A_584 : memref<1x128xf32, #tpu.memory_space<hbm>> -> memref<128xf32, #tpu.memory_space<hbm>>
      %dma_start3A_586 = tpu.memref_slice %arg12[%add3A_576] : memref<4096xf32, #tpu.memory_space<vmem>> -> memref<128xf32, #tpu.memory_space<vmem>>
      tpu.enqueue_dma source(%dma_start3A_586 : memref<128xf32, #tpu.memory_space<vmem>>) target(%dma_start3A_585 : memref<128xf32, #tpu.memory_space<hbm>>) target_semaphore(%arg16 : memref<!tpu.dma_semaphore, #tpu.memory_space<semaphore_mem>>)
      %add3A_587 = arith.constant 128 : i32
      %add3A_588 = arith.addi %mul3A_574, %add3A_587 : i32
      %add3A_589 = arith.constant 12288 : i32
      %add3A_590 = arith.addi %add3A_589, %mul3A_574 : i32
      %add3A_591 = arith.constant 128 : i32
      %add3A_592 = arith.addi %add3A_590, %add3A_591 : i32
      %dma_start3A_593 = tpu.memref_slice %arg12[%add3A_588] : memref<4096xf32, #tpu.memory_space<vmem>> -> memref<128xf32, #tpu.memory_space<vmem>>
      %dma_start3A_594 = tpu.memref_slice %arg7[%add3A_13, %add3A_592] : memref<64x24576xf32, #tpu.memory_space<hbm>> -> memref<1x128xf32, #tpu.memory_space<hbm>>
      %dma_start3A_595 = tpu.memref_squeeze %dma_start3A_594 : memref<1x128xf32, #tpu.memory_space<hbm>> -> memref<128xf32, #tpu.memory_space<hbm>>
      %dma_start3A_596 = tpu.memref_slice %arg7[%add3A_13, %add3A_592] : memref<64x24576xf32, #tpu.memory_space<hbm>> -> memref<1x128xf32, #tpu.memory_space<hbm>>
      %dma_start3A_597 = tpu.memref_squeeze %dma_start3A_596 : memref<1x128xf32, #tpu.memory_space<hbm>> -> memref<128xf32, #tpu.memory_space<hbm>>
      %dma_start3A_598 = tpu.memref_slice %arg12[%add3A_588] : memref<4096xf32, #tpu.memory_space<vmem>> -> memref<128xf32, #tpu.memory_space<vmem>>
      tpu.enqueue_dma source(%dma_start3A_598 : memref<128xf32, #tpu.memory_space<vmem>>) target(%dma_start3A_597 : memref<128xf32, #tpu.memory_space<hbm>>) target_semaphore(%arg16 : memref<!tpu.dma_semaphore, #tpu.memory_space<semaphore_mem>>)
      %add3A_599 = arith.constant 256 : i32
      %add3A_600 = arith.addi %mul3A_574, %add3A_599 : i32
      %add3A_601 = arith.constant 12288 : i32
      %add3A_602 = arith.addi %add3A_601, %mul3A_574 : i32
      %add3A_603 = arith.constant 256 : i32
      %add3A_604 = arith.addi %add3A_602, %add3A_603 : i32
      %dma_start3A_605 = tpu.memref_slice %arg12[%add3A_600] : memref<4096xf32, #tpu.memory_space<vmem>> -> memref<128xf32, #tpu.memory_space<vmem>>
      %dma_start3A_606 = tpu.memref_slice %arg7[%add3A_13, %add3A_604] : memref<64x24576xf32, #tpu.memory_space<hbm>> -> memref<1x128xf32, #tpu.memory_space<hbm>>
      %dma_start3A_607 = tpu.memref_squeeze %dma_start3A_606 : memref<1x128xf32, #tpu.memory_space<hbm>> -> memref<128xf32, #tpu.memory_space<hbm>>
      %dma_start3A_608 = tpu.memref_slice %arg7[%add3A_13, %add3A_604] : memref<64x24576xf32, #tpu.memory_space<hbm>> -> memref<1x128xf32, #tpu.memory_space<hbm>>
      %dma_start3A_609 = tpu.memref_squeeze %dma_start3A_608 : memref<1x128xf32, #tpu.memory_space<hbm>> -> memref<128xf32, #tpu.memory_space<hbm>>
      %dma_start3A_610 = tpu.memref_slice %arg12[%add3A_600] : memref<4096xf32, #tpu.memory_space<vmem>> -> memref<128xf32, #tpu.memory_space<vmem>>
      tpu.enqueue_dma source(%dma_start3A_610 : memref<128xf32, #tpu.memory_space<vmem>>) target(%dma_start3A_609 : memref<128xf32, #tpu.memory_space<hbm>>) target_semaphore(%arg16 : memref<!tpu.dma_semaphore, #tpu.memory_space<semaphore_mem>>)
      %add3A_611 = arith.constant 384 : i32
      %add3A_612 = arith.addi %mul3A_574, %add3A_611 : i32
      %add3A_613 = arith.constant 12288 : i32
      %add3A_614 = arith.addi %add3A_613, %mul3A_574 : i32
      %add3A_615 = arith.constant 384 : i32
      %add3A_616 = arith.addi %add3A_614, %add3A_615 : i32
      %dma_start3A_617 = tpu.memref_slice %arg12[%add3A_612] : memref<4096xf32, #tpu.memory_space<vmem>> -> memref<128xf32, #tpu.memory_space<vmem>>
      %dma_start3A_618 = tpu.memref_slice %arg7[%add3A_13, %add3A_616] : memref<64x24576xf32, #tpu.memory_space<hbm>> -> memref<1x128xf32, #tpu.memory_space<hbm>>
      %dma_start3A_619 = tpu.memref_squeeze %dma_start3A_618 : memref<1x128xf32, #tpu.memory_space<hbm>> -> memref<128xf32, #tpu.memory_space<hbm>>
      %dma_start3A_620 = tpu.memref_slice %arg7[%add3A_13, %add3A_616] : memref<64x24576xf32, #tpu.memory_space<hbm>> -> memref<1x128xf32, #tpu.memory_space<hbm>>
      %dma_start3A_621 = tpu.memref_squeeze %dma_start3A_620 : memref<1x128xf32, #tpu.memory_space<hbm>> -> memref<128xf32, #tpu.memory_space<hbm>>
      %dma_start3A_622 = tpu.memref_slice %arg12[%add3A_612] : memref<4096xf32, #tpu.memory_space<vmem>> -> memref<128xf32, #tpu.memory_space<vmem>>
      tpu.enqueue_dma source(%dma_start3A_622 : memref<128xf32, #tpu.memory_space<vmem>>) target(%dma_start3A_621 : memref<128xf32, #tpu.memory_space<hbm>>) target_semaphore(%arg16 : memref<!tpu.dma_semaphore, #tpu.memory_space<semaphore_mem>>)
    }
    %scan3A_229 = arith.constant 8 : i32
    %dma_wait3A_230 = arith.constant 0 : i32
    %dma_wait3A_231 = tpu.memref_slice %arg13[%dma_wait3A_230] : memref<24576xi32, #tpu.memory_space<vmem_shared>> -> memref<4096xi32, #tpu.memory_space<vmem_shared>>
    %dma_wait3A_232 = arith.constant 0 : i32
    %dma_wait3A_233 = tpu.memref_slice %arg13[%dma_wait3A_232] : memref<24576xi32, #tpu.memory_space<vmem_shared>> -> memref<4096xi32, #tpu.memory_space<vmem_shared>>
    tpu.wait_dma2 semaphore(%arg15 : memref<!tpu.dma_semaphore, #tpu.memory_space<semaphore_mem>>) src(%dma_wait3A_233 : memref<4096xi32, #tpu.memory_space<vmem_shared>>) dst(%arg9 : memref<4096xi32, #tpu.memory_space<vmem>>)
    %dma_start3A_234 = arith.constant 20480 : i32
    %dma_start3A_235 = tpu.memref_slice %arg13[%dma_start3A_234] : memref<24576xi32, #tpu.memory_space<vmem_shared>> -> memref<4096xi32, #tpu.memory_space<vmem_shared>>
    %dma_start3A_236 = arith.constant 20480 : i32
    %dma_start3A_237 = tpu.memref_slice %arg13[%dma_start3A_236] : memref<24576xi32, #tpu.memory_space<vmem_shared>> -> memref<4096xi32, #tpu.memory_space<vmem_shared>>
    tpu.enqueue_dma source(%dma_start3A_237 : memref<4096xi32, #tpu.memory_space<vmem_shared>>) target(%arg10 : memref<4096xi32, #tpu.memory_space<vmem>>) target_semaphore(%arg15 : memref<!tpu.dma_semaphore, #tpu.memory_space<semaphore_mem>>)
    %dma_wait3A_238 = arith.constant 0 : i32
    %dma_wait3A_239 = tpu.memref_slice %arg7[%add3A_13, %dma_wait3A_238] : memref<64x24576xf32, #tpu.memory_space<hbm>> -> memref<1x4096xf32, #tpu.memory_space<hbm>>
    %dma_wait3A_240 = tpu.memref_squeeze %dma_wait3A_239 : memref<1x4096xf32, #tpu.memory_space<hbm>> -> memref<4096xf32, #tpu.memory_space<hbm>>
    %dma_wait3A_241 = arith.constant 0 : i32
    %dma_wait3A_242 = tpu.memref_slice %arg7[%add3A_13, %dma_wait3A_241] : memref<64x24576xf32, #tpu.memory_space<hbm>> -> memref<1x4096xf32, #tpu.memory_space<hbm>>
    %dma_wait3A_243 = tpu.memref_squeeze %dma_wait3A_242 : memref<1x4096xf32, #tpu.memory_space<hbm>> -> memref<4096xf32, #tpu.memory_space<hbm>>
    tpu.wait_dma2 semaphore(%arg16 : memref<!tpu.dma_semaphore, #tpu.memory_space<semaphore_mem>>) src(%arg11 : memref<4096xf32, #tpu.memory_space<vmem>>) dst(%dma_wait3A_243 : memref<4096xf32, #tpu.memory_space<hbm>>)
    %scan3A_244 = arith.constant 0 : i32
    %scan3A_245 = arith.constant 0 : i32
    %scan3A_246 = arith.constant 32 : i32
    %scan3A_247 = arith.addi %scan3A_245, %scan3A_246 : i32
    %scan3A_248 = arith.constant 1 : i32
    scf.for %scan3A_572 = %scan3A_245 to %scan3A_247 step %scan3A_248  : i32 {
      %mul3A_573 = arith.constant 128 : i32
      %mul3A_574 = arith.muli %scan3A_572, %mul3A_573 : i32
      %add3A_575 = arith.constant 0 : i32
      %add3A_576 = arith.addi %mul3A_574, %add3A_575 : i32
      %get3A = arith.index_cast %add3A_576 : i32 to index
      %get3A_577 = tpu.vector_load %arg9[%get3A] {strides = array<i32>} : memref<4096xi32, #tpu.memory_space<vmem>>, vector<16xi32>,
      %gather3A = tpu.vector_load_idx %arg8[%get3A_577] : memref<108288xf32, #tpu.memory_space<vmem>>[vector<16xi32>], vector<16xf32>,
      %swap3A = arith.index_cast %add3A_576 : i32 to index
      %swap3A_578 = tpu.vector_load %arg11[%swap3A] {strides = array<i32>} : memref<4096xf32, #tpu.memory_space<vmem>>, vector<16xf32>,
      tpu.vector_store %arg11[%swap3A], %gather3A {strides = array<i32>} : memref<4096xf32, #tpu.memory_space<vmem>>, vector<16xf32>,
      %add3A_579 = arith.constant 16 : i32
      %add3A_580 = arith.addi %mul3A_574, %add3A_579 : i32
      %get3A_581 = arith.index_cast %add3A_580 : i32 to index
      %get3A_582 = tpu.vector_load %arg9[%get3A_581] {strides = array<i32>} : memref<4096xi32, #tpu.memory_space<vmem>>, vector<16xi32>,
      %gather3A_583 = tpu.vector_load_idx %arg8[%get3A_582] : memref<108288xf32, #tpu.memory_space<vmem>>[vector<16xi32>], vector<16xf32>,
      %swap3A_584 = arith.index_cast %add3A_580 : i32 to index
      %swap3A_585 = tpu.vector_load %arg11[%swap3A_584] {strides = array<i32>} : memref<4096xf32, #tpu.memory_space<vmem>>, vector<16xf32>,
      tpu.vector_store %arg11[%swap3A_584], %gather3A_583 {strides = array<i32>} : memref<4096xf32, #tpu.memory_space<vmem>>, vector<16xf32>,
      %add3A_586 = arith.constant 32 : i32
      %add3A_587 = arith.addi %mul3A_574, %add3A_586 : i32
      %get3A_588 = arith.index_cast %add3A_587 : i32 to index
      %get3A_589 = tpu.vector_load %arg9[%get3A_588] {strides = array<i32>} : memref<4096xi32, #tpu.memory_space<vmem>>, vector<16xi32>,
      %gather3A_590 = tpu.vector_load_idx %arg8[%get3A_589] : memref<108288xf32, #tpu.memory_space<vmem>>[vector<16xi32>], vector<16xf32>,
      %swap3A_591 = arith.index_cast %add3A_587 : i32 to index
      %swap3A_592 = tpu.vector_load %arg11[%swap3A_591] {strides = array<i32>} : memref<4096xf32, #tpu.memory_space<vmem>>, vector<16xf32>,
      tpu.vector_store %arg11[%swap3A_591], %gather3A_590 {strides = array<i32>} : memref<4096xf32, #tpu.memory_space<vmem>>, vector<16xf32>,
      %add3A_593 = arith.constant 48 : i32
      %add3A_594 = arith.addi %mul3A_574, %add3A_593 : i32
      %get3A_595 = arith.index_cast %add3A_594 : i32 to index
      %get3A_596 = tpu.vector_load %arg9[%get3A_595] {strides = array<i32>} : memref<4096xi32, #tpu.memory_space<vmem>>, vector<16xi32>,
      %gather3A_597 = tpu.vector_load_idx %arg8[%get3A_596] : memref<108288xf32, #tpu.memory_space<vmem>>[vector<16xi32>], vector<16xf32>,
      %swap3A_598 = arith.index_cast %add3A_594 : i32 to index
      %swap3A_599 = tpu.vector_load %arg11[%swap3A_598] {strides = array<i32>} : memref<4096xf32, #tpu.memory_space<vmem>>, vector<16xf32>,
      tpu.vector_store %arg11[%swap3A_598], %gather3A_597 {strides = array<i32>} : memref<4096xf32, #tpu.memory_space<vmem>>, vector<16xf32>,
      %add3A_600 = arith.constant 64 : i32
      %add3A_601 = arith.addi %mul3A_574, %add3A_600 : i32
      %get3A_602 = arith.index_cast %add3A_601 : i32 to index
      %get3A_603 = tpu.vector_load %arg9[%get3A_602] {strides = array<i32>} : memref<4096xi32, #tpu.memory_space<vmem>>, vector<16xi32>,
      %gather3A_604 = tpu.vector_load_idx %arg8[%get3A_603] : memref<108288xf32, #tpu.memory_space<vmem>>[vector<16xi32>], vector<16xf32>,
      %swap3A_605 = arith.index_cast %add3A_601 : i32 to index
      %swap3A_606 = tpu.vector_load %arg11[%swap3A_605] {strides = array<i32>} : memref<4096xf32, #tpu.memory_space<vmem>>, vector<16xf32>,
      tpu.vector_store %arg11[%swap3A_605], %gather3A_604 {strides = array<i32>} : memref<4096xf32, #tpu.memory_space<vmem>>, vector<16xf32>,
      %add3A_607 = arith.constant 80 : i32
      %add3A_608 = arith.addi %mul3A_574, %add3A_607 : i32
      %get3A_609 = arith.index_cast %add3A_608 : i32 to index
      %get3A_610 = tpu.vector_load %arg9[%get3A_609] {strides = array<i32>} : memref<4096xi32, #tpu.memory_space<vmem>>, vector<16xi32>,
      %gather3A_611 = tpu.vector_load_idx %arg8[%get3A_610] : memref<108288xf32, #tpu.memory_space<vmem>>[vector<16xi32>], vector<16xf32>,
      %swap3A_612 = arith.index_cast %add3A_608 : i32 to index
      %swap3A_613 = tpu.vector_load %arg11[%swap3A_612] {strides = array<i32>} : memref<4096xf32, #tpu.memory_space<vmem>>, vector<16xf32>,
      tpu.vector_store %arg11[%swap3A_612], %gather3A_611 {strides = array<i32>} : memref<4096xf32, #tpu.memory_space<vmem>>, vector<16xf32>,
      %add3A_614 = arith.constant 96 : i32
      %add3A_615 = arith.addi %mul3A_574, %add3A_614 : i32
      %get3A_616 = arith.index_cast %add3A_615 : i32 to index
      %get3A_617 = tpu.vector_load %arg9[%get3A_616] {strides = array<i32>} : memref<4096xi32, #tpu.memory_space<vmem>>, vector<16xi32>,
      %gather3A_618 = tpu.vector_load_idx %arg8[%get3A_617] : memref<108288xf32, #tpu.memory_space<vmem>>[vector<16xi32>], vector<16xf32>,
      %swap3A_619 = arith.index_cast %add3A_615 : i32 to index
      %swap3A_620 = tpu.vector_load %arg11[%swap3A_619] {strides = array<i32>} : memref<4096xf32, #tpu.memory_space<vmem>>, vector<16xf32>,
      tpu.vector_store %arg11[%swap3A_619], %gather3A_618 {strides = array<i32>} : memref<4096xf32, #tpu.memory_space<vmem>>, vector<16xf32>,
      %add3A_621 = arith.constant 112 : i32
      %add3A_622 = arith.addi %mul3A_574, %add3A_621 : i32
      %get3A_623 = arith.index_cast %add3A_622 : i32 to index
      %get3A_624 = tpu.vector_load %arg9[%get3A_623] {strides = array<i32>} : memref<4096xi32, #tpu.memory_space<vmem>>, vector<16xi32>,
      %gather3A_625 = tpu.vector_load_idx %arg8[%get3A_624] : memref<108288xf32, #tpu.memory_space<vmem>>[vector<16xi32>], vector<16xf32>,
      %swap3A_626 = arith.index_cast %add3A_622 : i32 to index
      %swap3A_627 = tpu.vector_load %arg11[%swap3A_626] {strides = array<i32>} : memref<4096xf32, #tpu.memory_space<vmem>>, vector<16xf32>,
      tpu.vector_store %arg11[%swap3A_626], %gather3A_625 {strides = array<i32>} : memref<4096xf32, #tpu.memory_space<vmem>>, vector<16xf32>,
    }
    %scan3A_249 = arith.constant 32 : i32
    %scan3A_250 = arith.constant 0 : i32
    %scan3A_251 = arith.constant 0 : i32
    %scan3A_252 = arith.constant 8 : i32
    %scan3A_253 = arith.addi %scan3A_251, %scan3A_252 : i32
    %scan3A_254 = arith.constant 1 : i32
    scf.for %scan3A_572 = %scan3A_251 to %scan3A_253 step %scan3A_254  : i32 {
      %mul3A_573 = arith.constant 512 : i32
      %mul3A_574 = arith.muli %scan3A_572, %mul3A_573 : i32
      %add3A_575 = arith.constant 0 : i32
      %add3A_576 = arith.addi %mul3A_574, %add3A_575 : i32
      %add3A_577 = arith.constant 16384 : i32
      %add3A_578 = arith.addi %add3A_577, %mul3A_574 : i32
      %add3A_579 = arith.constant 0 : i32
      %add3A_580 = arith.addi %add3A_578, %add3A_579 : i32
      %dma_start3A_581 = tpu.memref_slice %arg11[%add3A_576] : memref<4096xf32, #tpu.memory_space<vmem>> -> memref<128xf32, #tpu.memory_space<vmem>>
      %dma_start3A_582 = tpu.memref_slice %arg7[%add3A_13, %add3A_580] : memref<64x24576xf32, #tpu.memory_space<hbm>> -> memref<1x128xf32, #tpu.memory_space<hbm>>
      %dma_start3A_583 = tpu.memref_squeeze %dma_start3A_582 : memref<1x128xf32, #tpu.memory_space<hbm>> -> memref<128xf32, #tpu.memory_space<hbm>>
      %dma_start3A_584 = tpu.memref_slice %arg7[%add3A_13, %add3A_580] : memref<64x24576xf32, #tpu.memory_space<hbm>> -> memref<1x128xf32, #tpu.memory_space<hbm>>
      %dma_start3A_585 = tpu.memref_squeeze %dma_start3A_584 : memref<1x128xf32, #tpu.memory_space<hbm>> -> memref<128xf32, #tpu.memory_space<hbm>>
      %dma_start3A_586 = tpu.memref_slice %arg11[%add3A_576] : memref<4096xf32, #tpu.memory_space<vmem>> -> memref<128xf32, #tpu.memory_space<vmem>>
      tpu.enqueue_dma source(%dma_start3A_586 : memref<128xf32, #tpu.memory_space<vmem>>) target(%dma_start3A_585 : memref<128xf32, #tpu.memory_space<hbm>>) target_semaphore(%arg16 : memref<!tpu.dma_semaphore, #tpu.memory_space<semaphore_mem>>)
      %add3A_587 = arith.constant 128 : i32
      %add3A_588 = arith.addi %mul3A_574, %add3A_587 : i32
      %add3A_589 = arith.constant 16384 : i32
      %add3A_590 = arith.addi %add3A_589, %mul3A_574 : i32
      %add3A_591 = arith.constant 128 : i32
      %add3A_592 = arith.addi %add3A_590, %add3A_591 : i32
      %dma_start3A_593 = tpu.memref_slice %arg11[%add3A_588] : memref<4096xf32, #tpu.memory_space<vmem>> -> memref<128xf32, #tpu.memory_space<vmem>>
      %dma_start3A_594 = tpu.memref_slice %arg7[%add3A_13, %add3A_592] : memref<64x24576xf32, #tpu.memory_space<hbm>> -> memref<1x128xf32, #tpu.memory_space<hbm>>
      %dma_start3A_595 = tpu.memref_squeeze %dma_start3A_594 : memref<1x128xf32, #tpu.memory_space<hbm>> -> memref<128xf32, #tpu.memory_space<hbm>>
      %dma_start3A_596 = tpu.memref_slice %arg7[%add3A_13, %add3A_592] : memref<64x24576xf32, #tpu.memory_space<hbm>> -> memref<1x128xf32, #tpu.memory_space<hbm>>
      %dma_start3A_597 = tpu.memref_squeeze %dma_start3A_596 : memref<1x128xf32, #tpu.memory_space<hbm>> -> memref<128xf32, #tpu.memory_space<hbm>>
      %dma_start3A_598 = tpu.memref_slice %arg11[%add3A_588] : memref<4096xf32, #tpu.memory_space<vmem>> -> memref<128xf32, #tpu.memory_space<vmem>>
      tpu.enqueue_dma source(%dma_start3A_598 : memref<128xf32, #tpu.memory_space<vmem>>) target(%dma_start3A_597 : memref<128xf32, #tpu.memory_space<hbm>>) target_semaphore(%arg16 : memref<!tpu.dma_semaphore, #tpu.memory_space<semaphore_mem>>)
      %add3A_599 = arith.constant 256 : i32
      %add3A_600 = arith.addi %mul3A_574, %add3A_599 : i32
      %add3A_601 = arith.constant 16384 : i32
      %add3A_602 = arith.addi %add3A_601, %mul3A_574 : i32
      %add3A_603 = arith.constant 256 : i32
      %add3A_604 = arith.addi %add3A_602, %add3A_603 : i32
      %dma_start3A_605 = tpu.memref_slice %arg11[%add3A_600] : memref<4096xf32, #tpu.memory_space<vmem>> -> memref<128xf32, #tpu.memory_space<vmem>>
      %dma_start3A_606 = tpu.memref_slice %arg7[%add3A_13, %add3A_604] : memref<64x24576xf32, #tpu.memory_space<hbm>> -> memref<1x128xf32, #tpu.memory_space<hbm>>
      %dma_start3A_607 = tpu.memref_squeeze %dma_start3A_606 : memref<1x128xf32, #tpu.memory_space<hbm>> -> memref<128xf32, #tpu.memory_space<hbm>>
      %dma_start3A_608 = tpu.memref_slice %arg7[%add3A_13, %add3A_604] : memref<64x24576xf32, #tpu.memory_space<hbm>> -> memref<1x128xf32, #tpu.memory_space<hbm>>
      %dma_start3A_609 = tpu.memref_squeeze %dma_start3A_608 : memref<1x128xf32, #tpu.memory_space<hbm>> -> memref<128xf32, #tpu.memory_space<hbm>>
      %dma_start3A_610 = tpu.memref_slice %arg11[%add3A_600] : memref<4096xf32, #tpu.memory_space<vmem>> -> memref<128xf32, #tpu.memory_space<vmem>>
      tpu.enqueue_dma source(%dma_start3A_610 : memref<128xf32, #tpu.memory_space<vmem>>) target(%dma_start3A_609 : memref<128xf32, #tpu.memory_space<hbm>>) target_semaphore(%arg16 : memref<!tpu.dma_semaphore, #tpu.memory_space<semaphore_mem>>)
      %add3A_611 = arith.constant 384 : i32
      %add3A_612 = arith.addi %mul3A_574, %add3A_611 : i32
      %add3A_613 = arith.constant 16384 : i32
      %add3A_614 = arith.addi %add3A_613, %mul3A_574 : i32
      %add3A_615 = arith.constant 384 : i32
      %add3A_616 = arith.addi %add3A_614, %add3A_615 : i32
      %dma_start3A_617 = tpu.memref_slice %arg11[%add3A_612] : memref<4096xf32, #tpu.memory_space<vmem>> -> memref<128xf32, #tpu.memory_space<vmem>>
      %dma_start3A_618 = tpu.memref_slice %arg7[%add3A_13, %add3A_616] : memref<64x24576xf32, #tpu.memory_space<hbm>> -> memref<1x128xf32, #tpu.memory_space<hbm>>
      %dma_start3A_619 = tpu.memref_squeeze %dma_start3A_618 : memref<1x128xf32, #tpu.memory_space<hbm>> -> memref<128xf32, #tpu.memory_space<hbm>>
      %dma_start3A_620 = tpu.memref_slice %arg7[%add3A_13, %add3A_616] : memref<64x24576xf32, #tpu.memory_space<hbm>> -> memref<1x128xf32, #tpu.memory_space<hbm>>
      %dma_start3A_621 = tpu.memref_squeeze %dma_start3A_620 : memref<1x128xf32, #tpu.memory_space<hbm>> -> memref<128xf32, #tpu.memory_space<hbm>>
      %dma_start3A_622 = tpu.memref_slice %arg11[%add3A_612] : memref<4096xf32, #tpu.memory_space<vmem>> -> memref<128xf32, #tpu.memory_space<vmem>>
      tpu.enqueue_dma source(%dma_start3A_622 : memref<128xf32, #tpu.memory_space<vmem>>) target(%dma_start3A_621 : memref<128xf32, #tpu.memory_space<hbm>>) target_semaphore(%arg16 : memref<!tpu.dma_semaphore, #tpu.memory_space<semaphore_mem>>)
    }
    %scan3A_255 = arith.constant 8 : i32
    %dma_wait3A_256 = arith.constant 0 : i32
    %dma_wait3A_257 = tpu.memref_slice %arg13[%dma_wait3A_256] : memref<24576xi32, #tpu.memory_space<vmem_shared>> -> memref<4096xi32, #tpu.memory_space<vmem_shared>>
    %dma_wait3A_258 = arith.constant 0 : i32
    %dma_wait3A_259 = tpu.memref_slice %arg13[%dma_wait3A_258] : memref<24576xi32, #tpu.memory_space<vmem_shared>> -> memref<4096xi32, #tpu.memory_space<vmem_shared>>
    tpu.wait_dma2 semaphore(%arg15 : memref<!tpu.dma_semaphore, #tpu.memory_space<semaphore_mem>>) src(%dma_wait3A_259 : memref<4096xi32, #tpu.memory_space<vmem_shared>>) dst(%arg10 : memref<4096xi32, #tpu.memory_space<vmem>>)
    %dma_wait3A_260 = arith.constant 0 : i32
    %dma_wait3A_261 = tpu.memref_slice %arg7[%add3A_13, %dma_wait3A_260] : memref<64x24576xf32, #tpu.memory_space<hbm>> -> memref<1x4096xf32, #tpu.memory_space<hbm>>
    %dma_wait3A_262 = tpu.memref_squeeze %dma_wait3A_261 : memref<1x4096xf32, #tpu.memory_space<hbm>> -> memref<4096xf32, #tpu.memory_space<hbm>>
    %dma_wait3A_263 = arith.constant 0 : i32
    %dma_wait3A_264 = tpu.memref_slice %arg7[%add3A_13, %dma_wait3A_263] : memref<64x24576xf32, #tpu.memory_space<hbm>> -> memref<1x4096xf32, #tpu.memory_space<hbm>>
    %dma_wait3A_265 = tpu.memref_squeeze %dma_wait3A_264 : memref<1x4096xf32, #tpu.memory_space<hbm>> -> memref<4096xf32, #tpu.memory_space<hbm>>
    tpu.wait_dma2 semaphore(%arg16 : memref<!tpu.dma_semaphore, #tpu.memory_space<semaphore_mem>>) src(%arg12 : memref<4096xf32, #tpu.memory_space<vmem>>) dst(%dma_wait3A_265 : memref<4096xf32, #tpu.memory_space<hbm>>)
    %scan3A_266 = arith.constant 0 : i32
    %scan3A_267 = arith.constant 0 : i32
    %scan3A_268 = arith.constant 32 : i32
    %scan3A_269 = arith.addi %scan3A_267, %scan3A_268 : i32
    %scan3A_270 = arith.constant 1 : i32
    scf.for %scan3A_572 = %scan3A_267 to %scan3A_269 step %scan3A_270  : i32 {
      %mul3A_573 = arith.constant 128 : i32
      %mul3A_574 = arith.muli %scan3A_572, %mul3A_573 : i32
      %add3A_575 = arith.constant 0 : i32
      %add3A_576 = arith.addi %mul3A_574, %add3A_575 : i32
      %get3A = arith.index_cast %add3A_576 : i32 to index
      %get3A_577 = tpu.vector_load %arg10[%get3A] {strides = array<i32>} : memref<4096xi32, #tpu.memory_space<vmem>>, vector<16xi32>,
      %gather3A = tpu.vector_load_idx %arg8[%get3A_577] : memref<108288xf32, #tpu.memory_space<vmem>>[vector<16xi32>], vector<16xf32>,
      %swap3A = arith.index_cast %add3A_576 : i32 to index
      %swap3A_578 = tpu.vector_load %arg12[%swap3A] {strides = array<i32>} : memref<4096xf32, #tpu.memory_space<vmem>>, vector<16xf32>,
      tpu.vector_store %arg12[%swap3A], %gather3A {strides = array<i32>} : memref<4096xf32, #tpu.memory_space<vmem>>, vector<16xf32>,
      %add3A_579 = arith.constant 16 : i32
      %add3A_580 = arith.addi %mul3A_574, %add3A_579 : i32
      %get3A_581 = arith.index_cast %add3A_580 : i32 to index
      %get3A_582 = tpu.vector_load %arg10[%get3A_581] {strides = array<i32>} : memref<4096xi32, #tpu.memory_space<vmem>>, vector<16xi32>,
      %gather3A_583 = tpu.vector_load_idx %arg8[%get3A_582] : memref<108288xf32, #tpu.memory_space<vmem>>[vector<16xi32>], vector<16xf32>,
      %swap3A_584 = arith.index_cast %add3A_580 : i32 to index
      %swap3A_585 = tpu.vector_load %arg12[%swap3A_584] {strides = array<i32>} : memref<4096xf32, #tpu.memory_space<vmem>>, vector<16xf32>,
      tpu.vector_store %arg12[%swap3A_584], %gather3A_583 {strides = array<i32>} : memref<4096xf32, #tpu.memory_space<vmem>>, vector<16xf32>,
      %add3A_586 = arith.constant 32 : i32
      %add3A_587 = arith.addi %mul3A_574, %add3A_586 : i32
      %get3A_588 = arith.index_cast %add3A_587 : i32 to index
      %get3A_589 = tpu.vector_load %arg10[%get3A_588] {strides = array<i32>} : memref<4096xi32, #tpu.memory_space<vmem>>, vector<16xi32>,
      %gather3A_590 = tpu.vector_load_idx %arg8[%get3A_589] : memref<108288xf32, #tpu.memory_space<vmem>>[vector<16xi32>], vector<16xf32>,
      %swap3A_591 = arith.index_cast %add3A_587 : i32 to index
      %swap3A_592 = tpu.vector_load %arg12[%swap3A_591] {strides = array<i32>} : memref<4096xf32, #tpu.memory_space<vmem>>, vector<16xf32>,
      tpu.vector_store %arg12[%swap3A_591], %gather3A_590 {strides = array<i32>} : memref<4096xf32, #tpu.memory_space<vmem>>, vector<16xf32>,
      %add3A_593 = arith.constant 48 : i32
      %add3A_594 = arith.addi %mul3A_574, %add3A_593 : i32
      %get3A_595 = arith.index_cast %add3A_594 : i32 to index
      %get3A_596 = tpu.vector_load %arg10[%get3A_595] {strides = array<i32>} : memref<4096xi32, #tpu.memory_space<vmem>>, vector<16xi32>,
      %gather3A_597 = tpu.vector_load_idx %arg8[%get3A_596] : memref<108288xf32, #tpu.memory_space<vmem>>[vector<16xi32>], vector<16xf32>,
      %swap3A_598 = arith.index_cast %add3A_594 : i32 to index
      %swap3A_599 = tpu.vector_load %arg12[%swap3A_598] {strides = array<i32>} : memref<4096xf32, #tpu.memory_space<vmem>>, vector<16xf32>,
      tpu.vector_store %arg12[%swap3A_598], %gather3A_597 {strides = array<i32>} : memref<4096xf32, #tpu.memory_space<vmem>>, vector<16xf32>,
      %add3A_600 = arith.constant 64 : i32
      %add3A_601 = arith.addi %mul3A_574, %add3A_600 : i32
      %get3A_602 = arith.index_cast %add3A_601 : i32 to index
      %get3A_603 = tpu.vector_load %arg10[%get3A_602] {strides = array<i32>} : memref<4096xi32, #tpu.memory_space<vmem>>, vector<16xi32>,
      %gather3A_604 = tpu.vector_load_idx %arg8[%get3A_603] : memref<108288xf32, #tpu.memory_space<vmem>>[vector<16xi32>], vector<16xf32>,
      %swap3A_605 = arith.index_cast %add3A_601 : i32 to index
      %swap3A_606 = tpu.vector_load %arg12[%swap3A_605] {strides = array<i32>} : memref<4096xf32, #tpu.memory_space<vmem>>, vector<16xf32>,
      tpu.vector_store %arg12[%swap3A_605], %gather3A_604 {strides = array<i32>} : memref<4096xf32, #tpu.memory_space<vmem>>, vector<16xf32>,
      %add3A_607 = arith.constant 80 : i32
      %add3A_608 = arith.addi %mul3A_574, %add3A_607 : i32
      %get3A_609 = arith.index_cast %add3A_608 : i32 to index
      %get3A_610 = tpu.vector_load %arg10[%get3A_609] {strides = array<i32>} : memref<4096xi32, #tpu.memory_space<vmem>>, vector<16xi32>,
      %gather3A_611 = tpu.vector_load_idx %arg8[%get3A_610] : memref<108288xf32, #tpu.memory_space<vmem>>[vector<16xi32>], vector<16xf32>,
      %swap3A_612 = arith.index_cast %add3A_608 : i32 to index
      %swap3A_613 = tpu.vector_load %arg12[%swap3A_612] {strides = array<i32>} : memref<4096xf32, #tpu.memory_space<vmem>>, vector<16xf32>,
      tpu.vector_store %arg12[%swap3A_612], %gather3A_611 {strides = array<i32>} : memref<4096xf32, #tpu.memory_space<vmem>>, vector<16xf32>,
      %add3A_614 = arith.constant 96 : i32
      %add3A_615 = arith.addi %mul3A_574, %add3A_614 : i32
      %get3A_616 = arith.index_cast %add3A_615 : i32 to index
      %get3A_617 = tpu.vector_load %arg10[%get3A_616] {strides = array<i32>} : memref<4096xi32, #tpu.memory_space<vmem>>, vector<16xi32>,
      %gather3A_618 = tpu.vector_load_idx %arg8[%get3A_617] : memref<108288xf32, #tpu.memory_space<vmem>>[vector<16xi32>], vector<16xf32>,
      %swap3A_619 = arith.index_cast %add3A_615 : i32 to index
      %swap3A_620 = tpu.vector_load %arg12[%swap3A_619] {strides = array<i32>} : memref<4096xf32, #tpu.memory_space<vmem>>, vector<16xf32>,
      tpu.vector_store %arg12[%swap3A_619], %gather3A_618 {strides = array<i32>} : memref<4096xf32, #tpu.memory_space<vmem>>, vector<16xf32>,
      %add3A_621 = arith.constant 112 : i32
      %add3A_622 = arith.addi %mul3A_574, %add3A_621 : i32
      %get3A_623 = arith.index_cast %add3A_622 : i32 to index
      %get3A_624 = tpu.vector_load %arg10[%get3A_623] {strides = array<i32>} : memref<4096xi32, #tpu.memory_space<vmem>>, vector<16xi32>,
      %gather3A_625 = tpu.vector_load_idx %arg8[%get3A_624] : memref<108288xf32, #tpu.memory_space<vmem>>[vector<16xi32>], vector<16xf32>,
      %swap3A_626 = arith.index_cast %add3A_622 : i32 to index
      %swap3A_627 = tpu.vector_load %arg12[%swap3A_626] {strides = array<i32>} : memref<4096xf32, #tpu.memory_space<vmem>>, vector<16xf32>,
      tpu.vector_store %arg12[%swap3A_626], %gather3A_625 {strides = array<i32>} : memref<4096xf32, #tpu.memory_space<vmem>>, vector<16xf32>,
    }
    %scan3A_271 = arith.constant 32 : i32
    %scan3A_272 = arith.constant 0 : i32
    %scan3A_273 = arith.constant 0 : i32
    %scan3A_274 = arith.constant 8 : i32
    %scan3A_275 = arith.addi %scan3A_273, %scan3A_274 : i32
    %scan3A_276 = arith.constant 1 : i32
    scf.for %scan3A_572 = %scan3A_273 to %scan3A_275 step %scan3A_276  : i32 {
      %mul3A_573 = arith.constant 512 : i32
      %mul3A_574 = arith.muli %scan3A_572, %mul3A_573 : i32
      %add3A_575 = arith.constant 0 : i32
      %add3A_576 = arith.addi %mul3A_574, %add3A_575 : i32
      %add3A_577 = arith.constant 20480 : i32
      %add3A_578 = arith.addi %add3A_577, %mul3A_574 : i32
      %add3A_579 = arith.constant 0 : i32
      %add3A_580 = arith.addi %add3A_578, %add3A_579 : i32
      %dma_start3A_581 = tpu.memref_slice %arg12[%add3A_576] : memref<4096xf32, #tpu.memory_space<vmem>> -> memref<128xf32, #tpu.memory_space<vmem>>
      %dma_start3A_582 = tpu.memref_slice %arg7[%add3A_13, %add3A_580] : memref<64x24576xf32, #tpu.memory_space<hbm>> -> memref<1x128xf32, #tpu.memory_space<hbm>>
      %dma_start3A_583 = tpu.memref_squeeze %dma_start3A_582 : memref<1x128xf32, #tpu.memory_space<hbm>> -> memref<128xf32, #tpu.memory_space<hbm>>
      %dma_start3A_584 = tpu.memref_slice %arg7[%add3A_13, %add3A_580] : memref<64x24576xf32, #tpu.memory_space<hbm>> -> memref<1x128xf32, #tpu.memory_space<hbm>>
      %dma_start3A_585 = tpu.memref_squeeze %dma_start3A_584 : memref<1x128xf32, #tpu.memory_space<hbm>> -> memref<128xf32, #tpu.memory_space<hbm>>
      %dma_start3A_586 = tpu.memref_slice %arg12[%add3A_576] : memref<4096xf32, #tpu.memory_space<vmem>> -> memref<128xf32, #tpu.memory_space<vmem>>
      tpu.enqueue_dma source(%dma_start3A_586 : memref<128xf32, #tpu.memory_space<vmem>>) target(%dma_start3A_585 : memref<128xf32, #tpu.memory_space<hbm>>) target_semaphore(%arg16 : memref<!tpu.dma_semaphore, #tpu.memory_space<semaphore_mem>>)
      %add3A_587 = arith.constant 128 : i32
      %add3A_588 = arith.addi %mul3A_574, %add3A_587 : i32
      %add3A_589 = arith.constant 20480 : i32
      %add3A_590 = arith.addi %add3A_589, %mul3A_574 : i32
      %add3A_591 = arith.constant 128 : i32
      %add3A_592 = arith.addi %add3A_590, %add3A_591 : i32
      %dma_start3A_593 = tpu.memref_slice %arg12[%add3A_588] : memref<4096xf32, #tpu.memory_space<vmem>> -> memref<128xf32, #tpu.memory_space<vmem>>
      %dma_start3A_594 = tpu.memref_slice %arg7[%add3A_13, %add3A_592] : memref<64x24576xf32, #tpu.memory_space<hbm>> -> memref<1x128xf32, #tpu.memory_space<hbm>>
      %dma_start3A_595 = tpu.memref_squeeze %dma_start3A_594 : memref<1x128xf32, #tpu.memory_space<hbm>> -> memref<128xf32, #tpu.memory_space<hbm>>
      %dma_start3A_596 = tpu.memref_slice %arg7[%add3A_13, %add3A_592] : memref<64x24576xf32, #tpu.memory_space<hbm>> -> memref<1x128xf32, #tpu.memory_space<hbm>>
      %dma_start3A_597 = tpu.memref_squeeze %dma_start3A_596 : memref<1x128xf32, #tpu.memory_space<hbm>> -> memref<128xf32, #tpu.memory_space<hbm>>
      %dma_start3A_598 = tpu.memref_slice %arg12[%add3A_588] : memref<4096xf32, #tpu.memory_space<vmem>> -> memref<128xf32, #tpu.memory_space<vmem>>
      tpu.enqueue_dma source(%dma_start3A_598 : memref<128xf32, #tpu.memory_space<vmem>>) target(%dma_start3A_597 : memref<128xf32, #tpu.memory_space<hbm>>) target_semaphore(%arg16 : memref<!tpu.dma_semaphore, #tpu.memory_space<semaphore_mem>>)
      %add3A_599 = arith.constant 256 : i32
      %add3A_600 = arith.addi %mul3A_574, %add3A_599 : i32
      %add3A_601 = arith.constant 20480 : i32
      %add3A_602 = arith.addi %add3A_601, %mul3A_574 : i32
      %add3A_603 = arith.constant 256 : i32
      %add3A_604 = arith.addi %add3A_602, %add3A_603 : i32
      %dma_start3A_605 = tpu.memref_slice %arg12[%add3A_600] : memref<4096xf32, #tpu.memory_space<vmem>> -> memref<128xf32, #tpu.memory_space<vmem>>
      %dma_start3A_606 = tpu.memref_slice %arg7[%add3A_13, %add3A_604] : memref<64x24576xf32, #tpu.memory_space<hbm>> -> memref<1x128xf32, #tpu.memory_space<hbm>>
      %dma_start3A_607 = tpu.memref_squeeze %dma_start3A_606 : memref<1x128xf32, #tpu.memory_space<hbm>> -> memref<128xf32, #tpu.memory_space<hbm>>
      %dma_start3A_608 = tpu.memref_slice %arg7[%add3A_13, %add3A_604] : memref<64x24576xf32, #tpu.memory_space<hbm>> -> memref<1x128xf32, #tpu.memory_space<hbm>>
      %dma_start3A_609 = tpu.memref_squeeze %dma_start3A_608 : memref<1x128xf32, #tpu.memory_space<hbm>> -> memref<128xf32, #tpu.memory_space<hbm>>
      %dma_start3A_610 = tpu.memref_slice %arg12[%add3A_600] : memref<4096xf32, #tpu.memory_space<vmem>> -> memref<128xf32, #tpu.memory_space<vmem>>
      tpu.enqueue_dma source(%dma_start3A_610 : memref<128xf32, #tpu.memory_space<vmem>>) target(%dma_start3A_609 : memref<128xf32, #tpu.memory_space<hbm>>) target_semaphore(%arg16 : memref<!tpu.dma_semaphore, #tpu.memory_space<semaphore_mem>>)
      %add3A_611 = arith.constant 384 : i32
      %add3A_612 = arith.addi %mul3A_574, %add3A_611 : i32
      %add3A_613 = arith.constant 20480 : i32
      %add3A_614 = arith.addi %add3A_613, %mul3A_574 : i32
      %add3A_615 = arith.constant 384 : i32
      %add3A_616 = arith.addi %add3A_614, %add3A_615 : i32
      %dma_start3A_617 = tpu.memref_slice %arg12[%add3A_612] : memref<4096xf32, #tpu.memory_space<vmem>> -> memref<128xf32, #tpu.memory_space<vmem>>
      %dma_start3A_618 = tpu.memref_slice %arg7[%add3A_13, %add3A_616] : memref<64x24576xf32, #tpu.memory_space<hbm>> -> memref<1x128xf32, #tpu.memory_space<hbm>>
      %dma_start3A_619 = tpu.memref_squeeze %dma_start3A_618 : memref<1x128xf32, #tpu.memory_space<hbm>> -> memref<128xf32, #tpu.memory_space<hbm>>
      %dma_start3A_620 = tpu.memref_slice %arg7[%add3A_13, %add3A_616] : memref<64x24576xf32, #tpu.memory_space<hbm>> -> memref<1x128xf32, #tpu.memory_space<hbm>>
      %dma_start3A_621 = tpu.memref_squeeze %dma_start3A_620 : memref<1x128xf32, #tpu.memory_space<hbm>> -> memref<128xf32, #tpu.memory_space<hbm>>
      %dma_start3A_622 = tpu.memref_slice %arg12[%add3A_612] : memref<4096xf32, #tpu.memory_space<vmem>> -> memref<128xf32, #tpu.memory_space<vmem>>
      tpu.enqueue_dma source(%dma_start3A_622 : memref<128xf32, #tpu.memory_space<vmem>>) target(%dma_start3A_621 : memref<128xf32, #tpu.memory_space<hbm>>) target_semaphore(%arg16 : memref<!tpu.dma_semaphore, #tpu.memory_space<semaphore_mem>>)
    }
    %scan3A_277 = arith.constant 8 : i32
    %dma_wait3A_278 = arith.constant 0 : i32
    %dma_wait3A_279 = tpu.memref_slice %arg7[%add3A_13, %dma_wait3A_278] : memref<64x24576xf32, #tpu.memory_space<hbm>> -> memref<1x4096xf32, #tpu.memory_space<hbm>>
    %dma_wait3A_280 = tpu.memref_squeeze %dma_wait3A_279 : memref<1x4096xf32, #tpu.memory_space<hbm>> -> memref<4096xf32, #tpu.memory_space<hbm>>
    %dma_wait3A_281 = arith.constant 0 : i32
    %dma_wait3A_282 = tpu.memref_slice %arg7[%add3A_13, %dma_wait3A_281] : memref<64x24576xf32, #tpu.memory_space<hbm>> -> memref<1x4096xf32, #tpu.memory_space<hbm>>
    %dma_wait3A_283 = tpu.memref_squeeze %dma_wait3A_282 : memref<1x4096xf32, #tpu.memory_space<hbm>> -> memref<4096xf32, #tpu.memory_space<hbm>>
    tpu.wait_dma2 semaphore(%arg16 : memref<!tpu.dma_semaphore, #tpu.memory_space<semaphore_mem>>) src(%arg11 : memref<4096xf32, #tpu.memory_space<vmem>>) dst(%dma_wait3A_283 : memref<4096xf32, #tpu.memory_space<hbm>>)
    %dma_wait3A_284 = arith.constant 0 : i32
    %dma_wait3A_285 = tpu.memref_slice %arg7[%add3A_13, %dma_wait3A_284] : memref<64x24576xf32, #tpu.memory_space<hbm>> -> memref<1x4096xf32, #tpu.memory_space<hbm>>
    %dma_wait3A_286 = tpu.memref_squeeze %dma_wait3A_285 : memref<1x4096xf32, #tpu.memory_space<hbm>> -> memref<4096xf32, #tpu.memory_space<hbm>>
    %dma_wait3A_287 = arith.constant 0 : i32
    %dma_wait3A_288 = tpu.memref_slice %arg7[%add3A_13, %dma_wait3A_287] : memref<64x24576xf32, #tpu.memory_space<hbm>> -> memref<1x4096xf32, #tpu.memory_space<hbm>>
    %dma_wait3A_289 = tpu.memref_squeeze %dma_wait3A_288 : memref<1x4096xf32, #tpu.memory_space<hbm>> -> memref<4096xf32, #tpu.memory_space<hbm>>
    tpu.wait_dma2 semaphore(%arg16 : memref<!tpu.dma_semaphore, #tpu.memory_space<semaphore_mem>>) src(%arg12 : memref<4096xf32, #tpu.memory_space<vmem>>) dst(%dma_wait3A_289 : memref<4096xf32, #tpu.memory_space<hbm>>)
    %mul3A_290 = arith.constant 2 : i32
    %mul3A_291 = arith.muli %add3A, %mul3A_290 : i32
    %add3A_292 = arith.constant 1 : i32
    %add3A_293 = arith.addi %mul3A_291, %add3A_292 : i32
    %scan3A_294 = arith.constant 0 : i32
    %scan3A_295 = arith.constant 0 : i32
    %scan3A_296 = arith.constant 97 : i32
    %scan3A_297 = arith.addi %scan3A_295, %scan3A_296 : i32
    %scan3A_298 = arith.constant 1 : i32
    scf.for %scan3A_572 = %scan3A_295 to %scan3A_297 step %scan3A_298  : i32 {
      %mul3A_573 = arith.constant 1024 : i32
      %mul3A_574 = arith.muli %scan3A_572, %mul3A_573 : i32
      %add3A_575 = arith.constant 0 : i32
      %add3A_576 = arith.addi %mul3A_574, %add3A_575 : i32
      %add3A_577 = arith.constant 0 : i32
      %add3A_578 = arith.addi %mul3A_574, %add3A_577 : i32
      %dma_start3A_579 = tpu.memref_slice %arg8[%add3A_578] : memref<108288xf32, #tpu.memory_space<vmem>> -> memref<128xf32, #tpu.memory_space<vmem>>
      %dma_start3A_580 = tpu.memref_slice %arg5[%add3A_293, %add3A_576] : memref<64x100000xf32, #tpu.memory_space<hbm>> -> memref<1x128xf32, #tpu.memory_space<hbm>>
      %dma_start3A_581 = tpu.memref_squeeze %dma_start3A_580 : memref<1x128xf32, #tpu.memory_space<hbm>> -> memref<128xf32, #tpu.memory_space<hbm>>
      %dma_start3A_582 = tpu.memref_slice %arg8[%add3A_578] : memref<108288xf32, #tpu.memory_space<vmem>> -> memref<128xf32, #tpu.memory_space<vmem>>
      %dma_start3A_583 = tpu.memref_slice %arg5[%add3A_293, %add3A_576] : memref<64x100000xf32, #tpu.memory_space<hbm>> -> memref<1x128xf32, #tpu.memory_space<hbm>>
      %dma_start3A_584 = tpu.memref_squeeze %dma_start3A_583 : memref<1x128xf32, #tpu.memory_space<hbm>> -> memref<128xf32, #tpu.memory_space<hbm>>
      tpu.enqueue_dma source(%dma_start3A_584 : memref<128xf32, #tpu.memory_space<hbm>>) target(%dma_start3A_582 : memref<128xf32, #tpu.memory_space<vmem>>) target_semaphore(%arg14 : memref<!tpu.dma_semaphore, #tpu.memory_space<semaphore_mem>>)
      %add3A_585 = arith.constant 128 : i32
      %add3A_586 = arith.addi %mul3A_574, %add3A_585 : i32
      %add3A_587 = arith.constant 128 : i32
      %add3A_588 = arith.addi %mul3A_574, %add3A_587 : i32
      %dma_start3A_589 = tpu.memref_slice %arg8[%add3A_588] : memref<108288xf32, #tpu.memory_space<vmem>> -> memref<128xf32, #tpu.memory_space<vmem>>
      %dma_start3A_590 = tpu.memref_slice %arg5[%add3A_293, %add3A_586] : memref<64x100000xf32, #tpu.memory_space<hbm>> -> memref<1x128xf32, #tpu.memory_space<hbm>>
      %dma_start3A_591 = tpu.memref_squeeze %dma_start3A_590 : memref<1x128xf32, #tpu.memory_space<hbm>> -> memref<128xf32, #tpu.memory_space<hbm>>
      %dma_start3A_592 = tpu.memref_slice %arg8[%add3A_588] : memref<108288xf32, #tpu.memory_space<vmem>> -> memref<128xf32, #tpu.memory_space<vmem>>
      %dma_start3A_593 = tpu.memref_slice %arg5[%add3A_293, %add3A_586] : memref<64x100000xf32, #tpu.memory_space<hbm>> -> memref<1x128xf32, #tpu.memory_space<hbm>>
      %dma_start3A_594 = tpu.memref_squeeze %dma_start3A_593 : memref<1x128xf32, #tpu.memory_space<hbm>> -> memref<128xf32, #tpu.memory_space<hbm>>
      tpu.enqueue_dma source(%dma_start3A_594 : memref<128xf32, #tpu.memory_space<hbm>>) target(%dma_start3A_592 : memref<128xf32, #tpu.memory_space<vmem>>) target_semaphore(%arg14 : memref<!tpu.dma_semaphore, #tpu.memory_space<semaphore_mem>>)
      %add3A_595 = arith.constant 256 : i32
      %add3A_596 = arith.addi %mul3A_574, %add3A_595 : i32
      %add3A_597 = arith.constant 256 : i32
      %add3A_598 = arith.addi %mul3A_574, %add3A_597 : i32
      %dma_start3A_599 = tpu.memref_slice %arg8[%add3A_598] : memref<108288xf32, #tpu.memory_space<vmem>> -> memref<128xf32, #tpu.memory_space<vmem>>
      %dma_start3A_600 = tpu.memref_slice %arg5[%add3A_293, %add3A_596] : memref<64x100000xf32, #tpu.memory_space<hbm>> -> memref<1x128xf32, #tpu.memory_space<hbm>>
      %dma_start3A_601 = tpu.memref_squeeze %dma_start3A_600 : memref<1x128xf32, #tpu.memory_space<hbm>> -> memref<128xf32, #tpu.memory_space<hbm>>
      %dma_start3A_602 = tpu.memref_slice %arg8[%add3A_598] : memref<108288xf32, #tpu.memory_space<vmem>> -> memref<128xf32, #tpu.memory_space<vmem>>
      %dma_start3A_603 = tpu.memref_slice %arg5[%add3A_293, %add3A_596] : memref<64x100000xf32, #tpu.memory_space<hbm>> -> memref<1x128xf32, #tpu.memory_space<hbm>>
      %dma_start3A_604 = tpu.memref_squeeze %dma_start3A_603 : memref<1x128xf32, #tpu.memory_space<hbm>> -> memref<128xf32, #tpu.memory_space<hbm>>
      tpu.enqueue_dma source(%dma_start3A_604 : memref<128xf32, #tpu.memory_space<hbm>>) target(%dma_start3A_602 : memref<128xf32, #tpu.memory_space<vmem>>) target_semaphore(%arg14 : memref<!tpu.dma_semaphore, #tpu.memory_space<semaphore_mem>>)
      %add3A_605 = arith.constant 384 : i32
      %add3A_606 = arith.addi %mul3A_574, %add3A_605 : i32
      %add3A_607 = arith.constant 384 : i32
      %add3A_608 = arith.addi %mul3A_574, %add3A_607 : i32
      %dma_start3A_609 = tpu.memref_slice %arg8[%add3A_608] : memref<108288xf32, #tpu.memory_space<vmem>> -> memref<128xf32, #tpu.memory_space<vmem>>
      %dma_start3A_610 = tpu.memref_slice %arg5[%add3A_293, %add3A_606] : memref<64x100000xf32, #tpu.memory_space<hbm>> -> memref<1x128xf32, #tpu.memory_space<hbm>>
      %dma_start3A_611 = tpu.memref_squeeze %dma_start3A_610 : memref<1x128xf32, #tpu.memory_space<hbm>> -> memref<128xf32, #tpu.memory_space<hbm>>
      %dma_start3A_612 = tpu.memref_slice %arg8[%add3A_608] : memref<108288xf32, #tpu.memory_space<vmem>> -> memref<128xf32, #tpu.memory_space<vmem>>
      %dma_start3A_613 = tpu.memref_slice %arg5[%add3A_293, %add3A_606] : memref<64x100000xf32, #tpu.memory_space<hbm>> -> memref<1x128xf32, #tpu.memory_space<hbm>>
      %dma_start3A_614 = tpu.memref_squeeze %dma_start3A_613 : memref<1x128xf32, #tpu.memory_space<hbm>> -> memref<128xf32, #tpu.memory_space<hbm>>
      tpu.enqueue_dma source(%dma_start3A_614 : memref<128xf32, #tpu.memory_space<hbm>>) target(%dma_start3A_612 : memref<128xf32, #tpu.memory_space<vmem>>) target_semaphore(%arg14 : memref<!tpu.dma_semaphore, #tpu.memory_space<semaphore_mem>>)
      %add3A_615 = arith.constant 512 : i32
      %add3A_616 = arith.addi %mul3A_574, %add3A_615 : i32
      %add3A_617 = arith.constant 512 : i32
      %add3A_618 = arith.addi %mul3A_574, %add3A_617 : i32
      %dma_start3A_619 = tpu.memref_slice %arg8[%add3A_618] : memref<108288xf32, #tpu.memory_space<vmem>> -> memref<128xf32, #tpu.memory_space<vmem>>
      %dma_start3A_620 = tpu.memref_slice %arg5[%add3A_293, %add3A_616] : memref<64x100000xf32, #tpu.memory_space<hbm>> -> memref<1x128xf32, #tpu.memory_space<hbm>>
      %dma_start3A_621 = tpu.memref_squeeze %dma_start3A_620 : memref<1x128xf32, #tpu.memory_space<hbm>> -> memref<128xf32, #tpu.memory_space<hbm>>
      %dma_start3A_622 = tpu.memref_slice %arg8[%add3A_618] : memref<108288xf32, #tpu.memory_space<vmem>> -> memref<128xf32, #tpu.memory_space<vmem>>
      %dma_start3A_623 = tpu.memref_slice %arg5[%add3A_293, %add3A_616] : memref<64x100000xf32, #tpu.memory_space<hbm>> -> memref<1x128xf32, #tpu.memory_space<hbm>>
      %dma_start3A_624 = tpu.memref_squeeze %dma_start3A_623 : memref<1x128xf32, #tpu.memory_space<hbm>> -> memref<128xf32, #tpu.memory_space<hbm>>
      tpu.enqueue_dma source(%dma_start3A_624 : memref<128xf32, #tpu.memory_space<hbm>>) target(%dma_start3A_622 : memref<128xf32, #tpu.memory_space<vmem>>) target_semaphore(%arg14 : memref<!tpu.dma_semaphore, #tpu.memory_space<semaphore_mem>>)
      %add3A_625 = arith.constant 640 : i32
      %add3A_626 = arith.addi %mul3A_574, %add3A_625 : i32
      %add3A_627 = arith.constant 640 : i32
      %add3A_628 = arith.addi %mul3A_574, %add3A_627 : i32
      %dma_start3A_629 = tpu.memref_slice %arg8[%add3A_628] : memref<108288xf32, #tpu.memory_space<vmem>> -> memref<128xf32, #tpu.memory_space<vmem>>
      %dma_start3A_630 = tpu.memref_slice %arg5[%add3A_293, %add3A_626] : memref<64x100000xf32, #tpu.memory_space<hbm>> -> memref<1x128xf32, #tpu.memory_space<hbm>>
      %dma_start3A_631 = tpu.memref_squeeze %dma_start3A_630 : memref<1x128xf32, #tpu.memory_space<hbm>> -> memref<128xf32, #tpu.memory_space<hbm>>
      %dma_start3A_632 = tpu.memref_slice %arg8[%add3A_628] : memref<108288xf32, #tpu.memory_space<vmem>> -> memref<128xf32, #tpu.memory_space<vmem>>
      %dma_start3A_633 = tpu.memref_slice %arg5[%add3A_293, %add3A_626] : memref<64x100000xf32, #tpu.memory_space<hbm>> -> memref<1x128xf32, #tpu.memory_space<hbm>>
      %dma_start3A_634 = tpu.memref_squeeze %dma_start3A_633 : memref<1x128xf32, #tpu.memory_space<hbm>> -> memref<128xf32, #tpu.memory_space<hbm>>
      tpu.enqueue_dma source(%dma_start3A_634 : memref<128xf32, #tpu.memory_space<hbm>>) target(%dma_start3A_632 : memref<128xf32, #tpu.memory_space<vmem>>) target_semaphore(%arg14 : memref<!tpu.dma_semaphore, #tpu.memory_space<semaphore_mem>>)
      %add3A_635 = arith.constant 768 : i32
      %add3A_636 = arith.addi %mul3A_574, %add3A_635 : i32
      %add3A_637 = arith.constant 768 : i32
      %add3A_638 = arith.addi %mul3A_574, %add3A_637 : i32
      %dma_start3A_639 = tpu.memref_slice %arg8[%add3A_638] : memref<108288xf32, #tpu.memory_space<vmem>> -> memref<128xf32, #tpu.memory_space<vmem>>
      %dma_start3A_640 = tpu.memref_slice %arg5[%add3A_293, %add3A_636] : memref<64x100000xf32, #tpu.memory_space<hbm>> -> memref<1x128xf32, #tpu.memory_space<hbm>>
      %dma_start3A_641 = tpu.memref_squeeze %dma_start3A_640 : memref<1x128xf32, #tpu.memory_space<hbm>> -> memref<128xf32, #tpu.memory_space<hbm>>
      %dma_start3A_642 = tpu.memref_slice %arg8[%add3A_638] : memref<108288xf32, #tpu.memory_space<vmem>> -> memref<128xf32, #tpu.memory_space<vmem>>
      %dma_start3A_643 = tpu.memref_slice %arg5[%add3A_293, %add3A_636] : memref<64x100000xf32, #tpu.memory_space<hbm>> -> memref<1x128xf32, #tpu.memory_space<hbm>>
      %dma_start3A_644 = tpu.memref_squeeze %dma_start3A_643 : memref<1x128xf32, #tpu.memory_space<hbm>> -> memref<128xf32, #tpu.memory_space<hbm>>
      tpu.enqueue_dma source(%dma_start3A_644 : memref<128xf32, #tpu.memory_space<hbm>>) target(%dma_start3A_642 : memref<128xf32, #tpu.memory_space<vmem>>) target_semaphore(%arg14 : memref<!tpu.dma_semaphore, #tpu.memory_space<semaphore_mem>>)
      %add3A_645 = arith.constant 896 : i32
      %add3A_646 = arith.addi %mul3A_574, %add3A_645 : i32
      %add3A_647 = arith.constant 896 : i32
      %add3A_648 = arith.addi %mul3A_574, %add3A_647 : i32
      %dma_start3A_649 = tpu.memref_slice %arg8[%add3A_648] : memref<108288xf32, #tpu.memory_space<vmem>> -> memref<128xf32, #tpu.memory_space<vmem>>
      %dma_start3A_650 = tpu.memref_slice %arg5[%add3A_293, %add3A_646] : memref<64x100000xf32, #tpu.memory_space<hbm>> -> memref<1x128xf32, #tpu.memory_space<hbm>>
      %dma_start3A_651 = tpu.memref_squeeze %dma_start3A_650 : memref<1x128xf32, #tpu.memory_space<hbm>> -> memref<128xf32, #tpu.memory_space<hbm>>
      %dma_start3A_652 = tpu.memref_slice %arg8[%add3A_648] : memref<108288xf32, #tpu.memory_space<vmem>> -> memref<128xf32, #tpu.memory_space<vmem>>
      %dma_start3A_653 = tpu.memref_slice %arg5[%add3A_293, %add3A_646] : memref<64x100000xf32, #tpu.memory_space<hbm>> -> memref<1x128xf32, #tpu.memory_space<hbm>>
      %dma_start3A_654 = tpu.memref_squeeze %dma_start3A_653 : memref<1x128xf32, #tpu.memory_space<hbm>> -> memref<128xf32, #tpu.memory_space<hbm>>
      tpu.enqueue_dma source(%dma_start3A_654 : memref<128xf32, #tpu.memory_space<hbm>>) target(%dma_start3A_652 : memref<128xf32, #tpu.memory_space<vmem>>) target_semaphore(%arg14 : memref<!tpu.dma_semaphore, #tpu.memory_space<semaphore_mem>>)
    }
    %scan3A_299 = arith.constant 97 : i32
    %dma_start3A_300 = arith.constant 99328 : i32
    %dma_start3A_301 = tpu.memref_slice %arg8[%dma_start3A_300] : memref<108288xf32, #tpu.memory_space<vmem>> -> memref<128xf32, #tpu.memory_space<vmem>>
    %dma_start3A_302 = arith.constant 99328 : i32
    %dma_start3A_303 = tpu.memref_slice %arg5[%add3A_293, %dma_start3A_302] : memref<64x100000xf32, #tpu.memory_space<hbm>> -> memref<1x128xf32, #tpu.memory_space<hbm>>
    %dma_start3A_304 = tpu.memref_squeeze %dma_start3A_303 : memref<1x128xf32, #tpu.memory_space<hbm>> -> memref<128xf32, #tpu.memory_space<hbm>>
    %dma_start3A_305 = arith.constant 99328 : i32
    %dma_start3A_306 = tpu.memref_slice %arg8[%dma_start3A_305] : memref<108288xf32, #tpu.memory_space<vmem>> -> memref<128xf32, #tpu.memory_space<vmem>>
    %dma_start3A_307 = arith.constant 99328 : i32
    %dma_start3A_308 = tpu.memref_slice %arg5[%add3A_293, %dma_start3A_307] : memref<64x100000xf32, #tpu.memory_space<hbm>> -> memref<1x128xf32, #tpu.memory_space<hbm>>
    %dma_start3A_309 = tpu.memref_squeeze %dma_start3A_308 : memref<1x128xf32, #tpu.memory_space<hbm>> -> memref<128xf32, #tpu.memory_space<hbm>>
    tpu.enqueue_dma source(%dma_start3A_309 : memref<128xf32, #tpu.memory_space<hbm>>) target(%dma_start3A_306 : memref<128xf32, #tpu.memory_space<vmem>>) target_semaphore(%arg14 : memref<!tpu.dma_semaphore, #tpu.memory_space<semaphore_mem>>)
    %dma_start3A_310 = arith.constant 99456 : i32
    %dma_start3A_311 = tpu.memref_slice %arg8[%dma_start3A_310] : memref<108288xf32, #tpu.memory_space<vmem>> -> memref<128xf32, #tpu.memory_space<vmem>>
    %dma_start3A_312 = arith.constant 99456 : i32
    %dma_start3A_313 = tpu.memref_slice %arg5[%add3A_293, %dma_start3A_312] : memref<64x100000xf32, #tpu.memory_space<hbm>> -> memref<1x128xf32, #tpu.memory_space<hbm>>
    %dma_start3A_314 = tpu.memref_squeeze %dma_start3A_313 : memref<1x128xf32, #tpu.memory_space<hbm>> -> memref<128xf32, #tpu.memory_space<hbm>>
    %dma_start3A_315 = arith.constant 99456 : i32
    %dma_start3A_316 = tpu.memref_slice %arg8[%dma_start3A_315] : memref<108288xf32, #tpu.memory_space<vmem>> -> memref<128xf32, #tpu.memory_space<vmem>>
    %dma_start3A_317 = arith.constant 99456 : i32
    %dma_start3A_318 = tpu.memref_slice %arg5[%add3A_293, %dma_start3A_317] : memref<64x100000xf32, #tpu.memory_space<hbm>> -> memref<1x128xf32, #tpu.memory_space<hbm>>
    %dma_start3A_319 = tpu.memref_squeeze %dma_start3A_318 : memref<1x128xf32, #tpu.memory_space<hbm>> -> memref<128xf32, #tpu.memory_space<hbm>>
    tpu.enqueue_dma source(%dma_start3A_319 : memref<128xf32, #tpu.memory_space<hbm>>) target(%dma_start3A_316 : memref<128xf32, #tpu.memory_space<vmem>>) target_semaphore(%arg14 : memref<!tpu.dma_semaphore, #tpu.memory_space<semaphore_mem>>)
    %dma_start3A_320 = arith.constant 99584 : i32
    %dma_start3A_321 = tpu.memref_slice %arg8[%dma_start3A_320] : memref<108288xf32, #tpu.memory_space<vmem>> -> memref<128xf32, #tpu.memory_space<vmem>>
    %dma_start3A_322 = arith.constant 99584 : i32
    %dma_start3A_323 = tpu.memref_slice %arg5[%add3A_293, %dma_start3A_322] : memref<64x100000xf32, #tpu.memory_space<hbm>> -> memref<1x128xf32, #tpu.memory_space<hbm>>
    %dma_start3A_324 = tpu.memref_squeeze %dma_start3A_323 : memref<1x128xf32, #tpu.memory_space<hbm>> -> memref<128xf32, #tpu.memory_space<hbm>>
    %dma_start3A_325 = arith.constant 99584 : i32
    %dma_start3A_326 = tpu.memref_slice %arg8[%dma_start3A_325] : memref<108288xf32, #tpu.memory_space<vmem>> -> memref<128xf32, #tpu.memory_space<vmem>>
    %dma_start3A_327 = arith.constant 99584 : i32
    %dma_start3A_328 = tpu.memref_slice %arg5[%add3A_293, %dma_start3A_327] : memref<64x100000xf32, #tpu.memory_space<hbm>> -> memref<1x128xf32, #tpu.memory_space<hbm>>
    %dma_start3A_329 = tpu.memref_squeeze %dma_start3A_328 : memref<1x128xf32, #tpu.memory_space<hbm>> -> memref<128xf32, #tpu.memory_space<hbm>>
    tpu.enqueue_dma source(%dma_start3A_329 : memref<128xf32, #tpu.memory_space<hbm>>) target(%dma_start3A_326 : memref<128xf32, #tpu.memory_space<vmem>>) target_semaphore(%arg14 : memref<!tpu.dma_semaphore, #tpu.memory_space<semaphore_mem>>)
    %dma_start3A_330 = arith.constant 99712 : i32
    %dma_start3A_331 = tpu.memref_slice %arg8[%dma_start3A_330] : memref<108288xf32, #tpu.memory_space<vmem>> -> memref<128xf32, #tpu.memory_space<vmem>>
    %dma_start3A_332 = arith.constant 99712 : i32
    %dma_start3A_333 = tpu.memref_slice %arg5[%add3A_293, %dma_start3A_332] : memref<64x100000xf32, #tpu.memory_space<hbm>> -> memref<1x128xf32, #tpu.memory_space<hbm>>
    %dma_start3A_334 = tpu.memref_squeeze %dma_start3A_333 : memref<1x128xf32, #tpu.memory_space<hbm>> -> memref<128xf32, #tpu.memory_space<hbm>>
    %dma_start3A_335 = arith.constant 99712 : i32
    %dma_start3A_336 = tpu.memref_slice %arg8[%dma_start3A_335] : memref<108288xf32, #tpu.memory_space<vmem>> -> memref<128xf32, #tpu.memory_space<vmem>>
    %dma_start3A_337 = arith.constant 99712 : i32
    %dma_start3A_338 = tpu.memref_slice %arg5[%add3A_293, %dma_start3A_337] : memref<64x100000xf32, #tpu.memory_space<hbm>> -> memref<1x128xf32, #tpu.memory_space<hbm>>
    %dma_start3A_339 = tpu.memref_squeeze %dma_start3A_338 : memref<1x128xf32, #tpu.memory_space<hbm>> -> memref<128xf32, #tpu.memory_space<hbm>>
    tpu.enqueue_dma source(%dma_start3A_339 : memref<128xf32, #tpu.memory_space<hbm>>) target(%dma_start3A_336 : memref<128xf32, #tpu.memory_space<vmem>>) target_semaphore(%arg14 : memref<!tpu.dma_semaphore, #tpu.memory_space<semaphore_mem>>)
    %dma_start3A_340 = arith.constant 99840 : i32
    %dma_start3A_341 = tpu.memref_slice %arg8[%dma_start3A_340] : memref<108288xf32, #tpu.memory_space<vmem>> -> memref<128xf32, #tpu.memory_space<vmem>>
    %dma_start3A_342 = arith.constant 99840 : i32
    %dma_start3A_343 = tpu.memref_slice %arg5[%add3A_293, %dma_start3A_342] : memref<64x100000xf32, #tpu.memory_space<hbm>> -> memref<1x128xf32, #tpu.memory_space<hbm>>
    %dma_start3A_344 = tpu.memref_squeeze %dma_start3A_343 : memref<1x128xf32, #tpu.memory_space<hbm>> -> memref<128xf32, #tpu.memory_space<hbm>>
    %dma_start3A_345 = arith.constant 99840 : i32
    %dma_start3A_346 = tpu.memref_slice %arg8[%dma_start3A_345] : memref<108288xf32, #tpu.memory_space<vmem>> -> memref<128xf32, #tpu.memory_space<vmem>>
    %dma_start3A_347 = arith.constant 99840 : i32
    %dma_start3A_348 = tpu.memref_slice %arg5[%add3A_293, %dma_start3A_347] : memref<64x100000xf32, #tpu.memory_space<hbm>> -> memref<1x128xf32, #tpu.memory_space<hbm>>
    %dma_start3A_349 = tpu.memref_squeeze %dma_start3A_348 : memref<1x128xf32, #tpu.memory_space<hbm>> -> memref<128xf32, #tpu.memory_space<hbm>>
    tpu.enqueue_dma source(%dma_start3A_349 : memref<128xf32, #tpu.memory_space<hbm>>) target(%dma_start3A_346 : memref<128xf32, #tpu.memory_space<vmem>>) target_semaphore(%arg14 : memref<!tpu.dma_semaphore, #tpu.memory_space<semaphore_mem>>)
    %dma_start3A_350 = arith.constant 99968 : i32
    %dma_start3A_351 = tpu.memref_slice %arg8[%dma_start3A_350] : memref<108288xf32, #tpu.memory_space<vmem>> -> memref<128xf32, #tpu.memory_space<vmem>>
    %dma_start3A_352 = arith.constant 0 : i32
    %dma_start3A_353 = tpu.memref_slice %arg6[%add3A_293, %dma_start3A_352] : memref<64x128xf32, #tpu.memory_space<hbm>> -> memref<1x128xf32, #tpu.memory_space<hbm>>
    %dma_start3A_354 = tpu.memref_squeeze %dma_start3A_353 : memref<1x128xf32, #tpu.memory_space<hbm>> -> memref<128xf32, #tpu.memory_space<hbm>>
    %dma_start3A_355 = arith.constant 99968 : i32
    %dma_start3A_356 = tpu.memref_slice %arg8[%dma_start3A_355] : memref<108288xf32, #tpu.memory_space<vmem>> -> memref<128xf32, #tpu.memory_space<vmem>>
    %dma_start3A_357 = arith.constant 0 : i32
    %dma_start3A_358 = tpu.memref_slice %arg6[%add3A_293, %dma_start3A_357] : memref<64x128xf32, #tpu.memory_space<hbm>> -> memref<1x128xf32, #tpu.memory_space<hbm>>
    %dma_start3A_359 = tpu.memref_squeeze %dma_start3A_358 : memref<1x128xf32, #tpu.memory_space<hbm>> -> memref<128xf32, #tpu.memory_space<hbm>>
    tpu.enqueue_dma source(%dma_start3A_359 : memref<128xf32, #tpu.memory_space<hbm>>) target(%dma_start3A_356 : memref<128xf32, #tpu.memory_space<vmem>>) target_semaphore(%arg14 : memref<!tpu.dma_semaphore, #tpu.memory_space<semaphore_mem>>)
    %scan3A_360 = arith.constant 0 : i32
    %scan3A_361 = arith.constant 0 : i32
    %scan3A_362 = arith.constant 8 : i32
    %scan3A_363 = arith.addi %scan3A_361, %scan3A_362 : i32
    %scan3A_364 = arith.constant 1 : i32
    scf.for %scan3A_572 = %scan3A_361 to %scan3A_363 step %scan3A_364  : i32 {
      %mul3A_573 = arith.constant 1024 : i32
      %mul3A_574 = arith.muli %scan3A_572, %mul3A_573 : i32
      %add3A_575 = arith.constant 0 : i32
      %add3A_576 = arith.addi %mul3A_574, %add3A_575 : i32
      %add3A_577 = arith.constant 100096 : i32
      %add3A_578 = arith.addi %add3A_577, %mul3A_574 : i32
      %add3A_579 = arith.constant 0 : i32
      %add3A_580 = arith.addi %add3A_578, %add3A_579 : i32
      %dma_start3A_581 = tpu.memref_slice %arg8[%add3A_580] : memref<108288xf32, #tpu.memory_space<vmem>> -> memref<128xf32, #tpu.memory_space<vmem>>
      %dma_start3A_582 = tpu.memref_slice %arg4[%add3A_293, %add3A_576] : memref<64x8192xf32, #tpu.memory_space<hbm>> -> memref<1x128xf32, #tpu.memory_space<hbm>>
      %dma_start3A_583 = tpu.memref_squeeze %dma_start3A_582 : memref<1x128xf32, #tpu.memory_space<hbm>> -> memref<128xf32, #tpu.memory_space<hbm>>
      %dma_start3A_584 = tpu.memref_slice %arg8[%add3A_580] : memref<108288xf32, #tpu.memory_space<vmem>> -> memref<128xf32, #tpu.memory_space<vmem>>
      %dma_start3A_585 = tpu.memref_slice %arg4[%add3A_293, %add3A_576] : memref<64x8192xf32, #tpu.memory_space<hbm>> -> memref<1x128xf32, #tpu.memory_space<hbm>>
      %dma_start3A_586 = tpu.memref_squeeze %dma_start3A_585 : memref<1x128xf32, #tpu.memory_space<hbm>> -> memref<128xf32, #tpu.memory_space<hbm>>
      tpu.enqueue_dma source(%dma_start3A_586 : memref<128xf32, #tpu.memory_space<hbm>>) target(%dma_start3A_584 : memref<128xf32, #tpu.memory_space<vmem>>) target_semaphore(%arg14 : memref<!tpu.dma_semaphore, #tpu.memory_space<semaphore_mem>>)
      %add3A_587 = arith.constant 128 : i32
      %add3A_588 = arith.addi %mul3A_574, %add3A_587 : i32
      %add3A_589 = arith.constant 100096 : i32
      %add3A_590 = arith.addi %add3A_589, %mul3A_574 : i32
      %add3A_591 = arith.constant 128 : i32
      %add3A_592 = arith.addi %add3A_590, %add3A_591 : i32
      %dma_start3A_593 = tpu.memref_slice %arg8[%add3A_592] : memref<108288xf32, #tpu.memory_space<vmem>> -> memref<128xf32, #tpu.memory_space<vmem>>
      %dma_start3A_594 = tpu.memref_slice %arg4[%add3A_293, %add3A_588] : memref<64x8192xf32, #tpu.memory_space<hbm>> -> memref<1x128xf32, #tpu.memory_space<hbm>>
      %dma_start3A_595 = tpu.memref_squeeze %dma_start3A_594 : memref<1x128xf32, #tpu.memory_space<hbm>> -> memref<128xf32, #tpu.memory_space<hbm>>
      %dma_start3A_596 = tpu.memref_slice %arg8[%add3A_592] : memref<108288xf32, #tpu.memory_space<vmem>> -> memref<128xf32, #tpu.memory_space<vmem>>
      %dma_start3A_597 = tpu.memref_slice %arg4[%add3A_293, %add3A_588] : memref<64x8192xf32, #tpu.memory_space<hbm>> -> memref<1x128xf32, #tpu.memory_space<hbm>>
      %dma_start3A_598 = tpu.memref_squeeze %dma_start3A_597 : memref<1x128xf32, #tpu.memory_space<hbm>> -> memref<128xf32, #tpu.memory_space<hbm>>
      tpu.enqueue_dma source(%dma_start3A_598 : memref<128xf32, #tpu.memory_space<hbm>>) target(%dma_start3A_596 : memref<128xf32, #tpu.memory_space<vmem>>) target_semaphore(%arg14 : memref<!tpu.dma_semaphore, #tpu.memory_space<semaphore_mem>>)
      %add3A_599 = arith.constant 256 : i32
      %add3A_600 = arith.addi %mul3A_574, %add3A_599 : i32
      %add3A_601 = arith.constant 100096 : i32
      %add3A_602 = arith.addi %add3A_601, %mul3A_574 : i32
      %add3A_603 = arith.constant 256 : i32
      %add3A_604 = arith.addi %add3A_602, %add3A_603 : i32
      %dma_start3A_605 = tpu.memref_slice %arg8[%add3A_604] : memref<108288xf32, #tpu.memory_space<vmem>> -> memref<128xf32, #tpu.memory_space<vmem>>
      %dma_start3A_606 = tpu.memref_slice %arg4[%add3A_293, %add3A_600] : memref<64x8192xf32, #tpu.memory_space<hbm>> -> memref<1x128xf32, #tpu.memory_space<hbm>>
      %dma_start3A_607 = tpu.memref_squeeze %dma_start3A_606 : memref<1x128xf32, #tpu.memory_space<hbm>> -> memref<128xf32, #tpu.memory_space<hbm>>
      %dma_start3A_608 = tpu.memref_slice %arg8[%add3A_604] : memref<108288xf32, #tpu.memory_space<vmem>> -> memref<128xf32, #tpu.memory_space<vmem>>
      %dma_start3A_609 = tpu.memref_slice %arg4[%add3A_293, %add3A_600] : memref<64x8192xf32, #tpu.memory_space<hbm>> -> memref<1x128xf32, #tpu.memory_space<hbm>>
      %dma_start3A_610 = tpu.memref_squeeze %dma_start3A_609 : memref<1x128xf32, #tpu.memory_space<hbm>> -> memref<128xf32, #tpu.memory_space<hbm>>
      tpu.enqueue_dma source(%dma_start3A_610 : memref<128xf32, #tpu.memory_space<hbm>>) target(%dma_start3A_608 : memref<128xf32, #tpu.memory_space<vmem>>) target_semaphore(%arg14 : memref<!tpu.dma_semaphore, #tpu.memory_space<semaphore_mem>>)
      %add3A_611 = arith.constant 384 : i32
      %add3A_612 = arith.addi %mul3A_574, %add3A_611 : i32
      %add3A_613 = arith.constant 100096 : i32
      %add3A_614 = arith.addi %add3A_613, %mul3A_574 : i32
      %add3A_615 = arith.constant 384 : i32
      %add3A_616 = arith.addi %add3A_614, %add3A_615 : i32
      %dma_start3A_617 = tpu.memref_slice %arg8[%add3A_616] : memref<108288xf32, #tpu.memory_space<vmem>> -> memref<128xf32, #tpu.memory_space<vmem>>
      %dma_start3A_618 = tpu.memref_slice %arg4[%add3A_293, %add3A_612] : memref<64x8192xf32, #tpu.memory_space<hbm>> -> memref<1x128xf32, #tpu.memory_space<hbm>>
      %dma_start3A_619 = tpu.memref_squeeze %dma_start3A_618 : memref<1x128xf32, #tpu.memory_space<hbm>> -> memref<128xf32, #tpu.memory_space<hbm>>
      %dma_start3A_620 = tpu.memref_slice %arg8[%add3A_616] : memref<108288xf32, #tpu.memory_space<vmem>> -> memref<128xf32, #tpu.memory_space<vmem>>
      %dma_start3A_621 = tpu.memref_slice %arg4[%add3A_293, %add3A_612] : memref<64x8192xf32, #tpu.memory_space<hbm>> -> memref<1x128xf32, #tpu.memory_space<hbm>>
      %dma_start3A_622 = tpu.memref_squeeze %dma_start3A_621 : memref<1x128xf32, #tpu.memory_space<hbm>> -> memref<128xf32, #tpu.memory_space<hbm>>
      tpu.enqueue_dma source(%dma_start3A_622 : memref<128xf32, #tpu.memory_space<hbm>>) target(%dma_start3A_620 : memref<128xf32, #tpu.memory_space<vmem>>) target_semaphore(%arg14 : memref<!tpu.dma_semaphore, #tpu.memory_space<semaphore_mem>>)
      %add3A_623 = arith.constant 512 : i32
      %add3A_624 = arith.addi %mul3A_574, %add3A_623 : i32
      %add3A_625 = arith.constant 100096 : i32
      %add3A_626 = arith.addi %add3A_625, %mul3A_574 : i32
      %add3A_627 = arith.constant 512 : i32
      %add3A_628 = arith.addi %add3A_626, %add3A_627 : i32
      %dma_start3A_629 = tpu.memref_slice %arg8[%add3A_628] : memref<108288xf32, #tpu.memory_space<vmem>> -> memref<128xf32, #tpu.memory_space<vmem>>
      %dma_start3A_630 = tpu.memref_slice %arg4[%add3A_293, %add3A_624] : memref<64x8192xf32, #tpu.memory_space<hbm>> -> memref<1x128xf32, #tpu.memory_space<hbm>>
      %dma_start3A_631 = tpu.memref_squeeze %dma_start3A_630 : memref<1x128xf32, #tpu.memory_space<hbm>> -> memref<128xf32, #tpu.memory_space<hbm>>
      %dma_start3A_632 = tpu.memref_slice %arg8[%add3A_628] : memref<108288xf32, #tpu.memory_space<vmem>> -> memref<128xf32, #tpu.memory_space<vmem>>
      %dma_start3A_633 = tpu.memref_slice %arg4[%add3A_293, %add3A_624] : memref<64x8192xf32, #tpu.memory_space<hbm>> -> memref<1x128xf32, #tpu.memory_space<hbm>>
      %dma_start3A_634 = tpu.memref_squeeze %dma_start3A_633 : memref<1x128xf32, #tpu.memory_space<hbm>> -> memref<128xf32, #tpu.memory_space<hbm>>
      tpu.enqueue_dma source(%dma_start3A_634 : memref<128xf32, #tpu.memory_space<hbm>>) target(%dma_start3A_632 : memref<128xf32, #tpu.memory_space<vmem>>) target_semaphore(%arg14 : memref<!tpu.dma_semaphore, #tpu.memory_space<semaphore_mem>>)
      %add3A_635 = arith.constant 640 : i32
      %add3A_636 = arith.addi %mul3A_574, %add3A_635 : i32
      %add3A_637 = arith.constant 100096 : i32
      %add3A_638 = arith.addi %add3A_637, %mul3A_574 : i32
      %add3A_639 = arith.constant 640 : i32
      %add3A_640 = arith.addi %add3A_638, %add3A_639 : i32
      %dma_start3A_641 = tpu.memref_slice %arg8[%add3A_640] : memref<108288xf32, #tpu.memory_space<vmem>> -> memref<128xf32, #tpu.memory_space<vmem>>
      %dma_start3A_642 = tpu.memref_slice %arg4[%add3A_293, %add3A_636] : memref<64x8192xf32, #tpu.memory_space<hbm>> -> memref<1x128xf32, #tpu.memory_space<hbm>>
      %dma_start3A_643 = tpu.memref_squeeze %dma_start3A_642 : memref<1x128xf32, #tpu.memory_space<hbm>> -> memref<128xf32, #tpu.memory_space<hbm>>
      %dma_start3A_644 = tpu.memref_slice %arg8[%add3A_640] : memref<108288xf32, #tpu.memory_space<vmem>> -> memref<128xf32, #tpu.memory_space<vmem>>
      %dma_start3A_645 = tpu.memref_slice %arg4[%add3A_293, %add3A_636] : memref<64x8192xf32, #tpu.memory_space<hbm>> -> memref<1x128xf32, #tpu.memory_space<hbm>>
      %dma_start3A_646 = tpu.memref_squeeze %dma_start3A_645 : memref<1x128xf32, #tpu.memory_space<hbm>> -> memref<128xf32, #tpu.memory_space<hbm>>
      tpu.enqueue_dma source(%dma_start3A_646 : memref<128xf32, #tpu.memory_space<hbm>>) target(%dma_start3A_644 : memref<128xf32, #tpu.memory_space<vmem>>) target_semaphore(%arg14 : memref<!tpu.dma_semaphore, #tpu.memory_space<semaphore_mem>>)
      %add3A_647 = arith.constant 768 : i32
      %add3A_648 = arith.addi %mul3A_574, %add3A_647 : i32
      %add3A_649 = arith.constant 100096 : i32
      %add3A_650 = arith.addi %add3A_649, %mul3A_574 : i32
      %add3A_651 = arith.constant 768 : i32
      %add3A_652 = arith.addi %add3A_650, %add3A_651 : i32
      %dma_start3A_653 = tpu.memref_slice %arg8[%add3A_652] : memref<108288xf32, #tpu.memory_space<vmem>> -> memref<128xf32, #tpu.memory_space<vmem>>
      %dma_start3A_654 = tpu.memref_slice %arg4[%add3A_293, %add3A_648] : memref<64x8192xf32, #tpu.memory_space<hbm>> -> memref<1x128xf32, #tpu.memory_space<hbm>>
      %dma_start3A_655 = tpu.memref_squeeze %dma_start3A_654 : memref<1x128xf32, #tpu.memory_space<hbm>> -> memref<128xf32, #tpu.memory_space<hbm>>
      %dma_start3A_656 = tpu.memref_slice %arg8[%add3A_652] : memref<108288xf32, #tpu.memory_space<vmem>> -> memref<128xf32, #tpu.memory_space<vmem>>
      %dma_start3A_657 = tpu.memref_slice %arg4[%add3A_293, %add3A_648] : memref<64x8192xf32, #tpu.memory_space<hbm>> -> memref<1x128xf32, #tpu.memory_space<hbm>>
      %dma_start3A_658 = tpu.memref_squeeze %dma_start3A_657 : memref<1x128xf32, #tpu.memory_space<hbm>> -> memref<128xf32, #tpu.memory_space<hbm>>
      tpu.enqueue_dma source(%dma_start3A_658 : memref<128xf32, #tpu.memory_space<hbm>>) target(%dma_start3A_656 : memref<128xf32, #tpu.memory_space<vmem>>) target_semaphore(%arg14 : memref<!tpu.dma_semaphore, #tpu.memory_space<semaphore_mem>>)
      %add3A_659 = arith.constant 896 : i32
      %add3A_660 = arith.addi %mul3A_574, %add3A_659 : i32
      %add3A_661 = arith.constant 100096 : i32
      %add3A_662 = arith.addi %add3A_661, %mul3A_574 : i32
      %add3A_663 = arith.constant 896 : i32
      %add3A_664 = arith.addi %add3A_662, %add3A_663 : i32
      %dma_start3A_665 = tpu.memref_slice %arg8[%add3A_664] : memref<108288xf32, #tpu.memory_space<vmem>> -> memref<128xf32, #tpu.memory_space<vmem>>
      %dma_start3A_666 = tpu.memref_slice %arg4[%add3A_293, %add3A_660] : memref<64x8192xf32, #tpu.memory_space<hbm>> -> memref<1x128xf32, #tpu.memory_space<hbm>>
      %dma_start3A_667 = tpu.memref_squeeze %dma_start3A_666 : memref<1x128xf32, #tpu.memory_space<hbm>> -> memref<128xf32, #tpu.memory_space<hbm>>
      %dma_start3A_668 = tpu.memref_slice %arg8[%add3A_664] : memref<108288xf32, #tpu.memory_space<vmem>> -> memref<128xf32, #tpu.memory_space<vmem>>
      %dma_start3A_669 = tpu.memref_slice %arg4[%add3A_293, %add3A_660] : memref<64x8192xf32, #tpu.memory_space<hbm>> -> memref<1x128xf32, #tpu.memory_space<hbm>>
      %dma_start3A_670 = tpu.memref_squeeze %dma_start3A_669 : memref<1x128xf32, #tpu.memory_space<hbm>> -> memref<128xf32, #tpu.memory_space<hbm>>
      tpu.enqueue_dma source(%dma_start3A_670 : memref<128xf32, #tpu.memory_space<hbm>>) target(%dma_start3A_668 : memref<128xf32, #tpu.memory_space<vmem>>) target_semaphore(%arg14 : memref<!tpu.dma_semaphore, #tpu.memory_space<semaphore_mem>>)
    }
    %scan3A_365 = arith.constant 8 : i32
    %dma_start3A_366 = arith.constant 0 : i32
    %dma_start3A_367 = tpu.memref_slice %arg13[%dma_start3A_366] : memref<24576xi32, #tpu.memory_space<vmem_shared>> -> memref<4096xi32, #tpu.memory_space<vmem_shared>>
    %dma_start3A_368 = arith.constant 0 : i32
    %dma_start3A_369 = tpu.memref_slice %arg13[%dma_start3A_368] : memref<24576xi32, #tpu.memory_space<vmem_shared>> -> memref<4096xi32, #tpu.memory_space<vmem_shared>>
    tpu.enqueue_dma source(%dma_start3A_369 : memref<4096xi32, #tpu.memory_space<vmem_shared>>) target(%arg9 : memref<4096xi32, #tpu.memory_space<vmem>>) target_semaphore(%arg15 : memref<!tpu.dma_semaphore, #tpu.memory_space<semaphore_mem>>)
    %dma_wait3A_370 = arith.constant 0 : i32
    %dma_wait3A_371 = tpu.memref_slice %arg8[%dma_wait3A_370] : memref<108288xf32, #tpu.memory_space<vmem>> -> memref<24576xf32, #tpu.memory_space<vmem>>
    %dma_wait3A_372 = arith.constant 0 : i32
    %dma_wait3A_373 = tpu.memref_slice %arg7[%add3A_293, %dma_wait3A_372] : memref<64x24576xf32, #tpu.memory_space<hbm>> -> memref<1x24576xf32, #tpu.memory_space<hbm>>
    %dma_wait3A_374 = tpu.memref_squeeze %dma_wait3A_373 : memref<1x24576xf32, #tpu.memory_space<hbm>> -> memref<24576xf32, #tpu.memory_space<hbm>>
    %dma_wait3A_375 = arith.constant 0 : i32
    %dma_wait3A_376 = tpu.memref_slice %arg8[%dma_wait3A_375] : memref<108288xf32, #tpu.memory_space<vmem>> -> memref<24576xf32, #tpu.memory_space<vmem>>
    %dma_wait3A_377 = arith.constant 0 : i32
    %dma_wait3A_378 = tpu.memref_slice %arg7[%add3A_293, %dma_wait3A_377] : memref<64x24576xf32, #tpu.memory_space<hbm>> -> memref<1x24576xf32, #tpu.memory_space<hbm>>
    %dma_wait3A_379 = tpu.memref_squeeze %dma_wait3A_378 : memref<1x24576xf32, #tpu.memory_space<hbm>> -> memref<24576xf32, #tpu.memory_space<hbm>>
    tpu.wait_dma2 semaphore(%arg14 : memref<!tpu.dma_semaphore, #tpu.memory_space<semaphore_mem>>) src(%dma_wait3A_379 : memref<24576xf32, #tpu.memory_space<hbm>>) dst(%dma_wait3A_376 : memref<24576xf32, #tpu.memory_space<vmem>>)
    %dma_wait3A_380 = arith.constant 0 : i32
    %dma_wait3A_381 = tpu.memref_slice %arg8[%dma_wait3A_380] : memref<108288xf32, #tpu.memory_space<vmem>> -> memref<24576xf32, #tpu.memory_space<vmem>>
    %dma_wait3A_382 = arith.constant 0 : i32
    %dma_wait3A_383 = tpu.memref_slice %arg7[%add3A_293, %dma_wait3A_382] : memref<64x24576xf32, #tpu.memory_space<hbm>> -> memref<1x24576xf32, #tpu.memory_space<hbm>>
    %dma_wait3A_384 = tpu.memref_squeeze %dma_wait3A_383 : memref<1x24576xf32, #tpu.memory_space<hbm>> -> memref<24576xf32, #tpu.memory_space<hbm>>
    %dma_wait3A_385 = arith.constant 0 : i32
    %dma_wait3A_386 = tpu.memref_slice %arg8[%dma_wait3A_385] : memref<108288xf32, #tpu.memory_space<vmem>> -> memref<24576xf32, #tpu.memory_space<vmem>>
    %dma_wait3A_387 = arith.constant 0 : i32
    %dma_wait3A_388 = tpu.memref_slice %arg7[%add3A_293, %dma_wait3A_387] : memref<64x24576xf32, #tpu.memory_space<hbm>> -> memref<1x24576xf32, #tpu.memory_space<hbm>>
    %dma_wait3A_389 = tpu.memref_squeeze %dma_wait3A_388 : memref<1x24576xf32, #tpu.memory_space<hbm>> -> memref<24576xf32, #tpu.memory_space<hbm>>
    tpu.wait_dma2 semaphore(%arg14 : memref<!tpu.dma_semaphore, #tpu.memory_space<semaphore_mem>>) src(%dma_wait3A_389 : memref<24576xf32, #tpu.memory_space<hbm>>) dst(%dma_wait3A_386 : memref<24576xf32, #tpu.memory_space<vmem>>)
    %dma_wait3A_390 = arith.constant 0 : i32
    %dma_wait3A_391 = tpu.memref_slice %arg8[%dma_wait3A_390] : memref<108288xf32, #tpu.memory_space<vmem>> -> memref<24576xf32, #tpu.memory_space<vmem>>
    %dma_wait3A_392 = arith.constant 0 : i32
    %dma_wait3A_393 = tpu.memref_slice %arg7[%add3A_293, %dma_wait3A_392] : memref<64x24576xf32, #tpu.memory_space<hbm>> -> memref<1x24576xf32, #tpu.memory_space<hbm>>
    %dma_wait3A_394 = tpu.memref_squeeze %dma_wait3A_393 : memref<1x24576xf32, #tpu.memory_space<hbm>> -> memref<24576xf32, #tpu.memory_space<hbm>>
    %dma_wait3A_395 = arith.constant 0 : i32
    %dma_wait3A_396 = tpu.memref_slice %arg8[%dma_wait3A_395] : memref<108288xf32, #tpu.memory_space<vmem>> -> memref<24576xf32, #tpu.memory_space<vmem>>
    %dma_wait3A_397 = arith.constant 0 : i32
    %dma_wait3A_398 = tpu.memref_slice %arg7[%add3A_293, %dma_wait3A_397] : memref<64x24576xf32, #tpu.memory_space<hbm>> -> memref<1x24576xf32, #tpu.memory_space<hbm>>
    %dma_wait3A_399 = tpu.memref_squeeze %dma_wait3A_398 : memref<1x24576xf32, #tpu.memory_space<hbm>> -> memref<24576xf32, #tpu.memory_space<hbm>>
    tpu.wait_dma2 semaphore(%arg14 : memref<!tpu.dma_semaphore, #tpu.memory_space<semaphore_mem>>) src(%dma_wait3A_399 : memref<24576xf32, #tpu.memory_space<hbm>>) dst(%dma_wait3A_396 : memref<24576xf32, #tpu.memory_space<vmem>>)
    %dma_wait3A_400 = arith.constant 0 : i32
    %dma_wait3A_401 = tpu.memref_slice %arg8[%dma_wait3A_400] : memref<108288xf32, #tpu.memory_space<vmem>> -> memref<24576xf32, #tpu.memory_space<vmem>>
    %dma_wait3A_402 = arith.constant 0 : i32
    %dma_wait3A_403 = tpu.memref_slice %arg7[%add3A_293, %dma_wait3A_402] : memref<64x24576xf32, #tpu.memory_space<hbm>> -> memref<1x24576xf32, #tpu.memory_space<hbm>>
    %dma_wait3A_404 = tpu.memref_squeeze %dma_wait3A_403 : memref<1x24576xf32, #tpu.memory_space<hbm>> -> memref<24576xf32, #tpu.memory_space<hbm>>
    %dma_wait3A_405 = arith.constant 0 : i32
    %dma_wait3A_406 = tpu.memref_slice %arg8[%dma_wait3A_405] : memref<108288xf32, #tpu.memory_space<vmem>> -> memref<24576xf32, #tpu.memory_space<vmem>>
    %dma_wait3A_407 = arith.constant 0 : i32
    %dma_wait3A_408 = tpu.memref_slice %arg7[%add3A_293, %dma_wait3A_407] : memref<64x24576xf32, #tpu.memory_space<hbm>> -> memref<1x24576xf32, #tpu.memory_space<hbm>>
    %dma_wait3A_409 = tpu.memref_squeeze %dma_wait3A_408 : memref<1x24576xf32, #tpu.memory_space<hbm>> -> memref<24576xf32, #tpu.memory_space<hbm>>
    tpu.wait_dma2 semaphore(%arg14 : memref<!tpu.dma_semaphore, #tpu.memory_space<semaphore_mem>>) src(%dma_wait3A_409 : memref<24576xf32, #tpu.memory_space<hbm>>) dst(%dma_wait3A_406 : memref<24576xf32, #tpu.memory_space<vmem>>)
    %dma_wait3A_410 = arith.constant 0 : i32
    %dma_wait3A_411 = tpu.memref_slice %arg8[%dma_wait3A_410] : memref<108288xf32, #tpu.memory_space<vmem>> -> memref<9984xf32, #tpu.memory_space<vmem>>
    %dma_wait3A_412 = arith.constant 0 : i32
    %dma_wait3A_413 = tpu.memref_slice %arg7[%add3A_293, %dma_wait3A_412] : memref<64x24576xf32, #tpu.memory_space<hbm>> -> memref<1x9984xf32, #tpu.memory_space<hbm>>
    %dma_wait3A_414 = tpu.memref_squeeze %dma_wait3A_413 : memref<1x9984xf32, #tpu.memory_space<hbm>> -> memref<9984xf32, #tpu.memory_space<hbm>>
    %dma_wait3A_415 = arith.constant 0 : i32
    %dma_wait3A_416 = tpu.memref_slice %arg8[%dma_wait3A_415] : memref<108288xf32, #tpu.memory_space<vmem>> -> memref<9984xf32, #tpu.memory_space<vmem>>
    %dma_wait3A_417 = arith.constant 0 : i32
    %dma_wait3A_418 = tpu.memref_slice %arg7[%add3A_293, %dma_wait3A_417] : memref<64x24576xf32, #tpu.memory_space<hbm>> -> memref<1x9984xf32, #tpu.memory_space<hbm>>
    %dma_wait3A_419 = tpu.memref_squeeze %dma_wait3A_418 : memref<1x9984xf32, #tpu.memory_space<hbm>> -> memref<9984xf32, #tpu.memory_space<hbm>>
    tpu.wait_dma2 semaphore(%arg14 : memref<!tpu.dma_semaphore, #tpu.memory_space<semaphore_mem>>) src(%dma_wait3A_419 : memref<9984xf32, #tpu.memory_space<hbm>>) dst(%dma_wait3A_416 : memref<9984xf32, #tpu.memory_space<vmem>>)
    %dma_wait3A_420 = arith.constant 0 : i32
    %dma_wait3A_421 = tpu.memref_slice %arg13[%dma_wait3A_420] : memref<24576xi32, #tpu.memory_space<vmem_shared>> -> memref<4096xi32, #tpu.memory_space<vmem_shared>>
    %dma_wait3A_422 = arith.constant 0 : i32
    %dma_wait3A_423 = tpu.memref_slice %arg13[%dma_wait3A_422] : memref<24576xi32, #tpu.memory_space<vmem_shared>> -> memref<4096xi32, #tpu.memory_space<vmem_shared>>
    tpu.wait_dma2 semaphore(%arg15 : memref<!tpu.dma_semaphore, #tpu.memory_space<semaphore_mem>>) src(%dma_wait3A_423 : memref<4096xi32, #tpu.memory_space<vmem_shared>>) dst(%arg9 : memref<4096xi32, #tpu.memory_space<vmem>>)
    %dma_start3A_424 = arith.constant 4096 : i32
    %dma_start3A_425 = tpu.memref_slice %arg13[%dma_start3A_424] : memref<24576xi32, #tpu.memory_space<vmem_shared>> -> memref<4096xi32, #tpu.memory_space<vmem_shared>>
    %dma_start3A_426 = arith.constant 4096 : i32
    %dma_start3A_427 = tpu.memref_slice %arg13[%dma_start3A_426] : memref<24576xi32, #tpu.memory_space<vmem_shared>> -> memref<4096xi32, #tpu.memory_space<vmem_shared>>
    tpu.enqueue_dma source(%dma_start3A_427 : memref<4096xi32, #tpu.memory_space<vmem_shared>>) target(%arg10 : memref<4096xi32, #tpu.memory_space<vmem>>) target_semaphore(%arg15 : memref<!tpu.dma_semaphore, #tpu.memory_space<semaphore_mem>>)
    %scan3A_428 = arith.constant 0 : i32
    %scan3A_429 = arith.constant 0 : i32
    %scan3A_430 = arith.constant 32 : i32
    %scan3A_431 = arith.addi %scan3A_429, %scan3A_430 : i32
    %scan3A_432 = arith.constant 1 : i32
    scf.for %scan3A_572 = %scan3A_429 to %scan3A_431 step %scan3A_432  : i32 {
      %mul3A_573 = arith.constant 128 : i32
      %mul3A_574 = arith.muli %scan3A_572, %mul3A_573 : i32
      %add3A_575 = arith.constant 0 : i32
      %add3A_576 = arith.addi %mul3A_574, %add3A_575 : i32
      %get3A = arith.index_cast %add3A_576 : i32 to index
      %get3A_577 = tpu.vector_load %arg9[%get3A] {strides = array<i32>} : memref<4096xi32, #tpu.memory_space<vmem>>, vector<16xi32>,
      %gather3A = tpu.vector_load_idx %arg8[%get3A_577] : memref<108288xf32, #tpu.memory_space<vmem>>[vector<16xi32>], vector<16xf32>,
      %swap3A = arith.index_cast %add3A_576 : i32 to index
      %swap3A_578 = tpu.vector_load %arg11[%swap3A] {strides = array<i32>} : memref<4096xf32, #tpu.memory_space<vmem>>, vector<16xf32>,
      tpu.vector_store %arg11[%swap3A], %gather3A {strides = array<i32>} : memref<4096xf32, #tpu.memory_space<vmem>>, vector<16xf32>,
      %add3A_579 = arith.constant 16 : i32
      %add3A_580 = arith.addi %mul3A_574, %add3A_579 : i32
      %get3A_581 = arith.index_cast %add3A_580 : i32 to index
      %get3A_582 = tpu.vector_load %arg9[%get3A_581] {strides = array<i32>} : memref<4096xi32, #tpu.memory_space<vmem>>, vector<16xi32>,
      %gather3A_583 = tpu.vector_load_idx %arg8[%get3A_582] : memref<108288xf32, #tpu.memory_space<vmem>>[vector<16xi32>], vector<16xf32>,
      %swap3A_584 = arith.index_cast %add3A_580 : i32 to index
      %swap3A_585 = tpu.vector_load %arg11[%swap3A_584] {strides = array<i32>} : memref<4096xf32, #tpu.memory_space<vmem>>, vector<16xf32>,
      tpu.vector_store %arg11[%swap3A_584], %gather3A_583 {strides = array<i32>} : memref<4096xf32, #tpu.memory_space<vmem>>, vector<16xf32>,
      %add3A_586 = arith.constant 32 : i32
      %add3A_587 = arith.addi %mul3A_574, %add3A_586 : i32
      %get3A_588 = arith.index_cast %add3A_587 : i32 to index
      %get3A_589 = tpu.vector_load %arg9[%get3A_588] {strides = array<i32>} : memref<4096xi32, #tpu.memory_space<vmem>>, vector<16xi32>,
      %gather3A_590 = tpu.vector_load_idx %arg8[%get3A_589] : memref<108288xf32, #tpu.memory_space<vmem>>[vector<16xi32>], vector<16xf32>,
      %swap3A_591 = arith.index_cast %add3A_587 : i32 to index
      %swap3A_592 = tpu.vector_load %arg11[%swap3A_591] {strides = array<i32>} : memref<4096xf32, #tpu.memory_space<vmem>>, vector<16xf32>,
      tpu.vector_store %arg11[%swap3A_591], %gather3A_590 {strides = array<i32>} : memref<4096xf32, #tpu.memory_space<vmem>>, vector<16xf32>,
      %add3A_593 = arith.constant 48 : i32
      %add3A_594 = arith.addi %mul3A_574, %add3A_593 : i32
      %get3A_595 = arith.index_cast %add3A_594 : i32 to index
      %get3A_596 = tpu.vector_load %arg9[%get3A_595] {strides = array<i32>} : memref<4096xi32, #tpu.memory_space<vmem>>, vector<16xi32>,
      %gather3A_597 = tpu.vector_load_idx %arg8[%get3A_596] : memref<108288xf32, #tpu.memory_space<vmem>>[vector<16xi32>], vector<16xf32>,
      %swap3A_598 = arith.index_cast %add3A_594 : i32 to index
      %swap3A_599 = tpu.vector_load %arg11[%swap3A_598] {strides = array<i32>} : memref<4096xf32, #tpu.memory_space<vmem>>, vector<16xf32>,
      tpu.vector_store %arg11[%swap3A_598], %gather3A_597 {strides = array<i32>} : memref<4096xf32, #tpu.memory_space<vmem>>, vector<16xf32>,
      %add3A_600 = arith.constant 64 : i32
      %add3A_601 = arith.addi %mul3A_574, %add3A_600 : i32
      %get3A_602 = arith.index_cast %add3A_601 : i32 to index
      %get3A_603 = tpu.vector_load %arg9[%get3A_602] {strides = array<i32>} : memref<4096xi32, #tpu.memory_space<vmem>>, vector<16xi32>,
      %gather3A_604 = tpu.vector_load_idx %arg8[%get3A_603] : memref<108288xf32, #tpu.memory_space<vmem>>[vector<16xi32>], vector<16xf32>,
      %swap3A_605 = arith.index_cast %add3A_601 : i32 to index
      %swap3A_606 = tpu.vector_load %arg11[%swap3A_605] {strides = array<i32>} : memref<4096xf32, #tpu.memory_space<vmem>>, vector<16xf32>,
      tpu.vector_store %arg11[%swap3A_605], %gather3A_604 {strides = array<i32>} : memref<4096xf32, #tpu.memory_space<vmem>>, vector<16xf32>,
      %add3A_607 = arith.constant 80 : i32
      %add3A_608 = arith.addi %mul3A_574, %add3A_607 : i32
      %get3A_609 = arith.index_cast %add3A_608 : i32 to index
      %get3A_610 = tpu.vector_load %arg9[%get3A_609] {strides = array<i32>} : memref<4096xi32, #tpu.memory_space<vmem>>, vector<16xi32>,
      %gather3A_611 = tpu.vector_load_idx %arg8[%get3A_610] : memref<108288xf32, #tpu.memory_space<vmem>>[vector<16xi32>], vector<16xf32>,
      %swap3A_612 = arith.index_cast %add3A_608 : i32 to index
      %swap3A_613 = tpu.vector_load %arg11[%swap3A_612] {strides = array<i32>} : memref<4096xf32, #tpu.memory_space<vmem>>, vector<16xf32>,
      tpu.vector_store %arg11[%swap3A_612], %gather3A_611 {strides = array<i32>} : memref<4096xf32, #tpu.memory_space<vmem>>, vector<16xf32>,
      %add3A_614 = arith.constant 96 : i32
      %add3A_615 = arith.addi %mul3A_574, %add3A_614 : i32
      %get3A_616 = arith.index_cast %add3A_615 : i32 to index
      %get3A_617 = tpu.vector_load %arg9[%get3A_616] {strides = array<i32>} : memref<4096xi32, #tpu.memory_space<vmem>>, vector<16xi32>,
      %gather3A_618 = tpu.vector_load_idx %arg8[%get3A_617] : memref<108288xf32, #tpu.memory_space<vmem>>[vector<16xi32>], vector<16xf32>,
      %swap3A_619 = arith.index_cast %add3A_615 : i32 to index
      %swap3A_620 = tpu.vector_load %arg11[%swap3A_619] {strides = array<i32>} : memref<4096xf32, #tpu.memory_space<vmem>>, vector<16xf32>,
      tpu.vector_store %arg11[%swap3A_619], %gather3A_618 {strides = array<i32>} : memref<4096xf32, #tpu.memory_space<vmem>>, vector<16xf32>,
      %add3A_621 = arith.constant 112 : i32
      %add3A_622 = arith.addi %mul3A_574, %add3A_621 : i32
      %get3A_623 = arith.index_cast %add3A_622 : i32 to index
      %get3A_624 = tpu.vector_load %arg9[%get3A_623] {strides = array<i32>} : memref<4096xi32, #tpu.memory_space<vmem>>, vector<16xi32>,
      %gather3A_625 = tpu.vector_load_idx %arg8[%get3A_624] : memref<108288xf32, #tpu.memory_space<vmem>>[vector<16xi32>], vector<16xf32>,
      %swap3A_626 = arith.index_cast %add3A_622 : i32 to index
      %swap3A_627 = tpu.vector_load %arg11[%swap3A_626] {strides = array<i32>} : memref<4096xf32, #tpu.memory_space<vmem>>, vector<16xf32>,
      tpu.vector_store %arg11[%swap3A_626], %gather3A_625 {strides = array<i32>} : memref<4096xf32, #tpu.memory_space<vmem>>, vector<16xf32>,
    }
    %scan3A_433 = arith.constant 32 : i32
    %scan3A_434 = arith.constant 0 : i32
    %scan3A_435 = arith.constant 0 : i32
    %scan3A_436 = arith.constant 8 : i32
    %scan3A_437 = arith.addi %scan3A_435, %scan3A_436 : i32
    %scan3A_438 = arith.constant 1 : i32
    scf.for %scan3A_572 = %scan3A_435 to %scan3A_437 step %scan3A_438  : i32 {
      %mul3A_573 = arith.constant 512 : i32
      %mul3A_574 = arith.muli %scan3A_572, %mul3A_573 : i32
      %add3A_575 = arith.constant 0 : i32
      %add3A_576 = arith.addi %mul3A_574, %add3A_575 : i32
      %add3A_577 = arith.constant 0 : i32
      %add3A_578 = arith.addi %add3A_577, %mul3A_574 : i32
      %add3A_579 = arith.constant 0 : i32
      %add3A_580 = arith.addi %add3A_578, %add3A_579 : i32
      %dma_start3A_581 = tpu.memref_slice %arg11[%add3A_576] : memref<4096xf32, #tpu.memory_space<vmem>> -> memref<128xf32, #tpu.memory_space<vmem>>
      %dma_start3A_582 = tpu.memref_slice %arg7[%add3A_293, %add3A_580] : memref<64x24576xf32, #tpu.memory_space<hbm>> -> memref<1x128xf32, #tpu.memory_space<hbm>>
      %dma_start3A_583 = tpu.memref_squeeze %dma_start3A_582 : memref<1x128xf32, #tpu.memory_space<hbm>> -> memref<128xf32, #tpu.memory_space<hbm>>
      %dma_start3A_584 = tpu.memref_slice %arg7[%add3A_293, %add3A_580] : memref<64x24576xf32, #tpu.memory_space<hbm>> -> memref<1x128xf32, #tpu.memory_space<hbm>>
      %dma_start3A_585 = tpu.memref_squeeze %dma_start3A_584 : memref<1x128xf32, #tpu.memory_space<hbm>> -> memref<128xf32, #tpu.memory_space<hbm>>
      %dma_start3A_586 = tpu.memref_slice %arg11[%add3A_576] : memref<4096xf32, #tpu.memory_space<vmem>> -> memref<128xf32, #tpu.memory_space<vmem>>
      tpu.enqueue_dma source(%dma_start3A_586 : memref<128xf32, #tpu.memory_space<vmem>>) target(%dma_start3A_585 : memref<128xf32, #tpu.memory_space<hbm>>) target_semaphore(%arg16 : memref<!tpu.dma_semaphore, #tpu.memory_space<semaphore_mem>>)
      %add3A_587 = arith.constant 128 : i32
      %add3A_588 = arith.addi %mul3A_574, %add3A_587 : i32
      %add3A_589 = arith.constant 0 : i32
      %add3A_590 = arith.addi %add3A_589, %mul3A_574 : i32
      %add3A_591 = arith.constant 128 : i32
      %add3A_592 = arith.addi %add3A_590, %add3A_591 : i32
      %dma_start3A_593 = tpu.memref_slice %arg11[%add3A_588] : memref<4096xf32, #tpu.memory_space<vmem>> -> memref<128xf32, #tpu.memory_space<vmem>>
      %dma_start3A_594 = tpu.memref_slice %arg7[%add3A_293, %add3A_592] : memref<64x24576xf32, #tpu.memory_space<hbm>> -> memref<1x128xf32, #tpu.memory_space<hbm>>
      %dma_start3A_595 = tpu.memref_squeeze %dma_start3A_594 : memref<1x128xf32, #tpu.memory_space<hbm>> -> memref<128xf32, #tpu.memory_space<hbm>>
      %dma_start3A_596 = tpu.memref_slice %arg7[%add3A_293, %add3A_592] : memref<64x24576xf32, #tpu.memory_space<hbm>> -> memref<1x128xf32, #tpu.memory_space<hbm>>
      %dma_start3A_597 = tpu.memref_squeeze %dma_start3A_596 : memref<1x128xf32, #tpu.memory_space<hbm>> -> memref<128xf32, #tpu.memory_space<hbm>>
      %dma_start3A_598 = tpu.memref_slice %arg11[%add3A_588] : memref<4096xf32, #tpu.memory_space<vmem>> -> memref<128xf32, #tpu.memory_space<vmem>>
      tpu.enqueue_dma source(%dma_start3A_598 : memref<128xf32, #tpu.memory_space<vmem>>) target(%dma_start3A_597 : memref<128xf32, #tpu.memory_space<hbm>>) target_semaphore(%arg16 : memref<!tpu.dma_semaphore, #tpu.memory_space<semaphore_mem>>)
      %add3A_599 = arith.constant 256 : i32
      %add3A_600 = arith.addi %mul3A_574, %add3A_599 : i32
      %add3A_601 = arith.constant 0 : i32
      %add3A_602 = arith.addi %add3A_601, %mul3A_574 : i32
      %add3A_603 = arith.constant 256 : i32
      %add3A_604 = arith.addi %add3A_602, %add3A_603 : i32
      %dma_start3A_605 = tpu.memref_slice %arg11[%add3A_600] : memref<4096xf32, #tpu.memory_space<vmem>> -> memref<128xf32, #tpu.memory_space<vmem>>
      %dma_start3A_606 = tpu.memref_slice %arg7[%add3A_293, %add3A_604] : memref<64x24576xf32, #tpu.memory_space<hbm>> -> memref<1x128xf32, #tpu.memory_space<hbm>>
      %dma_start3A_607 = tpu.memref_squeeze %dma_start3A_606 : memref<1x128xf32, #tpu.memory_space<hbm>> -> memref<128xf32, #tpu.memory_space<hbm>>
      %dma_start3A_608 = tpu.memref_slice %arg7[%add3A_293, %add3A_604] : memref<64x24576xf32, #tpu.memory_space<hbm>> -> memref<1x128xf32, #tpu.memory_space<hbm>>
      %dma_start3A_609 = tpu.memref_squeeze %dma_start3A_608 : memref<1x128xf32, #tpu.memory_space<hbm>> -> memref<128xf32, #tpu.memory_space<hbm>>
      %dma_start3A_610 = tpu.memref_slice %arg11[%add3A_600] : memref<4096xf32, #tpu.memory_space<vmem>> -> memref<128xf32, #tpu.memory_space<vmem>>
      tpu.enqueue_dma source(%dma_start3A_610 : memref<128xf32, #tpu.memory_space<vmem>>) target(%dma_start3A_609 : memref<128xf32, #tpu.memory_space<hbm>>) target_semaphore(%arg16 : memref<!tpu.dma_semaphore, #tpu.memory_space<semaphore_mem>>)
      %add3A_611 = arith.constant 384 : i32
      %add3A_612 = arith.addi %mul3A_574, %add3A_611 : i32
      %add3A_613 = arith.constant 0 : i32
      %add3A_614 = arith.addi %add3A_613, %mul3A_574 : i32
      %add3A_615 = arith.constant 384 : i32
      %add3A_616 = arith.addi %add3A_614, %add3A_615 : i32
      %dma_start3A_617 = tpu.memref_slice %arg11[%add3A_612] : memref<4096xf32, #tpu.memory_space<vmem>> -> memref<128xf32, #tpu.memory_space<vmem>>
      %dma_start3A_618 = tpu.memref_slice %arg7[%add3A_293, %add3A_616] : memref<64x24576xf32, #tpu.memory_space<hbm>> -> memref<1x128xf32, #tpu.memory_space<hbm>>
      %dma_start3A_619 = tpu.memref_squeeze %dma_start3A_618 : memref<1x128xf32, #tpu.memory_space<hbm>> -> memref<128xf32, #tpu.memory_space<hbm>>
      %dma_start3A_620 = tpu.memref_slice %arg7[%add3A_293, %add3A_616] : memref<64x24576xf32, #tpu.memory_space<hbm>> -> memref<1x128xf32, #tpu.memory_space<hbm>>
      %dma_start3A_621 = tpu.memref_squeeze %dma_start3A_620 : memref<1x128xf32, #tpu.memory_space<hbm>> -> memref<128xf32, #tpu.memory_space<hbm>>
      %dma_start3A_622 = tpu.memref_slice %arg11[%add3A_612] : memref<4096xf32, #tpu.memory_space<vmem>> -> memref<128xf32, #tpu.memory_space<vmem>>
      tpu.enqueue_dma source(%dma_start3A_622 : memref<128xf32, #tpu.memory_space<vmem>>) target(%dma_start3A_621 : memref<128xf32, #tpu.memory_space<hbm>>) target_semaphore(%arg16 : memref<!tpu.dma_semaphore, #tpu.memory_space<semaphore_mem>>)
    }
    %scan3A_439 = arith.constant 8 : i32
    %dma_wait3A_440 = arith.constant 0 : i32
    %dma_wait3A_441 = tpu.memref_slice %arg13[%dma_wait3A_440] : memref<24576xi32, #tpu.memory_space<vmem_shared>> -> memref<4096xi32, #tpu.memory_space<vmem_shared>>
    %dma_wait3A_442 = arith.constant 0 : i32
    %dma_wait3A_443 = tpu.memref_slice %arg13[%dma_wait3A_442] : memref<24576xi32, #tpu.memory_space<vmem_shared>> -> memref<4096xi32, #tpu.memory_space<vmem_shared>>
    tpu.wait_dma2 semaphore(%arg15 : memref<!tpu.dma_semaphore, #tpu.memory_space<semaphore_mem>>) src(%dma_wait3A_443 : memref<4096xi32, #tpu.memory_space<vmem_shared>>) dst(%arg10 : memref<4096xi32, #tpu.memory_space<vmem>>)
    %dma_start3A_444 = arith.constant 8192 : i32
    %dma_start3A_445 = tpu.memref_slice %arg13[%dma_start3A_444] : memref<24576xi32, #tpu.memory_space<vmem_shared>> -> memref<4096xi32, #tpu.memory_space<vmem_shared>>
    %dma_start3A_446 = arith.constant 8192 : i32
    %dma_start3A_447 = tpu.memref_slice %arg13[%dma_start3A_446] : memref<24576xi32, #tpu.memory_space<vmem_shared>> -> memref<4096xi32, #tpu.memory_space<vmem_shared>>
    tpu.enqueue_dma source(%dma_start3A_447 : memref<4096xi32, #tpu.memory_space<vmem_shared>>) target(%arg9 : memref<4096xi32, #tpu.memory_space<vmem>>) target_semaphore(%arg15 : memref<!tpu.dma_semaphore, #tpu.memory_space<semaphore_mem>>)
    %scan3A_448 = arith.constant 0 : i32
    %scan3A_449 = arith.constant 0 : i32
    %scan3A_450 = arith.constant 32 : i32
    %scan3A_451 = arith.addi %scan3A_449, %scan3A_450 : i32
    %scan3A_452 = arith.constant 1 : i32
    scf.for %scan3A_572 = %scan3A_449 to %scan3A_451 step %scan3A_452  : i32 {
      %mul3A_573 = arith.constant 128 : i32
      %mul3A_574 = arith.muli %scan3A_572, %mul3A_573 : i32
      %add3A_575 = arith.constant 0 : i32
      %add3A_576 = arith.addi %mul3A_574, %add3A_575 : i32
      %get3A = arith.index_cast %add3A_576 : i32 to index
      %get3A_577 = tpu.vector_load %arg10[%get3A] {strides = array<i32>} : memref<4096xi32, #tpu.memory_space<vmem>>, vector<16xi32>,
      %gather3A = tpu.vector_load_idx %arg8[%get3A_577] : memref<108288xf32, #tpu.memory_space<vmem>>[vector<16xi32>], vector<16xf32>,
      %swap3A = arith.index_cast %add3A_576 : i32 to index
      %swap3A_578 = tpu.vector_load %arg12[%swap3A] {strides = array<i32>} : memref<4096xf32, #tpu.memory_space<vmem>>, vector<16xf32>,
      tpu.vector_store %arg12[%swap3A], %gather3A {strides = array<i32>} : memref<4096xf32, #tpu.memory_space<vmem>>, vector<16xf32>,
      %add3A_579 = arith.constant 16 : i32
      %add3A_580 = arith.addi %mul3A_574, %add3A_579 : i32
      %get3A_581 = arith.index_cast %add3A_580 : i32 to index
      %get3A_582 = tpu.vector_load %arg10[%get3A_581] {strides = array<i32>} : memref<4096xi32, #tpu.memory_space<vmem>>, vector<16xi32>,
      %gather3A_583 = tpu.vector_load_idx %arg8[%get3A_582] : memref<108288xf32, #tpu.memory_space<vmem>>[vector<16xi32>], vector<16xf32>,
      %swap3A_584 = arith.index_cast %add3A_580 : i32 to index
      %swap3A_585 = tpu.vector_load %arg12[%swap3A_584] {strides = array<i32>} : memref<4096xf32, #tpu.memory_space<vmem>>, vector<16xf32>,
      tpu.vector_store %arg12[%swap3A_584], %gather3A_583 {strides = array<i32>} : memref<4096xf32, #tpu.memory_space<vmem>>, vector<16xf32>,
      %add3A_586 = arith.constant 32 : i32
      %add3A_587 = arith.addi %mul3A_574, %add3A_586 : i32
      %get3A_588 = arith.index_cast %add3A_587 : i32 to index
      %get3A_589 = tpu.vector_load %arg10[%get3A_588] {strides = array<i32>} : memref<4096xi32, #tpu.memory_space<vmem>>, vector<16xi32>,
      %gather3A_590 = tpu.vector_load_idx %arg8[%get3A_589] : memref<108288xf32, #tpu.memory_space<vmem>>[vector<16xi32>], vector<16xf32>,
      %swap3A_591 = arith.index_cast %add3A_587 : i32 to index
      %swap3A_592 = tpu.vector_load %arg12[%swap3A_591] {strides = array<i32>} : memref<4096xf32, #tpu.memory_space<vmem>>, vector<16xf32>,
      tpu.vector_store %arg12[%swap3A_591], %gather3A_590 {strides = array<i32>} : memref<4096xf32, #tpu.memory_space<vmem>>, vector<16xf32>,
      %add3A_593 = arith.constant 48 : i32
      %add3A_594 = arith.addi %mul3A_574, %add3A_593 : i32
      %get3A_595 = arith.index_cast %add3A_594 : i32 to index
      %get3A_596 = tpu.vector_load %arg10[%get3A_595] {strides = array<i32>} : memref<4096xi32, #tpu.memory_space<vmem>>, vector<16xi32>,
      %gather3A_597 = tpu.vector_load_idx %arg8[%get3A_596] : memref<108288xf32, #tpu.memory_space<vmem>>[vector<16xi32>], vector<16xf32>,
      %swap3A_598 = arith.index_cast %add3A_594 : i32 to index
      %swap3A_599 = tpu.vector_load %arg12[%swap3A_598] {strides = array<i32>} : memref<4096xf32, #tpu.memory_space<vmem>>, vector<16xf32>,
      tpu.vector_store %arg12[%swap3A_598], %gather3A_597 {strides = array<i32>} : memref<4096xf32, #tpu.memory_space<vmem>>, vector<16xf32>,
      %add3A_600 = arith.constant 64 : i32
      %add3A_601 = arith.addi %mul3A_574, %add3A_600 : i32
      %get3A_602 = arith.index_cast %add3A_601 : i32 to index
      %get3A_603 = tpu.vector_load %arg10[%get3A_602] {strides = array<i32>} : memref<4096xi32, #tpu.memory_space<vmem>>, vector<16xi32>,
      %gather3A_604 = tpu.vector_load_idx %arg8[%get3A_603] : memref<108288xf32, #tpu.memory_space<vmem>>[vector<16xi32>], vector<16xf32>,
      %swap3A_605 = arith.index_cast %add3A_601 : i32 to index
      %swap3A_606 = tpu.vector_load %arg12[%swap3A_605] {strides = array<i32>} : memref<4096xf32, #tpu.memory_space<vmem>>, vector<16xf32>,
      tpu.vector_store %arg12[%swap3A_605], %gather3A_604 {strides = array<i32>} : memref<4096xf32, #tpu.memory_space<vmem>>, vector<16xf32>,
      %add3A_607 = arith.constant 80 : i32
      %add3A_608 = arith.addi %mul3A_574, %add3A_607 : i32
      %get3A_609 = arith.index_cast %add3A_608 : i32 to index
      %get3A_610 = tpu.vector_load %arg10[%get3A_609] {strides = array<i32>} : memref<4096xi32, #tpu.memory_space<vmem>>, vector<16xi32>,
      %gather3A_611 = tpu.vector_load_idx %arg8[%get3A_610] : memref<108288xf32, #tpu.memory_space<vmem>>[vector<16xi32>], vector<16xf32>,
      %swap3A_612 = arith.index_cast %add3A_608 : i32 to index
      %swap3A_613 = tpu.vector_load %arg12[%swap3A_612] {strides = array<i32>} : memref<4096xf32, #tpu.memory_space<vmem>>, vector<16xf32>,
      tpu.vector_store %arg12[%swap3A_612], %gather3A_611 {strides = array<i32>} : memref<4096xf32, #tpu.memory_space<vmem>>, vector<16xf32>,
      %add3A_614 = arith.constant 96 : i32
      %add3A_615 = arith.addi %mul3A_574, %add3A_614 : i32
      %get3A_616 = arith.index_cast %add3A_615 : i32 to index
      %get3A_617 = tpu.vector_load %arg10[%get3A_616] {strides = array<i32>} : memref<4096xi32, #tpu.memory_space<vmem>>, vector<16xi32>,
      %gather3A_618 = tpu.vector_load_idx %arg8[%get3A_617] : memref<108288xf32, #tpu.memory_space<vmem>>[vector<16xi32>], vector<16xf32>,
      %swap3A_619 = arith.index_cast %add3A_615 : i32 to index
      %swap3A_620 = tpu.vector_load %arg12[%swap3A_619] {strides = array<i32>} : memref<4096xf32, #tpu.memory_space<vmem>>, vector<16xf32>,
      tpu.vector_store %arg12[%swap3A_619], %gather3A_618 {strides = array<i32>} : memref<4096xf32, #tpu.memory_space<vmem>>, vector<16xf32>,
      %add3A_621 = arith.constant 112 : i32
      %add3A_622 = arith.addi %mul3A_574, %add3A_621 : i32
      %get3A_623 = arith.index_cast %add3A_622 : i32 to index
      %get3A_624 = tpu.vector_load %arg10[%get3A_623] {strides = array<i32>} : memref<4096xi32, #tpu.memory_space<vmem>>, vector<16xi32>,
      %gather3A_625 = tpu.vector_load_idx %arg8[%get3A_624] : memref<108288xf32, #tpu.memory_space<vmem>>[vector<16xi32>], vector<16xf32>,
      %swap3A_626 = arith.index_cast %add3A_622 : i32 to index
      %swap3A_627 = tpu.vector_load %arg12[%swap3A_626] {strides = array<i32>} : memref<4096xf32, #tpu.memory_space<vmem>>, vector<16xf32>,
      tpu.vector_store %arg12[%swap3A_626], %gather3A_625 {strides = array<i32>} : memref<4096xf32, #tpu.memory_space<vmem>>, vector<16xf32>,
    }
    %scan3A_453 = arith.constant 32 : i32
    %scan3A_454 = arith.constant 0 : i32
    %scan3A_455 = arith.constant 0 : i32
    %scan3A_456 = arith.constant 8 : i32
    %scan3A_457 = arith.addi %scan3A_455, %scan3A_456 : i32
    %scan3A_458 = arith.constant 1 : i32
    scf.for %scan3A_572 = %scan3A_455 to %scan3A_457 step %scan3A_458  : i32 {
      %mul3A_573 = arith.constant 512 : i32
      %mul3A_574 = arith.muli %scan3A_572, %mul3A_573 : i32
      %add3A_575 = arith.constant 0 : i32
      %add3A_576 = arith.addi %mul3A_574, %add3A_575 : i32
      %add3A_577 = arith.constant 4096 : i32
      %add3A_578 = arith.addi %add3A_577, %mul3A_574 : i32
      %add3A_579 = arith.constant 0 : i32
      %add3A_580 = arith.addi %add3A_578, %add3A_579 : i32
      %dma_start3A_581 = tpu.memref_slice %arg12[%add3A_576] : memref<4096xf32, #tpu.memory_space<vmem>> -> memref<128xf32, #tpu.memory_space<vmem>>
      %dma_start3A_582 = tpu.memref_slice %arg7[%add3A_293, %add3A_580] : memref<64x24576xf32, #tpu.memory_space<hbm>> -> memref<1x128xf32, #tpu.memory_space<hbm>>
      %dma_start3A_583 = tpu.memref_squeeze %dma_start3A_582 : memref<1x128xf32, #tpu.memory_space<hbm>> -> memref<128xf32, #tpu.memory_space<hbm>>
      %dma_start3A_584 = tpu.memref_slice %arg7[%add3A_293, %add3A_580] : memref<64x24576xf32, #tpu.memory_space<hbm>> -> memref<1x128xf32, #tpu.memory_space<hbm>>
      %dma_start3A_585 = tpu.memref_squeeze %dma_start3A_584 : memref<1x128xf32, #tpu.memory_space<hbm>> -> memref<128xf32, #tpu.memory_space<hbm>>
      %dma_start3A_586 = tpu.memref_slice %arg12[%add3A_576] : memref<4096xf32, #tpu.memory_space<vmem>> -> memref<128xf32, #tpu.memory_space<vmem>>
      tpu.enqueue_dma source(%dma_start3A_586 : memref<128xf32, #tpu.memory_space<vmem>>) target(%dma_start3A_585 : memref<128xf32, #tpu.memory_space<hbm>>) target_semaphore(%arg16 : memref<!tpu.dma_semaphore, #tpu.memory_space<semaphore_mem>>)
      %add3A_587 = arith.constant 128 : i32
      %add3A_588 = arith.addi %mul3A_574, %add3A_587 : i32
      %add3A_589 = arith.constant 4096 : i32
      %add3A_590 = arith.addi %add3A_589, %mul3A_574 : i32
      %add3A_591 = arith.constant 128 : i32
      %add3A_592 = arith.addi %add3A_590, %add3A_591 : i32
      %dma_start3A_593 = tpu.memref_slice %arg12[%add3A_588] : memref<4096xf32, #tpu.memory_space<vmem>> -> memref<128xf32, #tpu.memory_space<vmem>>
      %dma_start3A_594 = tpu.memref_slice %arg7[%add3A_293, %add3A_592] : memref<64x24576xf32, #tpu.memory_space<hbm>> -> memref<1x128xf32, #tpu.memory_space<hbm>>
      %dma_start3A_595 = tpu.memref_squeeze %dma_start3A_594 : memref<1x128xf32, #tpu.memory_space<hbm>> -> memref<128xf32, #tpu.memory_space<hbm>>
      %dma_start3A_596 = tpu.memref_slice %arg7[%add3A_293, %add3A_592] : memref<64x24576xf32, #tpu.memory_space<hbm>> -> memref<1x128xf32, #tpu.memory_space<hbm>>
      %dma_start3A_597 = tpu.memref_squeeze %dma_start3A_596 : memref<1x128xf32, #tpu.memory_space<hbm>> -> memref<128xf32, #tpu.memory_space<hbm>>
      %dma_start3A_598 = tpu.memref_slice %arg12[%add3A_588] : memref<4096xf32, #tpu.memory_space<vmem>> -> memref<128xf32, #tpu.memory_space<vmem>>
      tpu.enqueue_dma source(%dma_start3A_598 : memref<128xf32, #tpu.memory_space<vmem>>) target(%dma_start3A_597 : memref<128xf32, #tpu.memory_space<hbm>>) target_semaphore(%arg16 : memref<!tpu.dma_semaphore, #tpu.memory_space<semaphore_mem>>)
      %add3A_599 = arith.constant 256 : i32
      %add3A_600 = arith.addi %mul3A_574, %add3A_599 : i32
      %add3A_601 = arith.constant 4096 : i32
      %add3A_602 = arith.addi %add3A_601, %mul3A_574 : i32
      %add3A_603 = arith.constant 256 : i32
      %add3A_604 = arith.addi %add3A_602, %add3A_603 : i32
      %dma_start3A_605 = tpu.memref_slice %arg12[%add3A_600] : memref<4096xf32, #tpu.memory_space<vmem>> -> memref<128xf32, #tpu.memory_space<vmem>>
      %dma_start3A_606 = tpu.memref_slice %arg7[%add3A_293, %add3A_604] : memref<64x24576xf32, #tpu.memory_space<hbm>> -> memref<1x128xf32, #tpu.memory_space<hbm>>
      %dma_start3A_607 = tpu.memref_squeeze %dma_start3A_606 : memref<1x128xf32, #tpu.memory_space<hbm>> -> memref<128xf32, #tpu.memory_space<hbm>>
      %dma_start3A_608 = tpu.memref_slice %arg7[%add3A_293, %add3A_604] : memref<64x24576xf32, #tpu.memory_space<hbm>> -> memref<1x128xf32, #tpu.memory_space<hbm>>
      %dma_start3A_609 = tpu.memref_squeeze %dma_start3A_608 : memref<1x128xf32, #tpu.memory_space<hbm>> -> memref<128xf32, #tpu.memory_space<hbm>>
      %dma_start3A_610 = tpu.memref_slice %arg12[%add3A_600] : memref<4096xf32, #tpu.memory_space<vmem>> -> memref<128xf32, #tpu.memory_space<vmem>>
      tpu.enqueue_dma source(%dma_start3A_610 : memref<128xf32, #tpu.memory_space<vmem>>) target(%dma_start3A_609 : memref<128xf32, #tpu.memory_space<hbm>>) target_semaphore(%arg16 : memref<!tpu.dma_semaphore, #tpu.memory_space<semaphore_mem>>)
      %add3A_611 = arith.constant 384 : i32
      %add3A_612 = arith.addi %mul3A_574, %add3A_611 : i32
      %add3A_613 = arith.constant 4096 : i32
      %add3A_614 = arith.addi %add3A_613, %mul3A_574 : i32
      %add3A_615 = arith.constant 384 : i32
      %add3A_616 = arith.addi %add3A_614, %add3A_615 : i32
      %dma_start3A_617 = tpu.memref_slice %arg12[%add3A_612] : memref<4096xf32, #tpu.memory_space<vmem>> -> memref<128xf32, #tpu.memory_space<vmem>>
      %dma_start3A_618 = tpu.memref_slice %arg7[%add3A_293, %add3A_616] : memref<64x24576xf32, #tpu.memory_space<hbm>> -> memref<1x128xf32, #tpu.memory_space<hbm>>
      %dma_start3A_619 = tpu.memref_squeeze %dma_start3A_618 : memref<1x128xf32, #tpu.memory_space<hbm>> -> memref<128xf32, #tpu.memory_space<hbm>>
      %dma_start3A_620 = tpu.memref_slice %arg7[%add3A_293, %add3A_616] : memref<64x24576xf32, #tpu.memory_space<hbm>> -> memref<1x128xf32, #tpu.memory_space<hbm>>
      %dma_start3A_621 = tpu.memref_squeeze %dma_start3A_620 : memref<1x128xf32, #tpu.memory_space<hbm>> -> memref<128xf32, #tpu.memory_space<hbm>>
      %dma_start3A_622 = tpu.memref_slice %arg12[%add3A_612] : memref<4096xf32, #tpu.memory_space<vmem>> -> memref<128xf32, #tpu.memory_space<vmem>>
      tpu.enqueue_dma source(%dma_start3A_622 : memref<128xf32, #tpu.memory_space<vmem>>) target(%dma_start3A_621 : memref<128xf32, #tpu.memory_space<hbm>>) target_semaphore(%arg16 : memref<!tpu.dma_semaphore, #tpu.memory_space<semaphore_mem>>)
    }
    %scan3A_459 = arith.constant 8 : i32
    %dma_wait3A_460 = arith.constant 0 : i32
    %dma_wait3A_461 = tpu.memref_slice %arg13[%dma_wait3A_460] : memref<24576xi32, #tpu.memory_space<vmem_shared>> -> memref<4096xi32, #tpu.memory_space<vmem_shared>>
    %dma_wait3A_462 = arith.constant 0 : i32
    %dma_wait3A_463 = tpu.memref_slice %arg13[%dma_wait3A_462] : memref<24576xi32, #tpu.memory_space<vmem_shared>> -> memref<4096xi32, #tpu.memory_space<vmem_shared>>
    tpu.wait_dma2 semaphore(%arg15 : memref<!tpu.dma_semaphore, #tpu.memory_space<semaphore_mem>>) src(%dma_wait3A_463 : memref<4096xi32, #tpu.memory_space<vmem_shared>>) dst(%arg9 : memref<4096xi32, #tpu.memory_space<vmem>>)
    %dma_start3A_464 = arith.constant 12288 : i32
    %dma_start3A_465 = tpu.memref_slice %arg13[%dma_start3A_464] : memref<24576xi32, #tpu.memory_space<vmem_shared>> -> memref<4096xi32, #tpu.memory_space<vmem_shared>>
    %dma_start3A_466 = arith.constant 12288 : i32
    %dma_start3A_467 = tpu.memref_slice %arg13[%dma_start3A_466] : memref<24576xi32, #tpu.memory_space<vmem_shared>> -> memref<4096xi32, #tpu.memory_space<vmem_shared>>
    tpu.enqueue_dma source(%dma_start3A_467 : memref<4096xi32, #tpu.memory_space<vmem_shared>>) target(%arg10 : memref<4096xi32, #tpu.memory_space<vmem>>) target_semaphore(%arg15 : memref<!tpu.dma_semaphore, #tpu.memory_space<semaphore_mem>>)
    %dma_wait3A_468 = arith.constant 0 : i32
    %dma_wait3A_469 = tpu.memref_slice %arg7[%add3A_293, %dma_wait3A_468] : memref<64x24576xf32, #tpu.memory_space<hbm>> -> memref<1x4096xf32, #tpu.memory_space<hbm>>
    %dma_wait3A_470 = tpu.memref_squeeze %dma_wait3A_469 : memref<1x4096xf32, #tpu.memory_space<hbm>> -> memref<4096xf32, #tpu.memory_space<hbm>>
    %dma_wait3A_471 = arith.constant 0 : i32
    %dma_wait3A_472 = tpu.memref_slice %arg7[%add3A_293, %dma_wait3A_471] : memref<64x24576xf32, #tpu.memory_space<hbm>> -> memref<1x4096xf32, #tpu.memory_space<hbm>>
    %dma_wait3A_473 = tpu.memref_squeeze %dma_wait3A_472 : memref<1x4096xf32, #tpu.memory_space<hbm>> -> memref<4096xf32, #tpu.memory_space<hbm>>
    tpu.wait_dma2 semaphore(%arg16 : memref<!tpu.dma_semaphore, #tpu.memory_space<semaphore_mem>>) src(%arg11 : memref<4096xf32, #tpu.memory_space<vmem>>) dst(%dma_wait3A_473 : memref<4096xf32, #tpu.memory_space<hbm>>)
    %scan3A_474 = arith.constant 0 : i32
    %scan3A_475 = arith.constant 0 : i32
    %scan3A_476 = arith.constant 32 : i32
    %scan3A_477 = arith.addi %scan3A_475, %scan3A_476 : i32
    %scan3A_478 = arith.constant 1 : i32
    scf.for %scan3A_572 = %scan3A_475 to %scan3A_477 step %scan3A_478  : i32 {
      %mul3A_573 = arith.constant 128 : i32
      %mul3A_574 = arith.muli %scan3A_572, %mul3A_573 : i32
      %add3A_575 = arith.constant 0 : i32
      %add3A_576 = arith.addi %mul3A_574, %add3A_575 : i32
      %get3A = arith.index_cast %add3A_576 : i32 to index
      %get3A_577 = tpu.vector_load %arg9[%get3A] {strides = array<i32>} : memref<4096xi32, #tpu.memory_space<vmem>>, vector<16xi32>,
      %gather3A = tpu.vector_load_idx %arg8[%get3A_577] : memref<108288xf32, #tpu.memory_space<vmem>>[vector<16xi32>], vector<16xf32>,
      %swap3A = arith.index_cast %add3A_576 : i32 to index
      %swap3A_578 = tpu.vector_load %arg11[%swap3A] {strides = array<i32>} : memref<4096xf32, #tpu.memory_space<vmem>>, vector<16xf32>,
      tpu.vector_store %arg11[%swap3A], %gather3A {strides = array<i32>} : memref<4096xf32, #tpu.memory_space<vmem>>, vector<16xf32>,
      %add3A_579 = arith.constant 16 : i32
      %add3A_580 = arith.addi %mul3A_574, %add3A_579 : i32
      %get3A_581 = arith.index_cast %add3A_580 : i32 to index
      %get3A_582 = tpu.vector_load %arg9[%get3A_581] {strides = array<i32>} : memref<4096xi32, #tpu.memory_space<vmem>>, vector<16xi32>,
      %gather3A_583 = tpu.vector_load_idx %arg8[%get3A_582] : memref<108288xf32, #tpu.memory_space<vmem>>[vector<16xi32>], vector<16xf32>,
      %swap3A_584 = arith.index_cast %add3A_580 : i32 to index
      %swap3A_585 = tpu.vector_load %arg11[%swap3A_584] {strides = array<i32>} : memref<4096xf32, #tpu.memory_space<vmem>>, vector<16xf32>,
      tpu.vector_store %arg11[%swap3A_584], %gather3A_583 {strides = array<i32>} : memref<4096xf32, #tpu.memory_space<vmem>>, vector<16xf32>,
      %add3A_586 = arith.constant 32 : i32
      %add3A_587 = arith.addi %mul3A_574, %add3A_586 : i32
      %get3A_588 = arith.index_cast %add3A_587 : i32 to index
      %get3A_589 = tpu.vector_load %arg9[%get3A_588] {strides = array<i32>} : memref<4096xi32, #tpu.memory_space<vmem>>, vector<16xi32>,
      %gather3A_590 = tpu.vector_load_idx %arg8[%get3A_589] : memref<108288xf32, #tpu.memory_space<vmem>>[vector<16xi32>], vector<16xf32>,
      %swap3A_591 = arith.index_cast %add3A_587 : i32 to index
      %swap3A_592 = tpu.vector_load %arg11[%swap3A_591] {strides = array<i32>} : memref<4096xf32, #tpu.memory_space<vmem>>, vector<16xf32>,
      tpu.vector_store %arg11[%swap3A_591], %gather3A_590 {strides = array<i32>} : memref<4096xf32, #tpu.memory_space<vmem>>, vector<16xf32>,
      %add3A_593 = arith.constant 48 : i32
      %add3A_594 = arith.addi %mul3A_574, %add3A_593 : i32
      %get3A_595 = arith.index_cast %add3A_594 : i32 to index
      %get3A_596 = tpu.vector_load %arg9[%get3A_595] {strides = array<i32>} : memref<4096xi32, #tpu.memory_space<vmem>>, vector<16xi32>,
      %gather3A_597 = tpu.vector_load_idx %arg8[%get3A_596] : memref<108288xf32, #tpu.memory_space<vmem>>[vector<16xi32>], vector<16xf32>,
      %swap3A_598 = arith.index_cast %add3A_594 : i32 to index
      %swap3A_599 = tpu.vector_load %arg11[%swap3A_598] {strides = array<i32>} : memref<4096xf32, #tpu.memory_space<vmem>>, vector<16xf32>,
      tpu.vector_store %arg11[%swap3A_598], %gather3A_597 {strides = array<i32>} : memref<4096xf32, #tpu.memory_space<vmem>>, vector<16xf32>,
      %add3A_600 = arith.constant 64 : i32
      %add3A_601 = arith.addi %mul3A_574, %add3A_600 : i32
      %get3A_602 = arith.index_cast %add3A_601 : i32 to index
      %get3A_603 = tpu.vector_load %arg9[%get3A_602] {strides = array<i32>} : memref<4096xi32, #tpu.memory_space<vmem>>, vector<16xi32>,
      %gather3A_604 = tpu.vector_load_idx %arg8[%get3A_603] : memref<108288xf32, #tpu.memory_space<vmem>>[vector<16xi32>], vector<16xf32>,
      %swap3A_605 = arith.index_cast %add3A_601 : i32 to index
      %swap3A_606 = tpu.vector_load %arg11[%swap3A_605] {strides = array<i32>} : memref<4096xf32, #tpu.memory_space<vmem>>, vector<16xf32>,
      tpu.vector_store %arg11[%swap3A_605], %gather3A_604 {strides = array<i32>} : memref<4096xf32, #tpu.memory_space<vmem>>, vector<16xf32>,
      %add3A_607 = arith.constant 80 : i32
      %add3A_608 = arith.addi %mul3A_574, %add3A_607 : i32
      %get3A_609 = arith.index_cast %add3A_608 : i32 to index
      %get3A_610 = tpu.vector_load %arg9[%get3A_609] {strides = array<i32>} : memref<4096xi32, #tpu.memory_space<vmem>>, vector<16xi32>,
      %gather3A_611 = tpu.vector_load_idx %arg8[%get3A_610] : memref<108288xf32, #tpu.memory_space<vmem>>[vector<16xi32>], vector<16xf32>,
      %swap3A_612 = arith.index_cast %add3A_608 : i32 to index
      %swap3A_613 = tpu.vector_load %arg11[%swap3A_612] {strides = array<i32>} : memref<4096xf32, #tpu.memory_space<vmem>>, vector<16xf32>,
      tpu.vector_store %arg11[%swap3A_612], %gather3A_611 {strides = array<i32>} : memref<4096xf32, #tpu.memory_space<vmem>>, vector<16xf32>,
      %add3A_614 = arith.constant 96 : i32
      %add3A_615 = arith.addi %mul3A_574, %add3A_614 : i32
      %get3A_616 = arith.index_cast %add3A_615 : i32 to index
      %get3A_617 = tpu.vector_load %arg9[%get3A_616] {strides = array<i32>} : memref<4096xi32, #tpu.memory_space<vmem>>, vector<16xi32>,
      %gather3A_618 = tpu.vector_load_idx %arg8[%get3A_617] : memref<108288xf32, #tpu.memory_space<vmem>>[vector<16xi32>], vector<16xf32>,
      %swap3A_619 = arith.index_cast %add3A_615 : i32 to index
      %swap3A_620 = tpu.vector_load %arg11[%swap3A_619] {strides = array<i32>} : memref<4096xf32, #tpu.memory_space<vmem>>, vector<16xf32>,
      tpu.vector_store %arg11[%swap3A_619], %gather3A_618 {strides = array<i32>} : memref<4096xf32, #tpu.memory_space<vmem>>, vector<16xf32>,
      %add3A_621 = arith.constant 112 : i32
      %add3A_622 = arith.addi %mul3A_574, %add3A_621 : i32
      %get3A_623 = arith.index_cast %add3A_622 : i32 to index
      %get3A_624 = tpu.vector_load %arg9[%get3A_623] {strides = array<i32>} : memref<4096xi32, #tpu.memory_space<vmem>>, vector<16xi32>,
      %gather3A_625 = tpu.vector_load_idx %arg8[%get3A_624] : memref<108288xf32, #tpu.memory_space<vmem>>[vector<16xi32>], vector<16xf32>,
      %swap3A_626 = arith.index_cast %add3A_622 : i32 to index
      %swap3A_627 = tpu.vector_load %arg11[%swap3A_626] {strides = array<i32>} : memref<4096xf32, #tpu.memory_space<vmem>>, vector<16xf32>,
      tpu.vector_store %arg11[%swap3A_626], %gather3A_625 {strides = array<i32>} : memref<4096xf32, #tpu.memory_space<vmem>>, vector<16xf32>,
    }
    %scan3A_479 = arith.constant 32 : i32
    %scan3A_480 = arith.constant 0 : i32
    %scan3A_481 = arith.constant 0 : i32
    %scan3A_482 = arith.constant 8 : i32
    %scan3A_483 = arith.addi %scan3A_481, %scan3A_482 : i32
    %scan3A_484 = arith.constant 1 : i32
    scf.for %scan3A_572 = %scan3A_481 to %scan3A_483 step %scan3A_484  : i32 {
      %mul3A_573 = arith.constant 512 : i32
      %mul3A_574 = arith.muli %scan3A_572, %mul3A_573 : i32
      %add3A_575 = arith.constant 0 : i32
      %add3A_576 = arith.addi %mul3A_574, %add3A_575 : i32
      %add3A_577 = arith.constant 8192 : i32
      %add3A_578 = arith.addi %add3A_577, %mul3A_574 : i32
      %add3A_579 = arith.constant 0 : i32
      %add3A_580 = arith.addi %add3A_578, %add3A_579 : i32
      %dma_start3A_581 = tpu.memref_slice %arg11[%add3A_576] : memref<4096xf32, #tpu.memory_space<vmem>> -> memref<128xf32, #tpu.memory_space<vmem>>
      %dma_start3A_582 = tpu.memref_slice %arg7[%add3A_293, %add3A_580] : memref<64x24576xf32, #tpu.memory_space<hbm>> -> memref<1x128xf32, #tpu.memory_space<hbm>>
      %dma_start3A_583 = tpu.memref_squeeze %dma_start3A_582 : memref<1x128xf32, #tpu.memory_space<hbm>> -> memref<128xf32, #tpu.memory_space<hbm>>
      %dma_start3A_584 = tpu.memref_slice %arg7[%add3A_293, %add3A_580] : memref<64x24576xf32, #tpu.memory_space<hbm>> -> memref<1x128xf32, #tpu.memory_space<hbm>>
      %dma_start3A_585 = tpu.memref_squeeze %dma_start3A_584 : memref<1x128xf32, #tpu.memory_space<hbm>> -> memref<128xf32, #tpu.memory_space<hbm>>
      %dma_start3A_586 = tpu.memref_slice %arg11[%add3A_576] : memref<4096xf32, #tpu.memory_space<vmem>> -> memref<128xf32, #tpu.memory_space<vmem>>
      tpu.enqueue_dma source(%dma_start3A_586 : memref<128xf32, #tpu.memory_space<vmem>>) target(%dma_start3A_585 : memref<128xf32, #tpu.memory_space<hbm>>) target_semaphore(%arg16 : memref<!tpu.dma_semaphore, #tpu.memory_space<semaphore_mem>>)
      %add3A_587 = arith.constant 128 : i32
      %add3A_588 = arith.addi %mul3A_574, %add3A_587 : i32
      %add3A_589 = arith.constant 8192 : i32
      %add3A_590 = arith.addi %add3A_589, %mul3A_574 : i32
      %add3A_591 = arith.constant 128 : i32
      %add3A_592 = arith.addi %add3A_590, %add3A_591 : i32
      %dma_start3A_593 = tpu.memref_slice %arg11[%add3A_588] : memref<4096xf32, #tpu.memory_space<vmem>> -> memref<128xf32, #tpu.memory_space<vmem>>
      %dma_start3A_594 = tpu.memref_slice %arg7[%add3A_293, %add3A_592] : memref<64x24576xf32, #tpu.memory_space<hbm>> -> memref<1x128xf32, #tpu.memory_space<hbm>>
      %dma_start3A_595 = tpu.memref_squeeze %dma_start3A_594 : memref<1x128xf32, #tpu.memory_space<hbm>> -> memref<128xf32, #tpu.memory_space<hbm>>
      %dma_start3A_596 = tpu.memref_slice %arg7[%add3A_293, %add3A_592] : memref<64x24576xf32, #tpu.memory_space<hbm>> -> memref<1x128xf32, #tpu.memory_space<hbm>>
      %dma_start3A_597 = tpu.memref_squeeze %dma_start3A_596 : memref<1x128xf32, #tpu.memory_space<hbm>> -> memref<128xf32, #tpu.memory_space<hbm>>
      %dma_start3A_598 = tpu.memref_slice %arg11[%add3A_588] : memref<4096xf32, #tpu.memory_space<vmem>> -> memref<128xf32, #tpu.memory_space<vmem>>
      tpu.enqueue_dma source(%dma_start3A_598 : memref<128xf32, #tpu.memory_space<vmem>>) target(%dma_start3A_597 : memref<128xf32, #tpu.memory_space<hbm>>) target_semaphore(%arg16 : memref<!tpu.dma_semaphore, #tpu.memory_space<semaphore_mem>>)
      %add3A_599 = arith.constant 256 : i32
      %add3A_600 = arith.addi %mul3A_574, %add3A_599 : i32
      %add3A_601 = arith.constant 8192 : i32
      %add3A_602 = arith.addi %add3A_601, %mul3A_574 : i32
      %add3A_603 = arith.constant 256 : i32
      %add3A_604 = arith.addi %add3A_602, %add3A_603 : i32
      %dma_start3A_605 = tpu.memref_slice %arg11[%add3A_600] : memref<4096xf32, #tpu.memory_space<vmem>> -> memref<128xf32, #tpu.memory_space<vmem>>
      %dma_start3A_606 = tpu.memref_slice %arg7[%add3A_293, %add3A_604] : memref<64x24576xf32, #tpu.memory_space<hbm>> -> memref<1x128xf32, #tpu.memory_space<hbm>>
      %dma_start3A_607 = tpu.memref_squeeze %dma_start3A_606 : memref<1x128xf32, #tpu.memory_space<hbm>> -> memref<128xf32, #tpu.memory_space<hbm>>
      %dma_start3A_608 = tpu.memref_slice %arg7[%add3A_293, %add3A_604] : memref<64x24576xf32, #tpu.memory_space<hbm>> -> memref<1x128xf32, #tpu.memory_space<hbm>>
      %dma_start3A_609 = tpu.memref_squeeze %dma_start3A_608 : memref<1x128xf32, #tpu.memory_space<hbm>> -> memref<128xf32, #tpu.memory_space<hbm>>
      %dma_start3A_610 = tpu.memref_slice %arg11[%add3A_600] : memref<4096xf32, #tpu.memory_space<vmem>> -> memref<128xf32, #tpu.memory_space<vmem>>
      tpu.enqueue_dma source(%dma_start3A_610 : memref<128xf32, #tpu.memory_space<vmem>>) target(%dma_start3A_609 : memref<128xf32, #tpu.memory_space<hbm>>) target_semaphore(%arg16 : memref<!tpu.dma_semaphore, #tpu.memory_space<semaphore_mem>>)
      %add3A_611 = arith.constant 384 : i32
      %add3A_612 = arith.addi %mul3A_574, %add3A_611 : i32
      %add3A_613 = arith.constant 8192 : i32
      %add3A_614 = arith.addi %add3A_613, %mul3A_574 : i32
      %add3A_615 = arith.constant 384 : i32
      %add3A_616 = arith.addi %add3A_614, %add3A_615 : i32
      %dma_start3A_617 = tpu.memref_slice %arg11[%add3A_612] : memref<4096xf32, #tpu.memory_space<vmem>> -> memref<128xf32, #tpu.memory_space<vmem>>
      %dma_start3A_618 = tpu.memref_slice %arg7[%add3A_293, %add3A_616] : memref<64x24576xf32, #tpu.memory_space<hbm>> -> memref<1x128xf32, #tpu.memory_space<hbm>>
      %dma_start3A_619 = tpu.memref_squeeze %dma_start3A_618 : memref<1x128xf32, #tpu.memory_space<hbm>> -> memref<128xf32, #tpu.memory_space<hbm>>
      %dma_start3A_620 = tpu.memref_slice %arg7[%add3A_293, %add3A_616] : memref<64x24576xf32, #tpu.memory_space<hbm>> -> memref<1x128xf32, #tpu.memory_space<hbm>>
      %dma_start3A_621 = tpu.memref_squeeze %dma_start3A_620 : memref<1x128xf32, #tpu.memory_space<hbm>> -> memref<128xf32, #tpu.memory_space<hbm>>
      %dma_start3A_622 = tpu.memref_slice %arg11[%add3A_612] : memref<4096xf32, #tpu.memory_space<vmem>> -> memref<128xf32, #tpu.memory_space<vmem>>
      tpu.enqueue_dma source(%dma_start3A_622 : memref<128xf32, #tpu.memory_space<vmem>>) target(%dma_start3A_621 : memref<128xf32, #tpu.memory_space<hbm>>) target_semaphore(%arg16 : memref<!tpu.dma_semaphore, #tpu.memory_space<semaphore_mem>>)
    }
    %scan3A_485 = arith.constant 8 : i32
    %dma_wait3A_486 = arith.constant 0 : i32
    %dma_wait3A_487 = tpu.memref_slice %arg13[%dma_wait3A_486] : memref<24576xi32, #tpu.memory_space<vmem_shared>> -> memref<4096xi32, #tpu.memory_space<vmem_shared>>
    %dma_wait3A_488 = arith.constant 0 : i32
    %dma_wait3A_489 = tpu.memref_slice %arg13[%dma_wait3A_488] : memref<24576xi32, #tpu.memory_space<vmem_shared>> -> memref<4096xi32, #tpu.memory_space<vmem_shared>>
    tpu.wait_dma2 semaphore(%arg15 : memref<!tpu.dma_semaphore, #tpu.memory_space<semaphore_mem>>) src(%dma_wait3A_489 : memref<4096xi32, #tpu.memory_space<vmem_shared>>) dst(%arg10 : memref<4096xi32, #tpu.memory_space<vmem>>)
    %dma_start3A_490 = arith.constant 16384 : i32
    %dma_start3A_491 = tpu.memref_slice %arg13[%dma_start3A_490] : memref<24576xi32, #tpu.memory_space<vmem_shared>> -> memref<4096xi32, #tpu.memory_space<vmem_shared>>
    %dma_start3A_492 = arith.constant 16384 : i32
    %dma_start3A_493 = tpu.memref_slice %arg13[%dma_start3A_492] : memref<24576xi32, #tpu.memory_space<vmem_shared>> -> memref<4096xi32, #tpu.memory_space<vmem_shared>>
    tpu.enqueue_dma source(%dma_start3A_493 : memref<4096xi32, #tpu.memory_space<vmem_shared>>) target(%arg9 : memref<4096xi32, #tpu.memory_space<vmem>>) target_semaphore(%arg15 : memref<!tpu.dma_semaphore, #tpu.memory_space<semaphore_mem>>)
    %dma_wait3A_494 = arith.constant 0 : i32
    %dma_wait3A_495 = tpu.memref_slice %arg7[%add3A_293, %dma_wait3A_494] : memref<64x24576xf32, #tpu.memory_space<hbm>> -> memref<1x4096xf32, #tpu.memory_space<hbm>>
    %dma_wait3A_496 = tpu.memref_squeeze %dma_wait3A_495 : memref<1x4096xf32, #tpu.memory_space<hbm>> -> memref<4096xf32, #tpu.memory_space<hbm>>
    %dma_wait3A_497 = arith.constant 0 : i32
    %dma_wait3A_498 = tpu.memref_slice %arg7[%add3A_293, %dma_wait3A_497] : memref<64x24576xf32, #tpu.memory_space<hbm>> -> memref<1x4096xf32, #tpu.memory_space<hbm>>
    %dma_wait3A_499 = tpu.memref_squeeze %dma_wait3A_498 : memref<1x4096xf32, #tpu.memory_space<hbm>> -> memref<4096xf32, #tpu.memory_space<hbm>>
    tpu.wait_dma2 semaphore(%arg16 : memref<!tpu.dma_semaphore, #tpu.memory_space<semaphore_mem>>) src(%arg12 : memref<4096xf32, #tpu.memory_space<vmem>>) dst(%dma_wait3A_499 : memref<4096xf32, #tpu.memory_space<hbm>>)
    %scan3A_500 = arith.constant 0 : i32
    %scan3A_501 = arith.constant 0 : i32
    %scan3A_502 = arith.constant 32 : i32
    %scan3A_503 = arith.addi %scan3A_501, %scan3A_502 : i32
    %scan3A_504 = arith.constant 1 : i32
    scf.for %scan3A_572 = %scan3A_501 to %scan3A_503 step %scan3A_504  : i32 {
      %mul3A_573 = arith.constant 128 : i32
      %mul3A_574 = arith.muli %scan3A_572, %mul3A_573 : i32
      %add3A_575 = arith.constant 0 : i32
      %add3A_576 = arith.addi %mul3A_574, %add3A_575 : i32
      %get3A = arith.index_cast %add3A_576 : i32 to index
      %get3A_577 = tpu.vector_load %arg10[%get3A] {strides = array<i32>} : memref<4096xi32, #tpu.memory_space<vmem>>, vector<16xi32>,
      %gather3A = tpu.vector_load_idx %arg8[%get3A_577] : memref<108288xf32, #tpu.memory_space<vmem>>[vector<16xi32>], vector<16xf32>,
      %swap3A = arith.index_cast %add3A_576 : i32 to index
      %swap3A_578 = tpu.vector_load %arg12[%swap3A] {strides = array<i32>} : memref<4096xf32, #tpu.memory_space<vmem>>, vector<16xf32>,
      tpu.vector_store %arg12[%swap3A], %gather3A {strides = array<i32>} : memref<4096xf32, #tpu.memory_space<vmem>>, vector<16xf32>,
      %add3A_579 = arith.constant 16 : i32
      %add3A_580 = arith.addi %mul3A_574, %add3A_579 : i32
      %get3A_581 = arith.index_cast %add3A_580 : i32 to index
      %get3A_582 = tpu.vector_load %arg10[%get3A_581] {strides = array<i32>} : memref<4096xi32, #tpu.memory_space<vmem>>, vector<16xi32>,
      %gather3A_583 = tpu.vector_load_idx %arg8[%get3A_582] : memref<108288xf32, #tpu.memory_space<vmem>>[vector<16xi32>], vector<16xf32>,
      %swap3A_584 = arith.index_cast %add3A_580 : i32 to index
      %swap3A_585 = tpu.vector_load %arg12[%swap3A_584] {strides = array<i32>} : memref<4096xf32, #tpu.memory_space<vmem>>, vector<16xf32>,
      tpu.vector_store %arg12[%swap3A_584], %gather3A_583 {strides = array<i32>} : memref<4096xf32, #tpu.memory_space<vmem>>, vector<16xf32>,
      %add3A_586 = arith.constant 32 : i32
      %add3A_587 = arith.addi %mul3A_574, %add3A_586 : i32
      %get3A_588 = arith.index_cast %add3A_587 : i32 to index
      %get3A_589 = tpu.vector_load %arg10[%get3A_588] {strides = array<i32>} : memref<4096xi32, #tpu.memory_space<vmem>>, vector<16xi32>,
      %gather3A_590 = tpu.vector_load_idx %arg8[%get3A_589] : memref<108288xf32, #tpu.memory_space<vmem>>[vector<16xi32>], vector<16xf32>,
      %swap3A_591 = arith.index_cast %add3A_587 : i32 to index
      %swap3A_592 = tpu.vector_load %arg12[%swap3A_591] {strides = array<i32>} : memref<4096xf32, #tpu.memory_space<vmem>>, vector<16xf32>,
      tpu.vector_store %arg12[%swap3A_591], %gather3A_590 {strides = array<i32>} : memref<4096xf32, #tpu.memory_space<vmem>>, vector<16xf32>,
      %add3A_593 = arith.constant 48 : i32
      %add3A_594 = arith.addi %mul3A_574, %add3A_593 : i32
      %get3A_595 = arith.index_cast %add3A_594 : i32 to index
      %get3A_596 = tpu.vector_load %arg10[%get3A_595] {strides = array<i32>} : memref<4096xi32, #tpu.memory_space<vmem>>, vector<16xi32>,
      %gather3A_597 = tpu.vector_load_idx %arg8[%get3A_596] : memref<108288xf32, #tpu.memory_space<vmem>>[vector<16xi32>], vector<16xf32>,
      %swap3A_598 = arith.index_cast %add3A_594 : i32 to index
      %swap3A_599 = tpu.vector_load %arg12[%swap3A_598] {strides = array<i32>} : memref<4096xf32, #tpu.memory_space<vmem>>, vector<16xf32>,
      tpu.vector_store %arg12[%swap3A_598], %gather3A_597 {strides = array<i32>} : memref<4096xf32, #tpu.memory_space<vmem>>, vector<16xf32>,
      %add3A_600 = arith.constant 64 : i32
      %add3A_601 = arith.addi %mul3A_574, %add3A_600 : i32
      %get3A_602 = arith.index_cast %add3A_601 : i32 to index
      %get3A_603 = tpu.vector_load %arg10[%get3A_602] {strides = array<i32>} : memref<4096xi32, #tpu.memory_space<vmem>>, vector<16xi32>,
      %gather3A_604 = tpu.vector_load_idx %arg8[%get3A_603] : memref<108288xf32, #tpu.memory_space<vmem>>[vector<16xi32>], vector<16xf32>,
      %swap3A_605 = arith.index_cast %add3A_601 : i32 to index
      %swap3A_606 = tpu.vector_load %arg12[%swap3A_605] {strides = array<i32>} : memref<4096xf32, #tpu.memory_space<vmem>>, vector<16xf32>,
      tpu.vector_store %arg12[%swap3A_605], %gather3A_604 {strides = array<i32>} : memref<4096xf32, #tpu.memory_space<vmem>>, vector<16xf32>,
      %add3A_607 = arith.constant 80 : i32
      %add3A_608 = arith.addi %mul3A_574, %add3A_607 : i32
      %get3A_609 = arith.index_cast %add3A_608 : i32 to index
      %get3A_610 = tpu.vector_load %arg10[%get3A_609] {strides = array<i32>} : memref<4096xi32, #tpu.memory_space<vmem>>, vector<16xi32>,
      %gather3A_611 = tpu.vector_load_idx %arg8[%get3A_610] : memref<108288xf32, #tpu.memory_space<vmem>>[vector<16xi32>], vector<16xf32>,
      %swap3A_612 = arith.index_cast %add3A_608 : i32 to index
      %swap3A_613 = tpu.vector_load %arg12[%swap3A_612] {strides = array<i32>} : memref<4096xf32, #tpu.memory_space<vmem>>, vector<16xf32>,
      tpu.vector_store %arg12[%swap3A_612], %gather3A_611 {strides = array<i32>} : memref<4096xf32, #tpu.memory_space<vmem>>, vector<16xf32>,
      %add3A_614 = arith.constant 96 : i32
      %add3A_615 = arith.addi %mul3A_574, %add3A_614 : i32
      %get3A_616 = arith.index_cast %add3A_615 : i32 to index
      %get3A_617 = tpu.vector_load %arg10[%get3A_616] {strides = array<i32>} : memref<4096xi32, #tpu.memory_space<vmem>>, vector<16xi32>,
      %gather3A_618 = tpu.vector_load_idx %arg8[%get3A_617] : memref<108288xf32, #tpu.memory_space<vmem>>[vector<16xi32>], vector<16xf32>,
      %swap3A_619 = arith.index_cast %add3A_615 : i32 to index
      %swap3A_620 = tpu.vector_load %arg12[%swap3A_619] {strides = array<i32>} : memref<4096xf32, #tpu.memory_space<vmem>>, vector<16xf32>,
      tpu.vector_store %arg12[%swap3A_619], %gather3A_618 {strides = array<i32>} : memref<4096xf32, #tpu.memory_space<vmem>>, vector<16xf32>,
      %add3A_621 = arith.constant 112 : i32
      %add3A_622 = arith.addi %mul3A_574, %add3A_621 : i32
      %get3A_623 = arith.index_cast %add3A_622 : i32 to index
      %get3A_624 = tpu.vector_load %arg10[%get3A_623] {strides = array<i32>} : memref<4096xi32, #tpu.memory_space<vmem>>, vector<16xi32>,
      %gather3A_625 = tpu.vector_load_idx %arg8[%get3A_624] : memref<108288xf32, #tpu.memory_space<vmem>>[vector<16xi32>], vector<16xf32>,
      %swap3A_626 = arith.index_cast %add3A_622 : i32 to index
      %swap3A_627 = tpu.vector_load %arg12[%swap3A_626] {strides = array<i32>} : memref<4096xf32, #tpu.memory_space<vmem>>, vector<16xf32>,
      tpu.vector_store %arg12[%swap3A_626], %gather3A_625 {strides = array<i32>} : memref<4096xf32, #tpu.memory_space<vmem>>, vector<16xf32>,
    }
    %scan3A_505 = arith.constant 32 : i32
    %scan3A_506 = arith.constant 0 : i32
    %scan3A_507 = arith.constant 0 : i32
    %scan3A_508 = arith.constant 8 : i32
    %scan3A_509 = arith.addi %scan3A_507, %scan3A_508 : i32
    %scan3A_510 = arith.constant 1 : i32
    scf.for %scan3A_572 = %scan3A_507 to %scan3A_509 step %scan3A_510  : i32 {
      %mul3A_573 = arith.constant 512 : i32
      %mul3A_574 = arith.muli %scan3A_572, %mul3A_573 : i32
      %add3A_575 = arith.constant 0 : i32
      %add3A_576 = arith.addi %mul3A_574, %add3A_575 : i32
      %add3A_577 = arith.constant 12288 : i32
      %add3A_578 = arith.addi %add3A_577, %mul3A_574 : i32
      %add3A_579 = arith.constant 0 : i32
      %add3A_580 = arith.addi %add3A_578, %add3A_579 : i32
      %dma_start3A_581 = tpu.memref_slice %arg12[%add3A_576] : memref<4096xf32, #tpu.memory_space<vmem>> -> memref<128xf32, #tpu.memory_space<vmem>>
      %dma_start3A_582 = tpu.memref_slice %arg7[%add3A_293, %add3A_580] : memref<64x24576xf32, #tpu.memory_space<hbm>> -> memref<1x128xf32, #tpu.memory_space<hbm>>
      %dma_start3A_583 = tpu.memref_squeeze %dma_start3A_582 : memref<1x128xf32, #tpu.memory_space<hbm>> -> memref<128xf32, #tpu.memory_space<hbm>>
      %dma_start3A_584 = tpu.memref_slice %arg7[%add3A_293, %add3A_580] : memref<64x24576xf32, #tpu.memory_space<hbm>> -> memref<1x128xf32, #tpu.memory_space<hbm>>
      %dma_start3A_585 = tpu.memref_squeeze %dma_start3A_584 : memref<1x128xf32, #tpu.memory_space<hbm>> -> memref<128xf32, #tpu.memory_space<hbm>>
      %dma_start3A_586 = tpu.memref_slice %arg12[%add3A_576] : memref<4096xf32, #tpu.memory_space<vmem>> -> memref<128xf32, #tpu.memory_space<vmem>>
      tpu.enqueue_dma source(%dma_start3A_586 : memref<128xf32, #tpu.memory_space<vmem>>) target(%dma_start3A_585 : memref<128xf32, #tpu.memory_space<hbm>>) target_semaphore(%arg16 : memref<!tpu.dma_semaphore, #tpu.memory_space<semaphore_mem>>)
      %add3A_587 = arith.constant 128 : i32
      %add3A_588 = arith.addi %mul3A_574, %add3A_587 : i32
      %add3A_589 = arith.constant 12288 : i32
      %add3A_590 = arith.addi %add3A_589, %mul3A_574 : i32
      %add3A_591 = arith.constant 128 : i32
      %add3A_592 = arith.addi %add3A_590, %add3A_591 : i32
      %dma_start3A_593 = tpu.memref_slice %arg12[%add3A_588] : memref<4096xf32, #tpu.memory_space<vmem>> -> memref<128xf32, #tpu.memory_space<vmem>>
      %dma_start3A_594 = tpu.memref_slice %arg7[%add3A_293, %add3A_592] : memref<64x24576xf32, #tpu.memory_space<hbm>> -> memref<1x128xf32, #tpu.memory_space<hbm>>
      %dma_start3A_595 = tpu.memref_squeeze %dma_start3A_594 : memref<1x128xf32, #tpu.memory_space<hbm>> -> memref<128xf32, #tpu.memory_space<hbm>>
      %dma_start3A_596 = tpu.memref_slice %arg7[%add3A_293, %add3A_592] : memref<64x24576xf32, #tpu.memory_space<hbm>> -> memref<1x128xf32, #tpu.memory_space<hbm>>
      %dma_start3A_597 = tpu.memref_squeeze %dma_start3A_596 : memref<1x128xf32, #tpu.memory_space<hbm>> -> memref<128xf32, #tpu.memory_space<hbm>>
      %dma_start3A_598 = tpu.memref_slice %arg12[%add3A_588] : memref<4096xf32, #tpu.memory_space<vmem>> -> memref<128xf32, #tpu.memory_space<vmem>>
      tpu.enqueue_dma source(%dma_start3A_598 : memref<128xf32, #tpu.memory_space<vmem>>) target(%dma_start3A_597 : memref<128xf32, #tpu.memory_space<hbm>>) target_semaphore(%arg16 : memref<!tpu.dma_semaphore, #tpu.memory_space<semaphore_mem>>)
      %add3A_599 = arith.constant 256 : i32
      %add3A_600 = arith.addi %mul3A_574, %add3A_599 : i32
      %add3A_601 = arith.constant 12288 : i32
      %add3A_602 = arith.addi %add3A_601, %mul3A_574 : i32
      %add3A_603 = arith.constant 256 : i32
      %add3A_604 = arith.addi %add3A_602, %add3A_603 : i32
      %dma_start3A_605 = tpu.memref_slice %arg12[%add3A_600] : memref<4096xf32, #tpu.memory_space<vmem>> -> memref<128xf32, #tpu.memory_space<vmem>>
      %dma_start3A_606 = tpu.memref_slice %arg7[%add3A_293, %add3A_604] : memref<64x24576xf32, #tpu.memory_space<hbm>> -> memref<1x128xf32, #tpu.memory_space<hbm>>
      %dma_start3A_607 = tpu.memref_squeeze %dma_start3A_606 : memref<1x128xf32, #tpu.memory_space<hbm>> -> memref<128xf32, #tpu.memory_space<hbm>>
      %dma_start3A_608 = tpu.memref_slice %arg7[%add3A_293, %add3A_604] : memref<64x24576xf32, #tpu.memory_space<hbm>> -> memref<1x128xf32, #tpu.memory_space<hbm>>
      %dma_start3A_609 = tpu.memref_squeeze %dma_start3A_608 : memref<1x128xf32, #tpu.memory_space<hbm>> -> memref<128xf32, #tpu.memory_space<hbm>>
      %dma_start3A_610 = tpu.memref_slice %arg12[%add3A_600] : memref<4096xf32, #tpu.memory_space<vmem>> -> memref<128xf32, #tpu.memory_space<vmem>>
      tpu.enqueue_dma source(%dma_start3A_610 : memref<128xf32, #tpu.memory_space<vmem>>) target(%dma_start3A_609 : memref<128xf32, #tpu.memory_space<hbm>>) target_semaphore(%arg16 : memref<!tpu.dma_semaphore, #tpu.memory_space<semaphore_mem>>)
      %add3A_611 = arith.constant 384 : i32
      %add3A_612 = arith.addi %mul3A_574, %add3A_611 : i32
      %add3A_613 = arith.constant 12288 : i32
      %add3A_614 = arith.addi %add3A_613, %mul3A_574 : i32
      %add3A_615 = arith.constant 384 : i32
      %add3A_616 = arith.addi %add3A_614, %add3A_615 : i32
      %dma_start3A_617 = tpu.memref_slice %arg12[%add3A_612] : memref<4096xf32, #tpu.memory_space<vmem>> -> memref<128xf32, #tpu.memory_space<vmem>>
      %dma_start3A_618 = tpu.memref_slice %arg7[%add3A_293, %add3A_616] : memref<64x24576xf32, #tpu.memory_space<hbm>> -> memref<1x128xf32, #tpu.memory_space<hbm>>
      %dma_start3A_619 = tpu.memref_squeeze %dma_start3A_618 : memref<1x128xf32, #tpu.memory_space<hbm>> -> memref<128xf32, #tpu.memory_space<hbm>>
      %dma_start3A_620 = tpu.memref_slice %arg7[%add3A_293, %add3A_616] : memref<64x24576xf32, #tpu.memory_space<hbm>> -> memref<1x128xf32, #tpu.memory_space<hbm>>
      %dma_start3A_621 = tpu.memref_squeeze %dma_start3A_620 : memref<1x128xf32, #tpu.memory_space<hbm>> -> memref<128xf32, #tpu.memory_space<hbm>>
      %dma_start3A_622 = tpu.memref_slice %arg12[%add3A_612] : memref<4096xf32, #tpu.memory_space<vmem>> -> memref<128xf32, #tpu.memory_space<vmem>>
      tpu.enqueue_dma source(%dma_start3A_622 : memref<128xf32, #tpu.memory_space<vmem>>) target(%dma_start3A_621 : memref<128xf32, #tpu.memory_space<hbm>>) target_semaphore(%arg16 : memref<!tpu.dma_semaphore, #tpu.memory_space<semaphore_mem>>)
    }
    %scan3A_511 = arith.constant 8 : i32
    %dma_wait3A_512 = arith.constant 0 : i32
    %dma_wait3A_513 = tpu.memref_slice %arg13[%dma_wait3A_512] : memref<24576xi32, #tpu.memory_space<vmem_shared>> -> memref<4096xi32, #tpu.memory_space<vmem_shared>>
    %dma_wait3A_514 = arith.constant 0 : i32
    %dma_wait3A_515 = tpu.memref_slice %arg13[%dma_wait3A_514] : memref<24576xi32, #tpu.memory_space<vmem_shared>> -> memref<4096xi32, #tpu.memory_space<vmem_shared>>
    tpu.wait_dma2 semaphore(%arg15 : memref<!tpu.dma_semaphore, #tpu.memory_space<semaphore_mem>>) src(%dma_wait3A_515 : memref<4096xi32, #tpu.memory_space<vmem_shared>>) dst(%arg9 : memref<4096xi32, #tpu.memory_space<vmem>>)
    %dma_start3A_516 = arith.constant 20480 : i32
    %dma_start3A_517 = tpu.memref_slice %arg13[%dma_start3A_516] : memref<24576xi32, #tpu.memory_space<vmem_shared>> -> memref<4096xi32, #tpu.memory_space<vmem_shared>>
    %dma_start3A_518 = arith.constant 20480 : i32
    %dma_start3A_519 = tpu.memref_slice %arg13[%dma_start3A_518] : memref<24576xi32, #tpu.memory_space<vmem_shared>> -> memref<4096xi32, #tpu.memory_space<vmem_shared>>
    tpu.enqueue_dma source(%dma_start3A_519 : memref<4096xi32, #tpu.memory_space<vmem_shared>>) target(%arg10 : memref<4096xi32, #tpu.memory_space<vmem>>) target_semaphore(%arg15 : memref<!tpu.dma_semaphore, #tpu.memory_space<semaphore_mem>>)
    %dma_wait3A_520 = arith.constant 0 : i32
    %dma_wait3A_521 = tpu.memref_slice %arg7[%add3A_293, %dma_wait3A_520] : memref<64x24576xf32, #tpu.memory_space<hbm>> -> memref<1x4096xf32, #tpu.memory_space<hbm>>
    %dma_wait3A_522 = tpu.memref_squeeze %dma_wait3A_521 : memref<1x4096xf32, #tpu.memory_space<hbm>> -> memref<4096xf32, #tpu.memory_space<hbm>>
    %dma_wait3A_523 = arith.constant 0 : i32
    %dma_wait3A_524 = tpu.memref_slice %arg7[%add3A_293, %dma_wait3A_523] : memref<64x24576xf32, #tpu.memory_space<hbm>> -> memref<1x4096xf32, #tpu.memory_space<hbm>>
    %dma_wait3A_525 = tpu.memref_squeeze %dma_wait3A_524 : memref<1x4096xf32, #tpu.memory_space<hbm>> -> memref<4096xf32, #tpu.memory_space<hbm>>
    tpu.wait_dma2 semaphore(%arg16 : memref<!tpu.dma_semaphore, #tpu.memory_space<semaphore_mem>>) src(%arg11 : memref<4096xf32, #tpu.memory_space<vmem>>) dst(%dma_wait3A_525 : memref<4096xf32, #tpu.memory_space<hbm>>)
    %scan3A_526 = arith.constant 0 : i32
    %scan3A_527 = arith.constant 0 : i32
    %scan3A_528 = arith.constant 32 : i32
    %scan3A_529 = arith.addi %scan3A_527, %scan3A_528 : i32
    %scan3A_530 = arith.constant 1 : i32
    scf.for %scan3A_572 = %scan3A_527 to %scan3A_529 step %scan3A_530  : i32 {
      %mul3A_573 = arith.constant 128 : i32
      %mul3A_574 = arith.muli %scan3A_572, %mul3A_573 : i32
      %add3A_575 = arith.constant 0 : i32
      %add3A_576 = arith.addi %mul3A_574, %add3A_575 : i32
      %get3A = arith.index_cast %add3A_576 : i32 to index
      %get3A_577 = tpu.vector_load %arg9[%get3A] {strides = array<i32>} : memref<4096xi32, #tpu.memory_space<vmem>>, vector<16xi32>,
      %gather3A = tpu.vector_load_idx %arg8[%get3A_577] : memref<108288xf32, #tpu.memory_space<vmem>>[vector<16xi32>], vector<16xf32>,
      %swap3A = arith.index_cast %add3A_576 : i32 to index
      %swap3A_578 = tpu.vector_load %arg11[%swap3A] {strides = array<i32>} : memref<4096xf32, #tpu.memory_space<vmem>>, vector<16xf32>,
      tpu.vector_store %arg11[%swap3A], %gather3A {strides = array<i32>} : memref<4096xf32, #tpu.memory_space<vmem>>, vector<16xf32>,
      %add3A_579 = arith.constant 16 : i32
      %add3A_580 = arith.addi %mul3A_574, %add3A_579 : i32
      %get3A_581 = arith.index_cast %add3A_580 : i32 to index
      %get3A_582 = tpu.vector_load %arg9[%get3A_581] {strides = array<i32>} : memref<4096xi32, #tpu.memory_space<vmem>>, vector<16xi32>,
      %gather3A_583 = tpu.vector_load_idx %arg8[%get3A_582] : memref<108288xf32, #tpu.memory_space<vmem>>[vector<16xi32>], vector<16xf32>,
      %swap3A_584 = arith.index_cast %add3A_580 : i32 to index
      %swap3A_585 = tpu.vector_load %arg11[%swap3A_584] {strides = array<i32>} : memref<4096xf32, #tpu.memory_space<vmem>>, vector<16xf32>,
      tpu.vector_store %arg11[%swap3A_584], %gather3A_583 {strides = array<i32>} : memref<4096xf32, #tpu.memory_space<vmem>>, vector<16xf32>,
      %add3A_586 = arith.constant 32 : i32
      %add3A_587 = arith.addi %mul3A_574, %add3A_586 : i32
      %get3A_588 = arith.index_cast %add3A_587 : i32 to index
      %get3A_589 = tpu.vector_load %arg9[%get3A_588] {strides = array<i32>} : memref<4096xi32, #tpu.memory_space<vmem>>, vector<16xi32>,
      %gather3A_590 = tpu.vector_load_idx %arg8[%get3A_589] : memref<108288xf32, #tpu.memory_space<vmem>>[vector<16xi32>], vector<16xf32>,
      %swap3A_591 = arith.index_cast %add3A_587 : i32 to index
      %swap3A_592 = tpu.vector_load %arg11[%swap3A_591] {strides = array<i32>} : memref<4096xf32, #tpu.memory_space<vmem>>, vector<16xf32>,
      tpu.vector_store %arg11[%swap3A_591], %gather3A_590 {strides = array<i32>} : memref<4096xf32, #tpu.memory_space<vmem>>, vector<16xf32>,
      %add3A_593 = arith.constant 48 : i32
      %add3A_594 = arith.addi %mul3A_574, %add3A_593 : i32
      %get3A_595 = arith.index_cast %add3A_594 : i32 to index
      %get3A_596 = tpu.vector_load %arg9[%get3A_595] {strides = array<i32>} : memref<4096xi32, #tpu.memory_space<vmem>>, vector<16xi32>,
      %gather3A_597 = tpu.vector_load_idx %arg8[%get3A_596] : memref<108288xf32, #tpu.memory_space<vmem>>[vector<16xi32>], vector<16xf32>,
      %swap3A_598 = arith.index_cast %add3A_594 : i32 to index
      %swap3A_599 = tpu.vector_load %arg11[%swap3A_598] {strides = array<i32>} : memref<4096xf32, #tpu.memory_space<vmem>>, vector<16xf32>,
      tpu.vector_store %arg11[%swap3A_598], %gather3A_597 {strides = array<i32>} : memref<4096xf32, #tpu.memory_space<vmem>>, vector<16xf32>,
      %add3A_600 = arith.constant 64 : i32
      %add3A_601 = arith.addi %mul3A_574, %add3A_600 : i32
      %get3A_602 = arith.index_cast %add3A_601 : i32 to index
      %get3A_603 = tpu.vector_load %arg9[%get3A_602] {strides = array<i32>} : memref<4096xi32, #tpu.memory_space<vmem>>, vector<16xi32>,
      %gather3A_604 = tpu.vector_load_idx %arg8[%get3A_603] : memref<108288xf32, #tpu.memory_space<vmem>>[vector<16xi32>], vector<16xf32>,
      %swap3A_605 = arith.index_cast %add3A_601 : i32 to index
      %swap3A_606 = tpu.vector_load %arg11[%swap3A_605] {strides = array<i32>} : memref<4096xf32, #tpu.memory_space<vmem>>, vector<16xf32>,
      tpu.vector_store %arg11[%swap3A_605], %gather3A_604 {strides = array<i32>} : memref<4096xf32, #tpu.memory_space<vmem>>, vector<16xf32>,
      %add3A_607 = arith.constant 80 : i32
      %add3A_608 = arith.addi %mul3A_574, %add3A_607 : i32
      %get3A_609 = arith.index_cast %add3A_608 : i32 to index
      %get3A_610 = tpu.vector_load %arg9[%get3A_609] {strides = array<i32>} : memref<4096xi32, #tpu.memory_space<vmem>>, vector<16xi32>,
      %gather3A_611 = tpu.vector_load_idx %arg8[%get3A_610] : memref<108288xf32, #tpu.memory_space<vmem>>[vector<16xi32>], vector<16xf32>,
      %swap3A_612 = arith.index_cast %add3A_608 : i32 to index
      %swap3A_613 = tpu.vector_load %arg11[%swap3A_612] {strides = array<i32>} : memref<4096xf32, #tpu.memory_space<vmem>>, vector<16xf32>,
      tpu.vector_store %arg11[%swap3A_612], %gather3A_611 {strides = array<i32>} : memref<4096xf32, #tpu.memory_space<vmem>>, vector<16xf32>,
      %add3A_614 = arith.constant 96 : i32
      %add3A_615 = arith.addi %mul3A_574, %add3A_614 : i32
      %get3A_616 = arith.index_cast %add3A_615 : i32 to index
      %get3A_617 = tpu.vector_load %arg9[%get3A_616] {strides = array<i32>} : memref<4096xi32, #tpu.memory_space<vmem>>, vector<16xi32>,
      %gather3A_618 = tpu.vector_load_idx %arg8[%get3A_617] : memref<108288xf32, #tpu.memory_space<vmem>>[vector<16xi32>], vector<16xf32>,
      %swap3A_619 = arith.index_cast %add3A_615 : i32 to index
      %swap3A_620 = tpu.vector_load %arg11[%swap3A_619] {strides = array<i32>} : memref<4096xf32, #tpu.memory_space<vmem>>, vector<16xf32>,
      tpu.vector_store %arg11[%swap3A_619], %gather3A_618 {strides = array<i32>} : memref<4096xf32, #tpu.memory_space<vmem>>, vector<16xf32>,
      %add3A_621 = arith.constant 112 : i32
      %add3A_622 = arith.addi %mul3A_574, %add3A_621 : i32
      %get3A_623 = arith.index_cast %add3A_622 : i32 to index
      %get3A_624 = tpu.vector_load %arg9[%get3A_623] {strides = array<i32>} : memref<4096xi32, #tpu.memory_space<vmem>>, vector<16xi32>,
      %gather3A_625 = tpu.vector_load_idx %arg8[%get3A_624] : memref<108288xf32, #tpu.memory_space<vmem>>[vector<16xi32>], vector<16xf32>,
      %swap3A_626 = arith.index_cast %add3A_622 : i32 to index
      %swap3A_627 = tpu.vector_load %arg11[%swap3A_626] {strides = array<i32>} : memref<4096xf32, #tpu.memory_space<vmem>>, vector<16xf32>,
      tpu.vector_store %arg11[%swap3A_626], %gather3A_625 {strides = array<i32>} : memref<4096xf32, #tpu.memory_space<vmem>>, vector<16xf32>,
    }
    %scan3A_531 = arith.constant 32 : i32
    %scan3A_532 = arith.constant 0 : i32
    %scan3A_533 = arith.constant 0 : i32
    %scan3A_534 = arith.constant 8 : i32
    %scan3A_535 = arith.addi %scan3A_533, %scan3A_534 : i32
    %scan3A_536 = arith.constant 1 : i32
    scf.for %scan3A_572 = %scan3A_533 to %scan3A_535 step %scan3A_536  : i32 {
      %mul3A_573 = arith.constant 512 : i32
      %mul3A_574 = arith.muli %scan3A_572, %mul3A_573 : i32
      %add3A_575 = arith.constant 0 : i32
      %add3A_576 = arith.addi %mul3A_574, %add3A_575 : i32
      %add3A_577 = arith.constant 16384 : i32
      %add3A_578 = arith.addi %add3A_577, %mul3A_574 : i32
      %add3A_579 = arith.constant 0 : i32
      %add3A_580 = arith.addi %add3A_578, %add3A_579 : i32
      %dma_start3A_581 = tpu.memref_slice %arg11[%add3A_576] : memref<4096xf32, #tpu.memory_space<vmem>> -> memref<128xf32, #tpu.memory_space<vmem>>
      %dma_start3A_582 = tpu.memref_slice %arg7[%add3A_293, %add3A_580] : memref<64x24576xf32, #tpu.memory_space<hbm>> -> memref<1x128xf32, #tpu.memory_space<hbm>>
      %dma_start3A_583 = tpu.memref_squeeze %dma_start3A_582 : memref<1x128xf32, #tpu.memory_space<hbm>> -> memref<128xf32, #tpu.memory_space<hbm>>
      %dma_start3A_584 = tpu.memref_slice %arg7[%add3A_293, %add3A_580] : memref<64x24576xf32, #tpu.memory_space<hbm>> -> memref<1x128xf32, #tpu.memory_space<hbm>>
      %dma_start3A_585 = tpu.memref_squeeze %dma_start3A_584 : memref<1x128xf32, #tpu.memory_space<hbm>> -> memref<128xf32, #tpu.memory_space<hbm>>
      %dma_start3A_586 = tpu.memref_slice %arg11[%add3A_576] : memref<4096xf32, #tpu.memory_space<vmem>> -> memref<128xf32, #tpu.memory_space<vmem>>
      tpu.enqueue_dma source(%dma_start3A_586 : memref<128xf32, #tpu.memory_space<vmem>>) target(%dma_start3A_585 : memref<128xf32, #tpu.memory_space<hbm>>) target_semaphore(%arg16 : memref<!tpu.dma_semaphore, #tpu.memory_space<semaphore_mem>>)
      %add3A_587 = arith.constant 128 : i32
      %add3A_588 = arith.addi %mul3A_574, %add3A_587 : i32
      %add3A_589 = arith.constant 16384 : i32
      %add3A_590 = arith.addi %add3A_589, %mul3A_574 : i32
      %add3A_591 = arith.constant 128 : i32
      %add3A_592 = arith.addi %add3A_590, %add3A_591 : i32
      %dma_start3A_593 = tpu.memref_slice %arg11[%add3A_588] : memref<4096xf32, #tpu.memory_space<vmem>> -> memref<128xf32, #tpu.memory_space<vmem>>
      %dma_start3A_594 = tpu.memref_slice %arg7[%add3A_293, %add3A_592] : memref<64x24576xf32, #tpu.memory_space<hbm>> -> memref<1x128xf32, #tpu.memory_space<hbm>>
      %dma_start3A_595 = tpu.memref_squeeze %dma_start3A_594 : memref<1x128xf32, #tpu.memory_space<hbm>> -> memref<128xf32, #tpu.memory_space<hbm>>
      %dma_start3A_596 = tpu.memref_slice %arg7[%add3A_293, %add3A_592] : memref<64x24576xf32, #tpu.memory_space<hbm>> -> memref<1x128xf32, #tpu.memory_space<hbm>>
      %dma_start3A_597 = tpu.memref_squeeze %dma_start3A_596 : memref<1x128xf32, #tpu.memory_space<hbm>> -> memref<128xf32, #tpu.memory_space<hbm>>
      %dma_start3A_598 = tpu.memref_slice %arg11[%add3A_588] : memref<4096xf32, #tpu.memory_space<vmem>> -> memref<128xf32, #tpu.memory_space<vmem>>
      tpu.enqueue_dma source(%dma_start3A_598 : memref<128xf32, #tpu.memory_space<vmem>>) target(%dma_start3A_597 : memref<128xf32, #tpu.memory_space<hbm>>) target_semaphore(%arg16 : memref<!tpu.dma_semaphore, #tpu.memory_space<semaphore_mem>>)
      %add3A_599 = arith.constant 256 : i32
      %add3A_600 = arith.addi %mul3A_574, %add3A_599 : i32
      %add3A_601 = arith.constant 16384 : i32
      %add3A_602 = arith.addi %add3A_601, %mul3A_574 : i32
      %add3A_603 = arith.constant 256 : i32
      %add3A_604 = arith.addi %add3A_602, %add3A_603 : i32
      %dma_start3A_605 = tpu.memref_slice %arg11[%add3A_600] : memref<4096xf32, #tpu.memory_space<vmem>> -> memref<128xf32, #tpu.memory_space<vmem>>
      %dma_start3A_606 = tpu.memref_slice %arg7[%add3A_293, %add3A_604] : memref<64x24576xf32, #tpu.memory_space<hbm>> -> memref<1x128xf32, #tpu.memory_space<hbm>>
      %dma_start3A_607 = tpu.memref_squeeze %dma_start3A_606 : memref<1x128xf32, #tpu.memory_space<hbm>> -> memref<128xf32, #tpu.memory_space<hbm>>
      %dma_start3A_608 = tpu.memref_slice %arg7[%add3A_293, %add3A_604] : memref<64x24576xf32, #tpu.memory_space<hbm>> -> memref<1x128xf32, #tpu.memory_space<hbm>>
      %dma_start3A_609 = tpu.memref_squeeze %dma_start3A_608 : memref<1x128xf32, #tpu.memory_space<hbm>> -> memref<128xf32, #tpu.memory_space<hbm>>
      %dma_start3A_610 = tpu.memref_slice %arg11[%add3A_600] : memref<4096xf32, #tpu.memory_space<vmem>> -> memref<128xf32, #tpu.memory_space<vmem>>
      tpu.enqueue_dma source(%dma_start3A_610 : memref<128xf32, #tpu.memory_space<vmem>>) target(%dma_start3A_609 : memref<128xf32, #tpu.memory_space<hbm>>) target_semaphore(%arg16 : memref<!tpu.dma_semaphore, #tpu.memory_space<semaphore_mem>>)
      %add3A_611 = arith.constant 384 : i32
      %add3A_612 = arith.addi %mul3A_574, %add3A_611 : i32
      %add3A_613 = arith.constant 16384 : i32
      %add3A_614 = arith.addi %add3A_613, %mul3A_574 : i32
      %add3A_615 = arith.constant 384 : i32
      %add3A_616 = arith.addi %add3A_614, %add3A_615 : i32
      %dma_start3A_617 = tpu.memref_slice %arg11[%add3A_612] : memref<4096xf32, #tpu.memory_space<vmem>> -> memref<128xf32, #tpu.memory_space<vmem>>
      %dma_start3A_618 = tpu.memref_slice %arg7[%add3A_293, %add3A_616] : memref<64x24576xf32, #tpu.memory_space<hbm>> -> memref<1x128xf32, #tpu.memory_space<hbm>>
      %dma_start3A_619 = tpu.memref_squeeze %dma_start3A_618 : memref<1x128xf32, #tpu.memory_space<hbm>> -> memref<128xf32, #tpu.memory_space<hbm>>
      %dma_start3A_620 = tpu.memref_slice %arg7[%add3A_293, %add3A_616] : memref<64x24576xf32, #tpu.memory_space<hbm>> -> memref<1x128xf32, #tpu.memory_space<hbm>>
      %dma_start3A_621 = tpu.memref_squeeze %dma_start3A_620 : memref<1x128xf32, #tpu.memory_space<hbm>> -> memref<128xf32, #tpu.memory_space<hbm>>
      %dma_start3A_622 = tpu.memref_slice %arg11[%add3A_612] : memref<4096xf32, #tpu.memory_space<vmem>> -> memref<128xf32, #tpu.memory_space<vmem>>
      tpu.enqueue_dma source(%dma_start3A_622 : memref<128xf32, #tpu.memory_space<vmem>>) target(%dma_start3A_621 : memref<128xf32, #tpu.memory_space<hbm>>) target_semaphore(%arg16 : memref<!tpu.dma_semaphore, #tpu.memory_space<semaphore_mem>>)
    }
    %scan3A_537 = arith.constant 8 : i32
    %dma_wait3A_538 = arith.constant 0 : i32
    %dma_wait3A_539 = tpu.memref_slice %arg13[%dma_wait3A_538] : memref<24576xi32, #tpu.memory_space<vmem_shared>> -> memref<4096xi32, #tpu.memory_space<vmem_shared>>
    %dma_wait3A_540 = arith.constant 0 : i32
    %dma_wait3A_541 = tpu.memref_slice %arg13[%dma_wait3A_540] : memref<24576xi32, #tpu.memory_space<vmem_shared>> -> memref<4096xi32, #tpu.memory_space<vmem_shared>>
    tpu.wait_dma2 semaphore(%arg15 : memref<!tpu.dma_semaphore, #tpu.memory_space<semaphore_mem>>) src(%dma_wait3A_541 : memref<4096xi32, #tpu.memory_space<vmem_shared>>) dst(%arg10 : memref<4096xi32, #tpu.memory_space<vmem>>)
    %dma_wait3A_542 = arith.constant 0 : i32
    %dma_wait3A_543 = tpu.memref_slice %arg7[%add3A_293, %dma_wait3A_542] : memref<64x24576xf32, #tpu.memory_space<hbm>> -> memref<1x4096xf32, #tpu.memory_space<hbm>>
    %dma_wait3A_544 = tpu.memref_squeeze %dma_wait3A_543 : memref<1x4096xf32, #tpu.memory_space<hbm>> -> memref<4096xf32, #tpu.memory_space<hbm>>
    %dma_wait3A_545 = arith.constant 0 : i32
    %dma_wait3A_546 = tpu.memref_slice %arg7[%add3A_293, %dma_wait3A_545] : memref<64x24576xf32, #tpu.memory_space<hbm>> -> memref<1x4096xf32, #tpu.memory_space<hbm>>
    %dma_wait3A_547 = tpu.memref_squeeze %dma_wait3A_546 : memref<1x4096xf32, #tpu.memory_space<hbm>> -> memref<4096xf32, #tpu.memory_space<hbm>>
    tpu.wait_dma2 semaphore(%arg16 : memref<!tpu.dma_semaphore, #tpu.memory_space<semaphore_mem>>) src(%arg12 : memref<4096xf32, #tpu.memory_space<vmem>>) dst(%dma_wait3A_547 : memref<4096xf32, #tpu.memory_space<hbm>>)
    %scan3A_548 = arith.constant 0 : i32
    %scan3A_549 = arith.constant 0 : i32
    %scan3A_550 = arith.constant 32 : i32
    %scan3A_551 = arith.addi %scan3A_549, %scan3A_550 : i32
    %scan3A_552 = arith.constant 1 : i32
    scf.for %scan3A_572 = %scan3A_549 to %scan3A_551 step %scan3A_552  : i32 {
      %mul3A_573 = arith.constant 128 : i32
      %mul3A_574 = arith.muli %scan3A_572, %mul3A_573 : i32
      %add3A_575 = arith.constant 0 : i32
      %add3A_576 = arith.addi %mul3A_574, %add3A_575 : i32
      %get3A = arith.index_cast %add3A_576 : i32 to index
      %get3A_577 = tpu.vector_load %arg10[%get3A] {strides = array<i32>} : memref<4096xi32, #tpu.memory_space<vmem>>, vector<16xi32>,
      %gather3A = tpu.vector_load_idx %arg8[%get3A_577] : memref<108288xf32, #tpu.memory_space<vmem>>[vector<16xi32>], vector<16xf32>,
      %swap3A = arith.index_cast %add3A_576 : i32 to index
      %swap3A_578 = tpu.vector_load %arg12[%swap3A] {strides = array<i32>} : memref<4096xf32, #tpu.memory_space<vmem>>, vector<16xf32>,
      tpu.vector_store %arg12[%swap3A], %gather3A {strides = array<i32>} : memref<4096xf32, #tpu.memory_space<vmem>>, vector<16xf32>,
      %add3A_579 = arith.constant 16 : i32
      %add3A_580 = arith.addi %mul3A_574, %add3A_579 : i32
      %get3A_581 = arith.index_cast %add3A_580 : i32 to index
      %get3A_582 = tpu.vector_load %arg10[%get3A_581] {strides = array<i32>} : memref<4096xi32, #tpu.memory_space<vmem>>, vector<16xi32>,
      %gather3A_583 = tpu.vector_load_idx %arg8[%get3A_582] : memref<108288xf32, #tpu.memory_space<vmem>>[vector<16xi32>], vector<16xf32>,
      %swap3A_584 = arith.index_cast %add3A_580 : i32 to index
      %swap3A_585 = tpu.vector_load %arg12[%swap3A_584] {strides = array<i32>} : memref<4096xf32, #tpu.memory_space<vmem>>, vector<16xf32>,
      tpu.vector_store %arg12[%swap3A_584], %gather3A_583 {strides = array<i32>} : memref<4096xf32, #tpu.memory_space<vmem>>, vector<16xf32>,
      %add3A_586 = arith.constant 32 : i32
      %add3A_587 = arith.addi %mul3A_574, %add3A_586 : i32
      %get3A_588 = arith.index_cast %add3A_587 : i32 to index
      %get3A_589 = tpu.vector_load %arg10[%get3A_588] {strides = array<i32>} : memref<4096xi32, #tpu.memory_space<vmem>>, vector<16xi32>,
      %gather3A_590 = tpu.vector_load_idx %arg8[%get3A_589] : memref<108288xf32, #tpu.memory_space<vmem>>[vector<16xi32>], vector<16xf32>,
      %swap3A_591 = arith.index_cast %add3A_587 : i32 to index
      %swap3A_592 = tpu.vector_load %arg12[%swap3A_591] {strides = array<i32>} : memref<4096xf32, #tpu.memory_space<vmem>>, vector<16xf32>,
      tpu.vector_store %arg12[%swap3A_591], %gather3A_590 {strides = array<i32>} : memref<4096xf32, #tpu.memory_space<vmem>>, vector<16xf32>,
      %add3A_593 = arith.constant 48 : i32
      %add3A_594 = arith.addi %mul3A_574, %add3A_593 : i32
      %get3A_595 = arith.index_cast %add3A_594 : i32 to index
      %get3A_596 = tpu.vector_load %arg10[%get3A_595] {strides = array<i32>} : memref<4096xi32, #tpu.memory_space<vmem>>, vector<16xi32>,
      %gather3A_597 = tpu.vector_load_idx %arg8[%get3A_596] : memref<108288xf32, #tpu.memory_space<vmem>>[vector<16xi32>], vector<16xf32>,
      %swap3A_598 = arith.index_cast %add3A_594 : i32 to index
      %swap3A_599 = tpu.vector_load %arg12[%swap3A_598] {strides = array<i32>} : memref<4096xf32, #tpu.memory_space<vmem>>, vector<16xf32>,
      tpu.vector_store %arg12[%swap3A_598], %gather3A_597 {strides = array<i32>} : memref<4096xf32, #tpu.memory_space<vmem>>, vector<16xf32>,
      %add3A_600 = arith.constant 64 : i32
      %add3A_601 = arith.addi %mul3A_574, %add3A_600 : i32
      %get3A_602 = arith.index_cast %add3A_601 : i32 to index
      %get3A_603 = tpu.vector_load %arg10[%get3A_602] {strides = array<i32>} : memref<4096xi32, #tpu.memory_space<vmem>>, vector<16xi32>,
      %gather3A_604 = tpu.vector_load_idx %arg8[%get3A_603] : memref<108288xf32, #tpu.memory_space<vmem>>[vector<16xi32>], vector<16xf32>,
      %swap3A_605 = arith.index_cast %add3A_601 : i32 to index
      %swap3A_606 = tpu.vector_load %arg12[%swap3A_605] {strides = array<i32>} : memref<4096xf32, #tpu.memory_space<vmem>>, vector<16xf32>,
      tpu.vector_store %arg12[%swap3A_605], %gather3A_604 {strides = array<i32>} : memref<4096xf32, #tpu.memory_space<vmem>>, vector<16xf32>,
      %add3A_607 = arith.constant 80 : i32
      %add3A_608 = arith.addi %mul3A_574, %add3A_607 : i32
      %get3A_609 = arith.index_cast %add3A_608 : i32 to index
      %get3A_610 = tpu.vector_load %arg10[%get3A_609] {strides = array<i32>} : memref<4096xi32, #tpu.memory_space<vmem>>, vector<16xi32>,
      %gather3A_611 = tpu.vector_load_idx %arg8[%get3A_610] : memref<108288xf32, #tpu.memory_space<vmem>>[vector<16xi32>], vector<16xf32>,
      %swap3A_612 = arith.index_cast %add3A_608 : i32 to index
      %swap3A_613 = tpu.vector_load %arg12[%swap3A_612] {strides = array<i32>} : memref<4096xf32, #tpu.memory_space<vmem>>, vector<16xf32>,
      tpu.vector_store %arg12[%swap3A_612], %gather3A_611 {strides = array<i32>} : memref<4096xf32, #tpu.memory_space<vmem>>, vector<16xf32>,
      %add3A_614 = arith.constant 96 : i32
      %add3A_615 = arith.addi %mul3A_574, %add3A_614 : i32
      %get3A_616 = arith.index_cast %add3A_615 : i32 to index
      %get3A_617 = tpu.vector_load %arg10[%get3A_616] {strides = array<i32>} : memref<4096xi32, #tpu.memory_space<vmem>>, vector<16xi32>,
      %gather3A_618 = tpu.vector_load_idx %arg8[%get3A_617] : memref<108288xf32, #tpu.memory_space<vmem>>[vector<16xi32>], vector<16xf32>,
      %swap3A_619 = arith.index_cast %add3A_615 : i32 to index
      %swap3A_620 = tpu.vector_load %arg12[%swap3A_619] {strides = array<i32>} : memref<4096xf32, #tpu.memory_space<vmem>>, vector<16xf32>,
      tpu.vector_store %arg12[%swap3A_619], %gather3A_618 {strides = array<i32>} : memref<4096xf32, #tpu.memory_space<vmem>>, vector<16xf32>,
      %add3A_621 = arith.constant 112 : i32
      %add3A_622 = arith.addi %mul3A_574, %add3A_621 : i32
      %get3A_623 = arith.index_cast %add3A_622 : i32 to index
      %get3A_624 = tpu.vector_load %arg10[%get3A_623] {strides = array<i32>} : memref<4096xi32, #tpu.memory_space<vmem>>, vector<16xi32>,
      %gather3A_625 = tpu.vector_load_idx %arg8[%get3A_624] : memref<108288xf32, #tpu.memory_space<vmem>>[vector<16xi32>], vector<16xf32>,
      %swap3A_626 = arith.index_cast %add3A_622 : i32 to index
      %swap3A_627 = tpu.vector_load %arg12[%swap3A_626] {strides = array<i32>} : memref<4096xf32, #tpu.memory_space<vmem>>, vector<16xf32>,
      tpu.vector_store %arg12[%swap3A_626], %gather3A_625 {strides = array<i32>} : memref<4096xf32, #tpu.memory_space<vmem>>, vector<16xf32>,
    }
    %scan3A_553 = arith.constant 32 : i32
    %scan3A_554 = arith.constant 0 : i32
    %scan3A_555 = arith.constant 0 : i32
    %scan3A_556 = arith.constant 8 : i32
    %scan3A_557 = arith.addi %scan3A_555, %scan3A_556 : i32
    %scan3A_558 = arith.constant 1 : i32
    scf.for %scan3A_572 = %scan3A_555 to %scan3A_557 step %scan3A_558  : i32 {
      %mul3A_573 = arith.constant 512 : i32
      %mul3A_574 = arith.muli %scan3A_572, %mul3A_573 : i32
      %add3A_575 = arith.constant 0 : i32
      %add3A_576 = arith.addi %mul3A_574, %add3A_575 : i32
      %add3A_577 = arith.constant 20480 : i32
      %add3A_578 = arith.addi %add3A_577, %mul3A_574 : i32
      %add3A_579 = arith.constant 0 : i32
      %add3A_580 = arith.addi %add3A_578, %add3A_579 : i32
      %dma_start3A_581 = tpu.memref_slice %arg12[%add3A_576] : memref<4096xf32, #tpu.memory_space<vmem>> -> memref<128xf32, #tpu.memory_space<vmem>>
      %dma_start3A_582 = tpu.memref_slice %arg7[%add3A_293, %add3A_580] : memref<64x24576xf32, #tpu.memory_space<hbm>> -> memref<1x128xf32, #tpu.memory_space<hbm>>
      %dma_start3A_583 = tpu.memref_squeeze %dma_start3A_582 : memref<1x128xf32, #tpu.memory_space<hbm>> -> memref<128xf32, #tpu.memory_space<hbm>>
      %dma_start3A_584 = tpu.memref_slice %arg7[%add3A_293, %add3A_580] : memref<64x24576xf32, #tpu.memory_space<hbm>> -> memref<1x128xf32, #tpu.memory_space<hbm>>
      %dma_start3A_585 = tpu.memref_squeeze %dma_start3A_584 : memref<1x128xf32, #tpu.memory_space<hbm>> -> memref<128xf32, #tpu.memory_space<hbm>>
      %dma_start3A_586 = tpu.memref_slice %arg12[%add3A_576] : memref<4096xf32, #tpu.memory_space<vmem>> -> memref<128xf32, #tpu.memory_space<vmem>>
      tpu.enqueue_dma source(%dma_start3A_586 : memref<128xf32, #tpu.memory_space<vmem>>) target(%dma_start3A_585 : memref<128xf32, #tpu.memory_space<hbm>>) target_semaphore(%arg16 : memref<!tpu.dma_semaphore, #tpu.memory_space<semaphore_mem>>)
      %add3A_587 = arith.constant 128 : i32
      %add3A_588 = arith.addi %mul3A_574, %add3A_587 : i32
      %add3A_589 = arith.constant 20480 : i32
      %add3A_590 = arith.addi %add3A_589, %mul3A_574 : i32
      %add3A_591 = arith.constant 128 : i32
      %add3A_592 = arith.addi %add3A_590, %add3A_591 : i32
      %dma_start3A_593 = tpu.memref_slice %arg12[%add3A_588] : memref<4096xf32, #tpu.memory_space<vmem>> -> memref<128xf32, #tpu.memory_space<vmem>>
      %dma_start3A_594 = tpu.memref_slice %arg7[%add3A_293, %add3A_592] : memref<64x24576xf32, #tpu.memory_space<hbm>> -> memref<1x128xf32, #tpu.memory_space<hbm>>
      %dma_start3A_595 = tpu.memref_squeeze %dma_start3A_594 : memref<1x128xf32, #tpu.memory_space<hbm>> -> memref<128xf32, #tpu.memory_space<hbm>>
      %dma_start3A_596 = tpu.memref_slice %arg7[%add3A_293, %add3A_592] : memref<64x24576xf32, #tpu.memory_space<hbm>> -> memref<1x128xf32, #tpu.memory_space<hbm>>
      %dma_start3A_597 = tpu.memref_squeeze %dma_start3A_596 : memref<1x128xf32, #tpu.memory_space<hbm>> -> memref<128xf32, #tpu.memory_space<hbm>>
      %dma_start3A_598 = tpu.memref_slice %arg12[%add3A_588] : memref<4096xf32, #tpu.memory_space<vmem>> -> memref<128xf32, #tpu.memory_space<vmem>>
      tpu.enqueue_dma source(%dma_start3A_598 : memref<128xf32, #tpu.memory_space<vmem>>) target(%dma_start3A_597 : memref<128xf32, #tpu.memory_space<hbm>>) target_semaphore(%arg16 : memref<!tpu.dma_semaphore, #tpu.memory_space<semaphore_mem>>)
      %add3A_599 = arith.constant 256 : i32
      %add3A_600 = arith.addi %mul3A_574, %add3A_599 : i32
      %add3A_601 = arith.constant 20480 : i32
      %add3A_602 = arith.addi %add3A_601, %mul3A_574 : i32
      %add3A_603 = arith.constant 256 : i32
      %add3A_604 = arith.addi %add3A_602, %add3A_603 : i32
      %dma_start3A_605 = tpu.memref_slice %arg12[%add3A_600] : memref<4096xf32, #tpu.memory_space<vmem>> -> memref<128xf32, #tpu.memory_space<vmem>>
      %dma_start3A_606 = tpu.memref_slice %arg7[%add3A_293, %add3A_604] : memref<64x24576xf32, #tpu.memory_space<hbm>> -> memref<1x128xf32, #tpu.memory_space<hbm>>
      %dma_start3A_607 = tpu.memref_squeeze %dma_start3A_606 : memref<1x128xf32, #tpu.memory_space<hbm>> -> memref<128xf32, #tpu.memory_space<hbm>>
      %dma_start3A_608 = tpu.memref_slice %arg7[%add3A_293, %add3A_604] : memref<64x24576xf32, #tpu.memory_space<hbm>> -> memref<1x128xf32, #tpu.memory_space<hbm>>
      %dma_start3A_609 = tpu.memref_squeeze %dma_start3A_608 : memref<1x128xf32, #tpu.memory_space<hbm>> -> memref<128xf32, #tpu.memory_space<hbm>>
      %dma_start3A_610 = tpu.memref_slice %arg12[%add3A_600] : memref<4096xf32, #tpu.memory_space<vmem>> -> memref<128xf32, #tpu.memory_space<vmem>>
      tpu.enqueue_dma source(%dma_start3A_610 : memref<128xf32, #tpu.memory_space<vmem>>) target(%dma_start3A_609 : memref<128xf32, #tpu.memory_space<hbm>>) target_semaphore(%arg16 : memref<!tpu.dma_semaphore, #tpu.memory_space<semaphore_mem>>)
      %add3A_611 = arith.constant 384 : i32
      %add3A_612 = arith.addi %mul3A_574, %add3A_611 : i32
      %add3A_613 = arith.constant 20480 : i32
      %add3A_614 = arith.addi %add3A_613, %mul3A_574 : i32
      %add3A_615 = arith.constant 384 : i32
      %add3A_616 = arith.addi %add3A_614, %add3A_615 : i32
      %dma_start3A_617 = tpu.memref_slice %arg12[%add3A_612] : memref<4096xf32, #tpu.memory_space<vmem>> -> memref<128xf32, #tpu.memory_space<vmem>>
      %dma_start3A_618 = tpu.memref_slice %arg7[%add3A_293, %add3A_616] : memref<64x24576xf32, #tpu.memory_space<hbm>> -> memref<1x128xf32, #tpu.memory_space<hbm>>
      %dma_start3A_619 = tpu.memref_squeeze %dma_start3A_618 : memref<1x128xf32, #tpu.memory_space<hbm>> -> memref<128xf32, #tpu.memory_space<hbm>>
      %dma_start3A_620 = tpu.memref_slice %arg7[%add3A_293, %add3A_616] : memref<64x24576xf32, #tpu.memory_space<hbm>> -> memref<1x128xf32, #tpu.memory_space<hbm>>
      %dma_start3A_621 = tpu.memref_squeeze %dma_start3A_620 : memref<1x128xf32, #tpu.memory_space<hbm>> -> memref<128xf32, #tpu.memory_space<hbm>>
      %dma_start3A_622 = tpu.memref_slice %arg12[%add3A_612] : memref<4096xf32, #tpu.memory_space<vmem>> -> memref<128xf32, #tpu.memory_space<vmem>>
      tpu.enqueue_dma source(%dma_start3A_622 : memref<128xf32, #tpu.memory_space<vmem>>) target(%dma_start3A_621 : memref<128xf32, #tpu.memory_space<hbm>>) target_semaphore(%arg16 : memref<!tpu.dma_semaphore, #tpu.memory_space<semaphore_mem>>)
    }
    %scan3A_559 = arith.constant 8 : i32
    %dma_wait3A_560 = arith.constant 0 : i32
    %dma_wait3A_561 = tpu.memref_slice %arg7[%add3A_293, %dma_wait3A_560] : memref<64x24576xf32, #tpu.memory_space<hbm>> -> memref<1x4096xf32, #tpu.memory_space<hbm>>
    %dma_wait3A_562 = tpu.memref_squeeze %dma_wait3A_561 : memref<1x4096xf32, #tpu.memory_space<hbm>> -> memref<4096xf32, #tpu.memory_space<hbm>>
    %dma_wait3A_563 = arith.constant 0 : i32
    %dma_wait3A_564 = tpu.memref_slice %arg7[%add3A_293, %dma_wait3A_563] : memref<64x24576xf32, #tpu.memory_space<hbm>> -> memref<1x4096xf32, #tpu.memory_space<hbm>>
    %dma_wait3A_565 = tpu.memref_squeeze %dma_wait3A_564 : memref<1x4096xf32, #tpu.memory_space<hbm>> -> memref<4096xf32, #tpu.memory_space<hbm>>
    tpu.wait_dma2 semaphore(%arg16 : memref<!tpu.dma_semaphore, #tpu.memory_space<semaphore_mem>>) src(%arg11 : memref<4096xf32, #tpu.memory_space<vmem>>) dst(%dma_wait3A_565 : memref<4096xf32, #tpu.memory_space<hbm>>)
    %dma_wait3A_566 = arith.constant 0 : i32
    %dma_wait3A_567 = tpu.memref_slice %arg7[%add3A_293, %dma_wait3A_566] : memref<64x24576xf32, #tpu.memory_space<hbm>> -> memref<1x4096xf32, #tpu.memory_space<hbm>>
    %dma_wait3A_568 = tpu.memref_squeeze %dma_wait3A_567 : memref<1x4096xf32, #tpu.memory_space<hbm>> -> memref<4096xf32, #tpu.memory_space<hbm>>
    %dma_wait3A_569 = arith.constant 0 : i32
    %dma_wait3A_570 = tpu.memref_slice %arg7[%add3A_293, %dma_wait3A_569] : memref<64x24576xf32, #tpu.memory_space<hbm>> -> memref<1x4096xf32, #tpu.memory_space<hbm>>
    %dma_wait3A_571 = tpu.memref_squeeze %dma_wait3A_570 : memref<1x4096xf32, #tpu.memory_space<hbm>> -> memref<4096xf32, #tpu.memory_space<hbm>>
    tpu.wait_dma2 semaphore(%arg16 : memref<!tpu.dma_semaphore, #tpu.memory_space<semaphore_mem>>) src(%arg12 : memref<4096xf32, #tpu.memory_space<vmem>>) dst(%dma_wait3A_571 : memref<4096xf32, #tpu.memory_space<hbm>>)
    return
  }
}

module attributes {stable_mosaic.version = 14 : i64} {
  func.func @_posenc_body(%arg0: i32, %arg1: memref<1024xi32, #tpu.memory_space<vmem>>, %arg2: memref<64x1024xf32, #tpu.memory_space<vmem>>) attributes {dimension_semantics = [#tpu.dimension_semantics<arbitrary>], iteration_bounds = array<i64: 8>, scalar_prefetch = 0 : i64, scratch_operands = 0 : i64, tpu.core_type = #tpu.core_type<tc>, window_params = [{transform_indices = @transform_0, window_bounds = array<i64: 1024>}, {transform_indices = @transform_1, window_bounds = array<i64: 64, 1024>}]} {
    %get3A = arith.constant 0 : index
    %get3A_0 = vector.load %arg1[%get3A] : memref<1024xi32, #tpu.memory_space<vmem>>, vector<1024xi32>
    %convert_element_type3A = arith.sitofp %get3A_0 : vector<1024xi32> to vector<1024xf32>
    %broadcast_in_dim3A = vector.shape_cast %convert_element_type3A : vector<1024xf32> to vector<1x1024xf32>
    %iota3A = tpu.iota {dimensions = array<i32: 0>} : vector<64x1xi32>
    %jit3A = arith.constant 32 : i32
    %eq3A = arith.constant 0 : i32
    %eq3A_1 = arith.cmpi eq, %jit3A, %eq3A : i32
    %jit3A_2 = arith.constant 1 : i32
    %select_n3A = arith.select %eq3A_1, %jit3A_2, %jit3A : i32
    %rem3A = vector.broadcast %select_n3A : i32 to vector<64x1xi32>
    %rem3A_3 = arith.remsi %iota3A, %rem3A : vector<64x1xi32>
    %ne3A = arith.constant 0 : i32
    %ne3A_4 = vector.broadcast %ne3A : i32 to vector<64x1xi32>
    %ne3A_5 = arith.cmpi ne, %rem3A_3, %ne3A_4 : vector<64x1xi32>
    %lt3A = arith.constant 0 : i32
    %lt3A_6 = vector.broadcast %lt3A : i32 to vector<64x1xi32>
    %lt3A_7 = arith.cmpi slt, %rem3A_3, %lt3A_6 : vector<64x1xi32>
    %lt3A_8 = arith.constant 0 : i32
    %lt3A_9 = arith.cmpi slt, %select_n3A, %lt3A_8 : i32
    %ne3A_10 = vector.broadcast %lt3A_9 : i1 to vector<64x1xi1>
    %ne3A_11 = vector.broadcast %ne3A_10 : vector<64x1xi1> to vector<64x1xi1>
    %ne3A_12 = arith.xori %lt3A_7, %ne3A_11 : vector<64x1xi1>
    %and3A = arith.andi %ne3A_12, %ne3A_5 : vector<64x1xi1>
    %add3A = vector.broadcast %select_n3A : i32 to vector<64x1xi32>
    %add3A_13 = arith.addi %rem3A_3, %add3A : vector<64x1xi32>
    %select_n3A_14 = arith.select %and3A, %add3A_13, %rem3A_3 : vector<64x1xi1>, vector<64x1xi32>
    %convert_element_type3A_15 = arith.sitofp %select_n3A_14 : vector<64x1xi32> to vector<64x1xf32>
    %mul3A = arith.constant -0.287823141 : f32
    %mul3A_16 = vector.broadcast %mul3A : f32 to vector<64x1xf32>
    %mul3A_17 = arith.mulf %convert_element_type3A_15, %mul3A_16 : vector<64x1xf32>
    %exp3A = math.exp %mul3A_17 : vector<64x1xf32>
    %lt3A_18 = arith.constant 32 : i32
    %lt3A_19 = vector.broadcast %lt3A_18 : i32 to vector<64x1xi32>
    %lt3A_20 = arith.cmpi slt, %iota3A, %lt3A_19 : vector<64x1xi32>
    %jit3A_21 = arith.constant 0.000000e+00 : f32
    %jit3A_22 = arith.constant 1.57079637 : f32
    %broadcast_in_dim3A_23 = vector.broadcast %jit3A_21 : f32 to vector<64x1xf32>
    %broadcast_in_dim3A_24 = vector.broadcast %jit3A_22 : f32 to vector<64x1xf32>
    %select_n3A_25 = arith.select %lt3A_20, %broadcast_in_dim3A_23, %broadcast_in_dim3A_24 : vector<64x1xi1>, vector<64x1xf32>
    %mul3A_26 = vector.broadcast %broadcast_in_dim3A : vector<1x1024xf32> to vector<64x1024xf32>
    %mul3A_27 = vector.broadcast %exp3A : vector<64x1xf32> to vector<64x1024xf32>
    %mul3A_28 = arith.mulf %mul3A_26, %mul3A_27 : vector<64x1024xf32>
    %add3A_29 = vector.broadcast %select_n3A_25 : vector<64x1xf32> to vector<64x1024xf32>
    %add3A_30 = arith.addf %mul3A_28, %add3A_29 : vector<64x1024xf32>
    %sin3A = math.sin %add3A_30 : vector<64x1024xf32>
    %swap3A = arith.constant 0 : index
    %swap3A_31 = arith.constant 0 : index
    %swap3A_32 = vector.load %arg2[%swap3A, %swap3A_31] : memref<64x1024xf32, #tpu.memory_space<vmem>>, vector<64x1024xf32>
    tpu.vector_store %arg2[%swap3A, %swap3A_31], %sin3A {strides = array<i32>} : memref<64x1024xf32, #tpu.memory_space<vmem>>, vector<64x1024xf32>,
    return
  }
  func.func @transform_0(%arg0: i32) -> i32 {
    %c0_i32 = arith.constant 0 : i32
    return %arg0 : i32
  }
  func.func @transform_1(%arg0: i32) -> (i32, i32) {
    %c0_i32 = arith.constant 0 : i32
    %c0_i32_0 = arith.constant 0 : i32
    return %c0_i32, %arg0 : i32, i32
  }
}

</mosaic_0001>

<sc_bundles>
// kernel: kernel.4.cloned.1.call-start
scs
__scs_entry_jumppad:
0x0: {  	(pc) =	sbr.rel $0x88, $3  }
0x1: {  	(tag) =	ssettag $0x0;
	lr =	simm.s32 $0x1  }
0x2: {  	[smem:$0x3F9D] =	sst lr;
	_ =	strace $0xD0000000  }
0x3: {  	_ = 	snop  }
0x4: {  	_ = 	snop  }
0x5: {  	_ = 	snop  }
0x6: {  	_ = 	snop  }
0x7: {  	_ = 	snop  }
__scs_overlays_trampoline_lowered:
0x8: {  	[smem:$0x3FAC] =	sst s0  }
0x9: {  	[smem:$0x3FAD] =	sst s1  }
0xa: {  	[smem:$0x3FAE] =	sst s2  }
0xb: {  	[smem:$0x3FAF] =	sst s3  }
0xc: {  	[smem:$0x3FB0] =	sst s4  }
0xd: {  	[smem:$0x3FB1] =	sst s5  }
0xe: {  	[smem:$0x3FB2] =	sst s6  }
0xf: {  	[smem:$0x3FB3] =	sst s7  }
0x10: {  	[smem:$0x3FB4] =	sst s8  }
0x11: {  	[smem:$0x3FB5] =	sst s9;
	s0 =	simm.s32 @!p0 $0x0  }
0x12: {  	s1 =	sld [smem:$0x3F9B];
	s0 =	simm.s32 @p0 $0x1  }
0x13: {  	[smem:$0x3FB6] =	sst s0;
	s0 =	simm.s32 @!p1 $0x0  }
0x14: {  	s2 =	sld [smem:$0x3F9A];
	s0 =	simm.s32 @p1 $0x1  }
0x15: {  	[smem:$0x3FB7] =	sst s0;
	s0 =	simm.s32 @!p2 $0x0  }
0x16: {  	s3 =	sld [smem:$0x3FDB];
	s0 =	simm.s32 @p2 $0x1  }
0x17: {  	s4 =	simm.s32 $0x1BF5;
	[smem:$0x3FB9] =	sst s0  }
0x18: {  	s0 =	sld [smem:$0x3F9C];
	_ =	swait.ge [sflag:s4], $0x0  }
0x19: {  	s7 =	sld [smem:$0x3F9D]  }
0x1a: {  	s8 =	sadd.s32 $0xFFFFE003, lr  }
0x1b: {  	s9 =	sadd.s32 $0xFFFFFEF7, lr;
	s5 =	simm.s32 $0xFFFFFFFF;
	p2 =	slt.u32 s8, $0xFFFFF086  }
0x1c: {  	p1 =	slt.u32 s9, $0xF7A;
	s5 =	simm.s32 @!p2 $0x0  }
0x1d: {  	s5 =	simm.s32 @p1 $0x1;
	p0 =	seq.s32 s7, s2  }
0x1e: {  	s7 =	smul.u32 @!p0 $0xF7A, s2;
	p2 =	seq.s32 @!p0 s5, $0x0  }
0x1f: {  	s9 =	smul.u32 $0xF7A, s1;
	s8 =	simm.s32 @!p0 $0x1BF5;
	p2 =	por !p2, p0  }
0x20: {  	[sflag:s8] =	ssyncset.s32 @!p0 $0xFFFFF086;
	s6 =	sadd.s32 @!p0 s3, s7;
	s7 =	simm.s32 @!p0 $0x108  }
0x21: {  	s3 =	sadd.s32 s3, s9;
	s6 =	sadd.s32 @!p0 $0x88, s6;
	s7 =	simm.s32 @p2 $0x1082  }
0x22: {  	[simem:s7], [sflag:s8] =	dma.local @!p0 [hbm:s6], $0xF7A  }
0x23: {  	s9 =	sor.u32 $0xD0000000, s2;
	s6 =	simm.s32 $0x108;
	_ =	swait.ge @!p0 [sflag:s8], $0x0  }
0x24: {  	s3 =	sadd.s32 $0x88, s3;
	s6 =	simm.s32 @!p1 $0x1082;
	[sflag:s4] =	ssyncset.s32 $0xFFFFF086  }
0x25: {  	[simem:s6], [sflag:s4] =	dma.local [hbm:s3], $0xF7A  }
0x26: {  	[smem:$0x3F9D] =	sst s1;
	(tag) =	ssettag s2;
	_ =	strace s9  }
0x27: {  	s1 =	sld [smem:$0x3FAD]  }
0x28: {  	s2 =	sld [smem:$0x3FAE]  }
0x29: {  	s4 =	sld [smem:$0x3FB0]  }
0x2a: {  	p0 =	seq.s32 s5, $0x0;
	s5 =	sld [smem:$0x3FB1]  }
0x2b: {  	s6 =	sld [smem:$0x3FB2]  }
0x2c: {  	s7 =	sld [smem:$0x3FB3]  }
0x2d: {  	s3 =	simm.s32 $0x108;
	s8 =	sld [smem:$0x3FB4]  }
0x2e: {  	s3 =	simm.s32 @!p0 $0x1082;
	s9 =	sld [smem:$0x3FB5]  }
0x2f: {  	lr =	sadd.s32 s0, s3;
	s0 =	sld [smem:$0x3FAC]  }
0x30: {  	s3 =	sld [smem:$0x3FAF]  }
0x31: {  	[smem:$0x3FB8] =	sst s10  }
0x32: {  	s10 =	sld [smem:$0x3FB6];
	_ =	sdelay $0x3  }
0x33: {  	p0 =	seq.s32 s10, $0x1;
	s10 =	sld [smem:$0x3FB8];
	_ =	sdelay $0x3  }
0x34: {  	[smem:$0x3FB8] =	sst s10  }
0x35: {  	s10 =	sld [smem:$0x3FB7];
	_ =	sdelay $0x3  }
0x36: {  	p1 =	seq.s32 s10, $0x1;
	s10 =	sld [smem:$0x3FB8];
	_ =	sdelay $0x3  }
0x37: {  	[smem:$0x3FB8] =	sst s10  }
0x38: {  	s10 =	sld [smem:$0x3FB9]  }
0x39: {  	_ = 	snop;
	(pc) =	sbr.ind lr, $3  }
0x3a: {  	_ = 	snop  }
0x3b: {  	_ = 	snop  }
0x3c: {  	p2 =	seq.s32 s10, $0x1;
	s10 =	sld [smem:$0x3FB8]  }
0x3d: {  	_ =	shalt  }
0x3e: {  	_ =	shalt  }
0x3f: {  	_ =	shalt  }
0x40: {  	_ =	shalt  }
0x41: {  	_ =	shalt  }
0x42: {  	_ =	shalt  }
0x43: {  	_ =	shalt  }
0x44: {  	_ =	shalt  }
0x45: {  	_ =	shalt  }
0x46: {  	_ =	shalt  }
0x47: {  	_ =	shalt  }
0x48: {  	_ =	shalt  }
0x49: {  	_ =	shalt  }
0x4a: {  	_ =	shalt  }
0x4b: {  	_ =	shalt  }
0x4c: {  	_ =	shalt  }
0x4d: {  	_ =	shalt  }
0x4e: {  	_ =	shalt  }
0x4f: {  	_ =	shalt  }
0x50: {  	_ =	shalt  }
0x51: {  	_ =	shalt  }
0x52: {  	_ =	shalt  }
0x53: {  	_ =	shalt  }
0x54: {  	_ =	shalt  }
0x55: {  	_ =	shalt  }
0x56: {  	_ =	shalt  }
0x57: {  	_ =	shalt  }
0x58: {  	_ =	shalt  }
0x59: {  	_ =	shalt  }
0x5a: {  	_ =	shalt  }
0x5b: {  	_ =	shalt  }
0x5c: {  	_ =	shalt  }
0x5d: {  	_ =	shalt  }
0x5e: {  	_ =	shalt  }
0x5f: {  	_ =	shalt  }
0x60: {  	_ =	shalt  }
0x61: {  	_ =	shalt  }
0x62: {  	_ =	shalt  }
0x63: {  	_ =	shalt  }
0x64: {  	_ =	shalt  }
0x65: {  	_ =	shalt  }
0x66: {  	_ =	shalt  }
0x67: {  	_ =	shalt  }
0x68: {  	_ =	shalt  }
0x69: {  	_ =	shalt  }
0x6a: {  	_ =	shalt  }
0x6b: {  	_ =	shalt  }
0x6c: {  	_ =	shalt  }
0x6d: {  	_ =	shalt  }
0x6e: {  	_ =	shalt  }
0x6f: {  	_ =	shalt  }
0x70: {  	_ =	shalt  }
0x71: {  	_ =	shalt  }
0x72: {  	_ =	shalt  }
0x73: {  	_ =	shalt  }
0x74: {  	_ =	shalt  }
0x75: {  	_ =	shalt  }
0x76: {  	_ =	shalt  }
0x77: {  	_ =	shalt  }
0x78: {  	_ =	shalt  }
0x79: {  	_ =	shalt  }
0x7a: {  	_ =	shalt  }
0x7b: {  	_ =	shalt  }
0x7c: {  	_ =	shalt  }
0x7d: {  	_ =	shalt  }
0x7e: {  	_ =	shalt  }
0x7f: {  	_ =	shalt  }
0x80: {  	_ =	shalt  }
0x81: {  	_ =	shalt  }
0x82: {  	_ =	shalt  }
0x83: {  	_ =	shalt  }
0x84: {  	_ =	shalt  }
0x85: {  	_ =	shalt  }
0x86: {  	_ =	shalt  }
0x87: {  	_ =	shalt  }
.Lfunc_end0:
.L_simem_size_0:
called_computation_lowered:
.L_overlay_start_0:
0x88: {  	s2 =	sld [smem:$0x3FD9]  }
0x89: {  	s3 =	sld [smem:$0x3FFE];
	_ =	sdelay $0x1  }
0x8a: {  	s1 =	srdreg.scid  }
0x8b: {  	s0 =	sand.u32 $0x1, s1  }
0x8c: {  	s17 =	sshll.u32 s0, $0xA;
	s2 =	sadd.s32 s3, s2  }
0x8d: {  	s2 =	sadd.s32 s2, s17  }
0x8e: {  	[smem:$0x3FC4] =	sst s2  }
0x8f: {  	_ = 	snop  }
0x90: {  	s2 =	sld [smem:$0x3FC7]  }
0x91: {  	s18 =	sld [smem:$0x3FC6]  }
0x92: {  	s4 =	sld [smem:$0x3FD0];
	(tm) =	ssettm $0x1  }
0x93: {  	s5 =	sld [smem:$0x3FFB];
	_ =	sdelay $0x3  }
0x94: {  	_ =	strace s5  }
0x95: {  	s5 =	sld [smem:$0x3FFC];
	_ =	sdelay $0x3  }
0x96: {  	_ =	strace s5  }
0x97: {  	s5 =	sld [smem:$0x3FFD];
	_ =	sdelay $0x3  }
0x98: {  	_ =	strace s5  }
0x99: {  	_ =	strace $0x8FFFFFFF  }
0x9a: {  	s19 =	sld [smem:$0x3FDB];
	_ =	sdelay $0x1  }
0x9b: {  	s6 =	simm.s32 $_scs_section_size  }
0x9c: {  	s7 =	simm.s32 $_size__tile_overlayer_lowered;
	s8 =	simm.s32 $_tile_overlayer_lowered  }
0x9d: {  	s22 =	simm.s32 $0x1BFF;
	s21 =	sshll.u32 s8, $0x1;
	s5 =	sadd.s32 s6, s19  }
0x9e: {  	s9 =	simm.s32 $0x0;
	s20 =	sshll.u32 s7, $0x1;
	s7 =	sadd.s32 s21, s5  }
0x9f: {  	[timem:s9], [sflag:s22] =	dma.local [hbm:s7], s20  }
0xa0: {  	_ =	swait.ge [sflag:s22], s20  }
0xa1: {  	s6 =	ssub.s32 $0x0, s20;
	[sflag:s22] =	ssyncset.done $0x0  }
0xa2: {  	[sflag:s22] =	ssyncadd.s32 s6;
	_ =	sdelay $0x1  }
0xa3: {  	s23 =	simm.s32 $0x1B8B  }
0xa4: {  	_ =	swait.ge [sflag:s23], $0x1  }
0xa5: {  	[sflag:s23] =	ssyncset.done $0x0  }
0xa6: {  	s25 =	simm.s32 $0x1B8E;
	s24 =	sld [smem:$0x3FFE];
	[sflag:s23] =	ssyncadd.s32 $0xFFFFFFFF  }
0xa7: {  	s26 =	simm.s32 $execute0_lowered;
	[smem:$0x3FD2] =	sst s25  }
0xa8: {  	s7 =	sshll.u32 s26, $0x1;
	_ =	strace $0x80000046;
	[dreg:$0x1] =	wrdreg $0xFFFFFFFF  }
0xa9: {  	s28 =	simm.s32 $_size_execute0_lowered;
	s5 =	sadd.s32 s5, s7;
	[dreg:$0x0] =	wrdreg $0x0  }
0xaa: {  	s7 =	sshll.u32 s28, $0x1;
	[dreg:$0x2] =	wrdreg s5  }
0xab: {  	[dreg:$0x3] =	wrdreg s7  }
0xac: {  	[dreg:$0x4] =	wrdreg $0xC0  }
0xad: {  	_ =	task [dreg:s9], $0x5FFFF  }
0xae: {  	[dreg:$0x1] =	wrdreg $0xFFFFFFFF  }
0xaf: {  	[dreg:$0x0] =	wrdreg $0x60  }
0xb0: {  	[dreg:$0x2] =	wrdreg s24  }
0xb1: {  	[dreg:$0x3] =	wrdreg s2  }
0xb2: {  	[dreg:$0x4] =	wrdreg s18  }
0xb3: {  	[dreg:$0x5] =	wrdreg s4  }
0xb4: {  	[dreg:$0x6] =	wrdreg $0x1E7000  }
0xb5: {  	[dreg:$0x7] =	wrdreg $0x9  }
0xb6: {  	_ =	task.clear_ibuf [dreg:s9], $0x8FFFF;
	_ =	strace $0x90000046  }
0xb7: {  	s29 =	simm.s32 $0x9;
	_ =	strace $0x80000048  }
0xb8: {  	_ =	swait.ge [sflag:s29], $0x1  }
0xb9: {  	[sflag:s29] =	ssyncadd.s32 $0xFFFFFFFF  }
0xba: {  	_ =	strace $0x90000048  }
0xbb: {  	_ =	sfence  }
0xbc: {  	s30 =	sld [smem:$0x0];
	_ =	sdelay $0x2  }
0xbd: {  	s31 =	sshll.u32 s1, $0xD;
	s1 =	sshrl.u32 s1, $0x2  }
0xbe: {  	s3 =	sand.u32 $0x4000, s31;
	s1 =	sadd.s32 s1, s30  }
0xbf: {  	s0 =	sor.u32 s3, s0;
	s1 =	sshll.u32 s1, $0x11  }
0xc0: {  	s0 =	sor.u32 s1, s0  }
0xc1: {  	s0 =	sadd.s32 $0x8F2B, s0  }
0xc2: {  	[sflag:s0] =	ssyncadd.remote.s32 $0x1  }
0xc3: {  	_ =	sfence.sel $0xFFFF  }
0xc4: {  	[dreg:$0x0] =	wrdreg $0xFFFFFFFF;
	(pc) =	sbr.abs _section_cstart, $3  }
0xc5: {  	[dreg:$0x1] =	wrdreg $0xFFFFFFFF  }
0xc6: {  	_ =	task.clear_ibuf [dreg:s9], $0x2FFFF;
	_ =	strace $0x9FFFFFFF  }
0xc7: {  	(tm) =	ssettm $0x7FFFFFFF  }
tec
execute0_lowered:
.L_overlay_start_1:
0x0: {  	(tag) =	ssettag $0x1  }
0x1: {  	s2 =	rddreg [dreg:$0x0]  }
0x2: {  	s0 =	rddreg [dreg:$0x1]  }
0x3: {  	s4 =	rddreg [dreg:$0x2];
	s1 =	simm.s32 $0x0;
	s10 =	stileid.u32  }
0x4: {  	s5 =	srdreg.scid;
	[smem:$0x7FF] =	sst s1;
	s3 =	sshrl.u32 s10, $0x1  }
0x5: {  	s5 =	sand.u32 $0x1, s5;
	s6 =	sshll.u32 s10, $0x9;
	s7 =	smul.u32 $0xC3800, s3  }
0x6: {  	s8 =	ssub.s32 $0x2, s5;
	s5 =	sshll.u32 s5, $0x8;
	s9 =	sand.u32 $0x200, s6  }
0x7: {  	s6 =	smul.u32 $0x600, s10;
	s10 =	sadd.s32 $0x11000, s2;
	s20 =	sshll.u32 s3, $0xA  }
0x8: {  	s16 =	sor.u32 s5, s9;
	s22 =	sshrl.u32 s8, $0x1;
	s9 =	sadd.s32 $0xC2000, s7  }
0x9: {  	s5 =	ssub.s32 s8, s22;
	s23 =	sshrl.u32 s6, $0x3;
	s25 =	sadd.s32 $0xC2400, s7  }
0xa: {  	s28 =	sadd.s32 $0xC2800, s7;
	s12 =	sadd.s32 $0xC2C00, s7;
	s18 =	sadd.s32 $0xC3000, s7  }
0xb: {  	s21 =	sor.u32 $0x80, s16;
	s7 =	sor.u32 s7, s16;
	s11 =	sor.u32 s9, s16  }
0xc: {  	s0 =	sadd.s32 s0, s23;
	s26 =	sor.u32 s25, s16;
	s13 =	sor.u32 s28, s16  }
0xd: {  	s14 =	sor.u32 s12, s16;
	s19 =	sor.u32 s18, s16;
	s9 =	sor.u32 s9, s21  }
0xe: {  	s23 =	sor.u32 s28, s21;
	s5 =	smax.u32 s5, $0x1;
	s11 =	sshrl.u32 s11, $0x3  }
0xf: {  	[dreg:$0x7] =	wrdreg s0;
	s8 =	sshrl.u32 s26, $0x3;
	s13 =	sshrl.u32 s13, $0x3  }
0x10: {  	s15 =	sshrl.u32 s14, $0x3;
	s9 =	sshrl.u32 s9, $0x3;
	s0 =	sor.u32 s25, s21  }
0x11: {  	s25 =	sshrl.u32 s23, $0x3;
	s14 =	sshrl.u32 s7, $0x3;
	s24 =	sadd.s32 s4, s11  }
0x12: {  	s8 =	sadd.s32 s4, s8;
	s17 =	sadd.s32 s4, s15;
	s15 =	sor.u32 s20, s16  }
0x13: {  	s9 =	sadd.s32 s4, s9;
	s0 =	sshrl.u32 s0, $0x3;
	[dreg:$0x8] =	wrdreg s24  }
0x14: {  	s11 =	sor.u32 s20, s21;
	s20 =	sadd.s32 s14, s4;
	[dreg:$0x9] =	wrdreg s8  }
0x15: {  	s14 =	sadd.s32 $0x1880, s7;
	s8 =	sadd.s32 s4, s13;
	[dreg:$0xb] =	wrdreg s17  }
0x16: {  	s13 =	sshrl.u32 s19, $0x3;
	s22 =	sshrl.u32 s15, $0x3;
	[dreg:$0xf] =	wrdreg s9  }
0x17: {  	s24 =	sor.u32 s12, s21;
	s0 =	sadd.s32 s4, s0;
	s9 =	sor.u32 s18, s21  }
0x18: {  	s12 =	sshrl.u32 s11, $0x3;
	s17 =	sadd.s32 $0x1800, s7;
	s18 =	sadd.s32 $0x1400, s7  }
0x19: {  	s19 =	sadd.s32 $0x1000, s7;
	[dreg:$0xa] =	wrdreg s8;
	s13 =	sadd.s32 s4, s13  }
0x1a: {  	[dreg:$0x10] =	wrdreg s0;
	s26 =	sshrl.u32 s24, $0x3;
	s0 =	sadd.s32 s4, s25  }
0x1b: {  	s23 =	sshrl.u32 s19, $0x3;
	s25 =	sadd.s32 $0xC00, s7;
	[dreg:$0xd] =	wrdreg s13  }
0x1c: {  	s19 =	sshrl.u32 s14, $0x3;
	s13 =	sadd.s32 s10, s22;
	[dreg:$0x11] =	wrdreg s0  }
0x1d: {  	s28 =	sadd.s32 s4, s26;
	s0 =	sshrl.u32 s9, $0x3;
	s22 =	sshrl.u32 s18, $0x3  }
0x1e: {  	s24 =	sadd.s32 s23, s4;
	s26 =	sadd.s32 $0x800, s7;
	[dreg:$0xe] =	wrdreg s13  }
0x1f: {  	s23 =	sadd.s32 $0x1480, s7;
	[dreg:$0x12] =	wrdreg s28;
	s0 =	sadd.s32 s4, s0  }
0x20: {  	s13 =	sadd.s32 $0x1C00, s7;
	s18 =	sadd.s32 s22, s4;
	[dreg:$0x19] =	wrdreg s24  }
0x21: {  	s28 =	sor.u32 $0x400, s7;
	s22 =	sadd.s32 s19, s4;
	s24 =	sadd.s32 $0x1080, s7  }
0x22: {  	s19 =	sadd.s32 $0x800, s2;
	[dreg:$0x13] =	wrdreg s0;
	s0 =	sadd.s32 s10, s12  }
0x23: {  	s8 =	sshrl.u32 s13, $0x3;
	s10 =	sshrl.u32 s28, $0x3;
	s12 =	sor.u32 $0x80, s7  }
0x24: {  	s13 =	sadd.s32 $0x1C80, s7;
	[dreg:$0x1f] =	wrdreg s22;
	s28 =	sadd.s32 $0xC80, s7  }
0x25: {  	[dreg:$0x14] =	wrdreg s0;
	s15 =	sadd.s32 s8, s4;
	s0 =	sshrl.u32 s17, $0x3  }
0x26: {  	s8 =	sshrl.u32 s26, $0x3;
	s11 =	sadd.s32 s10, s4;
	[dreg:$0x16] =	wrdreg s15  }
0x27: {  	s17 =	sadd.s32 s0, s4;
	s0 =	sshrl.u32 s25, $0x3;
	[dreg:$0x1c] =	wrdreg s11  }
0x28: {  	s15 =	sshrl.u32 s13, $0x3;
	s13 =	sadd.s32 $0x880, s7;
	s0 =	sadd.s32 s0, s4  }
0x29: {  	s14 =	sshrl.u32 s13, $0x3;
	[dreg:$0x1a] =	wrdreg s0;
	s0 =	sadd.s32 s8, s4  }
0x2a: {  	s11 =	sshrl.u32 s28, $0x3;
	s8 =	sadd.s32 s14, s4;
	[dreg:$0x1b] =	wrdreg s0  }
0x2b: {  	s0 =	sshrl.u32 s12, $0x3;
	s12 =	sadd.s32 s11, s4;
	[smem:$0x79E] =	sst s8  }
0x2c: {  	s25 =	sadd.s32 s0, s4;
	s0 =	sshrl.u32 s23, $0x3;
	[smem:$0x79D] =	sst s12  }
0x2d: {  	s10 =	sshrl.u32 s24, $0x3;
	s12 =	rddreg [dreg:$0x4];
	s0 =	sadd.s32 s0, s4  }
0x2e: {  	s7 =	sor.u32 $0x480, s7;
	[smem:$0x79B] =	sst s0;
	s0 =	sadd.s32 s10, s4  }
0x2f: {  	s26 =	sadd.s32 s15, s4;
	s7 =	sshrl.u32 s7, $0x3;
	[smem:$0x79C] =	sst s0  }
0x30: {  	s15 =	smul.u32 $0x30000, s3;
	s4 =	sadd.s32 s7, s4;
	s0 =	rddreg [dreg:$0x3]  }
0x31: {  	s22 =	sadd.s32 s6, s12;
	s7 =	sadd.s32 $0x1000, s2;
	[smem:$0x79F] =	sst s4  }
0x32: {  	s2 =	sor.u32 s16, s15;
	_ =	strace $0x80000047;
	[smem:$0x7A0] =	sst s19  }
0x33: {  	s10 =	sshll.u32 s3, $0x10;
	s4 =	sor.u32 s21, s15;
	[smem:$0x7A1] =	sst s22  }
0x34: {  	s24 =	sadd.s32 $0x10C00, s2;
	s6 =	sadd.s32 $0x10400, s2;
	[dreg:$0x6] =	wrdreg s16  }
0x35: {  	s8 =	sadd.s32 $0x10000, s2;
	s13 =	sadd.s32 $0x18C00, s2;
	[smem:$0x7A2] =	sst s5  }
0x36: {  	s14 =	sadd.s32 $0x18800, s2;
	s15 =	sadd.s32 $0x18400, s2;
	[dreg:$0xc] =	wrdreg s21  }
0x37: {  	s23 =	sshrl.u32 s4, $0x3;
	s4 =	sshrl.u32 s24, $0x3;
	[dreg:$0x15] =	wrdreg s20  }
0x38: {  	s5 =	sadd.s32 $0x10800, s2;
	s11 =	sshrl.u32 s8, $0x3;
	[dreg:$0x17] =	wrdreg s17  }
0x39: {  	s19 =	sshrl.u32 s15, $0x3;
	s22 =	sadd.s32 $0x18000, s2;
	[dreg:$0x18] =	wrdreg s18  }
0x3a: {  	s24 =	sadd.s32 $0x20800, s2;
	s8 =	sadd.s32 $0x20000, s2;
	[dreg:$0x1d] =	wrdreg s25  }
0x3b: {  	s15 =	sadd.s32 $0x28400, s2;
	[dreg:$0x1e] =	wrdreg s26;
	s28 =	sadd.s32 s0, s23  }
0x3c: {  	s3 =	sadd.s32 s4, s0;
	s4 =	sshrl.u32 s6, $0x3;
	s23 =	sadd.s32 $0x20C00, s2  }
0x3d: {  	s6 =	sadd.s32 $0x20400, s2;
	[smem:$0x7A3] =	sst s3;
	s3 =	sshrl.u32 s5, $0x3  }
0x3e: {  	s9 =	sadd.s32 s4, s0;
	s4 =	sshrl.u32 s14, $0x3;
	s5 =	sshrl.u32 s24, $0x3  }
0x3f: {  	s14 =	sadd.s32 $0x28800, s2;
	s24 =	sadd.s32 $0x10C80, s2;
	[smem:$0x7F8] =	sst s28  }
0x40: {  	s3 =	sadd.s32 s3, s0;
	[smem:$0x7A5] =	sst s9;
	s16 =	sadd.s32 s4, s0  }
0x41: {  	s4 =	sshrl.u32 s23, $0x3;
	s9 =	sadd.s32 $0x28C00, s2;
	[smem:$0x7A4] =	sst s3  }
0x42: {  	s23 =	sor.u32 $0x80, s2;
	s3 =	sadd.s32 s11, s0;
	[smem:$0x7A8] =	sst s16  }
0x43: {  	s4 =	sadd.s32 s4, s0;
	s16 =	sadd.s32 $0x28000, s2;
	[smem:$0x7A6] =	sst s3  }
0x44: {  	s3 =	sshrl.u32 s13, $0x3;
	[smem:$0x7AB] =	sst s4;
	s4 =	sshrl.u32 s8, $0x3  }
0x45: {  	s13 =	sshrl.u32 s9, $0x3;
	s8 =	sadd.s32 $0x10480, s2;
	s3 =	sadd.s32 s3, s0  }
0x46: {  	s11 =	sadd.s32 s4, s0;
	s4 =	sshrl.u32 s15, $0x3;
	[smem:$0x7A7] =	sst s3  }
0x47: {  	s9 =	sshrl.u32 s8, $0x3;
	s3 =	sadd.s32 s19, s0;
	[smem:$0x7AE] =	sst s11  }
0x48: {  	s19 =	sadd.s32 s4, s0;
	s4 =	sshrl.u32 s24, $0x3;
	[smem:$0x7A9] =	sst s3  }
0x49: {  	s11 =	sadd.s32 $0x10080, s2;
	s3 =	sshrl.u32 s22, $0x3;
	[smem:$0x7B1] =	sst s19  }
0x4a: {  	s22 =	sshrl.u32 s16, $0x3;
	s16 =	sadd.s32 $0x18880, s2;
	s3 =	sadd.s32 s3, s0  }
0x4b: {  	[smem:$0x7AA] =	sst s3;
	s3 =	sadd.s32 s5, s0;
	s5 =	sadd.s32 $0x10880, s2  }
0x4c: {  	[smem:$0x7AC] =	sst s3;
	s3 =	sshrl.u32 s6, $0x3;
	s6 =	sshrl.u32 s5, $0x3  }
0x4d: {  	s5 =	sshrl.u32 s16, $0x3;
	s16 =	sadd.s32 $0x20480, s2;
	s3 =	sadd.s32 s3, s0  }
0x4e: {  	s29 =	sadd.s32 s5, s0;
	[smem:$0x7AD] =	sst s3;
	s3 =	sadd.s32 s13, s0  }
0x4f: {  	s13 =	sshrl.u32 s11, $0x3;
	[smem:$0x7AF] =	sst s3;
	s3 =	sshrl.u32 s14, $0x3  }
0x50: {  	s14 =	sadd.s32 $0x18C80, s2;
	s24 =	sadd.s32 s13, s0;
	s13 =	sadd.s32 $0x20C80, s2  }
0x51: {  	s3 =	sadd.s32 s3, s0;
	s15 =	sshrl.u32 s14, $0x3;
	[smem:$0x7FC] =	sst s24  }
0x52: {  	s14 =	sshrl.u32 s13, $0x3;
	[smem:$0x7B0] =	sst s3;
	s3 =	sadd.s32 s22, s0  }
0x53: {  	s22 =	sadd.s32 s6, s0;
	s19 =	sadd.s32 s15, s0;
	s6 =	sadd.s32 $0x18480, s2  }
0x54: {  	s15 =	sadd.s32 $0x20880, s2;
	[smem:$0x7B2] =	sst s3;
	s3 =	sshrl.u32 s23, $0x3  }
0x55: {  	s23 =	sadd.s32 s9, s0;
	s8 =	sshrl.u32 s6, $0x3;
	[smem:$0x7FA] =	sst s22  }
0x56: {  	s9 =	sadd.s32 $0x18080, s2;
	s6 =	sshrl.u32 s16, $0x3;
	[smem:$0x7FD] =	sst s19  }
0x57: {  	s16 =	sadd.s32 $0x28880, s2;
	[smem:$0x7B3] =	sst s3;
	s3 =	sadd.s32 s4, s0  }
0x58: {  	s30 =	sadd.s32 s8, s0;
	s11 =	sshrl.u32 s9, $0x3;
	s4 =	sshrl.u32 s15, $0x3  }
0x59: {  	s8 =	sadd.s32 $0x20080, s2;
	s13 =	sadd.s32 s6, s0;
	[smem:$0x7FB] =	sst s23  }
0x5a: {  	[smem:$0x7B4] =	sst s3;
	s31 =	sadd.s32 s11, s0;
	s3 =	sadd.s32 s14, s0  }
0x5b: {  	s5 =	sadd.s32 s4, s0;
	s9 =	sshrl.u32 s8, $0x3;
	s11 =	sadd.s32 $0x28C80, s2  }
0x5c: {  	s8 =	sshrl.u32 s16, $0x3;
	s16 =	sshrl.u32 s2, $0x3;
	s4 =	sadd.s32 $0x1000, s12  }
0x5d: {  	s14 =	sadd.s32 s9, s0;
	s15 =	sshrl.u32 s11, $0x3;
	s9 =	sadd.s32 $0x28480, s2  }
0x5e: {  	s6 =	sadd.s32 s8, s0;
	[smem:$0x7B5] =	sst s4;
	s8 =	sadd.s32 $0x2000, s12  }
0x5f: {  	s2 =	sadd.s32 $0x28080, s2;
	s4 =	sadd.s32 $0x3000, s12;
	[smem:$0x7B6] =	sst s8  }
0x60: {  	s11 =	sshrl.u32 s9, $0x3;
	[smem:$0x7B7] =	sst s4;
	s8 =	sadd.s32 $0x4000, s12  }
0x61: {  	s2 =	sshrl.u32 s2, $0x3;
	s12 =	sadd.s32 $0x5000, s12;
	[smem:$0x7B8] =	sst s8  }
0x62: {  	s4 =	sadd.s32 $0x80, s28;
	s9 =	sadd.s32 s11, s0;
	[smem:$0x7B9] =	sst s12  }
0x63: {  	s11 =	sadd.s32 s2, s0;
	s2 =	sadd.s32 s0, s16;
	[smem:$0x7DA] =	sst s4  }
0x64: {  	s4 =	sadd.s32 $0x200, s28;
	[smem:$0x7D8] =	sst s2  }
0x65: {  	s8 =	sadd.s32 $0x80, s2;
	[smem:$0x7DD] =	sst s4  }
0x66: {  	s12 =	sadd.s32 $0x100, s2;
	[smem:$0x7BA] =	sst s8  }
0x67: {  	s4 =	sadd.s32 $0x380, s28;
	[smem:$0x7BB] =	sst s12  }
0x68: {  	s8 =	sadd.s32 $0x180, s2;
	[smem:$0x7E0] =	sst s4  }
0x69: {  	s12 =	sadd.s32 $0x200, s2;
	[smem:$0x7BC] =	sst s8  }
0x6a: {  	s4 =	sadd.s32 $0x500, s28;
	[smem:$0x7BD] =	sst s12  }
0x6b: {  	s8 =	sadd.s32 $0x280, s2;
	[smem:$0x7E3] =	sst s4  }
0x6c: {  	s12 =	sadd.s32 $0x300, s2;
	[smem:$0x7BE] =	sst s8  }
0x6d: {  	s4 =	sadd.s32 $0x680, s28;
	[smem:$0x7BF] =	sst s12  }
0x6e: {  	s8 =	sadd.s32 $0x380, s2;
	[smem:$0x7E6] =	sst s4  }
0x6f: {  	s12 =	sadd.s32 $0x400, s2;
	[smem:$0x7C0] =	sst s8  }
0x70: {  	s4 =	sadd.s32 $0x800, s28;
	[smem:$0x7C1] =	sst s12  }
0x71: {  	s8 =	sadd.s32 $0x480, s2;
	[smem:$0x7E9] =	sst s4  }
0x72: {  	s12 =	sadd.s32 $0x500, s2;
	[smem:$0x7C2] =	sst s8  }
0x73: {  	s4 =	sadd.s32 $0x980, s28;
	[smem:$0x7C3] =	sst s12  }
0x74: {  	s8 =	sadd.s32 $0x580, s2;
	[smem:$0x7EC] =	sst s4  }
0x75: {  	s12 =	sadd.s32 $0x600, s2;
	[smem:$0x7C4] =	sst s8  }
0x76: {  	s4 =	sadd.s32 $0xB00, s28;
	[smem:$0x7C5] =	sst s12  }
0x77: {  	s8 =	sadd.s32 $0x680, s2;
	[smem:$0x7EF] =	sst s4  }
0x78: {  	s12 =	sadd.s32 $0x700, s2;
	[smem:$0x7C6] =	sst s8  }
0x79: {  	s4 =	sadd.s32 $0xC80, s28;
	[smem:$0x7C7] =	sst s12  }
0x7a: {  	s8 =	sadd.s32 $0x780, s2;
	[smem:$0x7F2] =	sst s4  }
0x7b: {  	s12 =	sadd.s32 $0x800, s2;
	[smem:$0x7C8] =	sst s8  }
0x7c: {  	s4 =	sadd.s32 $0xE00, s28;
	[smem:$0x7C9] =	sst s12  }
0x7d: {  	s8 =	sadd.s32 $0x880, s2;
	[smem:$0x7F5] =	sst s4  }
0x7e: {  	s12 =	sadd.s32 $0x900, s2;
	[smem:$0x7CA] =	sst s8  }
0x7f: {  	[smem:$0x7CB] =	sst s12;
	s8 =	sadd.s32 $0x980, s2  }
0x80: {  	s12 =	sadd.s32 $0xA00, s2;
	[smem:$0x7CC] =	sst s8  }
0x81: {  	[smem:$0x7CD] =	sst s12;
	s8 =	sadd.s32 $0xA80, s2  }
0x82: {  	s12 =	sadd.s32 $0xB00, s2;
	[smem:$0x7CE] =	sst s8  }
0x83: {  	[smem:$0x7CF] =	sst s12;
	s8 =	sadd.s32 $0xB80, s2  }
0x84: {  	s12 =	sadd.s32 $0xC00, s2;
	[smem:$0x7D0] =	sst s8  }
0x85: {  	[smem:$0x7D1] =	sst s12;
	s8 =	sadd.s32 $0xC80, s2  }
0x86: {  	s12 =	sadd.s32 $0xD00, s2;
	[smem:$0x7D2] =	sst s8  }
0x87: {  	[smem:$0x7D3] =	sst s12;
	s8 =	sadd.s32 $0xD80, s2  }
0x88: {  	s12 =	sadd.s32 $0xE00, s2;
	[smem:$0x7D4] =	sst s8  }
0x89: {  	[smem:$0x7D5] =	sst s12;
	s8 =	sadd.s32 $0xE80, s2  }
0x8a: {  	s12 =	sadd.s32 $0xF00, s2;
	[smem:$0x7D6] =	sst s8  }
0x8b: {  	s2 =	sadd.s32 $0xF80, s2;
	[smem:$0x7D7] =	sst s12  }
0x8c: {  	[smem:$0x7D9] =	sst s2;
	s8 =	sadd.s32 $0x100, s28  }
0x8d: {  	s12 =	sadd.s32 $0x180, s28;
	[smem:$0x7DB] =	sst s8  }
0x8e: {  	[smem:$0x7DC] =	sst s12;
	s8 =	sadd.s32 $0x280, s28  }
0x8f: {  	s12 =	sadd.s32 $0x300, s28;
	[smem:$0x7DE] =	sst s8  }
0x90: {  	[smem:$0x7DF] =	sst s12;
	s8 =	sadd.s32 $0x400, s28  }
0x91: {  	s12 =	sadd.s32 $0x480, s28;
	[smem:$0x7E1] =	sst s8  }
0x92: {  	[smem:$0x7E2] =	sst s12;
	s8 =	sadd.s32 $0x580, s28  }
0x93: {  	s12 =	sadd.s32 $0x600, s28;
	[smem:$0x7E4] =	sst s8  }
0x94: {  	[smem:$0x7E5] =	sst s12;
	s8 =	sadd.s32 $0x700, s28  }
0x95: {  	s12 =	sadd.s32 $0x780, s28;
	[smem:$0x7E7] =	sst s8  }
0x96: {  	[smem:$0x7E8] =	sst s12;
	s8 =	sadd.s32 $0x880, s28  }
0x97: {  	s12 =	sadd.s32 $0x900, s28;
	[smem:$0x7EA] =	sst s8  }
0x98: {  	[smem:$0x7EB] =	sst s12;
	s8 =	sadd.s32 $0xA00, s28  }
0x99: {  	s12 =	sadd.s32 $0xA80, s28;
	[smem:$0x7ED] =	sst s8  }
0x9a: {  	[smem:$0x7EE] =	sst s12;
	s8 =	sadd.s32 $0xB80, s28  }
0x9b: {  	s12 =	sadd.s32 $0xC00, s28;
	[smem:$0x7F0] =	sst s8  }
0x9c: {  	[smem:$0x7F1] =	sst s12;
	s8 =	sadd.s32 $0xD00, s28  }
0x9d: {  	s12 =	sadd.s32 $0xD80, s28;
	[smem:$0x7F3] =	sst s8  }
0x9e: {  	[smem:$0x7F4] =	sst s12;
	s8 =	sadd.s32 $0xE80, s28  }
0x9f: {  	s12 =	sadd.s32 $0xF00, s28;
	[smem:$0x7F6] =	sst s8  }
0xa0: {  	s15 =	sadd.s32 s15, s0;
	s28 =	sadd.s32 $0xF80, s28;
	[smem:$0x7F7] =	sst s12  }
0xa1: {  	[smem:$0x7F9] =	sst s28;
	s8 =	simm.s32 $0x4;
	s12 =	simm.s32 $0x0  }
.LBB2_1:
0xa2: {  	s2 =	sld [smem:$0x7A0];
	_ =	sdelay $0x1  }
0xa3: {  	[smem:$0x79A] =	sst s12  }
0xa4: {  	[tilespmem:s1], [sflag:$0x4] =	stream.linear.gather [hbm4b:s2+s1], $0x4000, $0x38;
	[tilespmem:$0x1ED00] =	vst v63  }
0xa5: {  	_ =	swait.ge [sflag:s8], $0x4000  }
0xa6: {  	[sflag:s8] =	ssyncset.done $0x0  }
0xa7: {  	s4 =	simm.s32 $0x1A700;
	s28 =	rddreg [dreg:$0x7];
	[sflag:s8] =	ssyncadd.s32 $0xFFFFC000  }
0xa8: {  	[tilespmem:s4], [sflag:$0x4] =	stream.linear.gather [hbm4b:s28+s1], $0x600, $0x38;
	[tilespmem:$0x1ED00] =	vst v63  }
0xa9: {  	_ =	swait.ge [sflag:s8], $0x600  }
0xaa: {  	[sflag:s8] =	ssyncset.done $0x0  }
0xab: {  	s4 =	simm.s32 $0x0;
	[sflag:s8] =	ssyncadd.s32 $0xFFFFFA00  }
0xac: {  	v0 =	vld [tilespmem:s4+$0x1A700];
	_ =	sdelay $0x4  }
0xad: {  	v1 =	vshra.s32 v0, $0x1F  }
0xae: {  	v1 =	vshrl.u32 v1, $0x12  }
0xaf: {  	v1 =	vadd.s32 v1, v0  }
0xb0: {  	v2 =	vld [tilespmem:s4+$0x1A710];
	v1 =	vand.u32 $0xFFFFC000, v1  }
0xb1: {  	v1 =	vsub.s32 v0, v1;
	_ =	sdelay $0x3  }
0xb2: {  	v3 =	vshra.s32 v2, $0x1F  }
0xb3: {  	v3 =	vshrl.u32 v3, $0x12;
	v1 =	vld.idx.msk [tilespmem:v1+s1+$0x0], $0xffff  }
0xb4: {  	v4 =	vld [tilespmem:s4+$0x1A720];
	v3 =	vadd.s32 v3, v2  }
0xb5: {  	v3 =	vand.u32 $0xFFFFC000, v3  }
0xb6: {  	v3 =	vsub.s32 v2, v3  }
0xb7: {  	vm0 =	vlt.s32 v0, $0x4000;
	v0 =	vadd.s32 $0x14700, v0  }
0xb8: {  	v0 =	vsel vm0, v1, v0  }
0xb9: {  	[tilespmem:s4+$0x1B700] =	vst v0;
	v0 =	vshra.s32 v4, $0x1F  }
0xba: {  	v0 =	vshrl.u32 v0, $0x12  }
0xbb: {  	v1 =	vld.idx.msk [tilespmem:v3+s1+$0x0], $0xffff;
	v0 =	vadd.s32 v0, v4  }
0xbc: {  	v3 =	vld [tilespmem:s4+$0x1A730];
	v0 =	vand.u32 $0xFFFFC000, v0  }
0xbd: {  	v0 =	vsub.s32 v4, v0;
	_ =	sdelay $0x1  }
0xbe: {  	vm11 =	vlt.s32 v2, $0x4000;
	v2 =	vadd.s32 $0x14700, v2  }
0xbf: {  	v1 =	vsel vm11, v1, v2  }
0xc0: {  	v2 =	vshra.s32 v3, $0x1F;
	[tilespmem:s4+$0x1B710] =	vst v1  }
0xc1: {  	v1 =	vshrl.u32 v2, $0x12;
	v0 =	vld.idx.msk [tilespmem:v0+s1+$0x0], $0xffff  }
0xc2: {  	v2 =	vld [tilespmem:s4+$0x1A740];
	v1 =	vadd.s32 v1, v3  }
0xc3: {  	v1 =	vand.u32 $0xFFFFC000, v1  }
0xc4: {  	v1 =	vsub.s32 v3, v1  }
0xc5: {  	vm12 =	vlt.s32 v4, $0x4000;
	v4 =	vadd.s32 $0x14700, v4  }
0xc6: {  	v0 =	vsel vm12, v0, v4  }
0xc7: {  	[tilespmem:s4+$0x1B720] =	vst v0;
	v0 =	vshra.s32 v2, $0x1F  }
0xc8: {  	v4 =	vld [tilespmem:s4+$0x1A750];
	v0 =	vshrl.u32 v0, $0x12  }
0xc9: {  	v1 =	vld.idx.msk [tilespmem:v1+s1+$0x0], $0xffff;
	v0 =	vadd.s32 v0, v2  }
0xca: {  	v0 =	vand.u32 $0xFFFFC000, v0  }
0xcb: {  	v0 =	vsub.s32 v2, v0;
	_ =	sdelay $0x1  }
0xcc: {  	vm13 =	vlt.s32 v3, $0x4000;
	v3 =	vadd.s32 $0x14700, v3  }
0xcd: {  	v1 =	vsel vm13, v1, v3;
	v3 =	vshra.s32 v4, $0x1F  }
0xce: {  	[tilespmem:s4+$0x1B730] =	vst v1;
	v1 =	vshrl.u32 v3, $0x12  }
0xcf: {  	v1 =	vadd.s32 v1, v4;
	v0 =	vld.idx.msk [tilespmem:v0+s1+$0x0], $0xffff  }
0xd0: {  	v3 =	vand.u32 $0xFFFFC000, v1;
	v1 =	vld [tilespmem:s4+$0x1A760]  }
0xd1: {  	v3 =	vsub.s32 v4, v3;
	_ =	sdelay $0x1  }
0xd2: {  	vm14 =	vlt.s32 v2, $0x4000;
	v2 =	vadd.s32 $0x14700, v2  }
0xd3: {  	v0 =	vsel vm14, v0, v2  }
0xd4: {  	[tilespmem:s4+$0x1B740] =	vst v0;
	v0 =	vshra.s32 v1, $0x1F  }
0xd5: {  	v2 =	vld.idx.msk [tilespmem:v3+s1+$0x0], $0xffff;
	v0 =	vshrl.u32 v0, $0x12  }
0xd6: {  	v3 =	vadd.s32 v0, v1;
	v0 =	vld [tilespmem:s4+$0x1A770]  }
0xd7: {  	v3 =	vand.u32 $0xFFFFC000, v3  }
0xd8: {  	v3 =	vsub.s32 v1, v3;
	_ =	sdelay $0x1  }
0xd9: {  	vm15 =	vlt.s32 v4, $0x4000;
	v4 =	vadd.s32 $0x14700, v4  }
0xda: {  	v2 =	vsel vm15, v2, v4;
	v4 =	vshra.s32 v0, $0x1F  }
0xdb: {  	[tilespmem:s4+$0x1B750] =	vst v2;
	v4 =	vshrl.u32 v4, $0x12  }
0xdc: {  	s12 =	simm.s32 $0x400;
	s2 =	simm.s32 $0x80;
	v2 =	vld.idx.msk [tilespmem:v3+s1+$0x0], $0xffff;
	v3 =	vadd.s32 v4, v0  }
.LBB2_2:
0xdd: {  	p0 =	sne.s32 s12, $0x1600;
	v4 =	vld [tilespmem:s2+$0x1A700];
	v3 =	vand.u32 $0xFFFFC000, v3  }
0xde: {  	v3 =	vsub.s32 v0, v3;
	_ =	sdelay $0x1  }
0xdf: {  	vm0 =	vlt.s32 v1, $0x4000;
	v1 =	vadd.s32 $0x14700, v1  }
0xe0: {  	v1 =	vsel vm0, v2, v1  }
0xe1: {  	v2 =	vshra.s32 v4, $0x1F;
	[tilespmem:s4+$0x1B760] =	vst v1  }
0xe2: {  	v1 =	vshrl.u32 v2, $0x12;
	v2 =	vld.idx.msk [tilespmem:v3+s1+$0x0], $0xffff  }
0xe3: {  	v1 =	vadd.s32 v1, v4  }
0xe4: {  	v1 =	vand.u32 $0xFFFFC000, v1;
	v3 =	vld [tilespmem:s2+$0x1A710]  }
0xe5: {  	v1 =	vsub.s32 v4, v1;
	_ =	sdelay $0x1  }
0xe6: {  	vm0 =	vlt.s32 v0, $0x4000;
	v0 =	vadd.s32 $0x14700, v0  }
0xe7: {  	v0 =	vsel vm0, v2, v0  }
0xe8: {  	v2 =	vshra.s32 v3, $0x1F;
	[tilespmem:s4+$0x1B770] =	vst v0;
	s4 =	smov.u32 s2  }
0xe9: {  	v0 =	vld.idx.msk [tilespmem:v1+s1+$0x0], $0xffff;
	v1 =	vshrl.u32 v2, $0x12  }
0xea: {  	v1 =	vadd.s32 v1, v3  }
0xeb: {  	v1 =	vand.u32 $0xFFFFC000, v1;
	v2 =	vld [tilespmem:s4+$0x1A720]  }
0xec: {  	v1 =	vsub.s32 v3, v1;
	_ =	sdelay $0x1  }
0xed: {  	vm0 =	vlt.s32 v4, $0x4000;
	v4 =	vadd.s32 $0x14700, v4  }
0xee: {  	v0 =	vsel vm0, v0, v4  }
0xef: {  	[tilespmem:s4+$0x1B700] =	vst v0;
	v0 =	vshra.s32 v2, $0x1F  }
0xf0: {  	v1 =	vld.idx.msk [tilespmem:v1+s1+$0x0], $0xffff;
	v0 =	vshrl.u32 v0, $0x12  }
0xf1: {  	v0 =	vadd.s32 v0, v2  }
0xf2: {  	v0 =	vand.u32 $0xFFFFC000, v0;
	v4 =	vld [tilespmem:s4+$0x1A730]  }
0xf3: {  	v0 =	vsub.s32 v2, v0;
	_ =	sdelay $0x1  }
0xf4: {  	vm0 =	vlt.s32 v3, $0x4000;
	v3 =	vadd.s32 $0x14700, v3  }
0xf5: {  	v1 =	vsel vm0, v1, v3  }
0xf6: {  	[tilespmem:s4+$0x1B710] =	vst v1;
	v1 =	vshra.s32 v4, $0x1F  }
0xf7: {  	v0 =	vld.idx.msk [tilespmem:v0+s1+$0x0], $0xffff;
	v1 =	vshrl.u32 v1, $0x12  }
0xf8: {  	v1 =	vadd.s32 v1, v4  }
0xf9: {  	v1 =	vand.u32 $0xFFFFC000, v1;
	v3 =	vld [tilespmem:s4+$0x1A740]  }
0xfa: {  	v1 =	vsub.s32 v4, v1;
	_ =	sdelay $0x1  }
0xfb: {  	vm0 =	vlt.s32 v2, $0x4000;
	v2 =	vadd.s32 $0x14700, v2  }
0xfc: {  	v0 =	vsel vm0, v0, v2  }
0xfd: {  	[tilespmem:s4+$0x1B720] =	vst v0;
	v0 =	vshra.s32 v3, $0x1F  }
0xfe: {  	v1 =	vld.idx.msk [tilespmem:v1+s1+$0x0], $0xffff;
	v0 =	vshrl.u32 v0, $0x12  }
0xff: {  	v0 =	vadd.s32 v0, v3  }
0x100: {  	v0 =	vand.u32 $0xFFFFC000, v0;
	v2 =	vld [tilespmem:s4+$0x1A750]  }
0x101: {  	v0 =	vsub.s32 v3, v0;
	_ =	sdelay $0x1  }
0x102: {  	vm0 =	vlt.s32 v4, $0x4000;
	v4 =	vadd.s32 $0x14700, v4  }
0x103: {  	v1 =	vsel vm0, v1, v4  }
0x104: {  	[tilespmem:s4+$0x1B730] =	vst v1;
	v1 =	vshra.s32 v2, $0x1F  }
0x105: {  	v0 =	vld.idx.msk [tilespmem:v0+s1+$0x0], $0xffff;
	v1 =	vshrl.u32 v1, $0x12  }
0x106: {  	v1 =	vadd.s32 v1, v2  }
0x107: {  	v4 =	vand.u32 $0xFFFFC000, v1;
	v1 =	vld [tilespmem:s4+$0x1A760]  }
0x108: {  	v4 =	vsub.s32 v2, v4;
	_ =	sdelay $0x1  }
0x109: {  	vm0 =	vlt.s32 v3, $0x4000;
	v3 =	vadd.s32 $0x14700, v3  }
0x10a: {  	v0 =	vsel vm0, v0, v3  }
0x10b: {  	[tilespmem:s4+$0x1B740] =	vst v0;
	v0 =	vshra.s32 v1, $0x1F  }
0x10c: {  	v3 =	vld.idx.msk [tilespmem:v4+s1+$0x0], $0xffff;
	v0 =	vshrl.u32 v0, $0x12  }
0x10d: {  	v0 =	vadd.s32 v0, v1  }
0x10e: {  	v4 =	vand.u32 $0xFFFFC000, v0;
	v0 =	vld [tilespmem:s4+$0x1A770]  }
0x10f: {  	v4 =	vsub.s32 v1, v4;
	_ =	sdelay $0x1  }
.Ltmp0:
0x110: {  	vm0 =	vlt.s32 v2, $0x4000;
	v2 =	vadd.s32 $0x14700, v2;
	(pc) =	sbr.rel @p0 .LBB2_2-.Ltmp0, $4  }
0x111: {  	v2 =	vsel vm0, v3, v2  }
0x112: {  	[tilespmem:s4+$0x1B750] =	vst v2;
	v3 =	vshra.s32 v0, $0x1F  }
0x113: {  	v2 =	vld.idx.msk [tilespmem:v4+s1+$0x0], $0xffff;
	v3 =	vshrl.u32 v3, $0x12  }
0x114: {  	s2 =	sshra.s32 s12, $0x2;
	s12 =	sadd.s32 $0x200, s12;
	v3 =	vadd.s32 v3, v0  }
0x115: {  	v4 =	vld [tilespmem:s2+$0x1A700];
	v3 =	vand.u32 $0xFFFFC000, v3  }
0x116: {  	v3 =	vsub.s32 v0, v3;
	_ =	sdelay $0x1  }
0x117: {  	vm0 =	vlt.s32 v1, $0x4000;
	v39 =	vadd.s32 $0x14700, v1  }
0x118: {  	v1 =	vsel vm0, v2, v39  }
0x119: {  	[tilespmem:s4+$0x1B760] =	vst v1;
	v40 =	vshra.s32 v4, $0x1F  }
0x11a: {  	v41 =	vshrl.u32 v40, $0x12;
	v42 =	vld.idx.msk [tilespmem:v3+s1+$0x0], $0xffff  }
0x11b: {  	v43 =	vld [tilespmem:s2+$0x1A710];
	v1 =	vadd.s32 v41, v4  }
0x11c: {  	v1 =	vand.u32 $0xFFFFC000, v1  }
0x11d: {  	v1 =	vsub.s32 v4, v1  }
0x11e: {  	vm7 =	vlt.s32 v0, $0x4000;
	v44 =	vadd.s32 $0x14700, v0  }
0x11f: {  	v0 =	vsel vm7, v42, v44  }
0x120: {  	v45 =	vshra.s32 v43, $0x1F;
	[tilespmem:s4+$0x1B770] =	vst v0  }
0x121: {  	v46 =	vshrl.u32 v45, $0x12;
	v47 =	vld [tilespmem:s2+$0x1A720]  }
0x122: {  	v0 =	vadd.s32 v46, v43;
	v1 =	vld.idx.msk [tilespmem:v1+s1+$0x0], $0xffff  }
0x123: {  	v0 =	vand.u32 $0xFFFFC000, v0  }
0x124: {  	v0 =	vsub.s32 v43, v0;
	_ =	sdelay $0x1  }
0x125: {  	vm8 =	vlt.s32 v4, $0x4000;
	v4 =	vadd.s32 $0x14700, v4  }
0x126: {  	v48 =	vshra.s32 v47, $0x1F;
	v1 =	vsel vm8, v1, v4  }
0x127: {  	v49 =	vld [tilespmem:s2+$0x1A730];
	[tilespmem:s2+$0x1B700] =	vst v1;
	v1 =	vshrl.u32 v48, $0x12  }
0x128: {  	v0 =	vld.idx.msk [tilespmem:v0+s1+$0x0], $0xffff;
	v1 =	vadd.s32 v1, v47  }
0x129: {  	v1 =	vand.u32 $0xFFFFC000, v1  }
0x12a: {  	v1 =	vsub.s32 v47, v1;
	_ =	sdelay $0x1  }
0x12b: {  	vm9 =	vlt.s32 v43, $0x4000;
	v3 =	vadd.s32 $0x14700, v43  }
0x12c: {  	v50 =	vshra.s32 v49, $0x1F;
	v0 =	vsel vm9, v0, v3  }
0x12d: {  	v52 =	vld [tilespmem:s2+$0x1A740];
	v51 =	vshrl.u32 v50, $0x12;
	[tilespmem:s2+$0x1B710] =	vst v0  }
0x12e: {  	v0 =	vadd.s32 v51, v49;
	v1 =	vld.idx.msk [tilespmem:v1+s1+$0x0], $0xffff  }
0x12f: {  	v0 =	vand.u32 $0xFFFFC000, v0  }
0x130: {  	v0 =	vsub.s32 v49, v0;
	_ =	sdelay $0x1  }
0x131: {  	vm10 =	vlt.s32 v47, $0x4000;
	v2 =	vadd.s32 $0x14700, v47  }
0x132: {  	v53 =	vshra.s32 v52, $0x1F;
	v1 =	vsel vm10, v1, v2  }
0x133: {  	v54 =	vld [tilespmem:s2+$0x1A750];
	[tilespmem:s2+$0x1B720] =	vst v1;
	v1 =	vshrl.u32 v53, $0x12  }
0x134: {  	v0 =	vld.idx.msk [tilespmem:v0+s1+$0x0], $0xffff;
	v1 =	vadd.s32 v1, v52  }
0x135: {  	v1 =	vand.u32 $0xFFFFC000, v1  }
0x136: {  	v1 =	vsub.s32 v52, v1;
	_ =	sdelay $0x1  }
0x137: {  	vm11 =	vlt.s32 v49, $0x4000;
	v4 =	vadd.s32 $0x14700, v49  }
0x138: {  	v55 =	vshra.s32 v54, $0x1F;
	v0 =	vsel vm11, v0, v4  }
0x139: {  	v57 =	vld [tilespmem:s2+$0x1A760];
	v56 =	vshrl.u32 v55, $0x12;
	[tilespmem:s2+$0x1B730] =	vst v0  }
0x13a: {  	v0 =	vadd.s32 v56, v54;
	v1 =	vld.idx.msk [tilespmem:v1+s1+$0x0], $0xffff  }
0x13b: {  	v0 =	vand.u32 $0xFFFFC000, v0  }
0x13c: {  	v0 =	vsub.s32 v54, v0;
	_ =	sdelay $0x1  }
0x13d: {  	vm12 =	vlt.s32 v52, $0x4000;
	v3 =	vadd.s32 $0x14700, v52  }
0x13e: {  	v58 =	vshra.s32 v57, $0x1F;
	v1 =	vsel vm12, v1, v3  }
0x13f: {  	v59 =	vld [tilespmem:s2+$0x1A770];
	[tilespmem:s2+$0x1B740] =	vst v1;
	v1 =	vshrl.u32 v58, $0x12  }
0x140: {  	v0 =	vld.idx.msk [tilespmem:v0+s1+$0x0], $0xffff;
	v1 =	vadd.s32 v1, v57  }
0x141: {  	v1 =	vand.u32 $0xFFFFC000, v1  }
0x142: {  	v1 =	vsub.s32 v57, v1;
	_ =	sdelay $0x1  }
0x143: {  	vm13 =	vlt.s32 v54, $0x4000;
	v2 =	vadd.s32 $0x14700, v54  }
0x144: {  	v60 =	vshra.s32 v59, $0x1F;
	v0 =	vsel vm13, v0, v2  }
0x145: {  	v61 =	vshrl.u32 v60, $0x12;
	[tilespmem:s2+$0x1B750] =	vst v0  }
0x146: {  	v0 =	vadd.s32 v61, v59;
	v1 =	vld.idx.msk [tilespmem:v1+s1+$0x0], $0xffff  }
0x147: {  	v0 =	vand.u32 $0xFFFFC000, v0  }
0x148: {  	v0 =	vsub.s32 v59, v0;
	_ =	sdelay $0x1  }
0x149: {  	vm14 =	vlt.s32 v57, $0x4000;
	v62 =	vadd.s32 $0x14700, v57  }
0x14a: {  	v1 =	vsel vm14, v1, v62  }
0x14b: {  	[tilespmem:s2+$0x1B760] =	vst v1  }
0x14c: {  	v0 =	vld.idx.msk [tilespmem:v0+s1+$0x0], $0xffff;
	_ =	sdelay $0x3  }
0x14d: {  	s25 =	sld [smem:$0x7A1];
	vm15 =	vlt.s32 v59, $0x4000;
	v63 =	vadd.s32 $0x14700, v59  }
0x14e: {  	v0 =	vsel vm15, v0, v63  }
0x14f: {  	s26 =	simm.s32 $0x1B700;
	[tilespmem:s2+$0x1B770] =	vst v0  }
0x150: {  	[spmem:s25] =	stream.linear.scatter [tilespmem:s26], [sflag:$0x4], $0x600, $0x38;
	[tilespmem:$0x1ED00] =	vst v63  }
0x151: {  	_ =	swait.ge [sflag:s8], $0x600  }
0x152: {  	[sflag:s8] =	ssyncset.done $0x0  }
0x153: {  	[sflag:s8] =	ssyncadd.s32 $0xFFFFFA00  }
0x154: {  	s4 =	simm.s32 $0x0;
	s8 =	sadd.s32 $0x0, s20;
	[bflag:$0x0] =	sbarrier.arrive $0xFFFF  }
0x155: {  	[tilespmem:s4], [sflag:$0x1] =	stream.linear.gather [hbm4b:s8+s1], $0x80, $0x38;
	[tilespmem:$0x1ED00] =	vst v63  }
0x156: {  	s24 =	rddreg [dreg:$0x1c]  }
0x157: {  	s12 =	simm.s32 $0x80;
	s23 =	rddreg [dreg:$0x1b];
	s19 =	sadd.s32 $0x0, s24  }
0x158: {  	[tilespmem:s12], [sflag:$0x1] =	stream.linear.gather [hbm4b:s19+s1], $0x80, $0x38;
	[tilespmem:$0x1ED00] =	vst v63  }
0x159: {  	s21 =	simm.s32 $0x100;
	s22 =	sadd.s32 $0x0, s23  }
0x15a: {  	[tilespmem:s21], [sflag:$0x1] =	stream.linear.gather [hbm4b:s22+s1], $0x80, $0x38;
	[tilespmem:$0x1ED00] =	vst v63  }
0x15b: {  	s22 =	rddreg [dreg:$0x1a]  }
0x15c: {  	s25 =	simm.s32 $0x180;
	s26 =	sadd.s32 $0x0, s22  }
0x15d: {  	[tilespmem:s25], [sflag:$0x1] =	stream.linear.gather [hbm4b:s26+s1], $0x80, $0x38;
	[tilespmem:$0x1ED00] =	vst v63  }
0x15e: {  	s26 =	rddreg [dreg:$0x19]  }
0x15f: {  	s4 =	simm.s32 $0x200;
	s8 =	sadd.s32 $0x0, s26  }
0x160: {  	[tilespmem:s4], [sflag:$0x1] =	stream.linear.gather [hbm4b:s8+s1], $0x80, $0x38;
	[tilespmem:$0x1ED00] =	vst v63  }
0x161: {  	s2 =	simm.s32 $0x380;
	s12 =	simm.s32 $0x280;
	s19 =	sadd.s32 $0x0, s18  }
0x162: {  	[tilespmem:s12], [sflag:$0x1] =	stream.linear.gather [hbm4b:s19+s1], $0x80, $0x38;
	[tilespmem:$0x1ED00] =	vst v63  }
0x163: {  	s28 =	sld [smem:$0x7A3];
	s21 =	simm.s32 $0x300;
	s25 =	sadd.s32 $0x0, s17  }
0x164: {  	[tilespmem:s21], [sflag:$0x1] =	stream.linear.gather [hbm4b:s25+s1], $0x80, $0x38;
	[tilespmem:$0x1ED00] =	vst v63  }
0x165: {  	s4 =	simm.s32 $0x400;
	s8 =	simm.s32 $0x780;
	s21 =	rddreg [dreg:$0x16]  }
0x166: {  	s19 =	smov.u32 s17;
	s25 =	smov.u32 s18;
	s12 =	sadd.s32 $0x0, s21  }
.LBB2_4:
0x167: {  	[tilespmem:s2], [sflag:$0x1] =	stream.linear.gather [hbm4b:s12+s1], $0x80, $0x38;
	[tilespmem:$0x1ED00] =	vst v63  }
0x168: {  	s12 =	smov.u32 s4;
	s2 =	smov.u32 s8  }
0x169: {  	s17 =	sadd.s32 $0xFFFFFC80, s8;
	s18 =	sadd.s32 s4, s20;
	p0 =	sne.s32 s4, $0x18000  }
0x16a: {  	[tilespmem:s17], [sflag:$0x1] =	stream.linear.gather [hbm4b:s18+s1], $0x80, $0x38;
	[tilespmem:$0x1ED00] =	vst v63  }
0x16b: {  	s4 =	sadd.s32 $0x400, s4;
	s17 =	sadd.s32 $0xFFFFFD00, s8;
	s18 =	sadd.s32 s12, s24  }
0x16c: {  	[tilespmem:s17], [sflag:$0x1] =	stream.linear.gather [hbm4b:s18+s1], $0x80, $0x38;
	[tilespmem:$0x1ED00] =	vst v63  }
0x16d: {  	s17 =	sadd.s32 $0xFFFFFD80, s8;
	s18 =	sadd.s32 s12, s23  }
0x16e: {  	[tilespmem:s17], [sflag:$0x1] =	stream.linear.gather [hbm4b:s18+s1], $0x80, $0x38;
	[tilespmem:$0x1ED00] =	vst v63  }
0x16f: {  	s17 =	sadd.s32 $0xFFFFFE00, s8;
	s18 =	sadd.s32 s12, s22  }
0x170: {  	[tilespmem:s17], [sflag:$0x1] =	stream.linear.gather [hbm4b:s18+s1], $0x80, $0x38;
	[tilespmem:$0x1ED00] =	vst v63  }
0x171: {  	s17 =	sadd.s32 $0xFFFFFE80, s8;
	s18 =	sadd.s32 s12, s26  }
0x172: {  	[tilespmem:s17], [sflag:$0x1] =	stream.linear.gather [hbm4b:s18+s1], $0x80, $0x38;
	[tilespmem:$0x1ED00] =	vst v63  }
.Ltmp1:
0x173: {  	s17 =	sadd.s32 $0xFFFFFF00, s8;
	s18 =	sadd.s32 s12, s25;
	(pc) =	sbr.rel @p0 .LBB2_4-.Ltmp1, $4  }
0x174: {  	[tilespmem:s17], [sflag:$0x1] =	stream.linear.gather [hbm4b:s18+s1], $0x80, $0x38;
	[tilespmem:$0x1ED00] =	vst v63  }
0x175: {  	s17 =	sadd.s32 $0xFFFFFF80, s8;
	s18 =	sadd.s32 s12, s19  }
0x176: {  	[tilespmem:s17], [sflag:$0x1] =	stream.linear.gather [hbm4b:s18+s1], $0x80, $0x38;
	[tilespmem:$0x1ED00] =	vst v63  }
0x177: {  	s12 =	sadd.s32 s12, s21;
	s8 =	sadd.s32 $0x400, s8  }
0x178: {  	[tilespmem:s2], [sflag:$0x1] =	stream.linear.gather [hbm4b:s12+s1], $0x80, $0x38;
	[tilespmem:$0x1ED00] =	vst v63  }
0x179: {  	s4 =	rddreg [dreg:$0x8]  }
0x17a: {  	s12 =	simm.s32 $0x0;
	s8 =	simm.s32 $0x18400;
	s17 =	rddreg [dreg:$0x9]  }
0x17b: {  	[tilespmem:s8], [sflag:$0x1] =	stream.linear.gather [hbm4b:s4+s12], $0x80, $0x38;
	[tilespmem:$0x1ED00] =	vst v63  }
0x17c: {  	s18 =	simm.s32 $0x18480;
	s19 =	rddreg [dreg:$0xa]  }
0x17d: {  	[tilespmem:s18], [sflag:$0x1] =	stream.linear.gather [hbm4b:s17+s12], $0x80, $0x38;
	[tilespmem:$0x1ED00] =	vst v63  }
0x17e: {  	s20 =	simm.s32 $0x18500;
	s21 =	rddreg [dreg:$0xb]  }
0x17f: {  	[tilespmem:s20], [sflag:$0x1] =	stream.linear.gather [hbm4b:s19+s12], $0x80, $0x38;
	[tilespmem:$0x1ED00] =	vst v63  }
0x180: {  	s22 =	simm.s32 $0x18580;
	s23 =	rddreg [dreg:$0xd]  }
0x181: {  	[tilespmem:s22], [sflag:$0x1] =	stream.linear.gather [hbm4b:s21+s12], $0x80, $0x38;
	[tilespmem:$0x1ED00] =	vst v63  }
0x182: {  	s2 =	sor.u32 s12, s10;
	s21 =	rddreg [dreg:$0x6]  }
0x183: {  	s24 =	simm.s32 $0x18600;
	s25 =	rddreg [dreg:$0xe];
	s2 =	sor.u32 s21, s2  }
0x184: {  	[tilespmem:s24], [sflag:$0x1] =	stream.linear.gather [hbm4b:s23+s12], $0x80, $0x38;
	[tilespmem:$0x1ED00] =	vst v63  }
0x185: {  	s26 =	simm.s32 $0x18680;
	s8 =	simm.s32 $0x18700;
	s2 =	sshrl.u32 s2, $0x3  }
0x186: {  	[tilespmem:s26], [sflag:$0x1] =	stream.linear.gather [hbm4b:s25+s12], $0x80, $0x38;
	[tilespmem:$0x1ED00] =	vst v63  }
0x187: {  	s4 =	simm.s32 $0x0;
	s18 =	simm.s32 $0x18800;
	s2 =	sadd.s32 s7, s2  }
0x188: {  	[tilespmem:s8], [sflag:$0x1] =	stream.linear.gather [hbm4b:s2+s1], $0x80, $0x38;
	[tilespmem:$0x1ED00] =	vst v63  }
0x189: {  	s20 =	simm.s32 $0x18880;
	s12 =	simm.s32 $0x18780;
	s17 =	sadd.s32 $0x80, s2  }
0x18a: {  	[tilespmem:s12], [sflag:$0x1] =	stream.linear.gather [hbm4b:s17+s1], $0x80, $0x38;
	[tilespmem:$0x1ED00] =	vst v63  }
0x18b: {  	s23 =	simm.s32 $0x18900;
	s19 =	sadd.s32 $0x100, s2;
	s22 =	sadd.s32 $0x180, s2  }
0x18c: {  	[tilespmem:s18], [sflag:$0x1] =	stream.linear.gather [hbm4b:s19+s1], $0x80, $0x38;
	[tilespmem:$0x1ED00] =	vst v63  }
0x18d: {  	s24 =	sadd.s32 $0x200, s2;
	s25 =	simm.s32 $0x18980;
	s26 =	sadd.s32 $0x280, s2  }
0x18e: {  	[tilespmem:s20], [sflag:$0x1] =	stream.linear.gather [hbm4b:s22+s1], $0x80, $0x38;
	[tilespmem:$0x1ED00] =	vst v63  }
0x18f: {  	s8 =	simm.s32 $0x2000;
	s17 =	simm.s32 $0x1000;
	s12 =	simm.s32 $0x2000  }
0x190: {  	[tilespmem:s23], [sflag:$0x1] =	stream.linear.gather [hbm4b:s24+s1], $0x80, $0x38;
	[tilespmem:$0x1ED00] =	vst v63  }
0x191: {  	s18 =	sor.u32 s12, s10;
	s19 =	simm.s32 $0x18A00;
	s20 =	sadd.s32 $0x300, s2  }
0x192: {  	[tilespmem:s25], [sflag:$0x1] =	stream.linear.gather [hbm4b:s26+s1], $0x80, $0x38;
	[tilespmem:$0x1ED00] =	vst v63  }
.LBB2_6:
0x193: {  	[tilespmem:s19], [sflag:$0x1] =	stream.linear.gather [hbm4b:s20+s1], $0x80, $0x38;
	[tilespmem:$0x1ED00] =	vst v63  }
0x194: {  	s19 =	smov.u32 s8  }
0x195: {  	s18 =	sor.u32 s21, s18;
	s20 =	sadd.s32 $0x18A80, s4;
	s2 =	sadd.s32 $0x380, s2  }
0x196: {  	p0 =	sne.s32 s8, $0x7000;
	s4 =	sshra.s32 s17, $0x2;
	s17 =	sshrl.u32 s18, $0x3  }
0x197: {  	[tilespmem:s20], [sflag:$0x1] =	stream.linear.gather [hbm4b:s2+s1], $0x80, $0x38;
	[tilespmem:$0x1ED00] =	vst v63  }
0x198: {  	s8 =	sadd.s32 $0x1000, s8;
	s18 =	sadd.s32 $0x18700, s4;
	s2 =	sadd.s32 s7, s17  }
0x199: {  	[tilespmem:s18], [sflag:$0x1] =	stream.linear.gather [hbm4b:s2+s1], $0x80, $0x38;
	[tilespmem:$0x1ED00] =	vst v63  }
0x19a: {  	s17 =	smov.u32 s19;
	s20 =	sadd.s32 $0x80, s2;
	s18 =	sadd.s32 $0x18780, s4  }
0x19b: {  	[tilespmem:s18], [sflag:$0x1] =	stream.linear.gather [hbm4b:s20+s1], $0x80, $0x38;
	[tilespmem:$0x1ED00] =	vst v63  }
0x19c: {  	s19 =	sadd.s32 $0x100, s2;
	s18 =	sadd.s32 $0x18800, s4  }
0x19d: {  	[tilespmem:s18], [sflag:$0x1] =	stream.linear.gather [hbm4b:s19+s1], $0x80, $0x38;
	[tilespmem:$0x1ED00] =	vst v63  }
0x19e: {  	s18 =	sadd.s32 $0x18880, s4;
	s19 =	sadd.s32 $0x180, s2  }
0x19f: {  	[tilespmem:s18], [sflag:$0x1] =	stream.linear.gather [hbm4b:s19+s1], $0x80, $0x38;
	[tilespmem:$0x1ED00] =	vst v63  }
.Ltmp2:
0x1a0: {  	s18 =	sadd.s32 $0x18900, s4;
	s19 =	sadd.s32 $0x200, s2;
	(pc) =	sbr.rel @p0 .LBB2_6-.Ltmp2, $4  }
0x1a1: {  	[tilespmem:s18], [sflag:$0x1] =	stream.linear.gather [hbm4b:s19+s1], $0x80, $0x38;
	[tilespmem:$0x1ED00] =	vst v63  }
0x1a2: {  	s12 =	sadd.s32 $0x2000, s12;
	s18 =	sadd.s32 $0x18980, s4;
	s19 =	sadd.s32 $0x280, s2  }
0x1a3: {  	[tilespmem:s18], [sflag:$0x1] =	stream.linear.gather [hbm4b:s19+s1], $0x80, $0x38;
	[tilespmem:$0x1ED00] =	vst v63  }
0x1a4: {  	s20 =	sadd.s32 $0x300, s2;
	s18 =	sor.u32 s12, s10;
	s19 =	sadd.s32 $0x18A00, s4  }
0x1a5: {  	[tilespmem:s19], [sflag:$0x1] =	stream.linear.gather [hbm4b:s20+s1], $0x80, $0x38;
	[tilespmem:$0x1ED00] =	vst v63  }
0x1a6: {  	s8 =	sor.u32 s21, s18;
	s4 =	sadd.s32 $0x18A80, s4  }
0x1a7: {  	s2 =	sadd.s32 $0x380, s2;
	s12 =	sshra.s32 s17, $0x2;
	s8 =	sshrl.u32 s8, $0x3  }
0x1a8: {  	[tilespmem:s4], [sflag:$0x1] =	stream.linear.gather [hbm4b:s2+s1], $0x80, $0x38;
	[tilespmem:$0x1ED00] =	vst v63  }
0x1a9: {  	s19 =	sadd.s32 $0x18700, s12;
	s4 =	sadd.s32 s7, s8  }
0x1aa: {  	[tilespmem:s19], [sflag:$0x1] =	stream.linear.gather [hbm4b:s4+s1], $0x80, $0x38;
	[tilespmem:$0x1ED00] =	vst v63  }
0x1ab: {  	s20 =	sadd.s32 $0x18780, s12;
	s8 =	sadd.s32 $0x80, s4  }
0x1ac: {  	[tilespmem:s20], [sflag:$0x1] =	stream.linear.gather [hbm4b:s8+s1], $0x80, $0x38;
	[tilespmem:$0x1ED00] =	vst v63  }
0x1ad: {  	s21 =	sadd.s32 $0x18800, s12;
	s22 =	sadd.s32 $0x100, s4  }
0x1ae: {  	[tilespmem:s21], [sflag:$0x1] =	stream.linear.gather [hbm4b:s22+s1], $0x80, $0x38;
	[tilespmem:$0x1ED00] =	vst v63  }
0x1af: {  	s23 =	sadd.s32 $0x18880, s12;
	s24 =	sadd.s32 $0x180, s4  }
0x1b0: {  	[tilespmem:s23], [sflag:$0x1] =	stream.linear.gather [hbm4b:s24+s1], $0x80, $0x38;
	[tilespmem:$0x1ED00] =	vst v63  }
0x1b1: {  	s25 =	sadd.s32 $0x18900, s12;
	s26 =	sadd.s32 $0x200, s4  }
0x1b2: {  	[tilespmem:s25], [sflag:$0x1] =	stream.linear.gather [hbm4b:s26+s1], $0x80, $0x38;
	[tilespmem:$0x1ED00] =	vst v63  }
0x1b3: {  	s17 =	sadd.s32 $0x280, s4;
	s8 =	sadd.s32 $0x18980, s12  }
0x1b4: {  	[tilespmem:s8], [sflag:$0x1] =	stream.linear.gather [hbm4b:s17+s1], $0x80, $0x38;
	[tilespmem:$0x1ED00] =	vst v63  }
0x1b5: {  	s18 =	sadd.s32 $0x18A00, s12;
	s19 =	sadd.s32 $0x300, s4  }
0x1b6: {  	[tilespmem:s18], [sflag:$0x1] =	stream.linear.gather [hbm4b:s19+s1], $0x80, $0x38;
	[tilespmem:$0x1ED00] =	vst v63  }
0x1b7: {  	s4 =	sadd.s32 $0x380, s4;
	s20 =	sadd.s32 $0x18A80, s12  }
0x1b8: {  	[tilespmem:s20], [sflag:$0x1] =	stream.linear.gather [hbm4b:s4+s1], $0x80, $0x38;
	[tilespmem:$0x1ED00] =	vst v63  }
0x1b9: {  	s21 =	rddreg [dreg:$0x4];
	s22 =	simm.s32 $0x1A700;
	s23 =	simm.s32 $0x1  }
0x1ba: {  	[tilespmem:s22], [sflag:$0x2] =	stream.linear.gather [spmem:s21], $0x1000, $0x38;
	[tilespmem:$0x1ED00] =	vst v63  }
0x1bb: {  	_ =	swait.ge [sflag:s23], $0x6000  }
0x1bc: {  	[sflag:s23] =	ssyncset.done $0x0  }
0x1bd: {  	[sflag:s23] =	ssyncadd.s32 $0xFFFFA000  }
0x1be: {  	_ =	swait.ge [sflag:s23], $0x6000  }
0x1bf: {  	[sflag:s23] =	ssyncset.done $0x0  }
0x1c0: {  	[sflag:s23] =	ssyncadd.s32 $0xFFFFA000  }
0x1c1: {  	_ =	swait.ge [sflag:s23], $0x6000  }
0x1c2: {  	[sflag:s23] =	ssyncset.done $0x0  }
0x1c3: {  	[sflag:s23] =	ssyncadd.s32 $0xFFFFA000  }
0x1c4: {  	_ =	swait.ge [sflag:s23], $0x6000  }
0x1c5: {  	[sflag:s23] =	ssyncset.done $0x0  }
0x1c6: {  	[sflag:s23] =	ssyncadd.s32 $0xFFFFA000  }
0x1c7: {  	_ =	swait.ge [sflag:s23], $0x2700  }
0x1c8: {  	[sflag:s23] =	ssyncset.done $0x0  }
0x1c9: {  	s24 =	simm.s32 $0x2;
	[sflag:s23] =	ssyncadd.s32 $0xFFFFD900  }
0x1ca: {  	_ =	swait.ge [sflag:s24], $0x1000  }
0x1cb: {  	s25 =	sld [smem:$0x7B5]  }
0x1cc: {  	[sflag:s24] =	ssyncset.done $0x0  }
0x1cd: {  	s2 =	simm.s32 $0x0;
	s26 =	simm.s32 $0x1B700;
	[sflag:s24] =	ssyncadd.s32 $0xFFFFF000  }
0x1ce: {  	[tilespmem:s26], [sflag:$0x2] =	stream.linear.gather [spmem:s25], $0x1000, $0x38;
	[tilespmem:$0x1ED00] =	vst v63  }
0x1cf: {  	v0 =	vld [tilespmem:s2+$0x1A700];
	_ =	sdelay $0x5  }
0x1d0: {  	v1 =	vld [tilespmem:s2+$0x1A710];
	_ =	sdelay $0x1  }
0x1d1: {  	v0 =	vld.idx.msk [tilespmem:v0+s1+$0x0], $0xffff;
	_ =	sdelay $0x4  }
0x1d2: {  	[tilespmem:s2+$0x1C700] =	vst v0;
	v0 =	vld [tilespmem:s2+$0x1A720]  }
0x1d3: {  	v1 =	vld.idx.msk [tilespmem:v1+s1+$0x0], $0xffff;
	_ =	sdelay $0x4  }
0x1d4: {  	[tilespmem:s2+$0x1C710] =	vst v1;
	v1 =	vld [tilespmem:s2+$0x1A730];
	_ =	sdelay $0x1  }
0x1d5: {  	v0 =	vld.idx.msk [tilespmem:v0+s1+$0x0], $0xffff;
	_ =	sdelay $0x4  }
0x1d6: {  	[tilespmem:s2+$0x1C720] =	vst v0;
	v0 =	vld [tilespmem:s2+$0x1A740]  }
0x1d7: {  	v1 =	vld.idx.msk [tilespmem:v1+s1+$0x0], $0xffff;
	_ =	sdelay $0x4  }
0x1d8: {  	[tilespmem:s2+$0x1C730] =	vst v1;
	v1 =	vld [tilespmem:s2+$0x1A750];
	_ =	sdelay $0x1  }
0x1d9: {  	v0 =	vld.idx.msk [tilespmem:v0+s1+$0x0], $0xffff;
	_ =	sdelay $0x4  }
0x1da: {  	v2 =	vld [tilespmem:s2+$0x1A760];
	[tilespmem:s2+$0x1C740] =	vst v0  }
0x1db: {  	v0 =	vld.idx.msk [tilespmem:v1+s1+$0x0], $0xffff;
	_ =	sdelay $0x4  }
0x1dc: {  	[tilespmem:s2+$0x1C750] =	vst v0;
	v0 =	vld [tilespmem:s2+$0x1A770];
	_ =	sdelay $0x1  }
0x1dd: {  	v1 =	vld.idx.msk [tilespmem:v2+s1+$0x0], $0xffff  }
0x1de: {  	s22 =	sld [smem:$0x7A6]  }
0x1df: {  	s24 =	sld [smem:$0x79F]  }
0x1e0: {  	s25 =	rddreg [dreg:$0x1d]  }
0x1e1: {  	s8 =	simm.s32 $0x80;
	s4 =	simm.s32 $0x400;
	s26 =	rddreg [dreg:$0x1e]  }
.LBB2_8:
0x1e2: {  	p0 =	sne.s32 s4, $0x3E00;
	v2 =	vld [tilespmem:s8+$0x1A700];
	[tilespmem:s2+$0x1C760] =	vst v1  }
0x1e3: {  	v0 =	vld.idx.msk [tilespmem:v0+s1+$0x0], $0xffff;
	_ =	sdelay $0x5  }
0x1e4: {  	v1 =	vld [tilespmem:s8+$0x1A710];
	[tilespmem:s2+$0x1C770] =	vst v0;
	s2 =	smov.u32 s8  }
0x1e5: {  	v0 =	vld.idx.msk [tilespmem:v2+s1+$0x0], $0xffff;
	_ =	sdelay $0x5  }
0x1e6: {  	[tilespmem:s2+$0x1C700] =	vst v0;
	v0 =	vld [tilespmem:s2+$0x1A720]  }
0x1e7: {  	v1 =	vld.idx.msk [tilespmem:v1+s1+$0x0], $0xffff;
	_ =	sdelay $0x5  }
0x1e8: {  	[tilespmem:s2+$0x1C710] =	vst v1;
	v1 =	vld [tilespmem:s2+$0x1A730]  }
0x1e9: {  	v0 =	vld.idx.msk [tilespmem:v0+s1+$0x0], $0xffff;
	_ =	sdelay $0x5  }
0x1ea: {  	[tilespmem:s2+$0x1C720] =	vst v0;
	v0 =	vld [tilespmem:s2+$0x1A740]  }
0x1eb: {  	v1 =	vld.idx.msk [tilespmem:v1+s1+$0x0], $0xffff;
	_ =	sdelay $0x5  }
0x1ec: {  	[tilespmem:s2+$0x1C730] =	vst v1;
	v1 =	vld [tilespmem:s2+$0x1A750]  }
0x1ed: {  	v0 =	vld.idx.msk [tilespmem:v0+s1+$0x0], $0xffff;
	_ =	sdelay $0x5  }
0x1ee: {  	[tilespmem:s2+$0x1C740] =	vst v0;
	v2 =	vld [tilespmem:s2+$0x1A760]  }
0x1ef: {  	v0 =	vld.idx.msk [tilespmem:v1+s1+$0x0], $0xffff;
	_ =	sdelay $0x5  }
0x1f0: {  	[tilespmem:s2+$0x1C750] =	vst v0;
	v0 =	vld [tilespmem:s2+$0x1A770]  }
0x1f1: {  	v1 =	vld.idx.msk [tilespmem:v2+s1+$0x0], $0xffff  }
.Ltmp3:
0x1f2: {  	(pc) =	sbr.rel @p0 .LBB2_8-.Ltmp3, $2  }
0x1f3: {  	_ =	sdelay $0x2  }
0x1f4: {  	s8 =	sshra.s32 s4, $0x2;
	s4 =	sadd.s32 $0x200, s4  }
0x1f5: {  	_ =	sdelay $0x1  }
0x1f6: {  	v2 =	vld [tilespmem:s8+$0x1A700]  }
0x1f7: {  	[tilespmem:s2+$0x1C760] =	vst v1  }
0x1f8: {  	v0 =	vld.idx.msk [tilespmem:v0+s1+$0x0], $0xffff;
	_ =	sdelay $0x3  }
0x1f9: {  	v1 =	vld [tilespmem:s8+$0x1A710]  }
0x1fa: {  	[tilespmem:s2+$0x1C770] =	vst v0  }
0x1fb: {  	v0 =	vld.idx.msk [tilespmem:v2+s1+$0x0], $0xffff;
	_ =	sdelay $0x4  }
0x1fc: {  	[tilespmem:s8+$0x1C700] =	vst v0;
	v0 =	vld [tilespmem:s8+$0x1A720]  }
0x1fd: {  	v1 =	vld.idx.msk [tilespmem:v1+s1+$0x0], $0xffff;
	_ =	sdelay $0x4  }
0x1fe: {  	[tilespmem:s8+$0x1C710] =	vst v1;
	v1 =	vld [tilespmem:s8+$0x1A730];
	_ =	sdelay $0x1  }
0x1ff: {  	v0 =	vld.idx.msk [tilespmem:v0+s1+$0x0], $0xffff;
	_ =	sdelay $0x4  }
0x200: {  	[tilespmem:s8+$0x1C720] =	vst v0;
	v0 =	vld [tilespmem:s8+$0x1A740]  }
0x201: {  	v1 =	vld.idx.msk [tilespmem:v1+s1+$0x0], $0xffff;
	_ =	sdelay $0x4  }
0x202: {  	[tilespmem:s8+$0x1C730] =	vst v1;
	v1 =	vld [tilespmem:s8+$0x1A750];
	_ =	sdelay $0x1  }
0x203: {  	v0 =	vld.idx.msk [tilespmem:v0+s1+$0x0], $0xffff;
	_ =	sdelay $0x4  }
0x204: {  	[tilespmem:s8+$0x1C740] =	vst v0;
	v0 =	vld [tilespmem:s8+$0x1A760]  }
0x205: {  	v1 =	vld.idx.msk [tilespmem:v1+s1+$0x0], $0xffff;
	_ =	sdelay $0x4  }
0x206: {  	[tilespmem:s8+$0x1C750] =	vst v1;
	v1 =	vld [tilespmem:s8+$0x1A770];
	_ =	sdelay $0x1  }
0x207: {  	v0 =	vld.idx.msk [tilespmem:v0+s1+$0x0], $0xffff;
	_ =	sdelay $0x4  }
0x208: {  	[tilespmem:s8+$0x1C760] =	vst v0  }
0x209: {  	v0 =	vld.idx.msk [tilespmem:v1+s1+$0x0], $0xffff;
	_ =	sdelay $0x2  }
0x20a: {  	s19 =	sld [smem:$0x7D8];
	_ =	sdelay $0x1  }
0x20b: {  	s4 =	simm.s32 $0x0;
	s20 =	simm.s32 $0x1C700;
	s21 =	sld [smem:$0x7BA];
	[tilespmem:s8+$0x1C770] =	vst v0  }
0x20c: {  	[hbm4b:s19+s4] =	stream.linear.scatter [tilespmem:s20], [sflag:$0x3], $0x80, $0x38;
	[tilespmem:$0x1ED00] =	vst v63  }
0x20d: {  	s23 =	simm.s32 $0x1C780;
	s8 =	sld [smem:$0x7BB]  }
0x20e: {  	[hbm4b:s21+s4] =	stream.linear.scatter [tilespmem:s23], [sflag:$0x3], $0x80, $0x38;
	[tilespmem:$0x1ED00] =	vst v63  }
0x20f: {  	s12 =	simm.s32 $0x1C800;
	s17 =	sld [smem:$0x7BC]  }
0x210: {  	[hbm4b:s8+s4] =	stream.linear.scatter [tilespmem:s12], [sflag:$0x3], $0x80, $0x38;
	[tilespmem:$0x1ED00] =	vst v63  }
0x211: {  	s18 =	simm.s32 $0x1C880;
	s19 =	sld [smem:$0x7BD]  }
0x212: {  	[hbm4b:s17+s4] =	stream.linear.scatter [tilespmem:s18], [sflag:$0x3], $0x80, $0x38;
	[tilespmem:$0x1ED00] =	vst v63  }
0x213: {  	s20 =	simm.s32 $0x1C900;
	s21 =	sld [smem:$0x7BE]  }
0x214: {  	[hbm4b:s19+s4] =	stream.linear.scatter [tilespmem:s20], [sflag:$0x3], $0x80, $0x38;
	[tilespmem:$0x1ED00] =	vst v63  }
0x215: {  	s23 =	simm.s32 $0x1C980;
	s8 =	sld [smem:$0x7BF]  }
0x216: {  	[hbm4b:s21+s4] =	stream.linear.scatter [tilespmem:s23], [sflag:$0x3], $0x80, $0x38;
	[tilespmem:$0x1ED00] =	vst v63  }
0x217: {  	s12 =	simm.s32 $0x1CA00;
	s17 =	sld [smem:$0x7C0]  }
0x218: {  	[hbm4b:s8+s4] =	stream.linear.scatter [tilespmem:s12], [sflag:$0x3], $0x80, $0x38;
	[tilespmem:$0x1ED00] =	vst v63  }
0x219: {  	s18 =	simm.s32 $0x1CA80;
	s19 =	sld [smem:$0x7C1]  }
0x21a: {  	[hbm4b:s17+s4] =	stream.linear.scatter [tilespmem:s18], [sflag:$0x3], $0x80, $0x38;
	[tilespmem:$0x1ED00] =	vst v63  }
0x21b: {  	s20 =	simm.s32 $0x1CB00;
	s21 =	sld [smem:$0x7C2]  }
0x21c: {  	[hbm4b:s19+s4] =	stream.linear.scatter [tilespmem:s20], [sflag:$0x3], $0x80, $0x38;
	[tilespmem:$0x1ED00] =	vst v63  }
0x21d: {  	s23 =	simm.s32 $0x1CB80;
	s8 =	sld [smem:$0x7C3]  }
0x21e: {  	[hbm4b:s21+s4] =	stream.linear.scatter [tilespmem:s23], [sflag:$0x3], $0x80, $0x38;
	[tilespmem:$0x1ED00] =	vst v63  }
0x21f: {  	s12 =	simm.s32 $0x1CC00;
	s17 =	sld [smem:$0x7C4]  }
0x220: {  	[hbm4b:s8+s4] =	stream.linear.scatter [tilespmem:s12], [sflag:$0x3], $0x80, $0x38;
	[tilespmem:$0x1ED00] =	vst v63  }
0x221: {  	s18 =	simm.s32 $0x1CC80;
	s19 =	sld [smem:$0x7C5]  }
0x222: {  	[hbm4b:s17+s4] =	stream.linear.scatter [tilespmem:s18], [sflag:$0x3], $0x80, $0x38;
	[tilespmem:$0x1ED00] =	vst v63  }
0x223: {  	s20 =	simm.s32 $0x1CD00;
	s21 =	sld [smem:$0x7C6]  }
0x224: {  	[hbm4b:s19+s4] =	stream.linear.scatter [tilespmem:s20], [sflag:$0x3], $0x80, $0x38;
	[tilespmem:$0x1ED00] =	vst v63  }
0x225: {  	s23 =	simm.s32 $0x1CD80;
	s8 =	sld [smem:$0x7C7]  }
0x226: {  	[hbm4b:s21+s4] =	stream.linear.scatter [tilespmem:s23], [sflag:$0x3], $0x80, $0x38;
	[tilespmem:$0x1ED00] =	vst v63  }
0x227: {  	s12 =	simm.s32 $0x1CE00;
	s17 =	sld [smem:$0x7C8]  }
0x228: {  	[hbm4b:s8+s4] =	stream.linear.scatter [tilespmem:s12], [sflag:$0x3], $0x80, $0x38;
	[tilespmem:$0x1ED00] =	vst v63  }
0x229: {  	s18 =	simm.s32 $0x1CE80;
	s19 =	sld [smem:$0x7C9]  }
0x22a: {  	[hbm4b:s17+s4] =	stream.linear.scatter [tilespmem:s18], [sflag:$0x3], $0x80, $0x38;
	[tilespmem:$0x1ED00] =	vst v63  }
0x22b: {  	s20 =	simm.s32 $0x1CF00;
	s21 =	sld [smem:$0x7CA]  }
0x22c: {  	[hbm4b:s19+s4] =	stream.linear.scatter [tilespmem:s20], [sflag:$0x3], $0x80, $0x38;
	[tilespmem:$0x1ED00] =	vst v63  }
0x22d: {  	s23 =	simm.s32 $0x1CF80;
	s8 =	sld [smem:$0x7CB]  }
0x22e: {  	[hbm4b:s21+s4] =	stream.linear.scatter [tilespmem:s23], [sflag:$0x3], $0x80, $0x38;
	[tilespmem:$0x1ED00] =	vst v63  }
0x22f: {  	s12 =	simm.s32 $0x1D000;
	s17 =	sld [smem:$0x7CC]  }
0x230: {  	[hbm4b:s8+s4] =	stream.linear.scatter [tilespmem:s12], [sflag:$0x3], $0x80, $0x38;
	[tilespmem:$0x1ED00] =	vst v63  }
0x231: {  	s18 =	simm.s32 $0x1D080;
	s19 =	sld [smem:$0x7CD]  }
0x232: {  	[hbm4b:s17+s4] =	stream.linear.scatter [tilespmem:s18], [sflag:$0x3], $0x80, $0x38;
	[tilespmem:$0x1ED00] =	vst v63  }
0x233: {  	s20 =	simm.s32 $0x1D100;
	s21 =	sld [smem:$0x7CE]  }
0x234: {  	[hbm4b:s19+s4] =	stream.linear.scatter [tilespmem:s20], [sflag:$0x3], $0x80, $0x38;
	[tilespmem:$0x1ED00] =	vst v63  }
0x235: {  	s23 =	simm.s32 $0x1D180;
	s8 =	sld [smem:$0x7CF]  }
0x236: {  	[hbm4b:s21+s4] =	stream.linear.scatter [tilespmem:s23], [sflag:$0x3], $0x80, $0x38;
	[tilespmem:$0x1ED00] =	vst v63  }
0x237: {  	s12 =	simm.s32 $0x1D200;
	s17 =	sld [smem:$0x7D0]  }
0x238: {  	[hbm4b:s8+s4] =	stream.linear.scatter [tilespmem:s12], [sflag:$0x3], $0x80, $0x38;
	[tilespmem:$0x1ED00] =	vst v63  }
0x239: {  	s18 =	simm.s32 $0x1D280;
	s19 =	sld [smem:$0x7D1]  }
0x23a: {  	[hbm4b:s17+s4] =	stream.linear.scatter [tilespmem:s18], [sflag:$0x3], $0x80, $0x38;
	[tilespmem:$0x1ED00] =	vst v63  }
0x23b: {  	s20 =	simm.s32 $0x1D300;
	s21 =	sld [smem:$0x7D2]  }
0x23c: {  	[hbm4b:s19+s4] =	stream.linear.scatter [tilespmem:s20], [sflag:$0x3], $0x80, $0x38;
	[tilespmem:$0x1ED00] =	vst v63  }
0x23d: {  	s23 =	simm.s32 $0x1D380;
	s8 =	sld [smem:$0x7D3]  }
0x23e: {  	[hbm4b:s21+s4] =	stream.linear.scatter [tilespmem:s23], [sflag:$0x3], $0x80, $0x38;
	[tilespmem:$0x1ED00] =	vst v63  }
0x23f: {  	s12 =	simm.s32 $0x1D400;
	s17 =	sld [smem:$0x7D4]  }
0x240: {  	[hbm4b:s8+s4] =	stream.linear.scatter [tilespmem:s12], [sflag:$0x3], $0x80, $0x38;
	[tilespmem:$0x1ED00] =	vst v63  }
0x241: {  	s18 =	simm.s32 $0x1D480;
	s19 =	sld [smem:$0x7D5]  }
0x242: {  	[hbm4b:s17+s4] =	stream.linear.scatter [tilespmem:s18], [sflag:$0x3], $0x80, $0x38;
	[tilespmem:$0x1ED00] =	vst v63  }
0x243: {  	s20 =	simm.s32 $0x1D500;
	s21 =	sld [smem:$0x7D6]  }
0x244: {  	[hbm4b:s19+s4] =	stream.linear.scatter [tilespmem:s20], [sflag:$0x3], $0x80, $0x38;
	[tilespmem:$0x1ED00] =	vst v63  }
0x245: {  	s23 =	simm.s32 $0x1D580;
	s12 =	sld [smem:$0x7D7]  }
0x246: {  	[hbm4b:s21+s4] =	stream.linear.scatter [tilespmem:s23], [sflag:$0x3], $0x80, $0x38;
	[tilespmem:$0x1ED00] =	vst v63  }
0x247: {  	s17 =	simm.s32 $0x1D600;
	s18 =	sld [smem:$0x7D9]  }
0x248: {  	[hbm4b:s12+s4] =	stream.linear.scatter [tilespmem:s17], [sflag:$0x3], $0x80, $0x38;
	[tilespmem:$0x1ED00] =	vst v63  }
0x249: {  	s19 =	simm.s32 $0x1D680;
	s20 =	simm.s32 $0x2  }
0x24a: {  	[hbm4b:s18+s4] =	stream.linear.scatter [tilespmem:s19], [sflag:$0x3], $0x80, $0x38;
	[tilespmem:$0x1ED00] =	vst v63  }
0x24b: {  	_ =	swait.ge [sflag:s20], $0x1000  }
0x24c: {  	s21 =	sld [smem:$0x7B6]  }
0x24d: {  	[sflag:s20] =	ssyncset.done $0x0  }
0x24e: {  	s2 =	simm.s32 $0x0;
	s23 =	simm.s32 $0x1A700;
	[sflag:s20] =	ssyncadd.s32 $0xFFFFF000  }
0x24f: {  	[tilespmem:s23], [sflag:$0x2] =	stream.linear.gather [spmem:s21], $0x1000, $0x38;
	[tilespmem:$0x1ED00] =	vst v63  }
0x250: {  	v0 =	vld [tilespmem:s2+$0x1B700];
	_ =	sdelay $0x5  }
0x251: {  	v1 =	vld [tilespmem:s2+$0x1B710];
	_ =	sdelay $0x1  }
0x252: {  	v0 =	vld.idx.msk [tilespmem:v0+s4+$0x0], $0xffff;
	_ =	sdelay $0x4  }
0x253: {  	[tilespmem:s2+$0x1D700] =	vst v0;
	v0 =	vld [tilespmem:s2+$0x1B720]  }
0x254: {  	v1 =	vld.idx.msk [tilespmem:v1+s4+$0x0], $0xffff;
	_ =	sdelay $0x4  }
0x255: {  	[tilespmem:s2+$0x1D710] =	vst v1;
	v1 =	vld [tilespmem:s2+$0x1B730];
	_ =	sdelay $0x1  }
0x256: {  	v0 =	vld.idx.msk [tilespmem:v0+s4+$0x0], $0xffff;
	_ =	sdelay $0x4  }
0x257: {  	[tilespmem:s2+$0x1D720] =	vst v0;
	v0 =	vld [tilespmem:s2+$0x1B740]  }
0x258: {  	v1 =	vld.idx.msk [tilespmem:v1+s4+$0x0], $0xffff;
	_ =	sdelay $0x4  }
0x259: {  	[tilespmem:s2+$0x1D730] =	vst v1;
	v1 =	vld [tilespmem:s2+$0x1B750];
	_ =	sdelay $0x1  }
0x25a: {  	v0 =	vld.idx.msk [tilespmem:v0+s4+$0x0], $0xffff;
	_ =	sdelay $0x4  }
0x25b: {  	v2 =	vld [tilespmem:s2+$0x1B760];
	[tilespmem:s2+$0x1D740] =	vst v0  }
0x25c: {  	v0 =	vld.idx.msk [tilespmem:v1+s4+$0x0], $0xffff;
	_ =	sdelay $0x4  }
0x25d: {  	[tilespmem:s2+$0x1D750] =	vst v0;
	v0 =	vld [tilespmem:s2+$0x1B770];
	_ =	sdelay $0x1  }
0x25e: {  	v1 =	vld.idx.msk [tilespmem:v2+s4+$0x0], $0xffff;
	_ =	sdelay $0x1  }
0x25f: {  	s20 =	sld [smem:$0x79B]  }
0x260: {  	s21 =	rddreg [dreg:$0xc]  }
0x261: {  	s8 =	simm.s32 $0x80;
	s12 =	simm.s32 $0x400;
	s23 =	sld [smem:$0x7A5]  }
.LBB2_10:
0x262: {  	p0 =	sne.s32 s12, $0x3E00;
	v2 =	vld [tilespmem:s8+$0x1B700];
	[tilespmem:s2+$0x1D760] =	vst v1  }
0x263: {  	v0 =	vld.idx.msk [tilespmem:v0+s4+$0x0], $0xffff;
	_ =	sdelay $0x5  }
0x264: {  	v1 =	vld [tilespmem:s8+$0x1B710];
	[tilespmem:s2+$0x1D770] =	vst v0;
	s2 =	smov.u32 s8  }
0x265: {  	v0 =	vld.idx.msk [tilespmem:v2+s4+$0x0], $0xffff;
	_ =	sdelay $0x5  }
0x266: {  	[tilespmem:s2+$0x1D700] =	vst v0;
	v0 =	vld [tilespmem:s2+$0x1B720]  }
0x267: {  	v1 =	vld.idx.msk [tilespmem:v1+s4+$0x0], $0xffff;
	_ =	sdelay $0x5  }
0x268: {  	[tilespmem:s2+$0x1D710] =	vst v1;
	v1 =	vld [tilespmem:s2+$0x1B730]  }
0x269: {  	v0 =	vld.idx.msk [tilespmem:v0+s4+$0x0], $0xffff;
	_ =	sdelay $0x5  }
0x26a: {  	[tilespmem:s2+$0x1D720] =	vst v0;
	v0 =	vld [tilespmem:s2+$0x1B740]  }
0x26b: {  	v1 =	vld.idx.msk [tilespmem:v1+s4+$0x0], $0xffff;
	_ =	sdelay $0x5  }
0x26c: {  	[tilespmem:s2+$0x1D730] =	vst v1;
	v1 =	vld [tilespmem:s2+$0x1B750]  }
0x26d: {  	v0 =	vld.idx.msk [tilespmem:v0+s4+$0x0], $0xffff;
	_ =	sdelay $0x5  }
0x26e: {  	[tilespmem:s2+$0x1D740] =	vst v0;
	v2 =	vld [tilespmem:s2+$0x1B760]  }
0x26f: {  	v0 =	vld.idx.msk [tilespmem:v1+s4+$0x0], $0xffff;
	_ =	sdelay $0x5  }
0x270: {  	[tilespmem:s2+$0x1D750] =	vst v0;
	v0 =	vld [tilespmem:s2+$0x1B770]  }
0x271: {  	v1 =	vld.idx.msk [tilespmem:v2+s4+$0x0], $0xffff  }
.Ltmp4:
0x272: {  	(pc) =	sbr.rel @p0 .LBB2_10-.Ltmp4, $2  }
0x273: {  	_ =	sdelay $0x2  }
0x274: {  	s8 =	sshra.s32 s12, $0x2;
	s12 =	sadd.s32 $0x200, s12  }
0x275: {  	_ =	sdelay $0x1  }
0x276: {  	v2 =	vld [tilespmem:s8+$0x1B700]  }
0x277: {  	[tilespmem:s2+$0x1D760] =	vst v1  }
0x278: {  	v0 =	vld.idx.msk [tilespmem:v0+s4+$0x0], $0xffff;
	_ =	sdelay $0x3  }
0x279: {  	v1 =	vld [tilespmem:s8+$0x1B710]  }
0x27a: {  	[tilespmem:s2+$0x1D770] =	vst v0  }
0x27b: {  	v0 =	vld.idx.msk [tilespmem:v2+s4+$0x0], $0xffff;
	_ =	sdelay $0x3  }
0x27c: {  	v58 =	vld [tilespmem:s8+$0x1B720]  }
0x27d: {  	[tilespmem:s8+$0x1D700] =	vst v0  }
0x27e: {  	v1 =	vld.idx.msk [tilespmem:v1+s4+$0x0], $0xffff;
	_ =	sdelay $0x3  }
0x27f: {  	v59 =	vld [tilespmem:s8+$0x1B730]  }
0x280: {  	[tilespmem:s8+$0x1D710] =	vst v1  }
0x281: {  	v0 =	vld.idx.msk [tilespmem:v58+s4+$0x0], $0xffff;
	_ =	sdelay $0x3  }
0x282: {  	v60 =	vld [tilespmem:s8+$0x1B740]  }
0x283: {  	[tilespmem:s8+$0x1D720] =	vst v0  }
0x284: {  	v1 =	vld.idx.msk [tilespmem:v59+s4+$0x0], $0xffff;
	_ =	sdelay $0x3  }
0x285: {  	v61 =	vld [tilespmem:s8+$0x1B750]  }
0x286: {  	[tilespmem:s8+$0x1D730] =	vst v1  }
0x287: {  	v0 =	vld.idx.msk [tilespmem:v60+s4+$0x0], $0xffff;
	_ =	sdelay $0x3  }
0x288: {  	v62 =	vld [tilespmem:s8+$0x1B760]  }
0x289: {  	[tilespmem:s8+$0x1D740] =	vst v0  }
0x28a: {  	v1 =	vld.idx.msk [tilespmem:v61+s4+$0x0], $0xffff;
	_ =	sdelay $0x3  }
0x28b: {  	v63 =	vld [tilespmem:s8+$0x1B770]  }
0x28c: {  	[tilespmem:s8+$0x1D750] =	vst v1  }
0x28d: {  	v0 =	vld.idx.msk [tilespmem:v62+s4+$0x0], $0xffff;
	_ =	sdelay $0x4  }
0x28e: {  	[tilespmem:s8+$0x1D760] =	vst v0  }
0x28f: {  	v0 =	vld.idx.msk [tilespmem:v63+s4+$0x0], $0xffff;
	_ =	sdelay $0x2  }
0x290: {  	s4 =	sadd.s32 $0x0, s16  }
0x291: {  	s12 =	sor.u32 $0x1000, s4  }
0x292: {  	s2 =	simm.s32 $0x1D700;
	s18 =	sor.u32 $0x1080, s4;
	s17 =	sadd.s32 s0, s12;
	[tilespmem:s8+$0x1D770] =	vst v0  }
0x293: {  	[hbm4b:s17+s1] =	stream.linear.scatter [tilespmem:s2], [sflag:$0x3], $0x80, $0x38;
	[tilespmem:$0x1ED00] =	vst v63  }
0x294: {  	s19 =	simm.s32 $0x1D780;
	s8 =	sadd.s32 s0, s18;
	s17 =	sor.u32 $0x1100, s4  }
0x295: {  	[hbm4b:s8+s1] =	stream.linear.scatter [tilespmem:s19], [sflag:$0x3], $0x80, $0x38;
	[tilespmem:$0x1ED00] =	vst v63  }
0x296: {  	s18 =	simm.s32 $0x1D800;
	s4 =	sor.u32 $0x1180, s4;
	s17 =	sadd.s32 s0, s17  }
0x297: {  	[hbm4b:s17+s1] =	stream.linear.scatter [tilespmem:s18], [sflag:$0x3], $0x80, $0x38;
	[tilespmem:$0x1ED00] =	vst v63  }
0x298: {  	s4 =	sadd.s32 s0, s4;
	s19 =	simm.s32 $0x1D880  }
0x299: {  	[hbm4b:s4+s1] =	stream.linear.scatter [tilespmem:s19], [sflag:$0x3], $0x80, $0x38;
	[tilespmem:$0x1ED00] =	vst v63  }
0x29a: {  	s4 =	sadd.s32 $0x200, s16  }
0x29b: {  	s8 =	simm.s32 $0x400;
	s12 =	sor.u32 $0x1000, s4  }
.LBB2_12:
0x29c: {  	p0 =	sne.s32 s8, $0xE00;
	s12 =	sadd.s32 s0, s12;
	s2 =	sadd.s32 $0x200, s2  }
0x29d: {  	[hbm4b:s12+s1] =	stream.linear.scatter [tilespmem:s2], [sflag:$0x3], $0x80, $0x38;
	[tilespmem:$0x1ED00] =	vst v63  }
0x29e: {  	s12 =	sor.u32 $0x1080, s4  }
0x29f: {  	s18 =	sor.u32 $0x1100, s4;
	s17 =	sadd.s32 $0x80, s2;
	s12 =	sadd.s32 s0, s12  }
0x2a0: {  	[hbm4b:s12+s1] =	stream.linear.scatter [tilespmem:s17], [sflag:$0x3], $0x80, $0x38;
	[tilespmem:$0x1ED00] =	vst v63  }
0x2a1: {  	s12 =	sadd.s32 s0, s18  }
.Ltmp5:
0x2a2: {  	s17 =	sadd.s32 $0x100, s2;
	s18 =	sor.u32 $0x1180, s4;
	(pc) =	sbr.rel @p0 .LBB2_12-.Ltmp5, $4  }
0x2a3: {  	[hbm4b:s12+s1] =	stream.linear.scatter [tilespmem:s17], [sflag:$0x3], $0x80, $0x38;
	[tilespmem:$0x1ED00] =	vst v63  }
0x2a4: {  	s4 =	sadd.s32 s8, s16;
	s12 =	sadd.s32 s0, s18;
	s17 =	sadd.s32 $0x180, s2  }
0x2a5: {  	[hbm4b:s12+s1] =	stream.linear.scatter [tilespmem:s17], [sflag:$0x3], $0x80, $0x38;
	[tilespmem:$0x1ED00] =	vst v63  }
0x2a6: {  	s8 =	sadd.s32 $0x200, s8;
	s12 =	sor.u32 $0x1000, s4  }
0x2a7: {  	s8 =	sadd.s32 s0, s12;
	s2 =	sadd.s32 $0x200, s2;
	s18 =	sor.u32 $0x1080, s4  }
0x2a8: {  	[hbm4b:s8+s1] =	stream.linear.scatter [tilespmem:s2], [sflag:$0x3], $0x80, $0x38;
	[tilespmem:$0x1ED00] =	vst v63  }
0x2a9: {  	s17 =	sor.u32 $0x1100, s4;
	s8 =	sadd.s32 s0, s18;
	s19 =	sadd.s32 $0x80, s2  }
0x2aa: {  	[hbm4b:s8+s1] =	stream.linear.scatter [tilespmem:s19], [sflag:$0x3], $0x80, $0x38;
	[tilespmem:$0x1ED00] =	vst v63  }
0x2ab: {  	s17 =	sadd.s32 s0, s17;
	s18 =	sadd.s32 $0x100, s2;
	s19 =	sor.u32 $0x1180, s4  }
0x2ac: {  	[hbm4b:s17+s1] =	stream.linear.scatter [tilespmem:s18], [sflag:$0x3], $0x80, $0x38;
	[tilespmem:$0x1ED00] =	vst v63  }
0x2ad: {  	s12 =	simm.s32 $0x2;
	s2 =	sadd.s32 $0x180, s2;
	s4 =	sadd.s32 s0, s19  }
0x2ae: {  	[hbm4b:s4+s1] =	stream.linear.scatter [tilespmem:s2], [sflag:$0x3], $0x80, $0x38;
	[tilespmem:$0x1ED00] =	vst v63  }
0x2af: {  	_ =	swait.ge [sflag:s12], $0x1000  }
0x2b0: {  	s17 =	sld [smem:$0x7B7]  }
0x2b1: {  	[sflag:s12] =	ssyncset.done $0x0  }
0x2b2: {  	s19 =	simm.s32 $0x3;
	s18 =	simm.s32 $0x1B700;
	[sflag:s12] =	ssyncadd.s32 $0xFFFFF000  }
0x2b3: {  	[tilespmem:s18], [sflag:$0x2] =	stream.linear.gather [spmem:s17], $0x1000, $0x38;
	[tilespmem:$0x1ED00] =	vst v63  }
0x2b4: {  	_ =	swait.ge [sflag:s19], $0x1000  }
0x2b5: {  	[sflag:s19] =	ssyncset.done $0x0  }
0x2b6: {  	s12 =	simm.s32 $0x0;
	[sflag:s19] =	ssyncadd.s32 $0xFFFFF000  }
0x2b7: {  	v0 =	vld [tilespmem:s12+$0x1A700];
	_ =	sdelay $0x5  }
0x2b8: {  	v1 =	vld [tilespmem:s12+$0x1A710]  }
0x2b9: {  	s2 =	simm.s32 $0x0  }
0x2ba: {  	v0 =	vld.idx.msk [tilespmem:v0+s2+$0x0], $0xffff;
	_ =	sdelay $0x4  }
0x2bb: {  	[tilespmem:s12+$0x1C700] =	vst v0;
	v0 =	vld [tilespmem:s12+$0x1A720]  }
0x2bc: {  	v1 =	vld.idx.msk [tilespmem:v1+s2+$0x0], $0xffff;
	_ =	sdelay $0x4  }
0x2bd: {  	[tilespmem:s12+$0x1C710] =	vst v1;
	v1 =	vld [tilespmem:s12+$0x1A730];
	_ =	sdelay $0x1  }
0x2be: {  	v0 =	vld.idx.msk [tilespmem:v0+s2+$0x0], $0xffff;
	_ =	sdelay $0x4  }
0x2bf: {  	[tilespmem:s12+$0x1C720] =	vst v0;
	v0 =	vld [tilespmem:s12+$0x1A740]  }
0x2c0: {  	v1 =	vld.idx.msk [tilespmem:v1+s2+$0x0], $0xffff;
	_ =	sdelay $0x4  }
0x2c1: {  	[tilespmem:s12+$0x1C730] =	vst v1;
	v1 =	vld [tilespmem:s12+$0x1A750];
	_ =	sdelay $0x1  }
0x2c2: {  	v0 =	vld.idx.msk [tilespmem:v0+s2+$0x0], $0xffff;
	_ =	sdelay $0x4  }
0x2c3: {  	v2 =	vld [tilespmem:s12+$0x1A760];
	[tilespmem:s12+$0x1C740] =	vst v0  }
0x2c4: {  	v0 =	vld.idx.msk [tilespmem:v1+s2+$0x0], $0xffff;
	_ =	sdelay $0x4  }
0x2c5: {  	[tilespmem:s12+$0x1C750] =	vst v0;
	v0 =	vld [tilespmem:s12+$0x1A770];
	_ =	sdelay $0x1  }
0x2c6: {  	v1 =	vld.idx.msk [tilespmem:v2+s2+$0x0], $0xffff;
	_ =	sdelay $0x3  }
0x2c7: {  	s8 =	simm.s32 $0x400;
	s4 =	simm.s32 $0x200;
	s17 =	simm.s32 $0x80  }
.LBB2_14:
0x2c8: {  	p0 =	sne.s32 s8, $0x3E00;
	v2 =	vld [tilespmem:s17+$0x1A700];
	[tilespmem:s12+$0x1C760] =	vst v1  }
0x2c9: {  	v0 =	vld.idx.msk [tilespmem:v0+s2+$0x0], $0xffff;
	_ =	sdelay $0x5  }
0x2ca: {  	v1 =	vld [tilespmem:s17+$0x1A710];
	[tilespmem:s12+$0x1C770] =	vst v0;
	s12 =	smov.u32 s17  }
0x2cb: {  	v0 =	vld.idx.msk [tilespmem:v2+s2+$0x0], $0xffff;
	_ =	sdelay $0x5  }
0x2cc: {  	[tilespmem:s12+$0x1C700] =	vst v0;
	v0 =	vld [tilespmem:s12+$0x1A720]  }
0x2cd: {  	v1 =	vld.idx.msk [tilespmem:v1+s2+$0x0], $0xffff;
	_ =	sdelay $0x5  }
0x2ce: {  	[tilespmem:s12+$0x1C710] =	vst v1;
	v1 =	vld [tilespmem:s12+$0x1A730]  }
0x2cf: {  	v0 =	vld.idx.msk [tilespmem:v0+s2+$0x0], $0xffff;
	_ =	sdelay $0x5  }
0x2d0: {  	[tilespmem:s12+$0x1C720] =	vst v0;
	v0 =	vld [tilespmem:s12+$0x1A740]  }
0x2d1: {  	v1 =	vld.idx.msk [tilespmem:v1+s2+$0x0], $0xffff;
	_ =	sdelay $0x5  }
0x2d2: {  	[tilespmem:s12+$0x1C730] =	vst v1;
	v1 =	vld [tilespmem:s12+$0x1A750]  }
0x2d3: {  	v0 =	vld.idx.msk [tilespmem:v0+s2+$0x0], $0xffff;
	_ =	sdelay $0x5  }
0x2d4: {  	[tilespmem:s12+$0x1C740] =	vst v0;
	v2 =	vld [tilespmem:s12+$0x1A760]  }
0x2d5: {  	v0 =	vld.idx.msk [tilespmem:v1+s2+$0x0], $0xffff;
	_ =	sdelay $0x5  }
0x2d6: {  	[tilespmem:s12+$0x1C750] =	vst v0;
	v0 =	vld [tilespmem:s12+$0x1A770]  }
0x2d7: {  	v1 =	vld.idx.msk [tilespmem:v2+s2+$0x0], $0xffff  }
.Ltmp6:
0x2d8: {  	(pc) =	sbr.rel @p0 .LBB2_14-.Ltmp6, $2  }
0x2d9: {  	_ =	sdelay $0x2  }
0x2da: {  	s17 =	sshra.s32 s8, $0x2;
	s8 =	sadd.s32 $0x200, s8  }
0x2db: {  	_ =	sdelay $0x1  }
0x2dc: {  	v2 =	vld [tilespmem:s17+$0x1A700]  }
0x2dd: {  	[tilespmem:s12+$0x1C760] =	vst v1  }
0x2de: {  	v0 =	vld.idx.msk [tilespmem:v0+s2+$0x0], $0xffff;
	_ =	sdelay $0x3  }
0x2df: {  	v1 =	vld [tilespmem:s17+$0x1A710]  }
0x2e0: {  	[tilespmem:s12+$0x1C770] =	vst v0  }
0x2e1: {  	v0 =	vld.idx.msk [tilespmem:v2+s2+$0x0], $0xffff;
	_ =	sdelay $0x3  }
0x2e2: {  	v58 =	vld [tilespmem:s17+$0x1A720]  }
0x2e3: {  	[tilespmem:s17+$0x1C700] =	vst v0  }
0x2e4: {  	v1 =	vld.idx.msk [tilespmem:v1+s2+$0x0], $0xffff;
	_ =	sdelay $0x3  }
0x2e5: {  	v59 =	vld [tilespmem:s17+$0x1A730]  }
0x2e6: {  	[tilespmem:s17+$0x1C710] =	vst v1  }
0x2e7: {  	v0 =	vld.idx.msk [tilespmem:v58+s2+$0x0], $0xffff;
	_ =	sdelay $0x3  }
0x2e8: {  	v60 =	vld [tilespmem:s17+$0x1A740]  }
0x2e9: {  	[tilespmem:s17+$0x1C720] =	vst v0  }
0x2ea: {  	v1 =	vld.idx.msk [tilespmem:v59+s2+$0x0], $0xffff;
	_ =	sdelay $0x3  }
0x2eb: {  	v61 =	vld [tilespmem:s17+$0x1A750]  }
0x2ec: {  	[tilespmem:s17+$0x1C730] =	vst v1  }
0x2ed: {  	v0 =	vld.idx.msk [tilespmem:v60+s2+$0x0], $0xffff;
	_ =	sdelay $0x3  }
0x2ee: {  	v62 =	vld [tilespmem:s17+$0x1A760]  }
0x2ef: {  	[tilespmem:s17+$0x1C740] =	vst v0  }
0x2f0: {  	v1 =	vld.idx.msk [tilespmem:v61+s2+$0x0], $0xffff;
	_ =	sdelay $0x3  }
0x2f1: {  	v63 =	vld [tilespmem:s17+$0x1A770]  }
0x2f2: {  	[tilespmem:s17+$0x1C750] =	vst v1  }
0x2f3: {  	v0 =	vld.idx.msk [tilespmem:v62+s2+$0x0], $0xffff;
	_ =	sdelay $0x4  }
0x2f4: {  	[tilespmem:s17+$0x1C760] =	vst v0  }
0x2f5: {  	v0 =	vld.idx.msk [tilespmem:v63+s2+$0x0], $0xffff;
	_ =	sdelay $0x4  }
0x2f6: {  	s19 =	simm.s32 $0x1C700;
	s8 =	sadd.s32 $0x0, s22;
	[tilespmem:s17+$0x1C770] =	vst v0  }
0x2f7: {  	[hbm4b:s8+s1] =	stream.linear.scatter [tilespmem:s19], [sflag:$0x3], $0x80, $0x38;
	[tilespmem:$0x1ED00] =	vst v63  }
0x2f8: {  	s19 =	sld [smem:$0x7A4]  }
0x2f9: {  	s12 =	simm.s32 $0x1C780;
	s8 =	sadd.s32 $0x0, s23  }
0x2fa: {  	[hbm4b:s8+s1] =	stream.linear.scatter [tilespmem:s12], [sflag:$0x3], $0x80, $0x38;
	[tilespmem:$0x1ED00] =	vst v63  }
0x2fb: {  	s18 =	simm.s32 $0x1C800;
	s2 =	simm.s32 $0x1C900;
	s17 =	sadd.s32 $0x0, s19  }
0x2fc: {  	[hbm4b:s17+s1] =	stream.linear.scatter [tilespmem:s18], [sflag:$0x3], $0x80, $0x38;
	[tilespmem:$0x1ED00] =	vst v63  }
0x2fd: {  	s8 =	sadd.s32 $0x0, s28;
	s12 =	simm.s32 $0x1C880;
	s18 =	sld [smem:$0x79C]  }
.LBB2_16:
0x2fe: {  	[hbm4b:s8+s1] =	stream.linear.scatter [tilespmem:s12], [sflag:$0x3], $0x80, $0x38;
	[tilespmem:$0x1ED00] =	vst v63  }
0x2ff: {  	s8 =	smov.u32 s4  }
0x300: {  	p0 =	sne.s32 s4, $0xE00;
	s4 =	sadd.s32 $0x200, s4;
	s12 =	sadd.s32 s8, s22  }
0x301: {  	[hbm4b:s12+s1] =	stream.linear.scatter [tilespmem:s2], [sflag:$0x3], $0x80, $0x38;
	[tilespmem:$0x1ED00] =	vst v63  }
.Ltmp7:
0x302: {  	s17 =	sadd.s32 $0x80, s2;
	s12 =	sadd.s32 s8, s23;
	(pc) =	sbr.rel @p0 .LBB2_16-.Ltmp7, $4  }
0x303: {  	[hbm4b:s12+s1] =	stream.linear.scatter [tilespmem:s17], [sflag:$0x3], $0x80, $0x38;
	[tilespmem:$0x1ED00] =	vst v63  }
0x304: {  	s12 =	sadd.s32 s8, s19;
	s17 =	sadd.s32 $0x100, s2  }
0x305: {  	[hbm4b:s12+s1] =	stream.linear.scatter [tilespmem:s17], [sflag:$0x3], $0x80, $0x38;
	[tilespmem:$0x1ED00] =	vst v63  }
0x306: {  	s8 =	sadd.s32 s8, s28;
	s12 =	sadd.s32 $0x180, s2;
	s2 =	sadd.s32 $0x200, s2  }
0x307: {  	[hbm4b:s8+s1] =	stream.linear.scatter [tilespmem:s12], [sflag:$0x3], $0x80, $0x38;
	[tilespmem:$0x1ED00] =	vst v63  }
0x308: {  	s2 =	simm.s32 $0x2  }
0x309: {  	_ =	swait.ge [sflag:s2], $0x1000  }
0x30a: {  	s23 =	sld [smem:$0x7B8]  }
0x30b: {  	[sflag:s2] =	ssyncset.done $0x0  }
0x30c: {  	s4 =	simm.s32 $0x1A700;
	s28 =	simm.s32 $0x3;
	[sflag:s2] =	ssyncadd.s32 $0xFFFFF000  }
0x30d: {  	[tilespmem:s4], [sflag:$0x2] =	stream.linear.gather [spmem:s23], $0x1000, $0x38;
	[tilespmem:$0x1ED00] =	vst v63  }
0x30e: {  	_ =	swait.ge [sflag:s28], $0x1000  }
0x30f: {  	[sflag:s28] =	ssyncset.done $0x0  }
0x310: {  	s12 =	simm.s32 $0x0;
	[sflag:s28] =	ssyncadd.s32 $0xFFFFF000  }
0x311: {  	v0 =	vld [tilespmem:s12+$0x1B700];
	_ =	sdelay $0x5  }
0x312: {  	v1 =	vld [tilespmem:s12+$0x1B710]  }
0x313: {  	s2 =	simm.s32 $0x0  }
0x314: {  	v0 =	vld.idx.msk [tilespmem:v0+s2+$0x0], $0xffff;
	_ =	sdelay $0x4  }
0x315: {  	[tilespmem:s12+$0x1D700] =	vst v0;
	v0 =	vld [tilespmem:s12+$0x1B720]  }
0x316: {  	v1 =	vld.idx.msk [tilespmem:v1+s2+$0x0], $0xffff;
	_ =	sdelay $0x4  }
0x317: {  	[tilespmem:s12+$0x1D710] =	vst v1;
	v1 =	vld [tilespmem:s12+$0x1B730];
	_ =	sdelay $0x1  }
0x318: {  	v0 =	vld.idx.msk [tilespmem:v0+s2+$0x0], $0xffff;
	_ =	sdelay $0x4  }
0x319: {  	[tilespmem:s12+$0x1D720] =	vst v0;
	v0 =	vld [tilespmem:s12+$0x1B740]  }
0x31a: {  	v1 =	vld.idx.msk [tilespmem:v1+s2+$0x0], $0xffff;
	_ =	sdelay $0x4  }
0x31b: {  	[tilespmem:s12+$0x1D730] =	vst v1;
	v1 =	vld [tilespmem:s12+$0x1B750];
	_ =	sdelay $0x1  }
0x31c: {  	v0 =	vld.idx.msk [tilespmem:v0+s2+$0x0], $0xffff;
	_ =	sdelay $0x4  }
0x31d: {  	v2 =	vld [tilespmem:s12+$0x1B760];
	[tilespmem:s12+$0x1D740] =	vst v0  }
0x31e: {  	v0 =	vld.idx.msk [tilespmem:v1+s2+$0x0], $0xffff;
	_ =	sdelay $0x4  }
0x31f: {  	[tilespmem:s12+$0x1D750] =	vst v0;
	v0 =	vld [tilespmem:s12+$0x1B770];
	_ =	sdelay $0x1  }
0x320: {  	v1 =	vld.idx.msk [tilespmem:v2+s2+$0x0], $0xffff;
	_ =	sdelay $0x3  }
0x321: {  	s17 =	simm.s32 $0x80;
	s8 =	simm.s32 $0x400;
	s4 =	simm.s32 $0x200  }
.LBB2_18:
0x322: {  	p0 =	sne.s32 s8, $0x3E00;
	v2 =	vld [tilespmem:s17+$0x1B700];
	[tilespmem:s12+$0x1D760] =	vst v1  }
0x323: {  	v0 =	vld.idx.msk [tilespmem:v0+s2+$0x0], $0xffff;
	_ =	sdelay $0x5  }
0x324: {  	v1 =	vld [tilespmem:s17+$0x1B710];
	[tilespmem:s12+$0x1D770] =	vst v0;
	s12 =	smov.u32 s17  }
0x325: {  	v0 =	vld.idx.msk [tilespmem:v2+s2+$0x0], $0xffff;
	_ =	sdelay $0x5  }
0x326: {  	[tilespmem:s12+$0x1D700] =	vst v0;
	v0 =	vld [tilespmem:s12+$0x1B720]  }
0x327: {  	v1 =	vld.idx.msk [tilespmem:v1+s2+$0x0], $0xffff;
	_ =	sdelay $0x5  }
0x328: {  	[tilespmem:s12+$0x1D710] =	vst v1;
	v1 =	vld [tilespmem:s12+$0x1B730]  }
0x329: {  	v0 =	vld.idx.msk [tilespmem:v0+s2+$0x0], $0xffff;
	_ =	sdelay $0x5  }
0x32a: {  	[tilespmem:s12+$0x1D720] =	vst v0;
	v0 =	vld [tilespmem:s12+$0x1B740]  }
0x32b: {  	v1 =	vld.idx.msk [tilespmem:v1+s2+$0x0], $0xffff;
	_ =	sdelay $0x5  }
0x32c: {  	[tilespmem:s12+$0x1D730] =	vst v1;
	v1 =	vld [tilespmem:s12+$0x1B750]  }
0x32d: {  	v0 =	vld.idx.msk [tilespmem:v0+s2+$0x0], $0xffff;
	_ =	sdelay $0x5  }
0x32e: {  	[tilespmem:s12+$0x1D740] =	vst v0;
	v2 =	vld [tilespmem:s12+$0x1B760]  }
0x32f: {  	v0 =	vld.idx.msk [tilespmem:v1+s2+$0x0], $0xffff;
	_ =	sdelay $0x5  }
0x330: {  	[tilespmem:s12+$0x1D750] =	vst v0;
	v0 =	vld [tilespmem:s12+$0x1B770]  }
0x331: {  	v1 =	vld.idx.msk [tilespmem:v2+s2+$0x0], $0xffff  }
.Ltmp8:
0x332: {  	(pc) =	sbr.rel @p0 .LBB2_18-.Ltmp8, $2  }
0x333: {  	_ =	sdelay $0x2  }
0x334: {  	s17 =	sshra.s32 s8, $0x2;
	s8 =	sadd.s32 $0x200, s8  }
0x335: {  	_ =	sdelay $0x1  }
0x336: {  	v2 =	vld [tilespmem:s17+$0x1B700]  }
0x337: {  	[tilespmem:s12+$0x1D760] =	vst v1  }
0x338: {  	v0 =	vld.idx.msk [tilespmem:v0+s2+$0x0], $0xffff;
	_ =	sdelay $0x3  }
0x339: {  	v1 =	vld [tilespmem:s17+$0x1B710]  }
0x33a: {  	[tilespmem:s12+$0x1D770] =	vst v0  }
0x33b: {  	v0 =	vld.idx.msk [tilespmem:v2+s2+$0x0], $0xffff;
	_ =	sdelay $0x3  }
0x33c: {  	v58 =	vld [tilespmem:s17+$0x1B720]  }
0x33d: {  	[tilespmem:s17+$0x1D700] =	vst v0  }
0x33e: {  	v1 =	vld.idx.msk [tilespmem:v1+s2+$0x0], $0xffff;
	_ =	sdelay $0x3  }
0x33f: {  	v59 =	vld [tilespmem:s17+$0x1B730]  }
0x340: {  	[tilespmem:s17+$0x1D710] =	vst v1  }
0x341: {  	v0 =	vld.idx.msk [tilespmem:v58+s2+$0x0], $0xffff;
	_ =	sdelay $0x3  }
0x342: {  	v60 =	vld [tilespmem:s17+$0x1B740]  }
0x343: {  	[tilespmem:s17+$0x1D720] =	vst v0  }
0x344: {  	v1 =	vld.idx.msk [tilespmem:v59+s2+$0x0], $0xffff;
	_ =	sdelay $0x3  }
0x345: {  	v61 =	vld [tilespmem:s17+$0x1B750]  }
0x346: {  	[tilespmem:s17+$0x1D730] =	vst v1  }
0x347: {  	v0 =	vld.idx.msk [tilespmem:v60+s2+$0x0], $0xffff;
	_ =	sdelay $0x3  }
0x348: {  	v62 =	vld [tilespmem:s17+$0x1B760]  }
0x349: {  	[tilespmem:s17+$0x1D740] =	vst v0  }
0x34a: {  	v1 =	vld.idx.msk [tilespmem:v61+s2+$0x0], $0xffff;
	_ =	sdelay $0x3  }
0x34b: {  	v63 =	vld [tilespmem:s17+$0x1B770]  }
0x34c: {  	[tilespmem:s17+$0x1D750] =	vst v1  }
0x34d: {  	v0 =	vld.idx.msk [tilespmem:v62+s2+$0x0], $0xffff;
	_ =	sdelay $0x4  }
0x34e: {  	[tilespmem:s17+$0x1D760] =	vst v0  }
0x34f: {  	v0 =	vld.idx.msk [tilespmem:v63+s2+$0x0], $0xffff;
	_ =	sdelay $0x1  }
0x350: {  	s28 =	sld [smem:$0x7AA];
	_ =	sdelay $0x2  }
0x351: {  	s23 =	simm.s32 $0x1D700;
	s8 =	sadd.s32 $0x0, s28;
	[tilespmem:s17+$0x1D770] =	vst v0  }
0x352: {  	[hbm4b:s8+s1] =	stream.linear.scatter [tilespmem:s23], [sflag:$0x3], $0x80, $0x38;
	[tilespmem:$0x1ED00] =	vst v63  }
0x353: {  	s23 =	sld [smem:$0x7A9];
	_ =	sdelay $0x1  }
0x354: {  	s22 =	sld [smem:$0x7A8]  }
0x355: {  	s12 =	simm.s32 $0x1D780;
	s8 =	sadd.s32 $0x0, s23  }
0x356: {  	[hbm4b:s8+s1] =	stream.linear.scatter [tilespmem:s12], [sflag:$0x3], $0x80, $0x38;
	[tilespmem:$0x1ED00] =	vst v63  }
0x357: {  	s19 =	simm.s32 $0x1D800;
	s17 =	sadd.s32 $0x0, s22  }
0x358: {  	[hbm4b:s17+s1] =	stream.linear.scatter [tilespmem:s19], [sflag:$0x3], $0x80, $0x38;
	[tilespmem:$0x1ED00] =	vst v63  }
0x359: {  	s19 =	sld [smem:$0x7A7];
	_ =	sdelay $0x2  }
0x35a: {  	s2 =	simm.s32 $0x1D900;
	s12 =	simm.s32 $0x1D880;
	s8 =	sadd.s32 $0x0, s19  }
.LBB2_20:
0x35b: {  	[hbm4b:s8+s1] =	stream.linear.scatter [tilespmem:s12], [sflag:$0x3], $0x80, $0x38;
	[tilespmem:$0x1ED00] =	vst v63  }
0x35c: {  	s8 =	smov.u32 s4  }
0x35d: {  	p0 =	sne.s32 s4, $0xE00;
	s4 =	sadd.s32 $0x200, s4;
	s12 =	sadd.s32 s8, s28  }
0x35e: {  	[hbm4b:s12+s1] =	stream.linear.scatter [tilespmem:s2], [sflag:$0x3], $0x80, $0x38;
	[tilespmem:$0x1ED00] =	vst v63  }
.Ltmp9:
0x35f: {  	s17 =	sadd.s32 $0x80, s2;
	s12 =	sadd.s32 s8, s23;
	(pc) =	sbr.rel @p0 .LBB2_20-.Ltmp9, $4  }
0x360: {  	[hbm4b:s12+s1] =	stream.linear.scatter [tilespmem:s17], [sflag:$0x3], $0x80, $0x38;
	[tilespmem:$0x1ED00] =	vst v63  }
0x361: {  	s12 =	sadd.s32 s8, s22;
	s17 =	sadd.s32 $0x100, s2  }
0x362: {  	[hbm4b:s12+s1] =	stream.linear.scatter [tilespmem:s17], [sflag:$0x3], $0x80, $0x38;
	[tilespmem:$0x1ED00] =	vst v63  }
0x363: {  	s8 =	sadd.s32 s8, s19;
	s12 =	sadd.s32 $0x180, s2;
	s2 =	sadd.s32 $0x200, s2  }
0x364: {  	[hbm4b:s8+s1] =	stream.linear.scatter [tilespmem:s12], [sflag:$0x3], $0x80, $0x38;
	[tilespmem:$0x1ED00] =	vst v63  }
0x365: {  	s2 =	simm.s32 $0x2  }
0x366: {  	_ =	swait.ge [sflag:s2], $0x1000  }
0x367: {  	s23 =	sld [smem:$0x7B9]  }
0x368: {  	[sflag:s2] =	ssyncset.done $0x0  }
0x369: {  	s4 =	simm.s32 $0x1B700;
	s28 =	simm.s32 $0x3;
	[sflag:s2] =	ssyncadd.s32 $0xFFFFF000  }
0x36a: {  	[tilespmem:s4], [sflag:$0x2] =	stream.linear.gather [spmem:s23], $0x1000, $0x38;
	[tilespmem:$0x1ED00] =	vst v63  }
0x36b: {  	_ =	swait.ge [sflag:s28], $0x1000  }
0x36c: {  	[sflag:s28] =	ssyncset.done $0x0  }
0x36d: {  	s12 =	simm.s32 $0x0;
	[sflag:s28] =	ssyncadd.s32 $0xFFFFF000  }
0x36e: {  	v0 =	vld [tilespmem:s12+$0x1A700];
	_ =	sdelay $0x5  }
0x36f: {  	v1 =	vld [tilespmem:s12+$0x1A710]  }
0x370: {  	s2 =	simm.s32 $0x0  }
0x371: {  	v0 =	vld.idx.msk [tilespmem:v0+s2+$0x0], $0xffff;
	_ =	sdelay $0x4  }
0x372: {  	[tilespmem:s12+$0x1C700] =	vst v0;
	v0 =	vld [tilespmem:s12+$0x1A720]  }
0x373: {  	v1 =	vld.idx.msk [tilespmem:v1+s2+$0x0], $0xffff;
	_ =	sdelay $0x4  }
0x374: {  	[tilespmem:s12+$0x1C710] =	vst v1;
	v1 =	vld [tilespmem:s12+$0x1A730];
	_ =	sdelay $0x1  }
0x375: {  	v0 =	vld.idx.msk [tilespmem:v0+s2+$0x0], $0xffff;
	_ =	sdelay $0x4  }
0x376: {  	[tilespmem:s12+$0x1C720] =	vst v0;
	v0 =	vld [tilespmem:s12+$0x1A740]  }
0x377: {  	v1 =	vld.idx.msk [tilespmem:v1+s2+$0x0], $0xffff;
	_ =	sdelay $0x4  }
0x378: {  	[tilespmem:s12+$0x1C730] =	vst v1;
	v1 =	vld [tilespmem:s12+$0x1A750];
	_ =	sdelay $0x1  }
0x379: {  	v0 =	vld.idx.msk [tilespmem:v0+s2+$0x0], $0xffff;
	_ =	sdelay $0x4  }
0x37a: {  	v2 =	vld [tilespmem:s12+$0x1A760];
	[tilespmem:s12+$0x1C740] =	vst v0  }
0x37b: {  	v0 =	vld.idx.msk [tilespmem:v1+s2+$0x0], $0xffff;
	_ =	sdelay $0x4  }
0x37c: {  	[tilespmem:s12+$0x1C750] =	vst v0;
	v0 =	vld [tilespmem:s12+$0x1A770];
	_ =	sdelay $0x1  }
0x37d: {  	v1 =	vld.idx.msk [tilespmem:v2+s2+$0x0], $0xffff;
	_ =	sdelay $0x3  }
0x37e: {  	s17 =	simm.s32 $0x80;
	s8 =	simm.s32 $0x400;
	s4 =	simm.s32 $0x200  }
.LBB2_22:
0x37f: {  	p0 =	sne.s32 s8, $0x3E00;
	v2 =	vld [tilespmem:s17+$0x1A700];
	[tilespmem:s12+$0x1C760] =	vst v1  }
0x380: {  	v0 =	vld.idx.msk [tilespmem:v0+s2+$0x0], $0xffff;
	_ =	sdelay $0x5  }
0x381: {  	v1 =	vld [tilespmem:s17+$0x1A710];
	[tilespmem:s12+$0x1C770] =	vst v0;
	s12 =	smov.u32 s17  }
0x382: {  	v0 =	vld.idx.msk [tilespmem:v2+s2+$0x0], $0xffff;
	_ =	sdelay $0x5  }
0x383: {  	[tilespmem:s12+$0x1C700] =	vst v0;
	v0 =	vld [tilespmem:s12+$0x1A720]  }
0x384: {  	v1 =	vld.idx.msk [tilespmem:v1+s2+$0x0], $0xffff;
	_ =	sdelay $0x5  }
0x385: {  	[tilespmem:s12+$0x1C710] =	vst v1;
	v1 =	vld [tilespmem:s12+$0x1A730]  }
0x386: {  	v0 =	vld.idx.msk [tilespmem:v0+s2+$0x0], $0xffff;
	_ =	sdelay $0x5  }
0x387: {  	[tilespmem:s12+$0x1C720] =	vst v0;
	v0 =	vld [tilespmem:s12+$0x1A740]  }
0x388: {  	v1 =	vld.idx.msk [tilespmem:v1+s2+$0x0], $0xffff;
	_ =	sdelay $0x5  }
0x389: {  	[tilespmem:s12+$0x1C730] =	vst v1;
	v1 =	vld [tilespmem:s12+$0x1A750]  }
0x38a: {  	v0 =	vld.idx.msk [tilespmem:v0+s2+$0x0], $0xffff;
	_ =	sdelay $0x5  }
0x38b: {  	[tilespmem:s12+$0x1C740] =	vst v0;
	v2 =	vld [tilespmem:s12+$0x1A760]  }
0x38c: {  	v0 =	vld.idx.msk [tilespmem:v1+s2+$0x0], $0xffff;
	_ =	sdelay $0x5  }
0x38d: {  	[tilespmem:s12+$0x1C750] =	vst v0;
	v0 =	vld [tilespmem:s12+$0x1A770]  }
0x38e: {  	v1 =	vld.idx.msk [tilespmem:v2+s2+$0x0], $0xffff  }
.Ltmp10:
0x38f: {  	(pc) =	sbr.rel @p0 .LBB2_22-.Ltmp10, $2  }
0x390: {  	_ =	sdelay $0x2  }
0x391: {  	s17 =	sshra.s32 s8, $0x2;
	s8 =	sadd.s32 $0x200, s8  }
0x392: {  	_ =	sdelay $0x1  }
0x393: {  	v2 =	vld [tilespmem:s17+$0x1A700]  }
0x394: {  	[tilespmem:s12+$0x1C760] =	vst v1  }
0x395: {  	v0 =	vld.idx.msk [tilespmem:v0+s2+$0x0], $0xffff;
	_ =	sdelay $0x3  }
0x396: {  	v1 =	vld [tilespmem:s17+$0x1A710]  }
0x397: {  	[tilespmem:s12+$0x1C770] =	vst v0  }
0x398: {  	v0 =	vld.idx.msk [tilespmem:v2+s2+$0x0], $0xffff;
	_ =	sdelay $0x3  }
0x399: {  	v58 =	vld [tilespmem:s17+$0x1A720]  }
0x39a: {  	[tilespmem:s17+$0x1C700] =	vst v0  }
0x39b: {  	v1 =	vld.idx.msk [tilespmem:v1+s2+$0x0], $0xffff;
	_ =	sdelay $0x3  }
0x39c: {  	v59 =	vld [tilespmem:s17+$0x1A730]  }
0x39d: {  	[tilespmem:s17+$0x1C710] =	vst v1  }
0x39e: {  	v0 =	vld.idx.msk [tilespmem:v58+s2+$0x0], $0xffff;
	_ =	sdelay $0x3  }
0x39f: {  	v60 =	vld [tilespmem:s17+$0x1A740]  }
0x3a0: {  	[tilespmem:s17+$0x1C720] =	vst v0  }
0x3a1: {  	v1 =	vld.idx.msk [tilespmem:v59+s2+$0x0], $0xffff;
	_ =	sdelay $0x3  }
0x3a2: {  	v61 =	vld [tilespmem:s17+$0x1A750]  }
0x3a3: {  	[tilespmem:s17+$0x1C730] =	vst v1  }
0x3a4: {  	v0 =	vld.idx.msk [tilespmem:v60+s2+$0x0], $0xffff;
	_ =	sdelay $0x3  }
0x3a5: {  	v62 =	vld [tilespmem:s17+$0x1A760]  }
0x3a6: {  	[tilespmem:s17+$0x1C740] =	vst v0  }
0x3a7: {  	v1 =	vld.idx.msk [tilespmem:v61+s2+$0x0], $0xffff;
	_ =	sdelay $0x3  }
0x3a8: {  	v63 =	vld [tilespmem:s17+$0x1A770]  }
0x3a9: {  	[tilespmem:s17+$0x1C750] =	vst v1  }
0x3aa: {  	v0 =	vld.idx.msk [tilespmem:v62+s2+$0x0], $0xffff;
	_ =	sdelay $0x4  }
0x3ab: {  	[tilespmem:s17+$0x1C760] =	vst v0  }
0x3ac: {  	v0 =	vld.idx.msk [tilespmem:v63+s2+$0x0], $0xffff;
	_ =	sdelay $0x1  }
0x3ad: {  	s28 =	sld [smem:$0x7AE];
	_ =	sdelay $0x2  }
0x3ae: {  	s23 =	simm.s32 $0x1C700;
	s8 =	sadd.s32 $0x0, s28;
	[tilespmem:s17+$0x1C770] =	vst v0  }
0x3af: {  	[hbm4b:s8+s1] =	stream.linear.scatter [tilespmem:s23], [sflag:$0x3], $0x80, $0x38;
	[tilespmem:$0x1ED00] =	vst v63  }
0x3b0: {  	s23 =	sld [smem:$0x7AD];
	_ =	sdelay $0x1  }
0x3b1: {  	s22 =	sld [smem:$0x7AC]  }
0x3b2: {  	s12 =	simm.s32 $0x1C780;
	s8 =	sadd.s32 $0x0, s23  }
0x3b3: {  	[hbm4b:s8+s1] =	stream.linear.scatter [tilespmem:s12], [sflag:$0x3], $0x80, $0x38;
	[tilespmem:$0x1ED00] =	vst v63  }
0x3b4: {  	s19 =	simm.s32 $0x1C800;
	s17 =	sadd.s32 $0x0, s22  }
0x3b5: {  	[hbm4b:s17+s1] =	stream.linear.scatter [tilespmem:s19], [sflag:$0x3], $0x80, $0x38;
	[tilespmem:$0x1ED00] =	vst v63  }
0x3b6: {  	s19 =	sld [smem:$0x7AB];
	_ =	sdelay $0x2  }
0x3b7: {  	s2 =	simm.s32 $0x1C900;
	s12 =	simm.s32 $0x1C880;
	s8 =	sadd.s32 $0x0, s19  }
.LBB2_24:
0x3b8: {  	[hbm4b:s8+s1] =	stream.linear.scatter [tilespmem:s12], [sflag:$0x3], $0x80, $0x38;
	[tilespmem:$0x1ED00] =	vst v63  }
0x3b9: {  	s8 =	smov.u32 s4  }
0x3ba: {  	p0 =	sne.s32 s4, $0xE00;
	s4 =	sadd.s32 $0x200, s4;
	s12 =	sadd.s32 s8, s28  }
0x3bb: {  	[hbm4b:s12+s1] =	stream.linear.scatter [tilespmem:s2], [sflag:$0x3], $0x80, $0x38;
	[tilespmem:$0x1ED00] =	vst v63  }
.Ltmp11:
0x3bc: {  	s17 =	sadd.s32 $0x80, s2;
	s12 =	sadd.s32 s8, s23;
	(pc) =	sbr.rel @p0 .LBB2_24-.Ltmp11, $4  }
0x3bd: {  	[hbm4b:s12+s1] =	stream.linear.scatter [tilespmem:s17], [sflag:$0x3], $0x80, $0x38;
	[tilespmem:$0x1ED00] =	vst v63  }
0x3be: {  	s12 =	sadd.s32 s8, s22;
	s17 =	sadd.s32 $0x100, s2  }
0x3bf: {  	[hbm4b:s12+s1] =	stream.linear.scatter [tilespmem:s17], [sflag:$0x3], $0x80, $0x38;
	[tilespmem:$0x1ED00] =	vst v63  }
0x3c0: {  	s8 =	sadd.s32 s8, s19;
	s12 =	sadd.s32 $0x180, s2;
	s2 =	sadd.s32 $0x200, s2  }
0x3c1: {  	[hbm4b:s8+s1] =	stream.linear.scatter [tilespmem:s12], [sflag:$0x3], $0x80, $0x38;
	[tilespmem:$0x1ED00] =	vst v63  }
0x3c2: {  	s2 =	simm.s32 $0x2  }
0x3c3: {  	_ =	swait.ge [sflag:s2], $0x1000  }
0x3c4: {  	[sflag:s2] =	ssyncset.done $0x0  }
0x3c5: {  	s28 =	simm.s32 $0x3;
	[sflag:s2] =	ssyncadd.s32 $0xFFFFF000  }
0x3c6: {  	_ =	swait.ge [sflag:s28], $0x1000  }
0x3c7: {  	[sflag:s28] =	ssyncset.done $0x0  }
0x3c8: {  	s12 =	simm.s32 $0x0;
	[sflag:s28] =	ssyncadd.s32 $0xFFFFF000  }
0x3c9: {  	v0 =	vld [tilespmem:s12+$0x1B700];
	_ =	sdelay $0x5  }
0x3ca: {  	v1 =	vld [tilespmem:s12+$0x1B710]  }
0x3cb: {  	s2 =	simm.s32 $0x0  }
0x3cc: {  	v0 =	vld.idx.msk [tilespmem:v0+s2+$0x0], $0xffff;
	_ =	sdelay $0x4  }
0x3cd: {  	[tilespmem:s12+$0x1D700] =	vst v0;
	v0 =	vld [tilespmem:s12+$0x1B720]  }
0x3ce: {  	v1 =	vld.idx.msk [tilespmem:v1+s2+$0x0], $0xffff;
	_ =	sdelay $0x4  }
0x3cf: {  	[tilespmem:s12+$0x1D710] =	vst v1;
	v1 =	vld [tilespmem:s12+$0x1B730];
	_ =	sdelay $0x1  }
0x3d0: {  	v0 =	vld.idx.msk [tilespmem:v0+s2+$0x0], $0xffff;
	_ =	sdelay $0x4  }
0x3d1: {  	[tilespmem:s12+$0x1D720] =	vst v0;
	v0 =	vld [tilespmem:s12+$0x1B740]  }
0x3d2: {  	v1 =	vld.idx.msk [tilespmem:v1+s2+$0x0], $0xffff;
	_ =	sdelay $0x4  }
0x3d3: {  	[tilespmem:s12+$0x1D730] =	vst v1;
	v1 =	vld [tilespmem:s12+$0x1B750];
	_ =	sdelay $0x1  }
0x3d4: {  	v0 =	vld.idx.msk [tilespmem:v0+s2+$0x0], $0xffff;
	_ =	sdelay $0x4  }
0x3d5: {  	v2 =	vld [tilespmem:s12+$0x1B760];
	[tilespmem:s12+$0x1D740] =	vst v0  }
0x3d6: {  	v0 =	vld.idx.msk [tilespmem:v1+s2+$0x0], $0xffff;
	_ =	sdelay $0x4  }
0x3d7: {  	[tilespmem:s12+$0x1D750] =	vst v0;
	v0 =	vld [tilespmem:s12+$0x1B770];
	_ =	sdelay $0x1  }
0x3d8: {  	v1 =	vld.idx.msk [tilespmem:v2+s2+$0x0], $0xffff;
	_ =	sdelay $0x3  }
0x3d9: {  	s4 =	simm.s32 $0x200;
	s17 =	simm.s32 $0x80;
	s8 =	simm.s32 $0x400  }
.LBB2_26:
0x3da: {  	p0 =	sne.s32 s8, $0x3E00;
	v2 =	vld [tilespmem:s17+$0x1B700];
	[tilespmem:s12+$0x1D760] =	vst v1  }
0x3db: {  	v0 =	vld.idx.msk [tilespmem:v0+s2+$0x0], $0xffff;
	_ =	sdelay $0x5  }
0x3dc: {  	v1 =	vld [tilespmem:s17+$0x1B710];
	[tilespmem:s12+$0x1D770] =	vst v0;
	s12 =	smov.u32 s17  }
0x3dd: {  	v0 =	vld.idx.msk [tilespmem:v2+s2+$0x0], $0xffff;
	_ =	sdelay $0x5  }
0x3de: {  	[tilespmem:s12+$0x1D700] =	vst v0;
	v0 =	vld [tilespmem:s12+$0x1B720]  }
0x3df: {  	v1 =	vld.idx.msk [tilespmem:v1+s2+$0x0], $0xffff;
	_ =	sdelay $0x5  }
0x3e0: {  	[tilespmem:s12+$0x1D710] =	vst v1;
	v1 =	vld [tilespmem:s12+$0x1B730]  }
0x3e1: {  	v0 =	vld.idx.msk [tilespmem:v0+s2+$0x0], $0xffff;
	_ =	sdelay $0x5  }
0x3e2: {  	[tilespmem:s12+$0x1D720] =	vst v0;
	v0 =	vld [tilespmem:s12+$0x1B740]  }
0x3e3: {  	v1 =	vld.idx.msk [tilespmem:v1+s2+$0x0], $0xffff;
	_ =	sdelay $0x5  }
0x3e4: {  	[tilespmem:s12+$0x1D730] =	vst v1;
	v1 =	vld [tilespmem:s12+$0x1B750]  }
0x3e5: {  	v0 =	vld.idx.msk [tilespmem:v0+s2+$0x0], $0xffff;
	_ =	sdelay $0x5  }
0x3e6: {  	[tilespmem:s12+$0x1D740] =	vst v0;
	v2 =	vld [tilespmem:s12+$0x1B760]  }
0x3e7: {  	v0 =	vld.idx.msk [tilespmem:v1+s2+$0x0], $0xffff;
	_ =	sdelay $0x5  }
0x3e8: {  	[tilespmem:s12+$0x1D750] =	vst v0;
	v0 =	vld [tilespmem:s12+$0x1B770]  }
0x3e9: {  	v1 =	vld.idx.msk [tilespmem:v2+s2+$0x0], $0xffff  }
.Ltmp12:
0x3ea: {  	(pc) =	sbr.rel @p0 .LBB2_26-.Ltmp12, $2  }
0x3eb: {  	_ =	sdelay $0x2  }
0x3ec: {  	s17 =	sshra.s32 s8, $0x2;
	s8 =	sadd.s32 $0x200, s8  }
0x3ed: {  	_ =	sdelay $0x1  }
0x3ee: {  	v2 =	vld [tilespmem:s17+$0x1B700]  }
0x3ef: {  	[tilespmem:s12+$0x1D760] =	vst v1  }
0x3f0: {  	v0 =	vld.idx.msk [tilespmem:v0+s2+$0x0], $0xffff;
	_ =	sdelay $0x3  }
0x3f1: {  	v1 =	vld [tilespmem:s17+$0x1B710]  }
0x3f2: {  	[tilespmem:s12+$0x1D770] =	vst v0  }
0x3f3: {  	v0 =	vld.idx.msk [tilespmem:v2+s2+$0x0], $0xffff;
	_ =	sdelay $0x3  }
0x3f4: {  	v58 =	vld [tilespmem:s17+$0x1B720]  }
0x3f5: {  	[tilespmem:s17+$0x1D700] =	vst v0  }
0x3f6: {  	v1 =	vld.idx.msk [tilespmem:v1+s2+$0x0], $0xffff;
	_ =	sdelay $0x3  }
0x3f7: {  	v59 =	vld [tilespmem:s17+$0x1B730]  }
0x3f8: {  	[tilespmem:s17+$0x1D710] =	vst v1  }
0x3f9: {  	v0 =	vld.idx.msk [tilespmem:v58+s2+$0x0], $0xffff;
	_ =	sdelay $0x3  }
0x3fa: {  	v60 =	vld [tilespmem:s17+$0x1B740]  }
0x3fb: {  	[tilespmem:s17+$0x1D720] =	vst v0  }
0x3fc: {  	v1 =	vld.idx.msk [tilespmem:v59+s2+$0x0], $0xffff;
	_ =	sdelay $0x3  }
0x3fd: {  	v61 =	vld [tilespmem:s17+$0x1B750]  }
0x3fe: {  	[tilespmem:s17+$0x1D730] =	vst v1  }
0x3ff: {  	v0 =	vld.idx.msk [tilespmem:v60+s2+$0x0], $0xffff;
	_ =	sdelay $0x3  }
0x400: {  	v62 =	vld [tilespmem:s17+$0x1B760]  }
0x401: {  	[tilespmem:s17+$0x1D740] =	vst v0  }
0x402: {  	v1 =	vld.idx.msk [tilespmem:v61+s2+$0x0], $0xffff;
	_ =	sdelay $0x3  }
0x403: {  	v63 =	vld [tilespmem:s17+$0x1B770]  }
0x404: {  	[tilespmem:s17+$0x1D750] =	vst v1  }
0x405: {  	v0 =	vld.idx.msk [tilespmem:v62+s2+$0x0], $0xffff;
	_ =	sdelay $0x4  }
0x406: {  	[tilespmem:s17+$0x1D760] =	vst v0  }
0x407: {  	v0 =	vld.idx.msk [tilespmem:v63+s2+$0x0], $0xffff;
	_ =	sdelay $0x1  }
0x408: {  	s28 =	sld [smem:$0x7B2];
	_ =	sdelay $0x2  }
0x409: {  	s23 =	simm.s32 $0x1D700;
	s8 =	sadd.s32 $0x0, s28;
	[tilespmem:s17+$0x1D770] =	vst v0  }
0x40a: {  	[hbm4b:s8+s1] =	stream.linear.scatter [tilespmem:s23], [sflag:$0x3], $0x80, $0x38;
	[tilespmem:$0x1ED00] =	vst v63  }
0x40b: {  	s23 =	sld [smem:$0x7B1];
	_ =	sdelay $0x1  }
0x40c: {  	s22 =	sld [smem:$0x7B0]  }
0x40d: {  	s12 =	simm.s32 $0x1D780;
	s8 =	sadd.s32 $0x0, s23  }
0x40e: {  	[hbm4b:s8+s1] =	stream.linear.scatter [tilespmem:s12], [sflag:$0x3], $0x80, $0x38;
	[tilespmem:$0x1ED00] =	vst v63  }
0x40f: {  	s19 =	simm.s32 $0x1D800;
	s17 =	sadd.s32 $0x0, s22  }
0x410: {  	[hbm4b:s17+s1] =	stream.linear.scatter [tilespmem:s19], [sflag:$0x3], $0x80, $0x38;
	[tilespmem:$0x1ED00] =	vst v63  }
0x411: {  	s19 =	sld [smem:$0x7AF];
	_ =	sdelay $0x2  }
0x412: {  	s2 =	simm.s32 $0x1D900;
	s12 =	simm.s32 $0x1D880;
	s8 =	sadd.s32 $0x0, s19  }
.LBB2_28:
0x413: {  	[hbm4b:s8+s1] =	stream.linear.scatter [tilespmem:s12], [sflag:$0x3], $0x80, $0x38;
	[tilespmem:$0x1ED00] =	vst v63  }
0x414: {  	s8 =	smov.u32 s4  }
0x415: {  	p0 =	sne.s32 s4, $0xE00;
	s4 =	sadd.s32 $0x200, s4;
	s12 =	sadd.s32 s8, s28  }
0x416: {  	[hbm4b:s12+s1] =	stream.linear.scatter [tilespmem:s2], [sflag:$0x3], $0x80, $0x38;
	[tilespmem:$0x1ED00] =	vst v63  }
.Ltmp13:
0x417: {  	s17 =	sadd.s32 $0x80, s2;
	s12 =	sadd.s32 s8, s23;
	(pc) =	sbr.rel @p0 .LBB2_28-.Ltmp13, $4  }
0x418: {  	[hbm4b:s12+s1] =	stream.linear.scatter [tilespmem:s17], [sflag:$0x3], $0x80, $0x38;
	[tilespmem:$0x1ED00] =	vst v63  }
0x419: {  	s12 =	sadd.s32 s8, s22;
	s17 =	sadd.s32 $0x100, s2  }
0x41a: {  	[hbm4b:s12+s1] =	stream.linear.scatter [tilespmem:s17], [sflag:$0x3], $0x80, $0x38;
	[tilespmem:$0x1ED00] =	vst v63  }
0x41b: {  	s8 =	sadd.s32 s8, s19;
	s12 =	sadd.s32 $0x180, s2;
	s2 =	sadd.s32 $0x200, s2  }
0x41c: {  	[hbm4b:s8+s1] =	stream.linear.scatter [tilespmem:s12], [sflag:$0x3], $0x80, $0x38;
	[tilespmem:$0x1ED00] =	vst v63  }
0x41d: {  	s2 =	simm.s32 $0x3  }
0x41e: {  	_ =	swait.ge [sflag:s2], $0x1000  }
0x41f: {  	[sflag:s2] =	ssyncset.done $0x0  }
0x420: {  	[sflag:s2] =	ssyncadd.s32 $0xFFFFF000  }
0x421: {  	_ =	swait.ge [sflag:s2], $0x1000  }
0x422: {  	[sflag:s2] =	ssyncset.done $0x0  }
0x423: {  	s19 =	simm.s32 $0x0;
	s4 =	sadd.s32 $0x0, s25;
	[sflag:s2] =	ssyncadd.s32 $0xFFFFF000  }
0x424: {  	[tilespmem:s19], [sflag:$0x1] =	stream.linear.gather [hbm4b:s4+s1], $0x80, $0x38;
	[tilespmem:$0x1ED00] =	vst v63  }
0x425: {  	s22 =	simm.s32 $0x80;
	s23 =	sadd.s32 $0x0, s24  }
0x426: {  	[tilespmem:s22], [sflag:$0x1] =	stream.linear.gather [hbm4b:s23+s1], $0x80, $0x38;
	[tilespmem:$0x1ED00] =	vst v63  }
0x427: {  	s23 =	sld [smem:$0x79E];
	_ =	sdelay $0x1  }
0x428: {  	s28 =	sld [smem:$0x79D]  }
0x429: {  	s4 =	simm.s32 $0x100;
	s8 =	sadd.s32 $0x0, s23  }
0x42a: {  	[tilespmem:s4], [sflag:$0x1] =	stream.linear.gather [hbm4b:s8+s1], $0x80, $0x38;
	[tilespmem:$0x1ED00] =	vst v63  }
0x42b: {  	s12 =	simm.s32 $0x180;
	s17 =	sadd.s32 $0x0, s28  }
0x42c: {  	[tilespmem:s12], [sflag:$0x1] =	stream.linear.gather [hbm4b:s17+s1], $0x80, $0x38;
	[tilespmem:$0x1ED00] =	vst v63  }
0x42d: {  	s2 =	simm.s32 $0x380;
	s19 =	simm.s32 $0x200;
	s22 =	sadd.s32 $0x0, s18  }
0x42e: {  	[tilespmem:s19], [sflag:$0x1] =	stream.linear.gather [hbm4b:s22+s1], $0x80, $0x38;
	[tilespmem:$0x1ED00] =	vst v63  }
0x42f: {  	s8 =	simm.s32 $0x280;
	s12 =	sadd.s32 $0x0, s20;
	s19 =	rddreg [dreg:$0x1f]  }
0x430: {  	[tilespmem:s8], [sflag:$0x1] =	stream.linear.gather [hbm4b:s12+s1], $0x80, $0x38;
	[tilespmem:$0x1ED00] =	vst v63  }
0x431: {  	s4 =	simm.s32 $0x400;
	s17 =	simm.s32 $0x300;
	s22 =	sadd.s32 $0x0, s19  }
0x432: {  	[tilespmem:s17], [sflag:$0x1] =	stream.linear.gather [hbm4b:s22+s1], $0x80, $0x38;
	[tilespmem:$0x1ED00] =	vst v63  }
0x433: {  	s12 =	sadd.s32 $0x0, s26;
	s8 =	simm.s32 $0x780;
	s22 =	smov.u32 s18  }
.LBB2_30:
0x434: {  	[tilespmem:s2], [sflag:$0x1] =	stream.linear.gather [hbm4b:s12+s1], $0x80, $0x38;
	[tilespmem:$0x1ED00] =	vst v63  }
0x435: {  	s12 =	smov.u32 s4;
	s2 =	smov.u32 s8  }
0x436: {  	s17 =	sadd.s32 $0xFFFFFC80, s8;
	s18 =	sadd.s32 s4, s25;
	p0 =	sne.s32 s4, $0x18000  }
0x437: {  	[tilespmem:s17], [sflag:$0x1] =	stream.linear.gather [hbm4b:s18+s1], $0x80, $0x38;
	[tilespmem:$0x1ED00] =	vst v63  }
0x438: {  	s4 =	sadd.s32 $0x400, s4;
	s17 =	sadd.s32 $0xFFFFFD00, s8;
	s18 =	sadd.s32 s12, s24  }
0x439: {  	[tilespmem:s17], [sflag:$0x1] =	stream.linear.gather [hbm4b:s18+s1], $0x80, $0x38;
	[tilespmem:$0x1ED00] =	vst v63  }
0x43a: {  	s17 =	sadd.s32 $0xFFFFFD80, s8;
	s18 =	sadd.s32 s12, s23  }
0x43b: {  	[tilespmem:s17], [sflag:$0x1] =	stream.linear.gather [hbm4b:s18+s1], $0x80, $0x38;
	[tilespmem:$0x1ED00] =	vst v63  }
0x43c: {  	s17 =	sadd.s32 $0xFFFFFE00, s8;
	s18 =	sadd.s32 s12, s28  }
0x43d: {  	[tilespmem:s17], [sflag:$0x1] =	stream.linear.gather [hbm4b:s18+s1], $0x80, $0x38;
	[tilespmem:$0x1ED00] =	vst v63  }
0x43e: {  	s17 =	sadd.s32 $0xFFFFFE80, s8;
	s18 =	sadd.s32 s12, s22  }
0x43f: {  	[tilespmem:s17], [sflag:$0x1] =	stream.linear.gather [hbm4b:s18+s1], $0x80, $0x38;
	[tilespmem:$0x1ED00] =	vst v63  }
.Ltmp14:
0x440: {  	s17 =	sadd.s32 $0xFFFFFF00, s8;
	s18 =	sadd.s32 s12, s20;
	(pc) =	sbr.rel @p0 .LBB2_30-.Ltmp14, $4  }
0x441: {  	[tilespmem:s17], [sflag:$0x1] =	stream.linear.gather [hbm4b:s18+s1], $0x80, $0x38;
	[tilespmem:$0x1ED00] =	vst v63  }
0x442: {  	s17 =	sadd.s32 $0xFFFFFF80, s8;
	s18 =	sadd.s32 s12, s19  }
0x443: {  	[tilespmem:s17], [sflag:$0x1] =	stream.linear.gather [hbm4b:s18+s1], $0x80, $0x38;
	[tilespmem:$0x1ED00] =	vst v63  }
0x444: {  	s12 =	sadd.s32 s12, s26;
	s8 =	sadd.s32 $0x400, s8  }
0x445: {  	[tilespmem:s2], [sflag:$0x1] =	stream.linear.gather [hbm4b:s12+s1], $0x80, $0x38;
	[tilespmem:$0x1ED00] =	vst v63  }
0x446: {  	s4 =	rddreg [dreg:$0xf]  }
0x447: {  	s12 =	simm.s32 $0x0;
	s8 =	simm.s32 $0x18400;
	s17 =	rddreg [dreg:$0x10]  }
0x448: {  	[tilespmem:s8], [sflag:$0x1] =	stream.linear.gather [hbm4b:s4+s12], $0x80, $0x38;
	[tilespmem:$0x1ED00] =	vst v63  }
0x449: {  	s18 =	simm.s32 $0x18480;
	s19 =	rddreg [dreg:$0x11]  }
0x44a: {  	[tilespmem:s18], [sflag:$0x1] =	stream.linear.gather [hbm4b:s17+s12], $0x80, $0x38;
	[tilespmem:$0x1ED00] =	vst v63  }
0x44b: {  	s20 =	simm.s32 $0x18500;
	s22 =	rddreg [dreg:$0x12]  }
0x44c: {  	[tilespmem:s20], [sflag:$0x1] =	stream.linear.gather [hbm4b:s19+s12], $0x80, $0x38;
	[tilespmem:$0x1ED00] =	vst v63  }
0x44d: {  	s23 =	simm.s32 $0x18580;
	s24 =	rddreg [dreg:$0x13];
	s2 =	sor.u32 s12, s10  }
0x44e: {  	[tilespmem:s23], [sflag:$0x1] =	stream.linear.gather [hbm4b:s22+s12], $0x80, $0x38;
	[tilespmem:$0x1ED00] =	vst v63  }
0x44f: {  	s25 =	simm.s32 $0x18600;
	s26 =	rddreg [dreg:$0x14];
	s2 =	sor.u32 s21, s2  }
0x450: {  	[tilespmem:s25], [sflag:$0x1] =	stream.linear.gather [hbm4b:s24+s12], $0x80, $0x38;
	[tilespmem:$0x1ED00] =	vst v63  }
0x451: {  	s28 =	simm.s32 $0x18680;
	s4 =	simm.s32 $0x0;
	s2 =	sshrl.u32 s2, $0x3  }
0x452: {  	[tilespmem:s28], [sflag:$0x1] =	stream.linear.gather [hbm4b:s26+s12], $0x80, $0x38;
	[tilespmem:$0x1ED00] =	vst v63  }
0x453: {  	s8 =	simm.s32 $0x2000;
	s2 =	sadd.s32 s7, s2;
	s12 =	simm.s32 $0x18700  }
0x454: {  	[tilespmem:s12], [sflag:$0x1] =	stream.linear.gather [hbm4b:s2+s1], $0x80, $0x38;
	[tilespmem:$0x1ED00] =	vst v63  }
0x455: {  	s17 =	simm.s32 $0x18780;
	s18 =	sadd.s32 $0x80, s2;
	s19 =	simm.s32 $0x18800  }
0x456: {  	[tilespmem:s17], [sflag:$0x1] =	stream.linear.gather [hbm4b:s18+s1], $0x80, $0x38;
	[tilespmem:$0x1ED00] =	vst v63  }
0x457: {  	s20 =	sadd.s32 $0x100, s2;
	s22 =	simm.s32 $0x18880;
	s23 =	sadd.s32 $0x180, s2  }
0x458: {  	[tilespmem:s19], [sflag:$0x1] =	stream.linear.gather [hbm4b:s20+s1], $0x80, $0x38;
	[tilespmem:$0x1ED00] =	vst v63  }
0x459: {  	s24 =	simm.s32 $0x18900;
	s25 =	sadd.s32 $0x200, s2;
	s26 =	simm.s32 $0x18980  }
0x45a: {  	[tilespmem:s22], [sflag:$0x1] =	stream.linear.gather [hbm4b:s23+s1], $0x80, $0x38;
	[tilespmem:$0x1ED00] =	vst v63  }
0x45b: {  	s28 =	sadd.s32 $0x280, s2;
	s12 =	simm.s32 $0x2000;
	s17 =	simm.s32 $0x1000  }
0x45c: {  	[tilespmem:s24], [sflag:$0x1] =	stream.linear.gather [hbm4b:s25+s1], $0x80, $0x38;
	[tilespmem:$0x1ED00] =	vst v63  }
0x45d: {  	s18 =	sor.u32 s12, s10;
	s19 =	simm.s32 $0x18A00;
	s20 =	sadd.s32 $0x300, s2  }
0x45e: {  	[tilespmem:s26], [sflag:$0x1] =	stream.linear.gather [hbm4b:s28+s1], $0x80, $0x38;
	[tilespmem:$0x1ED00] =	vst v63  }
.LBB2_32:
0x45f: {  	[tilespmem:s19], [sflag:$0x1] =	stream.linear.gather [hbm4b:s20+s1], $0x80, $0x38;
	[tilespmem:$0x1ED00] =	vst v63  }
0x460: {  	s19 =	smov.u32 s8  }
0x461: {  	s18 =	sor.u32 s21, s18;
	s20 =	sadd.s32 $0x18A80, s4;
	s2 =	sadd.s32 $0x380, s2  }
0x462: {  	p0 =	sne.s32 s8, $0x7000;
	s4 =	sshra.s32 s17, $0x2;
	s17 =	sshrl.u32 s18, $0x3  }
0x463: {  	[tilespmem:s20], [sflag:$0x1] =	stream.linear.gather [hbm4b:s2+s1], $0x80, $0x38;
	[tilespmem:$0x1ED00] =	vst v63  }
0x464: {  	s8 =	sadd.s32 $0x1000, s8;
	s18 =	sadd.s32 $0x18700, s4;
	s2 =	sadd.s32 s7, s17  }
0x465: {  	[tilespmem:s18], [sflag:$0x1] =	stream.linear.gather [hbm4b:s2+s1], $0x80, $0x38;
	[tilespmem:$0x1ED00] =	vst v63  }
0x466: {  	s17 =	smov.u32 s19;
	s20 =	sadd.s32 $0x80, s2;
	s18 =	sadd.s32 $0x18780, s4  }
0x467: {  	[tilespmem:s18], [sflag:$0x1] =	stream.linear.gather [hbm4b:s20+s1], $0x80, $0x38;
	[tilespmem:$0x1ED00] =	vst v63  }
0x468: {  	s19 =	sadd.s32 $0x100, s2;
	s18 =	sadd.s32 $0x18800, s4  }
0x469: {  	[tilespmem:s18], [sflag:$0x1] =	stream.linear.gather [hbm4b:s19+s1], $0x80, $0x38;
	[tilespmem:$0x1ED00] =	vst v63  }
0x46a: {  	s18 =	sadd.s32 $0x18880, s4;
	s19 =	sadd.s32 $0x180, s2  }
0x46b: {  	[tilespmem:s18], [sflag:$0x1] =	stream.linear.gather [hbm4b:s19+s1], $0x80, $0x38;
	[tilespmem:$0x1ED00] =	vst v63  }
.Ltmp15:
0x46c: {  	s18 =	sadd.s32 $0x18900, s4;
	s19 =	sadd.s32 $0x200, s2;
	(pc) =	sbr.rel @p0 .LBB2_32-.Ltmp15, $4  }
0x46d: {  	[tilespmem:s18], [sflag:$0x1] =	stream.linear.gather [hbm4b:s19+s1], $0x80, $0x38;
	[tilespmem:$0x1ED00] =	vst v63  }
0x46e: {  	s12 =	sadd.s32 $0x2000, s12;
	s18 =	sadd.s32 $0x18980, s4;
	s19 =	sadd.s32 $0x280, s2  }
0x46f: {  	[tilespmem:s18], [sflag:$0x1] =	stream.linear.gather [hbm4b:s19+s1], $0x80, $0x38;
	[tilespmem:$0x1ED00] =	vst v63  }
0x470: {  	s20 =	sadd.s32 $0x300, s2;
	s18 =	sor.u32 s12, s10;
	s19 =	sadd.s32 $0x18A00, s4  }
0x471: {  	[tilespmem:s19], [sflag:$0x1] =	stream.linear.gather [hbm4b:s20+s1], $0x80, $0x38;
	[tilespmem:$0x1ED00] =	vst v63  }
0x472: {  	s8 =	sor.u32 s21, s18;
	s4 =	sadd.s32 $0x18A80, s4  }
0x473: {  	s2 =	sadd.s32 $0x380, s2;
	s12 =	sshra.s32 s17, $0x2;
	s8 =	sshrl.u32 s8, $0x3  }
0x474: {  	[tilespmem:s4], [sflag:$0x1] =	stream.linear.gather [hbm4b:s2+s1], $0x80, $0x38;
	[tilespmem:$0x1ED00] =	vst v63  }
0x475: {  	s19 =	sadd.s32 $0x18700, s12;
	s4 =	sadd.s32 s7, s8  }
0x476: {  	[tilespmem:s19], [sflag:$0x1] =	stream.linear.gather [hbm4b:s4+s1], $0x80, $0x38;
	[tilespmem:$0x1ED00] =	vst v63  }
0x477: {  	s20 =	sadd.s32 $0x18780, s12;
	s8 =	sadd.s32 $0x80, s4  }
0x478: {  	[tilespmem:s20], [sflag:$0x1] =	stream.linear.gather [hbm4b:s8+s1], $0x80, $0x38;
	[tilespmem:$0x1ED00] =	vst v63  }
0x479: {  	s21 =	sadd.s32 $0x18800, s12;
	s22 =	sadd.s32 $0x100, s4  }
0x47a: {  	[tilespmem:s21], [sflag:$0x1] =	stream.linear.gather [hbm4b:s22+s1], $0x80, $0x38;
	[tilespmem:$0x1ED00] =	vst v63  }
0x47b: {  	s23 =	sadd.s32 $0x18880, s12;
	s24 =	sadd.s32 $0x180, s4  }
0x47c: {  	[tilespmem:s23], [sflag:$0x1] =	stream.linear.gather [hbm4b:s24+s1], $0x80, $0x38;
	[tilespmem:$0x1ED00] =	vst v63  }
0x47d: {  	s25 =	sadd.s32 $0x18900, s12;
	s26 =	sadd.s32 $0x200, s4  }
0x47e: {  	[tilespmem:s25], [sflag:$0x1] =	stream.linear.gather [hbm4b:s26+s1], $0x80, $0x38;
	[tilespmem:$0x1ED00] =	vst v63  }
0x47f: {  	s17 =	sadd.s32 $0x280, s4;
	s8 =	sadd.s32 $0x18980, s12  }
0x480: {  	[tilespmem:s8], [sflag:$0x1] =	stream.linear.gather [hbm4b:s17+s1], $0x80, $0x38;
	[tilespmem:$0x1ED00] =	vst v63  }
0x481: {  	s18 =	sadd.s32 $0x18A00, s12;
	s19 =	sadd.s32 $0x300, s4  }
0x482: {  	[tilespmem:s18], [sflag:$0x1] =	stream.linear.gather [hbm4b:s19+s1], $0x80, $0x38;
	[tilespmem:$0x1ED00] =	vst v63  }
0x483: {  	s4 =	sadd.s32 $0x380, s4;
	s20 =	sadd.s32 $0x18A80, s12  }
0x484: {  	[tilespmem:s20], [sflag:$0x1] =	stream.linear.gather [hbm4b:s4+s1], $0x80, $0x38;
	[tilespmem:$0x1ED00] =	vst v63  }
0x485: {  	s21 =	rddreg [dreg:$0x4];
	s22 =	simm.s32 $0x1A700;
	s23 =	simm.s32 $0x1  }
0x486: {  	[tilespmem:s22], [sflag:$0x2] =	stream.linear.gather [spmem:s21], $0x1000, $0x38;
	[tilespmem:$0x1ED00] =	vst v63  }
0x487: {  	_ =	swait.ge [sflag:s23], $0x6000  }
0x488: {  	[sflag:s23] =	ssyncset.done $0x0  }
0x489: {  	[sflag:s23] =	ssyncadd.s32 $0xFFFFA000  }
0x48a: {  	_ =	swait.ge [sflag:s23], $0x6000  }
0x48b: {  	[sflag:s23] =	ssyncset.done $0x0  }
0x48c: {  	[sflag:s23] =	ssyncadd.s32 $0xFFFFA000  }
0x48d: {  	_ =	swait.ge [sflag:s23], $0x6000  }
0x48e: {  	[sflag:s23] =	ssyncset.done $0x0  }
0x48f: {  	[sflag:s23] =	ssyncadd.s32 $0xFFFFA000  }
0x490: {  	_ =	swait.ge [sflag:s23], $0x6000  }
0x491: {  	[sflag:s23] =	ssyncset.done $0x0  }
0x492: {  	[sflag:s23] =	ssyncadd.s32 $0xFFFFA000  }
0x493: {  	_ =	swait.ge [sflag:s23], $0x2700  }
0x494: {  	[sflag:s23] =	ssyncset.done $0x0  }
0x495: {  	s24 =	simm.s32 $0x2;
	[sflag:s23] =	ssyncadd.s32 $0xFFFFD900  }
0x496: {  	_ =	swait.ge [sflag:s24], $0x1000  }
0x497: {  	s25 =	sld [smem:$0x7B5]  }
0x498: {  	[sflag:s24] =	ssyncset.done $0x0  }
0x499: {  	s2 =	simm.s32 $0x0;
	s26 =	simm.s32 $0x1B700;
	[sflag:s24] =	ssyncadd.s32 $0xFFFFF000  }
0x49a: {  	[tilespmem:s26], [sflag:$0x2] =	stream.linear.gather [spmem:s25], $0x1000, $0x38;
	[tilespmem:$0x1ED00] =	vst v63  }
0x49b: {  	v0 =	vld [tilespmem:s2+$0x1A700];
	_ =	sdelay $0x5  }
0x49c: {  	v1 =	vld [tilespmem:s2+$0x1A710];
	_ =	sdelay $0x1  }
0x49d: {  	v0 =	vld.idx.msk [tilespmem:v0+s1+$0x0], $0xffff;
	_ =	sdelay $0x4  }
0x49e: {  	[tilespmem:s2+$0x1C700] =	vst v0;
	v0 =	vld [tilespmem:s2+$0x1A720]  }
0x49f: {  	v1 =	vld.idx.msk [tilespmem:v1+s1+$0x0], $0xffff;
	_ =	sdelay $0x4  }
0x4a0: {  	[tilespmem:s2+$0x1C710] =	vst v1;
	v1 =	vld [tilespmem:s2+$0x1A730];
	_ =	sdelay $0x1  }
0x4a1: {  	v0 =	vld.idx.msk [tilespmem:v0+s1+$0x0], $0xffff;
	_ =	sdelay $0x4  }
0x4a2: {  	[tilespmem:s2+$0x1C720] =	vst v0;
	v0 =	vld [tilespmem:s2+$0x1A740]  }
0x4a3: {  	v1 =	vld.idx.msk [tilespmem:v1+s1+$0x0], $0xffff;
	_ =	sdelay $0x4  }
0x4a4: {  	[tilespmem:s2+$0x1C730] =	vst v1;
	v1 =	vld [tilespmem:s2+$0x1A750];
	_ =	sdelay $0x1  }
0x4a5: {  	v0 =	vld.idx.msk [tilespmem:v0+s1+$0x0], $0xffff;
	_ =	sdelay $0x4  }
0x4a6: {  	v2 =	vld [tilespmem:s2+$0x1A760];
	[tilespmem:s2+$0x1C740] =	vst v0  }
0x4a7: {  	v0 =	vld.idx.msk [tilespmem:v1+s1+$0x0], $0xffff;
	_ =	sdelay $0x4  }
0x4a8: {  	[tilespmem:s2+$0x1C750] =	vst v0;
	v0 =	vld [tilespmem:s2+$0x1A770];
	_ =	sdelay $0x1  }
0x4a9: {  	v1 =	vld.idx.msk [tilespmem:v2+s1+$0x0], $0xffff  }
0x4aa: {  	s28 =	sld [smem:$0x7B3]  }
0x4ab: {  	s19 =	sld [smem:$0x7FA]  }
0x4ac: {  	s23 =	sld [smem:$0x7FB]  }
0x4ad: {  	s8 =	simm.s32 $0x80;
	s4 =	simm.s32 $0x400;
	s24 =	sld [smem:$0x7FC]  }
.LBB2_34:
0x4ae: {  	p0 =	sne.s32 s4, $0x3E00;
	v2 =	vld [tilespmem:s8+$0x1A700];
	[tilespmem:s2+$0x1C760] =	vst v1  }
0x4af: {  	v0 =	vld.idx.msk [tilespmem:v0+s1+$0x0], $0xffff;
	_ =	sdelay $0x5  }
0x4b0: {  	v1 =	vld [tilespmem:s8+$0x1A710];
	[tilespmem:s2+$0x1C770] =	vst v0;
	s2 =	smov.u32 s8  }
0x4b1: {  	v0 =	vld.idx.msk [tilespmem:v2+s1+$0x0], $0xffff;
	_ =	sdelay $0x5  }
0x4b2: {  	[tilespmem:s2+$0x1C700] =	vst v0;
	v0 =	vld [tilespmem:s2+$0x1A720]  }
0x4b3: {  	v1 =	vld.idx.msk [tilespmem:v1+s1+$0x0], $0xffff;
	_ =	sdelay $0x5  }
0x4b4: {  	[tilespmem:s2+$0x1C710] =	vst v1;
	v1 =	vld [tilespmem:s2+$0x1A730]  }
0x4b5: {  	v0 =	vld.idx.msk [tilespmem:v0+s1+$0x0], $0xffff;
	_ =	sdelay $0x5  }
0x4b6: {  	[tilespmem:s2+$0x1C720] =	vst v0;
	v0 =	vld [tilespmem:s2+$0x1A740]  }
0x4b7: {  	v1 =	vld.idx.msk [tilespmem:v1+s1+$0x0], $0xffff;
	_ =	sdelay $0x5  }
0x4b8: {  	[tilespmem:s2+$0x1C730] =	vst v1;
	v1 =	vld [tilespmem:s2+$0x1A750]  }
0x4b9: {  	v0 =	vld.idx.msk [tilespmem:v0+s1+$0x0], $0xffff;
	_ =	sdelay $0x5  }
0x4ba: {  	[tilespmem:s2+$0x1C740] =	vst v0;
	v2 =	vld [tilespmem:s2+$0x1A760]  }
0x4bb: {  	v0 =	vld.idx.msk [tilespmem:v1+s1+$0x0], $0xffff;
	_ =	sdelay $0x5  }
0x4bc: {  	[tilespmem:s2+$0x1C750] =	vst v0;
	v0 =	vld [tilespmem:s2+$0x1A770]  }
0x4bd: {  	v1 =	vld.idx.msk [tilespmem:v2+s1+$0x0], $0xffff  }
.Ltmp16:
0x4be: {  	(pc) =	sbr.rel @p0 .LBB2_34-.Ltmp16, $2  }
0x4bf: {  	_ =	sdelay $0x2  }
0x4c0: {  	s8 =	sshra.s32 s4, $0x2;
	s4 =	sadd.s32 $0x200, s4  }
0x4c1: {  	_ =	sdelay $0x1  }
0x4c2: {  	v2 =	vld [tilespmem:s8+$0x1A700]  }
0x4c3: {  	[tilespmem:s2+$0x1C760] =	vst v1  }
0x4c4: {  	v0 =	vld.idx.msk [tilespmem:v0+s1+$0x0], $0xffff;
	_ =	sdelay $0x3  }
0x4c5: {  	v1 =	vld [tilespmem:s8+$0x1A710]  }
0x4c6: {  	[tilespmem:s2+$0x1C770] =	vst v0  }
0x4c7: {  	v0 =	vld.idx.msk [tilespmem:v2+s1+$0x0], $0xffff;
	_ =	sdelay $0x4  }
0x4c8: {  	[tilespmem:s8+$0x1C700] =	vst v0;
	v0 =	vld [tilespmem:s8+$0x1A720]  }
0x4c9: {  	v1 =	vld.idx.msk [tilespmem:v1+s1+$0x0], $0xffff;
	_ =	sdelay $0x4  }
0x4ca: {  	[tilespmem:s8+$0x1C710] =	vst v1;
	v1 =	vld [tilespmem:s8+$0x1A730];
	_ =	sdelay $0x1  }
0x4cb: {  	v0 =	vld.idx.msk [tilespmem:v0+s1+$0x0], $0xffff;
	_ =	sdelay $0x4  }
0x4cc: {  	[tilespmem:s8+$0x1C720] =	vst v0;
	v0 =	vld [tilespmem:s8+$0x1A740]  }
0x4cd: {  	v1 =	vld.idx.msk [tilespmem:v1+s1+$0x0], $0xffff;
	_ =	sdelay $0x4  }
0x4ce: {  	[tilespmem:s8+$0x1C730] =	vst v1;
	v1 =	vld [tilespmem:s8+$0x1A750];
	_ =	sdelay $0x1  }
0x4cf: {  	v0 =	vld.idx.msk [tilespmem:v0+s1+$0x0], $0xffff;
	_ =	sdelay $0x4  }
0x4d0: {  	[tilespmem:s8+$0x1C740] =	vst v0;
	v0 =	vld [tilespmem:s8+$0x1A760]  }
0x4d1: {  	v1 =	vld.idx.msk [tilespmem:v1+s1+$0x0], $0xffff;
	_ =	sdelay $0x4  }
0x4d2: {  	[tilespmem:s8+$0x1C750] =	vst v1;
	v1 =	vld [tilespmem:s8+$0x1A770];
	_ =	sdelay $0x1  }
0x4d3: {  	v0 =	vld.idx.msk [tilespmem:v0+s1+$0x0], $0xffff;
	_ =	sdelay $0x4  }
0x4d4: {  	[tilespmem:s8+$0x1C760] =	vst v0  }
0x4d5: {  	v0 =	vld.idx.msk [tilespmem:v1+s1+$0x0], $0xffff;
	_ =	sdelay $0x2  }
0x4d6: {  	s25 =	sld [smem:$0x7F8];
	_ =	sdelay $0x1  }
0x4d7: {  	s4 =	simm.s32 $0x0;
	s26 =	simm.s32 $0x1C700;
	s12 =	sld [smem:$0x7DA];
	[tilespmem:s8+$0x1C770] =	vst v0  }
0x4d8: {  	[hbm4b:s25+s4] =	stream.linear.scatter [tilespmem:s26], [sflag:$0x3], $0x80, $0x38;
	[tilespmem:$0x1ED00] =	vst v63  }
0x4d9: {  	s17 =	simm.s32 $0x1C780;
	s18 =	sld [smem:$0x7DB]  }
0x4da: {  	[hbm4b:s12+s4] =	stream.linear.scatter [tilespmem:s17], [sflag:$0x3], $0x80, $0x38;
	[tilespmem:$0x1ED00] =	vst v63  }
0x4db: {  	s20 =	simm.s32 $0x1C800;
	s21 =	sld [smem:$0x7DC]  }
0x4dc: {  	[hbm4b:s18+s4] =	stream.linear.scatter [tilespmem:s20], [sflag:$0x3], $0x80, $0x38;
	[tilespmem:$0x1ED00] =	vst v63  }
0x4dd: {  	s22 =	simm.s32 $0x1C880;
	s25 =	sld [smem:$0x7DD]  }
0x4de: {  	[hbm4b:s21+s4] =	stream.linear.scatter [tilespmem:s22], [sflag:$0x3], $0x80, $0x38;
	[tilespmem:$0x1ED00] =	vst v63  }
0x4df: {  	s26 =	simm.s32 $0x1C900;
	s12 =	sld [smem:$0x7DE]  }
0x4e0: {  	[hbm4b:s25+s4] =	stream.linear.scatter [tilespmem:s26], [sflag:$0x3], $0x80, $0x38;
	[tilespmem:$0x1ED00] =	vst v63  }
0x4e1: {  	s17 =	simm.s32 $0x1C980;
	s18 =	sld [smem:$0x7DF]  }
0x4e2: {  	[hbm4b:s12+s4] =	stream.linear.scatter [tilespmem:s17], [sflag:$0x3], $0x80, $0x38;
	[tilespmem:$0x1ED00] =	vst v63  }
0x4e3: {  	s20 =	simm.s32 $0x1CA00;
	s21 =	sld [smem:$0x7E0]  }
0x4e4: {  	[hbm4b:s18+s4] =	stream.linear.scatter [tilespmem:s20], [sflag:$0x3], $0x80, $0x38;
	[tilespmem:$0x1ED00] =	vst v63  }
0x4e5: {  	s22 =	simm.s32 $0x1CA80;
	s25 =	sld [smem:$0x7E1]  }
0x4e6: {  	[hbm4b:s21+s4] =	stream.linear.scatter [tilespmem:s22], [sflag:$0x3], $0x80, $0x38;
	[tilespmem:$0x1ED00] =	vst v63  }
0x4e7: {  	s26 =	simm.s32 $0x1CB00;
	s12 =	sld [smem:$0x7E2]  }
0x4e8: {  	[hbm4b:s25+s4] =	stream.linear.scatter [tilespmem:s26], [sflag:$0x3], $0x80, $0x38;
	[tilespmem:$0x1ED00] =	vst v63  }
0x4e9: {  	s17 =	simm.s32 $0x1CB80;
	s18 =	sld [smem:$0x7E3]  }
0x4ea: {  	[hbm4b:s12+s4] =	stream.linear.scatter [tilespmem:s17], [sflag:$0x3], $0x80, $0x38;
	[tilespmem:$0x1ED00] =	vst v63  }
0x4eb: {  	s20 =	simm.s32 $0x1CC00;
	s21 =	sld [smem:$0x7E4]  }
0x4ec: {  	[hbm4b:s18+s4] =	stream.linear.scatter [tilespmem:s20], [sflag:$0x3], $0x80, $0x38;
	[tilespmem:$0x1ED00] =	vst v63  }
0x4ed: {  	s22 =	simm.s32 $0x1CC80;
	s25 =	sld [smem:$0x7E5]  }
0x4ee: {  	[hbm4b:s21+s4] =	stream.linear.scatter [tilespmem:s22], [sflag:$0x3], $0x80, $0x38;
	[tilespmem:$0x1ED00] =	vst v63  }
0x4ef: {  	s26 =	simm.s32 $0x1CD00;
	s12 =	sld [smem:$0x7E6]  }
0x4f0: {  	[hbm4b:s25+s4] =	stream.linear.scatter [tilespmem:s26], [sflag:$0x3], $0x80, $0x38;
	[tilespmem:$0x1ED00] =	vst v63  }
0x4f1: {  	s17 =	simm.s32 $0x1CD80;
	s18 =	sld [smem:$0x7E7]  }
0x4f2: {  	[hbm4b:s12+s4] =	stream.linear.scatter [tilespmem:s17], [sflag:$0x3], $0x80, $0x38;
	[tilespmem:$0x1ED00] =	vst v63  }
0x4f3: {  	s20 =	simm.s32 $0x1CE00;
	s21 =	sld [smem:$0x7E8]  }
0x4f4: {  	[hbm4b:s18+s4] =	stream.linear.scatter [tilespmem:s20], [sflag:$0x3], $0x80, $0x38;
	[tilespmem:$0x1ED00] =	vst v63  }
0x4f5: {  	s22 =	simm.s32 $0x1CE80;
	s25 =	sld [smem:$0x7E9]  }
0x4f6: {  	[hbm4b:s21+s4] =	stream.linear.scatter [tilespmem:s22], [sflag:$0x3], $0x80, $0x38;
	[tilespmem:$0x1ED00] =	vst v63  }
0x4f7: {  	s26 =	simm.s32 $0x1CF00;
	s12 =	sld [smem:$0x7EA]  }
0x4f8: {  	[hbm4b:s25+s4] =	stream.linear.scatter [tilespmem:s26], [sflag:$0x3], $0x80, $0x38;
	[tilespmem:$0x1ED00] =	vst v63  }
0x4f9: {  	s17 =	simm.s32 $0x1CF80;
	s18 =	sld [smem:$0x7EB]  }
0x4fa: {  	[hbm4b:s12+s4] =	stream.linear.scatter [tilespmem:s17], [sflag:$0x3], $0x80, $0x38;
	[tilespmem:$0x1ED00] =	vst v63  }
0x4fb: {  	s20 =	simm.s32 $0x1D000;
	s21 =	sld [smem:$0x7EC]  }
0x4fc: {  	[hbm4b:s18+s4] =	stream.linear.scatter [tilespmem:s20], [sflag:$0x3], $0x80, $0x38;
	[tilespmem:$0x1ED00] =	vst v63  }
0x4fd: {  	s22 =	simm.s32 $0x1D080;
	s25 =	sld [smem:$0x7ED]  }
0x4fe: {  	[hbm4b:s21+s4] =	stream.linear.scatter [tilespmem:s22], [sflag:$0x3], $0x80, $0x38;
	[tilespmem:$0x1ED00] =	vst v63  }
0x4ff: {  	s26 =	simm.s32 $0x1D100;
	s12 =	sld [smem:$0x7EE]  }
0x500: {  	[hbm4b:s25+s4] =	stream.linear.scatter [tilespmem:s26], [sflag:$0x3], $0x80, $0x38;
	[tilespmem:$0x1ED00] =	vst v63  }
0x501: {  	s17 =	simm.s32 $0x1D180;
	s18 =	sld [smem:$0x7EF]  }
0x502: {  	[hbm4b:s12+s4] =	stream.linear.scatter [tilespmem:s17], [sflag:$0x3], $0x80, $0x38;
	[tilespmem:$0x1ED00] =	vst v63  }
0x503: {  	s20 =	simm.s32 $0x1D200;
	s21 =	sld [smem:$0x7F0]  }
0x504: {  	[hbm4b:s18+s4] =	stream.linear.scatter [tilespmem:s20], [sflag:$0x3], $0x80, $0x38;
	[tilespmem:$0x1ED00] =	vst v63  }
0x505: {  	s22 =	simm.s32 $0x1D280;
	s25 =	sld [smem:$0x7F1]  }
0x506: {  	[hbm4b:s21+s4] =	stream.linear.scatter [tilespmem:s22], [sflag:$0x3], $0x80, $0x38;
	[tilespmem:$0x1ED00] =	vst v63  }
0x507: {  	s26 =	simm.s32 $0x1D300;
	s12 =	sld [smem:$0x7F2]  }
0x508: {  	[hbm4b:s25+s4] =	stream.linear.scatter [tilespmem:s26], [sflag:$0x3], $0x80, $0x38;
	[tilespmem:$0x1ED00] =	vst v63  }
0x509: {  	s17 =	simm.s32 $0x1D380;
	s18 =	sld [smem:$0x7F3]  }
0x50a: {  	[hbm4b:s12+s4] =	stream.linear.scatter [tilespmem:s17], [sflag:$0x3], $0x80, $0x38;
	[tilespmem:$0x1ED00] =	vst v63  }
0x50b: {  	s20 =	simm.s32 $0x1D400;
	s21 =	sld [smem:$0x7F4]  }
0x50c: {  	[hbm4b:s18+s4] =	stream.linear.scatter [tilespmem:s20], [sflag:$0x3], $0x80, $0x38;
	[tilespmem:$0x1ED00] =	vst v63  }
0x50d: {  	s22 =	simm.s32 $0x1D480;
	s25 =	sld [smem:$0x7F5]  }
0x50e: {  	[hbm4b:s21+s4] =	stream.linear.scatter [tilespmem:s22], [sflag:$0x3], $0x80, $0x38;
	[tilespmem:$0x1ED00] =	vst v63  }
0x50f: {  	s8 =	sld [smem:$0x7F6];
	s26 =	simm.s32 $0x1D500  }
0x510: {  	[hbm4b:s25+s4] =	stream.linear.scatter [tilespmem:s26], [sflag:$0x3], $0x80, $0x38;
	[tilespmem:$0x1ED00] =	vst v63  }
0x511: {  	s12 =	simm.s32 $0x1D580;
	s17 =	sld [smem:$0x7F7]  }
0x512: {  	[hbm4b:s8+s4] =	stream.linear.scatter [tilespmem:s12], [sflag:$0x3], $0x80, $0x38;
	[tilespmem:$0x1ED00] =	vst v63  }
0x513: {  	s18 =	simm.s32 $0x1D600;
	s20 =	sld [smem:$0x7F9]  }
0x514: {  	[hbm4b:s17+s4] =	stream.linear.scatter [tilespmem:s18], [sflag:$0x3], $0x80, $0x38;
	[tilespmem:$0x1ED00] =	vst v63  }
0x515: {  	s21 =	simm.s32 $0x1D680;
	s22 =	simm.s32 $0x2  }
0x516: {  	[hbm4b:s20+s4] =	stream.linear.scatter [tilespmem:s21], [sflag:$0x3], $0x80, $0x38;
	[tilespmem:$0x1ED00] =	vst v63  }
0x517: {  	_ =	swait.ge [sflag:s22], $0x1000  }
0x518: {  	s25 =	sld [smem:$0x7B6]  }
0x519: {  	[sflag:s22] =	ssyncset.done $0x0  }
0x51a: {  	s2 =	simm.s32 $0x0;
	s26 =	simm.s32 $0x1A700;
	[sflag:s22] =	ssyncadd.s32 $0xFFFFF000  }
0x51b: {  	[tilespmem:s26], [sflag:$0x2] =	stream.linear.gather [spmem:s25], $0x1000, $0x38;
	[tilespmem:$0x1ED00] =	vst v63  }
0x51c: {  	v0 =	vld [tilespmem:s2+$0x1B700];
	_ =	sdelay $0x5  }
0x51d: {  	v1 =	vld [tilespmem:s2+$0x1B710];
	_ =	sdelay $0x1  }
0x51e: {  	v0 =	vld.idx.msk [tilespmem:v0+s4+$0x0], $0xffff;
	_ =	sdelay $0x4  }
0x51f: {  	[tilespmem:s2+$0x1D700] =	vst v0;
	v0 =	vld [tilespmem:s2+$0x1B720]  }
0x520: {  	v1 =	vld.idx.msk [tilespmem:v1+s4+$0x0], $0xffff;
	_ =	sdelay $0x4  }
0x521: {  	[tilespmem:s2+$0x1D710] =	vst v1;
	v1 =	vld [tilespmem:s2+$0x1B730];
	_ =	sdelay $0x1  }
0x522: {  	v0 =	vld.idx.msk [tilespmem:v0+s4+$0x0], $0xffff;
	_ =	sdelay $0x4  }
0x523: {  	[tilespmem:s2+$0x1D720] =	vst v0;
	v0 =	vld [tilespmem:s2+$0x1B740]  }
0x524: {  	v1 =	vld.idx.msk [tilespmem:v1+s4+$0x0], $0xffff;
	_ =	sdelay $0x4  }
0x525: {  	[tilespmem:s2+$0x1D730] =	vst v1;
	v1 =	vld [tilespmem:s2+$0x1B750];
	_ =	sdelay $0x1  }
0x526: {  	v0 =	vld.idx.msk [tilespmem:v0+s4+$0x0], $0xffff;
	_ =	sdelay $0x4  }
0x527: {  	v2 =	vld [tilespmem:s2+$0x1B760];
	[tilespmem:s2+$0x1D740] =	vst v0  }
0x528: {  	v0 =	vld.idx.msk [tilespmem:v1+s4+$0x0], $0xffff;
	_ =	sdelay $0x4  }
0x529: {  	[tilespmem:s2+$0x1D750] =	vst v0;
	v0 =	vld [tilespmem:s2+$0x1B770];
	_ =	sdelay $0x1  }
0x52a: {  	v1 =	vld.idx.msk [tilespmem:v2+s4+$0x0], $0xffff;
	_ =	sdelay $0x3  }
0x52b: {  	s12 =	simm.s32 $0x80;
	s8 =	simm.s32 $0x400;
	s20 =	rddreg [dreg:$0x15]  }
.LBB2_36:
0x52c: {  	p0 =	sne.s32 s8, $0x3E00;
	v2 =	vld [tilespmem:s12+$0x1B700];
	[tilespmem:s2+$0x1D760] =	vst v1  }
0x52d: {  	v0 =	vld.idx.msk [tilespmem:v0+s4+$0x0], $0xffff;
	_ =	sdelay $0x5  }
0x52e: {  	v1 =	vld [tilespmem:s12+$0x1B710];
	[tilespmem:s2+$0x1D770] =	vst v0;
	s2 =	smov.u32 s12  }
0x52f: {  	v0 =	vld.idx.msk [tilespmem:v2+s4+$0x0], $0xffff;
	_ =	sdelay $0x5  }
0x530: {  	[tilespmem:s2+$0x1D700] =	vst v0;
	v0 =	vld [tilespmem:s2+$0x1B720]  }
0x531: {  	v1 =	vld.idx.msk [tilespmem:v1+s4+$0x0], $0xffff;
	_ =	sdelay $0x5  }
0x532: {  	[tilespmem:s2+$0x1D710] =	vst v1;
	v1 =	vld [tilespmem:s2+$0x1B730]  }
0x533: {  	v0 =	vld.idx.msk [tilespmem:v0+s4+$0x0], $0xffff;
	_ =	sdelay $0x5  }
0x534: {  	[tilespmem:s2+$0x1D720] =	vst v0;
	v0 =	vld [tilespmem:s2+$0x1B740]  }
0x535: {  	v1 =	vld.idx.msk [tilespmem:v1+s4+$0x0], $0xffff;
	_ =	sdelay $0x5  }
0x536: {  	[tilespmem:s2+$0x1D730] =	vst v1;
	v1 =	vld [tilespmem:s2+$0x1B750]  }
0x537: {  	v0 =	vld.idx.msk [tilespmem:v0+s4+$0x0], $0xffff;
	_ =	sdelay $0x5  }
0x538: {  	[tilespmem:s2+$0x1D740] =	vst v0;
	v2 =	vld [tilespmem:s2+$0x1B760]  }
0x539: {  	v0 =	vld.idx.msk [tilespmem:v1+s4+$0x0], $0xffff;
	_ =	sdelay $0x5  }
0x53a: {  	[tilespmem:s2+$0x1D750] =	vst v0;
	v0 =	vld [tilespmem:s2+$0x1B770]  }
0x53b: {  	v1 =	vld.idx.msk [tilespmem:v2+s4+$0x0], $0xffff  }
.Ltmp17:
0x53c: {  	(pc) =	sbr.rel @p0 .LBB2_36-.Ltmp17, $2  }
0x53d: {  	_ =	sdelay $0x2  }
0x53e: {  	s12 =	sshra.s32 s8, $0x2;
	s8 =	sadd.s32 $0x200, s8  }
0x53f: {  	_ =	sdelay $0x1  }
0x540: {  	v2 =	vld [tilespmem:s12+$0x1B700]  }
0x541: {  	[tilespmem:s2+$0x1D760] =	vst v1  }
0x542: {  	v0 =	vld.idx.msk [tilespmem:v0+s4+$0x0], $0xffff;
	_ =	sdelay $0x3  }
0x543: {  	v1 =	vld [tilespmem:s12+$0x1B710]  }
0x544: {  	[tilespmem:s2+$0x1D770] =	vst v0  }
0x545: {  	v0 =	vld.idx.msk [tilespmem:v2+s4+$0x0], $0xffff;
	_ =	sdelay $0x3  }
0x546: {  	v58 =	vld [tilespmem:s12+$0x1B720]  }
0x547: {  	[tilespmem:s12+$0x1D700] =	vst v0  }
0x548: {  	v1 =	vld.idx.msk [tilespmem:v1+s4+$0x0], $0xffff;
	_ =	sdelay $0x3  }
0x549: {  	v59 =	vld [tilespmem:s12+$0x1B730]  }
0x54a: {  	[tilespmem:s12+$0x1D710] =	vst v1  }
0x54b: {  	v0 =	vld.idx.msk [tilespmem:v58+s4+$0x0], $0xffff;
	_ =	sdelay $0x3  }
0x54c: {  	v60 =	vld [tilespmem:s12+$0x1B740]  }
0x54d: {  	[tilespmem:s12+$0x1D720] =	vst v0  }
0x54e: {  	v1 =	vld.idx.msk [tilespmem:v59+s4+$0x0], $0xffff;
	_ =	sdelay $0x3  }
0x54f: {  	v61 =	vld [tilespmem:s12+$0x1B750]  }
0x550: {  	[tilespmem:s12+$0x1D730] =	vst v1  }
0x551: {  	v0 =	vld.idx.msk [tilespmem:v60+s4+$0x0], $0xffff;
	_ =	sdelay $0x3  }
0x552: {  	v62 =	vld [tilespmem:s12+$0x1B760]  }
0x553: {  	[tilespmem:s12+$0x1D740] =	vst v0  }
0x554: {  	v1 =	vld.idx.msk [tilespmem:v61+s4+$0x0], $0xffff;
	_ =	sdelay $0x3  }
0x555: {  	v63 =	vld [tilespmem:s12+$0x1B770]  }
0x556: {  	[tilespmem:s12+$0x1D750] =	vst v1  }
0x557: {  	v0 =	vld.idx.msk [tilespmem:v62+s4+$0x0], $0xffff;
	_ =	sdelay $0x4  }
0x558: {  	[tilespmem:s12+$0x1D760] =	vst v0  }
0x559: {  	v0 =	vld.idx.msk [tilespmem:v63+s4+$0x0], $0xffff;
	_ =	sdelay $0x2  }
0x55a: {  	s26 =	sadd.s32 $0x0, s28  }
0x55b: {  	s8 =	sor.u32 $0x1000, s26  }
0x55c: {  	s18 =	sor.u32 $0x1080, s26;
	s8 =	sadd.s32 s0, s8;
	s2 =	simm.s32 $0x1D700;
	[tilespmem:s12+$0x1D770] =	vst v0  }
0x55d: {  	[hbm4b:s8+s1] =	stream.linear.scatter [tilespmem:s2], [sflag:$0x3], $0x80, $0x38;
	[tilespmem:$0x1ED00] =	vst v63  }
0x55e: {  	s21 =	simm.s32 $0x1D780;
	s17 =	sor.u32 $0x1100, s26;
	s8 =	sadd.s32 s0, s18  }
0x55f: {  	[hbm4b:s8+s1] =	stream.linear.scatter [tilespmem:s21], [sflag:$0x3], $0x80, $0x38;
	[tilespmem:$0x1ED00] =	vst v63  }
0x560: {  	s25 =	simm.s32 $0x1D800;
	s22 =	sadd.s32 s0, s17;
	s4 =	sor.u32 $0x1180, s26  }
0x561: {  	[hbm4b:s22+s1] =	stream.linear.scatter [tilespmem:s25], [sflag:$0x3], $0x80, $0x38;
	[tilespmem:$0x1ED00] =	vst v63  }
0x562: {  	s26 =	simm.s32 $0x1D880;
	s4 =	sadd.s32 s0, s4  }
0x563: {  	[hbm4b:s4+s1] =	stream.linear.scatter [tilespmem:s26], [sflag:$0x3], $0x80, $0x38;
	[tilespmem:$0x1ED00] =	vst v63  }
0x564: {  	s4 =	sadd.s32 $0x200, s28  }
0x565: {  	s8 =	simm.s32 $0x400;
	s12 =	sor.u32 $0x1000, s4  }
.LBB2_38:
0x566: {  	p0 =	sne.s32 s8, $0xE00;
	s12 =	sadd.s32 s0, s12;
	s2 =	sadd.s32 $0x200, s2  }
0x567: {  	[hbm4b:s12+s1] =	stream.linear.scatter [tilespmem:s2], [sflag:$0x3], $0x80, $0x38;
	[tilespmem:$0x1ED00] =	vst v63  }
0x568: {  	s12 =	sor.u32 $0x1080, s4  }
0x569: {  	s18 =	sor.u32 $0x1100, s4;
	s17 =	sadd.s32 $0x80, s2;
	s12 =	sadd.s32 s0, s12  }
0x56a: {  	[hbm4b:s12+s1] =	stream.linear.scatter [tilespmem:s17], [sflag:$0x3], $0x80, $0x38;
	[tilespmem:$0x1ED00] =	vst v63  }
0x56b: {  	s12 =	sadd.s32 s0, s18  }
.Ltmp18:
0x56c: {  	s17 =	sadd.s32 $0x100, s2;
	s18 =	sor.u32 $0x1180, s4;
	(pc) =	sbr.rel @p0 .LBB2_38-.Ltmp18, $4  }
0x56d: {  	[hbm4b:s12+s1] =	stream.linear.scatter [tilespmem:s17], [sflag:$0x3], $0x80, $0x38;
	[tilespmem:$0x1ED00] =	vst v63  }
0x56e: {  	s4 =	sadd.s32 s8, s28;
	s12 =	sadd.s32 s0, s18;
	s17 =	sadd.s32 $0x180, s2  }
0x56f: {  	[hbm4b:s12+s1] =	stream.linear.scatter [tilespmem:s17], [sflag:$0x3], $0x80, $0x38;
	[tilespmem:$0x1ED00] =	vst v63  }
0x570: {  	s8 =	sadd.s32 $0x200, s8;
	s12 =	sor.u32 $0x1000, s4  }
0x571: {  	s8 =	sadd.s32 s0, s12;
	s2 =	sadd.s32 $0x200, s2;
	s26 =	sor.u32 $0x1080, s4  }
0x572: {  	[hbm4b:s8+s1] =	stream.linear.scatter [tilespmem:s2], [sflag:$0x3], $0x80, $0x38;
	[tilespmem:$0x1ED00] =	vst v63  }
0x573: {  	s17 =	sor.u32 $0x1100, s4;
	s8 =	sadd.s32 s0, s26;
	s28 =	sadd.s32 $0x80, s2  }
0x574: {  	[hbm4b:s8+s1] =	stream.linear.scatter [tilespmem:s28], [sflag:$0x3], $0x80, $0x38;
	[tilespmem:$0x1ED00] =	vst v63  }
0x575: {  	s21 =	sor.u32 $0x1180, s4;
	s17 =	sadd.s32 s0, s17;
	s18 =	sadd.s32 $0x100, s2  }
0x576: {  	[hbm4b:s17+s1] =	stream.linear.scatter [tilespmem:s18], [sflag:$0x3], $0x80, $0x38;
	[tilespmem:$0x1ED00] =	vst v63  }
0x577: {  	s22 =	simm.s32 $0x2;
	s4 =	sadd.s32 s0, s21;
	s2 =	sadd.s32 $0x180, s2  }
0x578: {  	[hbm4b:s4+s1] =	stream.linear.scatter [tilespmem:s2], [sflag:$0x3], $0x80, $0x38;
	[tilespmem:$0x1ED00] =	vst v63  }
0x579: {  	_ =	swait.ge [sflag:s22], $0x1000  }
0x57a: {  	s25 =	sld [smem:$0x7B7]  }
0x57b: {  	[sflag:s22] =	ssyncset.done $0x0  }
0x57c: {  	s26 =	simm.s32 $0x1B700;
	s28 =	simm.s32 $0x3;
	[sflag:s22] =	ssyncadd.s32 $0xFFFFF000  }
0x57d: {  	[tilespmem:s26], [sflag:$0x2] =	stream.linear.gather [spmem:s25], $0x1000, $0x38;
	[tilespmem:$0x1ED00] =	vst v63  }
0x57e: {  	_ =	swait.ge [sflag:s28], $0x1000  }
0x57f: {  	[sflag:s28] =	ssyncset.done $0x0  }
0x580: {  	s12 =	simm.s32 $0x0;
	[sflag:s28] =	ssyncadd.s32 $0xFFFFF000  }
0x581: {  	v0 =	vld [tilespmem:s12+$0x1A700];
	_ =	sdelay $0x5  }
0x582: {  	v1 =	vld [tilespmem:s12+$0x1A710]  }
0x583: {  	s2 =	simm.s32 $0x0  }
0x584: {  	v0 =	vld.idx.msk [tilespmem:v0+s2+$0x0], $0xffff;
	_ =	sdelay $0x4  }
0x585: {  	[tilespmem:s12+$0x1C700] =	vst v0;
	v0 =	vld [tilespmem:s12+$0x1A720]  }
0x586: {  	v1 =	vld.idx.msk [tilespmem:v1+s2+$0x0], $0xffff;
	_ =	sdelay $0x4  }
0x587: {  	[tilespmem:s12+$0x1C710] =	vst v1;
	v1 =	vld [tilespmem:s12+$0x1A730];
	_ =	sdelay $0x1  }
0x588: {  	v0 =	vld.idx.msk [tilespmem:v0+s2+$0x0], $0xffff;
	_ =	sdelay $0x4  }
0x589: {  	[tilespmem:s12+$0x1C720] =	vst v0;
	v0 =	vld [tilespmem:s12+$0x1A740]  }
0x58a: {  	v1 =	vld.idx.msk [tilespmem:v1+s2+$0x0], $0xffff;
	_ =	sdelay $0x4  }
0x58b: {  	[tilespmem:s12+$0x1C730] =	vst v1;
	v1 =	vld [tilespmem:s12+$0x1A750];
	_ =	sdelay $0x1  }
0x58c: {  	v0 =	vld.idx.msk [tilespmem:v0+s2+$0x0], $0xffff;
	_ =	sdelay $0x4  }
0x58d: {  	v2 =	vld [tilespmem:s12+$0x1A760];
	[tilespmem:s12+$0x1C740] =	vst v0  }
0x58e: {  	v0 =	vld.idx.msk [tilespmem:v1+s2+$0x0], $0xffff;
	_ =	sdelay $0x4  }
0x58f: {  	[tilespmem:s12+$0x1C750] =	vst v0;
	v0 =	vld [tilespmem:s12+$0x1A770];
	_ =	sdelay $0x1  }
0x590: {  	v1 =	vld.idx.msk [tilespmem:v2+s2+$0x0], $0xffff;
	_ =	sdelay $0x3  }
0x591: {  	s8 =	simm.s32 $0x400;
	s17 =	simm.s32 $0x80;
	s4 =	simm.s32 $0x200  }
.LBB2_40:
0x592: {  	p0 =	sne.s32 s8, $0x3E00;
	v2 =	vld [tilespmem:s17+$0x1A700];
	[tilespmem:s12+$0x1C760] =	vst v1  }
0x593: {  	v0 =	vld.idx.msk [tilespmem:v0+s2+$0x0], $0xffff;
	_ =	sdelay $0x5  }
0x594: {  	v1 =	vld [tilespmem:s17+$0x1A710];
	[tilespmem:s12+$0x1C770] =	vst v0;
	s12 =	smov.u32 s17  }
0x595: {  	v0 =	vld.idx.msk [tilespmem:v2+s2+$0x0], $0xffff;
	_ =	sdelay $0x5  }
0x596: {  	[tilespmem:s12+$0x1C700] =	vst v0;
	v0 =	vld [tilespmem:s12+$0x1A720]  }
0x597: {  	v1 =	vld.idx.msk [tilespmem:v1+s2+$0x0], $0xffff;
	_ =	sdelay $0x5  }
0x598: {  	[tilespmem:s12+$0x1C710] =	vst v1;
	v1 =	vld [tilespmem:s12+$0x1A730]  }
0x599: {  	v0 =	vld.idx.msk [tilespmem:v0+s2+$0x0], $0xffff;
	_ =	sdelay $0x5  }
0x59a: {  	[tilespmem:s12+$0x1C720] =	vst v0;
	v0 =	vld [tilespmem:s12+$0x1A740]  }
0x59b: {  	v1 =	vld.idx.msk [tilespmem:v1+s2+$0x0], $0xffff;
	_ =	sdelay $0x5  }
0x59c: {  	[tilespmem:s12+$0x1C730] =	vst v1;
	v1 =	vld [tilespmem:s12+$0x1A750]  }
0x59d: {  	v0 =	vld.idx.msk [tilespmem:v0+s2+$0x0], $0xffff;
	_ =	sdelay $0x5  }
0x59e: {  	[tilespmem:s12+$0x1C740] =	vst v0;
	v2 =	vld [tilespmem:s12+$0x1A760]  }
0x59f: {  	v0 =	vld.idx.msk [tilespmem:v1+s2+$0x0], $0xffff;
	_ =	sdelay $0x5  }
0x5a0: {  	[tilespmem:s12+$0x1C750] =	vst v0;
	v0 =	vld [tilespmem:s12+$0x1A770]  }
0x5a1: {  	v1 =	vld.idx.msk [tilespmem:v2+s2+$0x0], $0xffff  }
.Ltmp19:
0x5a2: {  	(pc) =	sbr.rel @p0 .LBB2_40-.Ltmp19, $2  }
0x5a3: {  	_ =	sdelay $0x2  }
0x5a4: {  	s17 =	sshra.s32 s8, $0x2;
	s8 =	sadd.s32 $0x200, s8  }
0x5a5: {  	_ =	sdelay $0x1  }
0x5a6: {  	v2 =	vld [tilespmem:s17+$0x1A700]  }
0x5a7: {  	[tilespmem:s12+$0x1C760] =	vst v1  }
0x5a8: {  	v0 =	vld.idx.msk [tilespmem:v0+s2+$0x0], $0xffff;
	_ =	sdelay $0x3  }
0x5a9: {  	v1 =	vld [tilespmem:s17+$0x1A710]  }
0x5aa: {  	[tilespmem:s12+$0x1C770] =	vst v0  }
0x5ab: {  	v0 =	vld.idx.msk [tilespmem:v2+s2+$0x0], $0xffff;
	_ =	sdelay $0x3  }
0x5ac: {  	v58 =	vld [tilespmem:s17+$0x1A720]  }
0x5ad: {  	[tilespmem:s17+$0x1C700] =	vst v0  }
0x5ae: {  	v1 =	vld.idx.msk [tilespmem:v1+s2+$0x0], $0xffff;
	_ =	sdelay $0x3  }
0x5af: {  	v59 =	vld [tilespmem:s17+$0x1A730]  }
0x5b0: {  	[tilespmem:s17+$0x1C710] =	vst v1  }
0x5b1: {  	v0 =	vld.idx.msk [tilespmem:v58+s2+$0x0], $0xffff;
	_ =	sdelay $0x3  }
0x5b2: {  	v60 =	vld [tilespmem:s17+$0x1A740]  }
0x5b3: {  	[tilespmem:s17+$0x1C720] =	vst v0  }
0x5b4: {  	v1 =	vld.idx.msk [tilespmem:v59+s2+$0x0], $0xffff;
	_ =	sdelay $0x3  }
0x5b5: {  	v61 =	vld [tilespmem:s17+$0x1A750]  }
0x5b6: {  	[tilespmem:s17+$0x1C730] =	vst v1  }
0x5b7: {  	v0 =	vld.idx.msk [tilespmem:v60+s2+$0x0], $0xffff;
	_ =	sdelay $0x3  }
0x5b8: {  	v62 =	vld [tilespmem:s17+$0x1A760]  }
0x5b9: {  	[tilespmem:s17+$0x1C740] =	vst v0  }
0x5ba: {  	v1 =	vld.idx.msk [tilespmem:v61+s2+$0x0], $0xffff;
	_ =	sdelay $0x3  }
0x5bb: {  	v63 =	vld [tilespmem:s17+$0x1A770]  }
0x5bc: {  	[tilespmem:s17+$0x1C750] =	vst v1  }
0x5bd: {  	v0 =	vld.idx.msk [tilespmem:v62+s2+$0x0], $0xffff;
	_ =	sdelay $0x4  }
0x5be: {  	[tilespmem:s17+$0x1C760] =	vst v0  }
0x5bf: {  	v0 =	vld.idx.msk [tilespmem:v63+s2+$0x0], $0xffff;
	_ =	sdelay $0x4  }
0x5c0: {  	s21 =	simm.s32 $0x1C700;
	s8 =	sadd.s32 $0x0, s24;
	[tilespmem:s17+$0x1C770] =	vst v0  }
0x5c1: {  	[hbm4b:s8+s1] =	stream.linear.scatter [tilespmem:s21], [sflag:$0x3], $0x80, $0x38;
	[tilespmem:$0x1ED00] =	vst v63  }
0x5c2: {  	s22 =	sadd.s32 $0x0, s23;
	s25 =	simm.s32 $0x1C780  }
0x5c3: {  	[hbm4b:s22+s1] =	stream.linear.scatter [tilespmem:s25], [sflag:$0x3], $0x80, $0x38;
	[tilespmem:$0x1ED00] =	vst v63  }
0x5c4: {  	s22 =	sld [smem:$0x7B4]  }
0x5c5: {  	s26 =	sadd.s32 $0x0, s19;
	s28 =	simm.s32 $0x1C800;
	s18 =	rddreg [dreg:$0x18]  }
0x5c6: {  	[hbm4b:s26+s1] =	stream.linear.scatter [tilespmem:s28], [sflag:$0x3], $0x80, $0x38;
	[tilespmem:$0x1ED00] =	vst v63  }
0x5c7: {  	s12 =	simm.s32 $0x1C880;
	s2 =	simm.s32 $0x1C900;
	s8 =	sadd.s32 $0x0, s22  }
.LBB2_42:
0x5c8: {  	[hbm4b:s8+s1] =	stream.linear.scatter [tilespmem:s12], [sflag:$0x3], $0x80, $0x38;
	[tilespmem:$0x1ED00] =	vst v63  }
0x5c9: {  	s8 =	smov.u32 s4  }
0x5ca: {  	p0 =	sne.s32 s4, $0xE00;
	s4 =	sadd.s32 $0x200, s4;
	s12 =	sadd.s32 s8, s24  }
0x5cb: {  	[hbm4b:s12+s1] =	stream.linear.scatter [tilespmem:s2], [sflag:$0x3], $0x80, $0x38;
	[tilespmem:$0x1ED00] =	vst v63  }
.Ltmp20:
0x5cc: {  	s17 =	sadd.s32 $0x80, s2;
	s12 =	sadd.s32 s8, s23;
	(pc) =	sbr.rel @p0 .LBB2_42-.Ltmp20, $4  }
0x5cd: {  	[hbm4b:s12+s1] =	stream.linear.scatter [tilespmem:s17], [sflag:$0x3], $0x80, $0x38;
	[tilespmem:$0x1ED00] =	vst v63  }
0x5ce: {  	s12 =	sadd.s32 s8, s19;
	s17 =	sadd.s32 $0x100, s2  }
0x5cf: {  	[hbm4b:s12+s1] =	stream.linear.scatter [tilespmem:s17], [sflag:$0x3], $0x80, $0x38;
	[tilespmem:$0x1ED00] =	vst v63  }
0x5d0: {  	s8 =	sadd.s32 s8, s22;
	s12 =	sadd.s32 $0x180, s2;
	s2 =	sadd.s32 $0x200, s2  }
0x5d1: {  	[hbm4b:s8+s1] =	stream.linear.scatter [tilespmem:s12], [sflag:$0x3], $0x80, $0x38;
	[tilespmem:$0x1ED00] =	vst v63  }
0x5d2: {  	s2 =	simm.s32 $0x2  }
0x5d3: {  	_ =	swait.ge [sflag:s2], $0x1000  }
0x5d4: {  	s26 =	sld [smem:$0x7B8]  }
0x5d5: {  	[sflag:s2] =	ssyncset.done $0x0  }
0x5d6: {  	s4 =	simm.s32 $0x1A700;
	s28 =	simm.s32 $0x3;
	[sflag:s2] =	ssyncadd.s32 $0xFFFFF000  }
0x5d7: {  	[tilespmem:s4], [sflag:$0x2] =	stream.linear.gather [spmem:s26], $0x1000, $0x38;
	[tilespmem:$0x1ED00] =	vst v63  }
0x5d8: {  	_ =	swait.ge [sflag:s28], $0x1000  }
0x5d9: {  	[sflag:s28] =	ssyncset.done $0x0  }
0x5da: {  	s12 =	simm.s32 $0x0;
	[sflag:s28] =	ssyncadd.s32 $0xFFFFF000  }
0x5db: {  	v0 =	vld [tilespmem:s12+$0x1B700];
	_ =	sdelay $0x5  }
0x5dc: {  	v1 =	vld [tilespmem:s12+$0x1B710]  }
0x5dd: {  	s2 =	simm.s32 $0x0  }
0x5de: {  	v0 =	vld.idx.msk [tilespmem:v0+s2+$0x0], $0xffff;
	_ =	sdelay $0x4  }
0x5df: {  	[tilespmem:s12+$0x1D700] =	vst v0;
	v0 =	vld [tilespmem:s12+$0x1B720]  }
0x5e0: {  	v1 =	vld.idx.msk [tilespmem:v1+s2+$0x0], $0xffff;
	_ =	sdelay $0x4  }
0x5e1: {  	[tilespmem:s12+$0x1D710] =	vst v1;
	v1 =	vld [tilespmem:s12+$0x1B730];
	_ =	sdelay $0x1  }
0x5e2: {  	v0 =	vld.idx.msk [tilespmem:v0+s2+$0x0], $0xffff;
	_ =	sdelay $0x4  }
0x5e3: {  	[tilespmem:s12+$0x1D720] =	vst v0;
	v0 =	vld [tilespmem:s12+$0x1B740]  }
0x5e4: {  	v1 =	vld.idx.msk [tilespmem:v1+s2+$0x0], $0xffff;
	_ =	sdelay $0x4  }
0x5e5: {  	[tilespmem:s12+$0x1D730] =	vst v1;
	v1 =	vld [tilespmem:s12+$0x1B750];
	_ =	sdelay $0x1  }
0x5e6: {  	v0 =	vld.idx.msk [tilespmem:v0+s2+$0x0], $0xffff;
	_ =	sdelay $0x4  }
0x5e7: {  	v2 =	vld [tilespmem:s12+$0x1B760];
	[tilespmem:s12+$0x1D740] =	vst v0  }
0x5e8: {  	v0 =	vld.idx.msk [tilespmem:v1+s2+$0x0], $0xffff;
	_ =	sdelay $0x4  }
0x5e9: {  	[tilespmem:s12+$0x1D750] =	vst v0;
	v0 =	vld [tilespmem:s12+$0x1B770];
	_ =	sdelay $0x1  }
0x5ea: {  	v1 =	vld.idx.msk [tilespmem:v2+s2+$0x0], $0xffff;
	_ =	sdelay $0x3  }
0x5eb: {  	s17 =	simm.s32 $0x80;
	s8 =	simm.s32 $0x400;
	s4 =	simm.s32 $0x200  }
.LBB2_44:
0x5ec: {  	p0 =	sne.s32 s8, $0x3E00;
	v2 =	vld [tilespmem:s17+$0x1B700];
	[tilespmem:s12+$0x1D760] =	vst v1  }
0x5ed: {  	v0 =	vld.idx.msk [tilespmem:v0+s2+$0x0], $0xffff;
	_ =	sdelay $0x5  }
0x5ee: {  	v1 =	vld [tilespmem:s17+$0x1B710];
	[tilespmem:s12+$0x1D770] =	vst v0;
	s12 =	smov.u32 s17  }
0x5ef: {  	v0 =	vld.idx.msk [tilespmem:v2+s2+$0x0], $0xffff;
	_ =	sdelay $0x5  }
0x5f0: {  	[tilespmem:s12+$0x1D700] =	vst v0;
	v0 =	vld [tilespmem:s12+$0x1B720]  }
0x5f1: {  	v1 =	vld.idx.msk [tilespmem:v1+s2+$0x0], $0xffff;
	_ =	sdelay $0x5  }
0x5f2: {  	[tilespmem:s12+$0x1D710] =	vst v1;
	v1 =	vld [tilespmem:s12+$0x1B730]  }
0x5f3: {  	v0 =	vld.idx.msk [tilespmem:v0+s2+$0x0], $0xffff;
	_ =	sdelay $0x5  }
0x5f4: {  	[tilespmem:s12+$0x1D720] =	vst v0;
	v0 =	vld [tilespmem:s12+$0x1B740]  }
0x5f5: {  	v1 =	vld.idx.msk [tilespmem:v1+s2+$0x0], $0xffff;
	_ =	sdelay $0x5  }
0x5f6: {  	[tilespmem:s12+$0x1D730] =	vst v1;
	v1 =	vld [tilespmem:s12+$0x1B750]  }
0x5f7: {  	v0 =	vld.idx.msk [tilespmem:v0+s2+$0x0], $0xffff;
	_ =	sdelay $0x5  }
0x5f8: {  	[tilespmem:s12+$0x1D740] =	vst v0;
	v2 =	vld [tilespmem:s12+$0x1B760]  }
0x5f9: {  	v0 =	vld.idx.msk [tilespmem:v1+s2+$0x0], $0xffff;
	_ =	sdelay $0x5  }
0x5fa: {  	[tilespmem:s12+$0x1D750] =	vst v0;
	v0 =	vld [tilespmem:s12+$0x1B770]  }
0x5fb: {  	v1 =	vld.idx.msk [tilespmem:v2+s2+$0x0], $0xffff  }
.Ltmp21:
0x5fc: {  	(pc) =	sbr.rel @p0 .LBB2_44-.Ltmp21, $2  }
0x5fd: {  	_ =	sdelay $0x2  }
0x5fe: {  	s17 =	sshra.s32 s8, $0x2;
	s8 =	sadd.s32 $0x200, s8  }
0x5ff: {  	_ =	sdelay $0x1  }
0x600: {  	v2 =	vld [tilespmem:s17+$0x1B700]  }
0x601: {  	[tilespmem:s12+$0x1D760] =	vst v1  }
0x602: {  	v0 =	vld.idx.msk [tilespmem:v0+s2+$0x0], $0xffff;
	_ =	sdelay $0x3  }
0x603: {  	v1 =	vld [tilespmem:s17+$0x1B710]  }
0x604: {  	[tilespmem:s12+$0x1D770] =	vst v0  }
0x605: {  	v0 =	vld.idx.msk [tilespmem:v2+s2+$0x0], $0xffff;
	_ =	sdelay $0x3  }
0x606: {  	v58 =	vld [tilespmem:s17+$0x1B720]  }
0x607: {  	[tilespmem:s17+$0x1D700] =	vst v0  }
0x608: {  	v1 =	vld.idx.msk [tilespmem:v1+s2+$0x0], $0xffff;
	_ =	sdelay $0x3  }
0x609: {  	v59 =	vld [tilespmem:s17+$0x1B730]  }
0x60a: {  	[tilespmem:s17+$0x1D710] =	vst v1  }
0x60b: {  	v0 =	vld.idx.msk [tilespmem:v58+s2+$0x0], $0xffff;
	_ =	sdelay $0x3  }
0x60c: {  	v60 =	vld [tilespmem:s17+$0x1B740]  }
0x60d: {  	[tilespmem:s17+$0x1D720] =	vst v0  }
0x60e: {  	v1 =	vld.idx.msk [tilespmem:v59+s2+$0x0], $0xffff;
	_ =	sdelay $0x3  }
0x60f: {  	v61 =	vld [tilespmem:s17+$0x1B750]  }
0x610: {  	[tilespmem:s17+$0x1D730] =	vst v1  }
0x611: {  	v0 =	vld.idx.msk [tilespmem:v60+s2+$0x0], $0xffff;
	_ =	sdelay $0x3  }
0x612: {  	v62 =	vld [tilespmem:s17+$0x1B760]  }
0x613: {  	[tilespmem:s17+$0x1D740] =	vst v0  }
0x614: {  	v1 =	vld.idx.msk [tilespmem:v61+s2+$0x0], $0xffff;
	_ =	sdelay $0x3  }
0x615: {  	v63 =	vld [tilespmem:s17+$0x1B770]  }
0x616: {  	[tilespmem:s17+$0x1D750] =	vst v1  }
0x617: {  	v0 =	vld.idx.msk [tilespmem:v62+s2+$0x0], $0xffff;
	_ =	sdelay $0x4  }
0x618: {  	[tilespmem:s17+$0x1D760] =	vst v0  }
0x619: {  	v0 =	vld.idx.msk [tilespmem:v63+s2+$0x0], $0xffff;
	_ =	sdelay $0x3  }
0x61a: {  	s23 =	simm.s32 $0x1D700  }
0x61b: {  	s8 =	sadd.s32 $0x0, s31;
	s24 =	sadd.s32 $0x0, s30;
	s19 =	sld [smem:$0x7FD];
	[tilespmem:s17+$0x1D770] =	vst v0  }
0x61c: {  	[hbm4b:s8+s1] =	stream.linear.scatter [tilespmem:s23], [sflag:$0x3], $0x80, $0x38;
	[tilespmem:$0x1ED00] =	vst v63  }
0x61d: {  	s25 =	simm.s32 $0x1D780;
	s26 =	sadd.s32 $0x0, s29;
	s28 =	simm.s32 $0x1D800  }
0x61e: {  	[hbm4b:s24+s1] =	stream.linear.scatter [tilespmem:s25], [sflag:$0x3], $0x80, $0x38;
	[tilespmem:$0x1ED00] =	vst v63  }
0x61f: {  	s12 =	simm.s32 $0x1D880;
	s2 =	simm.s32 $0x1D900;
	s8 =	sadd.s32 $0x0, s19  }
0x620: {  	[hbm4b:s26+s1] =	stream.linear.scatter [tilespmem:s28], [sflag:$0x3], $0x80, $0x38;
	[tilespmem:$0x1ED00] =	vst v63  }
.LBB2_46:
0x621: {  	[hbm4b:s8+s1] =	stream.linear.scatter [tilespmem:s12], [sflag:$0x3], $0x80, $0x38;
	[tilespmem:$0x1ED00] =	vst v63  }
0x622: {  	s8 =	smov.u32 s4  }
0x623: {  	p0 =	sne.s32 s4, $0xE00;
	s4 =	sadd.s32 $0x200, s4;
	s12 =	sadd.s32 s8, s31  }
0x624: {  	[hbm4b:s12+s1] =	stream.linear.scatter [tilespmem:s2], [sflag:$0x3], $0x80, $0x38;
	[tilespmem:$0x1ED00] =	vst v63  }
.Ltmp22:
0x625: {  	s17 =	sadd.s32 $0x80, s2;
	s12 =	sadd.s32 s8, s30;
	(pc) =	sbr.rel @p0 .LBB2_46-.Ltmp22, $4  }
0x626: {  	[hbm4b:s12+s1] =	stream.linear.scatter [tilespmem:s17], [sflag:$0x3], $0x80, $0x38;
	[tilespmem:$0x1ED00] =	vst v63  }
0x627: {  	s12 =	sadd.s32 s8, s29;
	s17 =	sadd.s32 $0x100, s2  }
0x628: {  	[hbm4b:s12+s1] =	stream.linear.scatter [tilespmem:s17], [sflag:$0x3], $0x80, $0x38;
	[tilespmem:$0x1ED00] =	vst v63  }
0x629: {  	s8 =	sadd.s32 s8, s19;
	s12 =	sadd.s32 $0x180, s2;
	s2 =	sadd.s32 $0x200, s2  }
0x62a: {  	[hbm4b:s8+s1] =	stream.linear.scatter [tilespmem:s12], [sflag:$0x3], $0x80, $0x38;
	[tilespmem:$0x1ED00] =	vst v63  }
0x62b: {  	s2 =	simm.s32 $0x2  }
0x62c: {  	_ =	swait.ge [sflag:s2], $0x1000  }
0x62d: {  	s26 =	sld [smem:$0x7B9]  }
0x62e: {  	[sflag:s2] =	ssyncset.done $0x0  }
0x62f: {  	s4 =	simm.s32 $0x1B700;
	s28 =	simm.s32 $0x3;
	[sflag:s2] =	ssyncadd.s32 $0xFFFFF000  }
0x630: {  	[tilespmem:s4], [sflag:$0x2] =	stream.linear.gather [spmem:s26], $0x1000, $0x38;
	[tilespmem:$0x1ED00] =	vst v63  }
0x631: {  	_ =	swait.ge [sflag:s28], $0x1000  }
0x632: {  	[sflag:s28] =	ssyncset.done $0x0  }
0x633: {  	s12 =	simm.s32 $0x0;
	[sflag:s28] =	ssyncadd.s32 $0xFFFFF000  }
0x634: {  	v0 =	vld [tilespmem:s12+$0x1A700];
	_ =	sdelay $0x5  }
0x635: {  	v1 =	vld [tilespmem:s12+$0x1A710]  }
0x636: {  	s2 =	simm.s32 $0x0  }
0x637: {  	v0 =	vld.idx.msk [tilespmem:v0+s2+$0x0], $0xffff;
	_ =	sdelay $0x4  }
0x638: {  	[tilespmem:s12+$0x1C700] =	vst v0;
	v0 =	vld [tilespmem:s12+$0x1A720]  }
0x639: {  	v1 =	vld.idx.msk [tilespmem:v1+s2+$0x0], $0xffff;
	_ =	sdelay $0x4  }
0x63a: {  	[tilespmem:s12+$0x1C710] =	vst v1;
	v1 =	vld [tilespmem:s12+$0x1A730];
	_ =	sdelay $0x1  }
0x63b: {  	v0 =	vld.idx.msk [tilespmem:v0+s2+$0x0], $0xffff;
	_ =	sdelay $0x4  }
0x63c: {  	[tilespmem:s12+$0x1C720] =	vst v0;
	v0 =	vld [tilespmem:s12+$0x1A740]  }
0x63d: {  	v1 =	vld.idx.msk [tilespmem:v1+s2+$0x0], $0xffff;
	_ =	sdelay $0x4  }
0x63e: {  	[tilespmem:s12+$0x1C730] =	vst v1;
	v1 =	vld [tilespmem:s12+$0x1A750];
	_ =	sdelay $0x1  }
0x63f: {  	v0 =	vld.idx.msk [tilespmem:v0+s2+$0x0], $0xffff;
	_ =	sdelay $0x4  }
0x640: {  	v2 =	vld [tilespmem:s12+$0x1A760];
	[tilespmem:s12+$0x1C740] =	vst v0  }
0x641: {  	v0 =	vld.idx.msk [tilespmem:v1+s2+$0x0], $0xffff;
	_ =	sdelay $0x4  }
0x642: {  	[tilespmem:s12+$0x1C750] =	vst v0;
	v0 =	vld [tilespmem:s12+$0x1A770];
	_ =	sdelay $0x1  }
0x643: {  	v1 =	vld.idx.msk [tilespmem:v2+s2+$0x0], $0xffff;
	_ =	sdelay $0x3  }
0x644: {  	s17 =	simm.s32 $0x80;
	s8 =	simm.s32 $0x400;
	s4 =	simm.s32 $0x200  }
.LBB2_48:
0x645: {  	p0 =	sne.s32 s8, $0x3E00;
	v2 =	vld [tilespmem:s17+$0x1A700];
	[tilespmem:s12+$0x1C760] =	vst v1  }
0x646: {  	v0 =	vld.idx.msk [tilespmem:v0+s2+$0x0], $0xffff;
	_ =	sdelay $0x5  }
0x647: {  	v1 =	vld [tilespmem:s17+$0x1A710];
	[tilespmem:s12+$0x1C770] =	vst v0;
	s12 =	smov.u32 s17  }
0x648: {  	v0 =	vld.idx.msk [tilespmem:v2+s2+$0x0], $0xffff;
	_ =	sdelay $0x5  }
0x649: {  	[tilespmem:s12+$0x1C700] =	vst v0;
	v0 =	vld [tilespmem:s12+$0x1A720]  }
0x64a: {  	v1 =	vld.idx.msk [tilespmem:v1+s2+$0x0], $0xffff;
	_ =	sdelay $0x5  }
0x64b: {  	[tilespmem:s12+$0x1C710] =	vst v1;
	v1 =	vld [tilespmem:s12+$0x1A730]  }
0x64c: {  	v0 =	vld.idx.msk [tilespmem:v0+s2+$0x0], $0xffff;
	_ =	sdelay $0x5  }
0x64d: {  	[tilespmem:s12+$0x1C720] =	vst v0;
	v0 =	vld [tilespmem:s12+$0x1A740]  }
0x64e: {  	v1 =	vld.idx.msk [tilespmem:v1+s2+$0x0], $0xffff;
	_ =	sdelay $0x5  }
0x64f: {  	[tilespmem:s12+$0x1C730] =	vst v1;
	v1 =	vld [tilespmem:s12+$0x1A750]  }
0x650: {  	v0 =	vld.idx.msk [tilespmem:v0+s2+$0x0], $0xffff;
	_ =	sdelay $0x5  }
0x651: {  	[tilespmem:s12+$0x1C740] =	vst v0;
	v2 =	vld [tilespmem:s12+$0x1A760]  }
0x652: {  	v0 =	vld.idx.msk [tilespmem:v1+s2+$0x0], $0xffff;
	_ =	sdelay $0x5  }
0x653: {  	[tilespmem:s12+$0x1C750] =	vst v0;
	v0 =	vld [tilespmem:s12+$0x1A770]  }
0x654: {  	v1 =	vld.idx.msk [tilespmem:v2+s2+$0x0], $0xffff  }
.Ltmp23:
0x655: {  	(pc) =	sbr.rel @p0 .LBB2_48-.Ltmp23, $2  }
0x656: {  	_ =	sdelay $0x2  }
0x657: {  	s17 =	sshra.s32 s8, $0x2;
	s8 =	sadd.s32 $0x200, s8  }
0x658: {  	_ =	sdelay $0x1  }
0x659: {  	v2 =	vld [tilespmem:s17+$0x1A700]  }
0x65a: {  	[tilespmem:s12+$0x1C760] =	vst v1  }
0x65b: {  	v0 =	vld.idx.msk [tilespmem:v0+s2+$0x0], $0xffff;
	_ =	sdelay $0x3  }
0x65c: {  	v1 =	vld [tilespmem:s17+$0x1A710]  }
0x65d: {  	[tilespmem:s12+$0x1C770] =	vst v0  }
0x65e: {  	v0 =	vld.idx.msk [tilespmem:v2+s2+$0x0], $0xffff;
	_ =	sdelay $0x3  }
0x65f: {  	v58 =	vld [tilespmem:s17+$0x1A720]  }
0x660: {  	[tilespmem:s17+$0x1C700] =	vst v0  }
0x661: {  	v1 =	vld.idx.msk [tilespmem:v1+s2+$0x0], $0xffff;
	_ =	sdelay $0x3  }
0x662: {  	v59 =	vld [tilespmem:s17+$0x1A730]  }
0x663: {  	[tilespmem:s17+$0x1C710] =	vst v1  }
0x664: {  	v0 =	vld.idx.msk [tilespmem:v58+s2+$0x0], $0xffff;
	_ =	sdelay $0x3  }
0x665: {  	v60 =	vld [tilespmem:s17+$0x1A740]  }
0x666: {  	[tilespmem:s17+$0x1C720] =	vst v0  }
0x667: {  	v1 =	vld.idx.msk [tilespmem:v59+s2+$0x0], $0xffff;
	_ =	sdelay $0x3  }
0x668: {  	v61 =	vld [tilespmem:s17+$0x1A750]  }
0x669: {  	[tilespmem:s17+$0x1C730] =	vst v1  }
0x66a: {  	v0 =	vld.idx.msk [tilespmem:v60+s2+$0x0], $0xffff;
	_ =	sdelay $0x3  }
0x66b: {  	v62 =	vld [tilespmem:s17+$0x1A760]  }
0x66c: {  	[tilespmem:s17+$0x1C740] =	vst v0  }
0x66d: {  	v1 =	vld.idx.msk [tilespmem:v61+s2+$0x0], $0xffff;
	_ =	sdelay $0x3  }
0x66e: {  	v63 =	vld [tilespmem:s17+$0x1A770]  }
0x66f: {  	[tilespmem:s17+$0x1C750] =	vst v1  }
0x670: {  	v0 =	vld.idx.msk [tilespmem:v62+s2+$0x0], $0xffff;
	_ =	sdelay $0x4  }
0x671: {  	[tilespmem:s17+$0x1C760] =	vst v0  }
0x672: {  	v0 =	vld.idx.msk [tilespmem:v63+s2+$0x0], $0xffff;
	_ =	sdelay $0x4  }
0x673: {  	s23 =	simm.s32 $0x1C700;
	s8 =	sadd.s32 $0x0, s14;
	s24 =	sadd.s32 $0x0, s13;
	[tilespmem:s17+$0x1C770] =	vst v0  }
0x674: {  	[hbm4b:s8+s1] =	stream.linear.scatter [tilespmem:s23], [sflag:$0x3], $0x80, $0x38;
	[tilespmem:$0x1ED00] =	vst v63  }
0x675: {  	s25 =	simm.s32 $0x1C780;
	s26 =	sadd.s32 $0x0, s5;
	s28 =	simm.s32 $0x1C800  }
0x676: {  	[hbm4b:s24+s1] =	stream.linear.scatter [tilespmem:s25], [sflag:$0x3], $0x80, $0x38;
	[tilespmem:$0x1ED00] =	vst v63  }
0x677: {  	s12 =	simm.s32 $0x1C880;
	s2 =	simm.s32 $0x1C900;
	s8 =	sadd.s32 $0x0, s3  }
0x678: {  	[hbm4b:s26+s1] =	stream.linear.scatter [tilespmem:s28], [sflag:$0x3], $0x80, $0x38;
	[tilespmem:$0x1ED00] =	vst v63  }
.LBB2_50:
0x679: {  	[hbm4b:s8+s1] =	stream.linear.scatter [tilespmem:s12], [sflag:$0x3], $0x80, $0x38;
	[tilespmem:$0x1ED00] =	vst v63  }
0x67a: {  	s8 =	smov.u32 s4  }
0x67b: {  	p0 =	sne.s32 s4, $0xE00;
	s4 =	sadd.s32 $0x200, s4;
	s12 =	sadd.s32 s8, s14  }
0x67c: {  	[hbm4b:s12+s1] =	stream.linear.scatter [tilespmem:s2], [sflag:$0x3], $0x80, $0x38;
	[tilespmem:$0x1ED00] =	vst v63  }
.Ltmp24:
0x67d: {  	s17 =	sadd.s32 $0x80, s2;
	s12 =	sadd.s32 s8, s13;
	(pc) =	sbr.rel @p0 .LBB2_50-.Ltmp24, $4  }
0x67e: {  	[hbm4b:s12+s1] =	stream.linear.scatter [tilespmem:s17], [sflag:$0x3], $0x80, $0x38;
	[tilespmem:$0x1ED00] =	vst v63  }
0x67f: {  	s12 =	sadd.s32 s8, s5;
	s17 =	sadd.s32 $0x100, s2  }
0x680: {  	[hbm4b:s12+s1] =	stream.linear.scatter [tilespmem:s17], [sflag:$0x3], $0x80, $0x38;
	[tilespmem:$0x1ED00] =	vst v63  }
0x681: {  	s8 =	sadd.s32 s8, s3;
	s12 =	sadd.s32 $0x180, s2;
	s2 =	sadd.s32 $0x200, s2  }
0x682: {  	[hbm4b:s8+s1] =	stream.linear.scatter [tilespmem:s12], [sflag:$0x3], $0x80, $0x38;
	[tilespmem:$0x1ED00] =	vst v63  }
0x683: {  	s2 =	simm.s32 $0x2  }
0x684: {  	_ =	swait.ge [sflag:s2], $0x1000  }
0x685: {  	[sflag:s2] =	ssyncset.done $0x0  }
0x686: {  	s28 =	simm.s32 $0x3;
	[sflag:s2] =	ssyncadd.s32 $0xFFFFF000  }
0x687: {  	_ =	swait.ge [sflag:s28], $0x1000  }
0x688: {  	[sflag:s28] =	ssyncset.done $0x0  }
0x689: {  	s12 =	simm.s32 $0x0;
	[sflag:s28] =	ssyncadd.s32 $0xFFFFF000  }
0x68a: {  	v0 =	vld [tilespmem:s12+$0x1B700];
	_ =	sdelay $0x5  }
0x68b: {  	v1 =	vld [tilespmem:s12+$0x1B710]  }
0x68c: {  	s2 =	simm.s32 $0x0  }
0x68d: {  	v0 =	vld.idx.msk [tilespmem:v0+s2+$0x0], $0xffff;
	_ =	sdelay $0x4  }
0x68e: {  	[tilespmem:s12+$0x1D700] =	vst v0;
	v0 =	vld [tilespmem:s12+$0x1B720]  }
0x68f: {  	v1 =	vld.idx.msk [tilespmem:v1+s2+$0x0], $0xffff;
	_ =	sdelay $0x4  }
0x690: {  	[tilespmem:s12+$0x1D710] =	vst v1;
	v1 =	vld [tilespmem:s12+$0x1B730];
	_ =	sdelay $0x1  }
0x691: {  	v0 =	vld.idx.msk [tilespmem:v0+s2+$0x0], $0xffff;
	_ =	sdelay $0x4  }
0x692: {  	[tilespmem:s12+$0x1D720] =	vst v0;
	v0 =	vld [tilespmem:s12+$0x1B740]  }
0x693: {  	v1 =	vld.idx.msk [tilespmem:v1+s2+$0x0], $0xffff;
	_ =	sdelay $0x4  }
0x694: {  	[tilespmem:s12+$0x1D730] =	vst v1;
	v1 =	vld [tilespmem:s12+$0x1B750];
	_ =	sdelay $0x1  }
0x695: {  	v0 =	vld.idx.msk [tilespmem:v0+s2+$0x0], $0xffff;
	_ =	sdelay $0x4  }
0x696: {  	v2 =	vld [tilespmem:s12+$0x1B760];
	[tilespmem:s12+$0x1D740] =	vst v0  }
0x697: {  	v0 =	vld.idx.msk [tilespmem:v1+s2+$0x0], $0xffff;
	_ =	sdelay $0x4  }
0x698: {  	[tilespmem:s12+$0x1D750] =	vst v0;
	v0 =	vld [tilespmem:s12+$0x1B770];
	_ =	sdelay $0x1  }
0x699: {  	v1 =	vld.idx.msk [tilespmem:v2+s2+$0x0], $0xffff;
	_ =	sdelay $0x3  }
0x69a: {  	s4 =	simm.s32 $0x200;
	s17 =	simm.s32 $0x80;
	s8 =	simm.s32 $0x400  }
.LBB2_52:
0x69b: {  	p0 =	sne.s32 s8, $0x3E00;
	v2 =	vld [tilespmem:s17+$0x1B700];
	[tilespmem:s12+$0x1D760] =	vst v1  }
0x69c: {  	v0 =	vld.idx.msk [tilespmem:v0+s2+$0x0], $0xffff;
	_ =	sdelay $0x5  }
0x69d: {  	v1 =	vld [tilespmem:s17+$0x1B710];
	[tilespmem:s12+$0x1D770] =	vst v0;
	s12 =	smov.u32 s17  }
0x69e: {  	v0 =	vld.idx.msk [tilespmem:v2+s2+$0x0], $0xffff;
	_ =	sdelay $0x5  }
0x69f: {  	[tilespmem:s12+$0x1D700] =	vst v0;
	v0 =	vld [tilespmem:s12+$0x1B720]  }
0x6a0: {  	v1 =	vld.idx.msk [tilespmem:v1+s2+$0x0], $0xffff;
	_ =	sdelay $0x5  }
0x6a1: {  	[tilespmem:s12+$0x1D710] =	vst v1;
	v1 =	vld [tilespmem:s12+$0x1B730]  }
0x6a2: {  	v0 =	vld.idx.msk [tilespmem:v0+s2+$0x0], $0xffff;
	_ =	sdelay $0x5  }
0x6a3: {  	[tilespmem:s12+$0x1D720] =	vst v0;
	v0 =	vld [tilespmem:s12+$0x1B740]  }
0x6a4: {  	v1 =	vld.idx.msk [tilespmem:v1+s2+$0x0], $0xffff;
	_ =	sdelay $0x5  }
0x6a5: {  	[tilespmem:s12+$0x1D730] =	vst v1;
	v1 =	vld [tilespmem:s12+$0x1B750]  }
0x6a6: {  	v0 =	vld.idx.msk [tilespmem:v0+s2+$0x0], $0xffff;
	_ =	sdelay $0x5  }
0x6a7: {  	[tilespmem:s12+$0x1D740] =	vst v0;
	v2 =	vld [tilespmem:s12+$0x1B760]  }
0x6a8: {  	v0 =	vld.idx.msk [tilespmem:v1+s2+$0x0], $0xffff;
	_ =	sdelay $0x5  }
0x6a9: {  	[tilespmem:s12+$0x1D750] =	vst v0;
	v0 =	vld [tilespmem:s12+$0x1B770]  }
0x6aa: {  	v1 =	vld.idx.msk [tilespmem:v2+s2+$0x0], $0xffff  }
.Ltmp25:
0x6ab: {  	(pc) =	sbr.rel @p0 .LBB2_52-.Ltmp25, $2  }
0x6ac: {  	_ =	sdelay $0x2  }
0x6ad: {  	s17 =	sshra.s32 s8, $0x2;
	s8 =	sadd.s32 $0x200, s8  }
0x6ae: {  	_ =	sdelay $0x1  }
0x6af: {  	v2 =	vld [tilespmem:s17+$0x1B700]  }
0x6b0: {  	[tilespmem:s12+$0x1D760] =	vst v1  }
0x6b1: {  	v0 =	vld.idx.msk [tilespmem:v0+s2+$0x0], $0xffff;
	_ =	sdelay $0x3  }
0x6b2: {  	v1 =	vld [tilespmem:s17+$0x1B710]  }
0x6b3: {  	[tilespmem:s12+$0x1D770] =	vst v0  }
0x6b4: {  	v0 =	vld.idx.msk [tilespmem:v2+s2+$0x0], $0xffff;
	_ =	sdelay $0x3  }
0x6b5: {  	v58 =	vld [tilespmem:s17+$0x1B720]  }
0x6b6: {  	[tilespmem:s17+$0x1D700] =	vst v0  }
0x6b7: {  	v1 =	vld.idx.msk [tilespmem:v1+s2+$0x0], $0xffff;
	_ =	sdelay $0x3  }
0x6b8: {  	v59 =	vld [tilespmem:s17+$0x1B730]  }
0x6b9: {  	[tilespmem:s17+$0x1D710] =	vst v1  }
0x6ba: {  	v0 =	vld.idx.msk [tilespmem:v58+s2+$0x0], $0xffff;
	_ =	sdelay $0x3  }
0x6bb: {  	v60 =	vld [tilespmem:s17+$0x1B740]  }
0x6bc: {  	[tilespmem:s17+$0x1D720] =	vst v0  }
0x6bd: {  	v1 =	vld.idx.msk [tilespmem:v59+s2+$0x0], $0xffff;
	_ =	sdelay $0x3  }
0x6be: {  	v61 =	vld [tilespmem:s17+$0x1B750]  }
0x6bf: {  	[tilespmem:s17+$0x1D730] =	vst v1  }
0x6c0: {  	v0 =	vld.idx.msk [tilespmem:v60+s2+$0x0], $0xffff;
	_ =	sdelay $0x3  }
0x6c1: {  	v62 =	vld [tilespmem:s17+$0x1B760]  }
0x6c2: {  	[tilespmem:s17+$0x1D740] =	vst v0  }
0x6c3: {  	v1 =	vld.idx.msk [tilespmem:v61+s2+$0x0], $0xffff;
	_ =	sdelay $0x3  }
0x6c4: {  	v63 =	vld [tilespmem:s17+$0x1B770]  }
0x6c5: {  	[tilespmem:s17+$0x1D750] =	vst v1  }
0x6c6: {  	v0 =	vld.idx.msk [tilespmem:v62+s2+$0x0], $0xffff;
	_ =	sdelay $0x4  }
0x6c7: {  	[tilespmem:s17+$0x1D760] =	vst v0  }
0x6c8: {  	v0 =	vld.idx.msk [tilespmem:v63+s2+$0x0], $0xffff;
	_ =	sdelay $0x4  }
0x6c9: {  	s23 =	simm.s32 $0x1D700;
	s8 =	sadd.s32 $0x0, s11;
	s24 =	sadd.s32 $0x0, s9;
	[tilespmem:s17+$0x1D770] =	vst v0  }
0x6ca: {  	[hbm4b:s8+s1] =	stream.linear.scatter [tilespmem:s23], [sflag:$0x3], $0x80, $0x38;
	[tilespmem:$0x1ED00] =	vst v63  }
0x6cb: {  	s25 =	simm.s32 $0x1D780;
	s26 =	sadd.s32 $0x0, s6;
	s28 =	simm.s32 $0x1D800  }
0x6cc: {  	[hbm4b:s24+s1] =	stream.linear.scatter [tilespmem:s25], [sflag:$0x3], $0x80, $0x38;
	[tilespmem:$0x1ED00] =	vst v63  }
0x6cd: {  	s12 =	simm.s32 $0x1D880;
	s2 =	simm.s32 $0x1D900;
	s8 =	sadd.s32 $0x0, s15  }
0x6ce: {  	[hbm4b:s26+s1] =	stream.linear.scatter [tilespmem:s28], [sflag:$0x3], $0x80, $0x38;
	[tilespmem:$0x1ED00] =	vst v63  }
.LBB2_54:
0x6cf: {  	[hbm4b:s8+s1] =	stream.linear.scatter [tilespmem:s12], [sflag:$0x3], $0x80, $0x38;
	[tilespmem:$0x1ED00] =	vst v63  }
0x6d0: {  	s8 =	smov.u32 s4  }
0x6d1: {  	p0 =	sne.s32 s4, $0xE00;
	s4 =	sadd.s32 $0x200, s4;
	s12 =	sadd.s32 s8, s11  }
0x6d2: {  	[hbm4b:s12+s1] =	stream.linear.scatter [tilespmem:s2], [sflag:$0x3], $0x80, $0x38;
	[tilespmem:$0x1ED00] =	vst v63  }
.Ltmp26:
0x6d3: {  	s17 =	sadd.s32 $0x80, s2;
	s12 =	sadd.s32 s8, s9;
	(pc) =	sbr.rel @p0 .LBB2_54-.Ltmp26, $4  }
0x6d4: {  	[hbm4b:s12+s1] =	stream.linear.scatter [tilespmem:s17], [sflag:$0x3], $0x80, $0x38;
	[tilespmem:$0x1ED00] =	vst v63  }
0x6d5: {  	s12 =	sadd.s32 s8, s6;
	s17 =	sadd.s32 $0x100, s2  }
0x6d6: {  	[hbm4b:s12+s1] =	stream.linear.scatter [tilespmem:s17], [sflag:$0x3], $0x80, $0x38;
	[tilespmem:$0x1ED00] =	vst v63  }
0x6d7: {  	s8 =	sadd.s32 s8, s15;
	s12 =	sadd.s32 $0x180, s2;
	s2 =	sadd.s32 $0x200, s2  }
0x6d8: {  	[hbm4b:s8+s1] =	stream.linear.scatter [tilespmem:s12], [sflag:$0x3], $0x80, $0x38;
	[tilespmem:$0x1ED00] =	vst v63  }
0x6d9: {  	s4 =	simm.s32 $0x3  }
0x6da: {  	_ =	swait.ge [sflag:s4], $0x1000  }
0x6db: {  	[sflag:s4] =	ssyncset.done $0x0  }
0x6dc: {  	[sflag:s4] =	ssyncadd.s32 $0xFFFFF000  }
0x6dd: {  	_ =	swait.ge [sflag:s4], $0x1000  }
0x6de: {  	s28 =	sld [smem:$0x79A]  }
0x6df: {  	s2 =	sld [smem:$0x7A2];
	_ =	sdelay $0x1  }
0x6e0: {  	s12 =	sadd.s32 $0x1, s28  }
0x6e1: {  	p0 =	sne.s32 s12, s2  }
.Ltmp27:
0x6e2: {  	_ = 	snop;
	(pc) =	sbr.rel @p0 .LBB2_1-.Ltmp27, $3  }
0x6e3: {  	_ =	sdelay $0x1  }
0x6e4: {  	[sflag:s4] =	ssyncset.done $0x0  }
0x6e5: {  	s8 =	simm.s32 $0x4;
	s17 =	rddreg [dreg:$0x17];
	[sflag:s4] =	ssyncadd.s32 $0xFFFFF000  }
0x6e6: {  	_ =	sfence.sel $0x180000  }
0x6e7: {  	[bflag:$0x0] =	sbarrier.arrive $0xFFFF  }
0x6e8: {  	_ =	strace $0x90000047  }
0x6e9: {  	s0 =	stileid.u32;
	[bflag:$0x2] =	sbarrier.arrive $0xFFFF  }
0x6ea: {  	p0 =	sne.s32 s0, $0x0;
	s0 =	rddreg [dreg:$0x5]  }
0x6eb: {  	s0 =	sadd.s32 @!p0 $0x100000, s0  }
0x6ec: {  	[sflag:s0] =	ssyncadd.tile.s32 @!p0 $0x1;
	_ =	shalt  }
.Lfunc_end2:
_tile_overlayer_lowered:
.L_overlay_start_2:
0x6ed: {  	(tag) =	ssettag $0x2  }
0x6ee: {  	s0 =	rddreg [dreg:$0x0];
	s2 =	stileid.u32  }
0x6ef: {  	s1 =	rddreg [dreg:$0x1];
	p0 =	sne.s32 s2, $0x0  }
0x6f0: {  	s3 =	rddreg [dreg:$0x2];
	[bflag:$0x3] =	sbarrier.arrive $0xFFFF;
	s2 =	simm.s32 @!p0 $0x1C04  }
0x6f1: {  	[timem:s3], [sflag:s2] =	dma.local @!p0 [hbm:s0], s1  }
0x6f2: {  	s0 =	simm.s32 @!p0 $0x4  }
0x6f3: {  	_ =	swait.ge @!p0 [sflag:s0], s1  }
0x6f4: {  	s1 =	ssub.s32 @!p0 $0x0, s1;
	[sflag:s0] =	ssyncset.done @!p0 $0x0  }
0x6f5: {  	[sflag:s0] =	ssyncadd.s32 @!p0 s1  }
0x6f6: {  	[bflag:$0x3] =	sbarrier.arrive $0xFFFF  }
0x6f7: {  	_ =	shalt  }

</sc_bundles>
